<compile_context>
chip_gen: v7x
topology: tpu7x:2x2x1
jax: 0.10.2.dev20260603
libtpu: 0.0.44.dev20260713+nightly
codegen_flags: <defaults>
</compile_context>

<pallas_src>
import functools

import jax
import jax.numpy as jnp
from jax import lax
from jax.experimental import pallas as pl
from jax.experimental.pallas import tpu as pltpu
from jax.experimental.pallas import tpu_sc as plsc


def _build_sc_kernel(B, S, L, K, D, n_workers):
    C = 64
    R = L * C
    n_steps = 2 * S
    BT = B // 128

    mesh = plsc.VectorSubcoreMesh(core_axis_name="c", subcore_axis_name="s")

    @functools.partial(
        pl.kernel,
        mesh=mesh,
        compiler_params=pltpu.CompilerParams(use_tc_tiling_on_sc=True,
                                             needs_layout_passes=False),
        out_type=jax.ShapeDtypeStruct((B, S, D), jnp.float32),
        scratch_types=[
            pltpu.VMEM((L, 128), jnp.int32),
            pltpu.VMEM((L, 128), jnp.int32),
            pltpu.VMEM((2, 128), jnp.int32),
            pltpu.VMEM((2, 128), jnp.int32),
            pltpu.VMEM((R, D), jnp.float32),
            pltpu.VMEM((R, D), jnp.float32),
            pltpu.VMEM((C, 1, D), jnp.float32),
            pltpu.VMEM((C, 1, D), jnp.float32),
            pltpu.VMEM_SHARED((L * K, D), jnp.float32),
            pltpu.SemaphoreType.DMA,
            pltpu.SemaphoreType.DMA,
            pltpu.SemaphoreType.DMA,
            pltpu.SemaphoreType.DMA,
            pltpu.SemaphoreType.DMA,
            pltpu.SemaphoreType.DMA,
        ],
    )
    def sc_kernel(ids_hbm, tab_hbm, out_hbm, idsb0, idsb1, idxb0, idxb1,
                  gbuf0, gbuf1, obuf0, obuf1, tab_spmem,
                  sid0, sid1, sg0, sg1, so0, so1):
        sid_ax = lax.axis_index("s")
        w = sid_ax * 2 + lax.axis_index("c")

        inv_l = jnp.float32(1.0 / L)

        idsb = (idsb0, idsb1)
        idxb = (idxb0, idxb1)
        gbuf = (gbuf0, gbuf1)
        obuf = (obuf0, obuf1)
        sid = (sid0, sid1)
        sg = (sg0, sg1)
        so = (so0, so1)

        def ids_slice(q):
            s = lax.shift_right_logical(q, 1)
            return ids_hbm.at[pl.ds((s * BT + w) * L, L), :]

        def out_slice(q):
            s = lax.shift_right_logical(q, 1)
            h = lax.bitwise_and(q, 1)
            b0 = w * 128 + h * C
            return out_hbm.at[pl.ds(b0, C), pl.ds(s, 1), :]

        def build_idx(e, q):
            hoff = lax.bitwise_and(q, 1) * C
            for l in range(L):
                for u in range(C // 16):
                    j0 = l * C + 16 * u
                    g = idsb[e][l, pl.ds(hoff + 16 * u, 16)] + (l * K)
                    idxb[e][j0 // 128, pl.ds(j0 % 128, 16)] = g

        def gather_copies(e):
            return (
                pltpu.make_async_copy(tab_spmem.at[idxb[e].at[0]],
                                      gbuf[e].at[pl.ds(0, 128)], sg[e]),
                pltpu.make_async_copy(tab_spmem.at[idxb[e].at[1]],
                                      gbuf[e].at[pl.ds(128, 128)], sg[e]),
            )

        def reduce_step(e):
            def red_body(t, c2):
                res = []
                for k in range(D // 16):
                    sl = pl.ds(16 * k, 16)
                    a = gbuf[e][t, sl] + gbuf[e][C + t, sl]
                    b = gbuf[e][2 * C + t, sl] + gbuf[e][3 * C + t, sl]
                    res.append((a + b) * inv_l)
                for k in range(D // 16):
                    obuf[e][t, 0, pl.ds(16 * k, 16)] = res[k]
                return c2

            lax.fori_loop(0, C, red_body, 0, unroll=2)

        def step(q, e, wait_out):
            c0, c1 = gather_copies(e)
            c0.wait()
            c1.wait()

            @pl.when(q + 2 < n_steps)
            def _():
                pltpu.make_async_copy(ids_slice(q + 2), idsb[e], sid[e]).wait()
                build_idx(e, q + 2)

            @pl.when(q + 4 < n_steps)
            def _():
                pltpu.make_async_copy(ids_slice(q + 4), idsb[e], sid[e]).start()

            if wait_out:
                pltpu.make_async_copy(obuf[e], out_slice(q), so[e]).wait()
            reduce_step(e)

            @pl.when(q + 2 < n_steps)
            def _():
                d0, d1 = gather_copies(e)
                d0.start()
                d1.start()

            pltpu.make_async_copy(obuf[e], out_slice(q), so[e]).start()

        @pl.when(sid_ax < 15)
        def _():
            tb = sid_ax * 256
            pltpu.sync_copy(tab_hbm.at[pl.ds(tb, 256)], gbuf0)
            pltpu.sync_copy(gbuf0, tab_spmem.at[pl.ds(tb, 256)])

        @pl.when(sid_ax == 15)
        def _():
            pltpu.sync_copy(tab_hbm.at[pl.ds(3840, 160)],
                            gbuf0.at[pl.ds(0, 160)])
            pltpu.sync_copy(gbuf0.at[pl.ds(0, 160)],
                            tab_spmem.at[pl.ds(3840, 160)])

        plsc.subcore_barrier()

        pltpu.sync_copy(ids_slice(0), idsb0)
        pltpu.sync_copy(ids_slice(1), idsb1)
        build_idx(0, 0)
        p0, p1 = gather_copies(0)
        p0.start()
        p1.start()
        build_idx(1, 1)
        p2, p3 = gather_copies(1)
        p2.start()
        p3.start()
        pltpu.make_async_copy(ids_slice(2), idsb0, sid0).start()
        pltpu.make_async_copy(ids_slice(3), idsb1, sid1).start()
        step(0, 0, wait_out=False)
        step(1, 1, wait_out=False)

        def body(i, carry):
            step(2 * i, 0, wait_out=True)
            step(2 * i + 1, 1, wait_out=True)
            return carry

        lax.fori_loop(1, n_steps // 2, body, 0, unroll=False)

        pltpu.make_async_copy(obuf0, out_slice(n_steps - 2), so0).wait()
        pltpu.make_async_copy(obuf1, out_slice(n_steps - 1), so1).wait()

    return sc_kernel


def kernel(semantic_ids, tables):
    B, S, L = semantic_ids.shape
    Lt, K, D = tables.shape
    assert L == Lt == 4 and B % 128 == 0
    ids_q = (semantic_ids.astype(jnp.int32)
             .reshape(B // 128, 128, S, L)
             .transpose(2, 0, 3, 1)
             .reshape(B * S * L // 128, 128))
    tab_flat = tables.reshape(L * K, D)
    return _build_sc_kernel(B, S, L, K, D, 32)(ids_q, tab_flat)

# --- scband reference (transcript-rebuilt; emitter-appended) ---
"""Pipeline reference for scband-semantic-embedding-26405458936368 (READ-ONLY COPY).

The authoritative reference and input builder live on the scoring server;
editing this copy changes nothing except your own understanding.
"""

import jax, jax.numpy as jnp
import numpy as np


def setup_inputs(seed: int = 0) -> dict:
    key = jax.random.key(seed)
    k_ids, k_tab = jax.random.split(key)
    semantic_ids = jax.random.randint(k_ids, (4096, 200, 4), 0, 1000, dtype=jnp.int64 if jax.config.jax_enable_x64 else jnp.int32)
    # learned parameters: L codebooks, each (codebook_size, embedding_dim), stacked
    tables = jax.random.normal(k_tab, (4, 1000, 128), dtype=jnp.float32) * 0.02
    return {"semantic_ids": semantic_ids, "tables": tables}


def reference(semantic_ids, tables):
    # semantic_ids: (B, S, L) int; tables: (L, K, D) float32
    L = tables.shape[0]
    emb_sum = None
    for i in range(L):
        e = jnp.take(tables[i], semantic_ids[..., i], axis=0)  # (B, S, D) gather
        emb_sum = e if emb_sum is None else emb_sum + e
    return emb_sum / L

if __name__ == "__main__":
    import jax
    _d = setup_inputs()
    print(jax.jit(kernel)(*tuple(_d.values())))

</pallas_src>

<mosaic_0001>
#map = affine_map<(d0, d1) -> (0, 0)>
#map1 = affine_map<(d0, d1) -> (0, 0, 0)>
module attributes {stable_mosaic.version = 14 : i64} {
  func.func @sc_kernel(%arg0: i32, %arg1: i32, %arg2: memref<25600x128xi32, #tpu.memory_space<hbm>>, %arg3: memref<4000x128xf32, #tpu.memory_space<hbm>>, %arg4: memref<4096x200x128xf32, #tpu.memory_space<hbm>>, %arg5: memref<4x128xi32, #tpu.memory_space<vmem>>, %arg6: memref<4x128xi32, #tpu.memory_space<vmem>>, %arg7: memref<2x128xi32, #tpu.memory_space<vmem>>, %arg8: memref<2x128xi32, #tpu.memory_space<vmem>>, %arg9: memref<256x128xf32, #tpu.memory_space<vmem>>, %arg10: memref<256x128xf32, #tpu.memory_space<vmem>>, %arg11: memref<64x1x128xf32, #tpu.memory_space<vmem>>, %arg12: memref<64x1x128xf32, #tpu.memory_space<vmem>>, %arg13: memref<4000x128xf32, #tpu.memory_space<vmem_shared>>, %arg14: memref<!tpu.dma_semaphore, #tpu.memory_space<semaphore_mem>>, %arg15: memref<!tpu.dma_semaphore, #tpu.memory_space<semaphore_mem>>, %arg16: memref<!tpu.dma_semaphore, #tpu.memory_space<semaphore_mem>>, %arg17: memref<!tpu.dma_semaphore, #tpu.memory_space<semaphore_mem>>, %arg18: memref<!tpu.dma_semaphore, #tpu.memory_space<semaphore_mem>>, %arg19: memref<!tpu.dma_semaphore, #tpu.memory_space<semaphore_mem>>) attributes {dimension_semantics = [#tpu.dimension_semantics<core_parallel>, #tpu.dimension_semantics<subcore_parallel>], iteration_bounds = array<i64: 2, 16>, scalar_prefetch = 0 : i64, scratch_operands = 15 : i64, tpu.core_type = #tpu.core_type<sc_vector_subcore>, window_params = [{transform_indices = #map}, {transform_indices = #map}, {transform_indices = #map1}]} {
    %mul3A = arith.constant 2 : i32
    %mul3A_0 = arith.muli %arg1, %mul3A : i32
    %add3A = arith.addi %mul3A_0, %arg0 : i32
    %lt3A = arith.constant 15 : i32
    %lt3A_1 = arith.cmpi slt, %arg1, %lt3A : i32
    %convert_element_type3A = arith.extui %lt3A_1 : i1 to i32
    %cond3A = arith.constant 0 : i32
    %cond3A_2 = arith.cmpi ne, %convert_element_type3A, %cond3A : i32
    scf.if %cond3A_2 {
      %mul3A_1141 = arith.constant 256 : i32
      %mul3A_1142 = arith.muli %arg1, %mul3A_1141 : i32
      "tpu.region"() ({
        %run_scoped3A = tpu.sem_alloc : memref<!tpu.dma_semaphore, #tpu.memory_space<semaphore_mem>>
        %dma_start3A_1143 = arith.constant 0 : i32
        %dma_start3A_1144 = tpu.memref_slice %arg3[%mul3A_1142, %dma_start3A_1143] : memref<4000x128xf32, #tpu.memory_space<hbm>> -> memref<256x128xf32, #tpu.memory_space<hbm>>
        %dma_start3A_1145 = arith.constant 0 : i32
        %dma_start3A_1146 = tpu.memref_slice %arg3[%mul3A_1142, %dma_start3A_1145] : memref<4000x128xf32, #tpu.memory_space<hbm>> -> memref<256x128xf32, #tpu.memory_space<hbm>>
        tpu.enqueue_dma source(%dma_start3A_1146 : memref<256x128xf32, #tpu.memory_space<hbm>>) target(%arg9 : memref<256x128xf32, #tpu.memory_space<vmem>>) target_semaphore(%run_scoped3A : memref<!tpu.dma_semaphore, #tpu.memory_space<semaphore_mem>>)
        %dma_wait3A_1147 = arith.constant 0 : i32
        %dma_wait3A_1148 = tpu.memref_slice %arg3[%mul3A_1142, %dma_wait3A_1147] : memref<4000x128xf32, #tpu.memory_space<hbm>> -> memref<256x128xf32, #tpu.memory_space<hbm>>
        %dma_wait3A_1149 = arith.constant 0 : i32
        %dma_wait3A_1150 = tpu.memref_slice %arg3[%mul3A_1142, %dma_wait3A_1149] : memref<4000x128xf32, #tpu.memory_space<hbm>> -> memref<256x128xf32, #tpu.memory_space<hbm>>
        tpu.wait_dma2 semaphore(%run_scoped3A : memref<!tpu.dma_semaphore, #tpu.memory_space<semaphore_mem>>) src(%dma_wait3A_1150 : memref<256x128xf32, #tpu.memory_space<hbm>>) dst(%arg9 : memref<256x128xf32, #tpu.memory_space<vmem>>)
        tpu.yield
      }) : () -> ()
      "tpu.region"() ({
        %run_scoped3A = tpu.sem_alloc : memref<!tpu.dma_semaphore, #tpu.memory_space<semaphore_mem>>
        %dma_start3A_1143 = arith.constant 0 : i32
        %dma_start3A_1144 = tpu.memref_slice %arg13[%mul3A_1142, %dma_start3A_1143] : memref<4000x128xf32, #tpu.memory_space<vmem_shared>> -> memref<256x128xf32, #tpu.memory_space<vmem_shared>>
        %dma_start3A_1145 = arith.constant 0 : i32
        %dma_start3A_1146 = tpu.memref_slice %arg13[%mul3A_1142, %dma_start3A_1145] : memref<4000x128xf32, #tpu.memory_space<vmem_shared>> -> memref<256x128xf32, #tpu.memory_space<vmem_shared>>
        tpu.enqueue_dma source(%arg9 : memref<256x128xf32, #tpu.memory_space<vmem>>) target(%dma_start3A_1146 : memref<256x128xf32, #tpu.memory_space<vmem_shared>>) target_semaphore(%run_scoped3A : memref<!tpu.dma_semaphore, #tpu.memory_space<semaphore_mem>>)
        %dma_wait3A_1147 = arith.constant 0 : i32
        %dma_wait3A_1148 = tpu.memref_slice %arg13[%mul3A_1142, %dma_wait3A_1147] : memref<4000x128xf32, #tpu.memory_space<vmem_shared>> -> memref<256x128xf32, #tpu.memory_space<vmem_shared>>
        %dma_wait3A_1149 = arith.constant 0 : i32
        %dma_wait3A_1150 = tpu.memref_slice %arg13[%mul3A_1142, %dma_wait3A_1149] : memref<4000x128xf32, #tpu.memory_space<vmem_shared>> -> memref<256x128xf32, #tpu.memory_space<vmem_shared>>
        tpu.wait_dma2 semaphore(%run_scoped3A : memref<!tpu.dma_semaphore, #tpu.memory_space<semaphore_mem>>) src(%arg9 : memref<256x128xf32, #tpu.memory_space<vmem>>) dst(%dma_wait3A_1150 : memref<256x128xf32, #tpu.memory_space<vmem_shared>>)
        tpu.yield
      }) : () -> ()
    } else {
    }
    %eq3A = arith.constant 15 : i32
    %eq3A_3 = arith.cmpi eq, %arg1, %eq3A : i32
    %convert_element_type3A_4 = arith.extui %eq3A_3 : i1 to i32
    %cond3A_5 = arith.constant 0 : i32
    %cond3A_6 = arith.cmpi ne, %convert_element_type3A_4, %cond3A_5 : i32
    scf.if %cond3A_6 {
      "tpu.region"() ({
        %run_scoped3A = tpu.sem_alloc : memref<!tpu.dma_semaphore, #tpu.memory_space<semaphore_mem>>
        %dma_start3A_1141 = arith.constant 0 : i32
        %dma_start3A_1142 = arith.constant 0 : i32
        %dma_start3A_1143 = tpu.memref_slice %arg9[%dma_start3A_1141, %dma_start3A_1142] : memref<256x128xf32, #tpu.memory_space<vmem>> -> memref<160x128xf32, #tpu.memory_space<vmem>>
        %dma_start3A_1144 = arith.constant 3840 : i32
        %dma_start3A_1145 = arith.constant 0 : i32
        %dma_start3A_1146 = tpu.memref_slice %arg3[%dma_start3A_1144, %dma_start3A_1145] : memref<4000x128xf32, #tpu.memory_space<hbm>> -> memref<160x128xf32, #tpu.memory_space<hbm>>
        %dma_start3A_1147 = arith.constant 0 : i32
        %dma_start3A_1148 = arith.constant 0 : i32
        %dma_start3A_1149 = tpu.memref_slice %arg9[%dma_start3A_1147, %dma_start3A_1148] : memref<256x128xf32, #tpu.memory_space<vmem>> -> memref<160x128xf32, #tpu.memory_space<vmem>>
        %dma_start3A_1150 = arith.constant 3840 : i32
        %dma_start3A_1151 = arith.constant 0 : i32
        %dma_start3A_1152 = tpu.memref_slice %arg3[%dma_start3A_1150, %dma_start3A_1151] : memref<4000x128xf32, #tpu.memory_space<hbm>> -> memref<160x128xf32, #tpu.memory_space<hbm>>
        tpu.enqueue_dma source(%dma_start3A_1152 : memref<160x128xf32, #tpu.memory_space<hbm>>) target(%dma_start3A_1149 : memref<160x128xf32, #tpu.memory_space<vmem>>) target_semaphore(%run_scoped3A : memref<!tpu.dma_semaphore, #tpu.memory_space<semaphore_mem>>)
        %dma_wait3A_1153 = arith.constant 0 : i32
        %dma_wait3A_1154 = arith.constant 0 : i32
        %dma_wait3A_1155 = tpu.memref_slice %arg9[%dma_wait3A_1153, %dma_wait3A_1154] : memref<256x128xf32, #tpu.memory_space<vmem>> -> memref<160x128xf32, #tpu.memory_space<vmem>>
        %dma_wait3A_1156 = arith.constant 3840 : i32
        %dma_wait3A_1157 = arith.constant 0 : i32
        %dma_wait3A_1158 = tpu.memref_slice %arg3[%dma_wait3A_1156, %dma_wait3A_1157] : memref<4000x128xf32, #tpu.memory_space<hbm>> -> memref<160x128xf32, #tpu.memory_space<hbm>>
        %dma_wait3A_1159 = arith.constant 0 : i32
        %dma_wait3A_1160 = arith.constant 0 : i32
        %dma_wait3A_1161 = tpu.memref_slice %arg9[%dma_wait3A_1159, %dma_wait3A_1160] : memref<256x128xf32, #tpu.memory_space<vmem>> -> memref<160x128xf32, #tpu.memory_space<vmem>>
        %dma_wait3A_1162 = arith.constant 3840 : i32
        %dma_wait3A_1163 = arith.constant 0 : i32
        %dma_wait3A_1164 = tpu.memref_slice %arg3[%dma_wait3A_1162, %dma_wait3A_1163] : memref<4000x128xf32, #tpu.memory_space<hbm>> -> memref<160x128xf32, #tpu.memory_space<hbm>>
        tpu.wait_dma2 semaphore(%run_scoped3A : memref<!tpu.dma_semaphore, #tpu.memory_space<semaphore_mem>>) src(%dma_wait3A_1164 : memref<160x128xf32, #tpu.memory_space<hbm>>) dst(%dma_wait3A_1161 : memref<160x128xf32, #tpu.memory_space<vmem>>)
        tpu.yield
      }) : () -> ()
      "tpu.region"() ({
        %run_scoped3A = tpu.sem_alloc : memref<!tpu.dma_semaphore, #tpu.memory_space<semaphore_mem>>
        %dma_start3A_1141 = arith.constant 0 : i32
        %dma_start3A_1142 = arith.constant 0 : i32
        %dma_start3A_1143 = tpu.memref_slice %arg9[%dma_start3A_1141, %dma_start3A_1142] : memref<256x128xf32, #tpu.memory_space<vmem>> -> memref<160x128xf32, #tpu.memory_space<vmem>>
        %dma_start3A_1144 = arith.constant 3840 : i32
        %dma_start3A_1145 = arith.constant 0 : i32
        %dma_start3A_1146 = tpu.memref_slice %arg13[%dma_start3A_1144, %dma_start3A_1145] : memref<4000x128xf32, #tpu.memory_space<vmem_shared>> -> memref<160x128xf32, #tpu.memory_space<vmem_shared>>
        %dma_start3A_1147 = arith.constant 3840 : i32
        %dma_start3A_1148 = arith.constant 0 : i32
        %dma_start3A_1149 = tpu.memref_slice %arg13[%dma_start3A_1147, %dma_start3A_1148] : memref<4000x128xf32, #tpu.memory_space<vmem_shared>> -> memref<160x128xf32, #tpu.memory_space<vmem_shared>>
        %dma_start3A_1150 = arith.constant 0 : i32
        %dma_start3A_1151 = arith.constant 0 : i32
        %dma_start3A_1152 = tpu.memref_slice %arg9[%dma_start3A_1150, %dma_start3A_1151] : memref<256x128xf32, #tpu.memory_space<vmem>> -> memref<160x128xf32, #tpu.memory_space<vmem>>
        tpu.enqueue_dma source(%dma_start3A_1152 : memref<160x128xf32, #tpu.memory_space<vmem>>) target(%dma_start3A_1149 : memref<160x128xf32, #tpu.memory_space<vmem_shared>>) target_semaphore(%run_scoped3A : memref<!tpu.dma_semaphore, #tpu.memory_space<semaphore_mem>>)
        %dma_wait3A_1153 = arith.constant 0 : i32
        %dma_wait3A_1154 = arith.constant 0 : i32
        %dma_wait3A_1155 = tpu.memref_slice %arg9[%dma_wait3A_1153, %dma_wait3A_1154] : memref<256x128xf32, #tpu.memory_space<vmem>> -> memref<160x128xf32, #tpu.memory_space<vmem>>
        %dma_wait3A_1156 = arith.constant 3840 : i32
        %dma_wait3A_1157 = arith.constant 0 : i32
        %dma_wait3A_1158 = tpu.memref_slice %arg13[%dma_wait3A_1156, %dma_wait3A_1157] : memref<4000x128xf32, #tpu.memory_space<vmem_shared>> -> memref<160x128xf32, #tpu.memory_space<vmem_shared>>
        %dma_wait3A_1159 = arith.constant 3840 : i32
        %dma_wait3A_1160 = arith.constant 0 : i32
        %dma_wait3A_1161 = tpu.memref_slice %arg13[%dma_wait3A_1159, %dma_wait3A_1160] : memref<4000x128xf32, #tpu.memory_space<vmem_shared>> -> memref<160x128xf32, #tpu.memory_space<vmem_shared>>
        %dma_wait3A_1162 = arith.constant 0 : i32
        %dma_wait3A_1163 = arith.constant 0 : i32
        %dma_wait3A_1164 = tpu.memref_slice %arg9[%dma_wait3A_1162, %dma_wait3A_1163] : memref<256x128xf32, #tpu.memory_space<vmem>> -> memref<160x128xf32, #tpu.memory_space<vmem>>
        tpu.wait_dma2 semaphore(%run_scoped3A : memref<!tpu.dma_semaphore, #tpu.memory_space<semaphore_mem>>) src(%dma_wait3A_1164 : memref<160x128xf32, #tpu.memory_space<vmem>>) dst(%dma_wait3A_1161 : memref<160x128xf32, #tpu.memory_space<vmem_shared>>)
        tpu.yield
      }) : () -> ()
    } else {
    }
    %barrier3A = arith.constant 0 : index
    tpu.barrier barrier_id(%barrier3A)
    %shift_right_logical3A = arith.constant 0 : i32
    %shift_right_logical3A_7 = arith.constant 1 : i32
    %shift_right_logical3A_8 = arith.shrui %shift_right_logical3A, %shift_right_logical3A_7 : i32
    %mul3A_9 = arith.constant 32 : i32
    %mul3A_10 = arith.muli %shift_right_logical3A_8, %mul3A_9 : i32
    %add3A_11 = arith.addi %mul3A_10, %add3A : i32
    %mul3A_12 = arith.constant 4 : i32
    %mul3A_13 = arith.muli %add3A_11, %mul3A_12 : i32
    "tpu.region"() ({
      %run_scoped3A = tpu.sem_alloc : memref<!tpu.dma_semaphore, #tpu.memory_space<semaphore_mem>>
      %dma_start3A_1141 = arith.constant 0 : i32
      %dma_start3A_1142 = tpu.memref_slice %arg2[%mul3A_13, %dma_start3A_1141] : memref<25600x128xi32, #tpu.memory_space<hbm>> -> memref<4x128xi32, #tpu.memory_space<hbm>>
      %dma_start3A_1143 = arith.constant 0 : i32
      %dma_start3A_1144 = tpu.memref_slice %arg2[%mul3A_13, %dma_start3A_1143] : memref<25600x128xi32, #tpu.memory_space<hbm>> -> memref<4x128xi32, #tpu.memory_space<hbm>>
      tpu.enqueue_dma source(%dma_start3A_1144 : memref<4x128xi32, #tpu.memory_space<hbm>>) target(%arg5 : memref<4x128xi32, #tpu.memory_space<vmem>>) target_semaphore(%run_scoped3A : memref<!tpu.dma_semaphore, #tpu.memory_space<semaphore_mem>>)
      %dma_wait3A_1145 = arith.constant 0 : i32
      %dma_wait3A_1146 = tpu.memref_slice %arg2[%mul3A_13, %dma_wait3A_1145] : memref<25600x128xi32, #tpu.memory_space<hbm>> -> memref<4x128xi32, #tpu.memory_space<hbm>>
      %dma_wait3A_1147 = arith.constant 0 : i32
      %dma_wait3A_1148 = tpu.memref_slice %arg2[%mul3A_13, %dma_wait3A_1147] : memref<25600x128xi32, #tpu.memory_space<hbm>> -> memref<4x128xi32, #tpu.memory_space<hbm>>
      tpu.wait_dma2 semaphore(%run_scoped3A : memref<!tpu.dma_semaphore, #tpu.memory_space<semaphore_mem>>) src(%dma_wait3A_1148 : memref<4x128xi32, #tpu.memory_space<hbm>>) dst(%arg5 : memref<4x128xi32, #tpu.memory_space<vmem>>)
      tpu.yield
    }) : () -> ()
    %shift_right_logical3A_14 = arith.constant 1 : i32
    %shift_right_logical3A_15 = arith.constant 1 : i32
    %shift_right_logical3A_16 = arith.shrui %shift_right_logical3A_14, %shift_right_logical3A_15 : i32
    %mul3A_17 = arith.constant 32 : i32
    %mul3A_18 = arith.muli %shift_right_logical3A_16, %mul3A_17 : i32
    %add3A_19 = arith.addi %mul3A_18, %add3A : i32
    %mul3A_20 = arith.constant 4 : i32
    %mul3A_21 = arith.muli %add3A_19, %mul3A_20 : i32
    "tpu.region"() ({
      %run_scoped3A = tpu.sem_alloc : memref<!tpu.dma_semaphore, #tpu.memory_space<semaphore_mem>>
      %dma_start3A_1141 = arith.constant 0 : i32
      %dma_start3A_1142 = tpu.memref_slice %arg2[%mul3A_21, %dma_start3A_1141] : memref<25600x128xi32, #tpu.memory_space<hbm>> -> memref<4x128xi32, #tpu.memory_space<hbm>>
      %dma_start3A_1143 = arith.constant 0 : i32
      %dma_start3A_1144 = tpu.memref_slice %arg2[%mul3A_21, %dma_start3A_1143] : memref<25600x128xi32, #tpu.memory_space<hbm>> -> memref<4x128xi32, #tpu.memory_space<hbm>>
      tpu.enqueue_dma source(%dma_start3A_1144 : memref<4x128xi32, #tpu.memory_space<hbm>>) target(%arg6 : memref<4x128xi32, #tpu.memory_space<vmem>>) target_semaphore(%run_scoped3A : memref<!tpu.dma_semaphore, #tpu.memory_space<semaphore_mem>>)
      %dma_wait3A_1145 = arith.constant 0 : i32
      %dma_wait3A_1146 = tpu.memref_slice %arg2[%mul3A_21, %dma_wait3A_1145] : memref<25600x128xi32, #tpu.memory_space<hbm>> -> memref<4x128xi32, #tpu.memory_space<hbm>>
      %dma_wait3A_1147 = arith.constant 0 : i32
      %dma_wait3A_1148 = tpu.memref_slice %arg2[%mul3A_21, %dma_wait3A_1147] : memref<25600x128xi32, #tpu.memory_space<hbm>> -> memref<4x128xi32, #tpu.memory_space<hbm>>
      tpu.wait_dma2 semaphore(%run_scoped3A : memref<!tpu.dma_semaphore, #tpu.memory_space<semaphore_mem>>) src(%dma_wait3A_1148 : memref<4x128xi32, #tpu.memory_space<hbm>>) dst(%arg6 : memref<4x128xi32, #tpu.memory_space<vmem>>)
      tpu.yield
    }) : () -> ()
    %and3A = arith.constant 0 : i32
    %and3A_22 = arith.constant 1 : i32
    %and3A_23 = arith.andi %and3A, %and3A_22 : i32
    %mul3A_24 = arith.constant 64 : i32
    %mul3A_25 = arith.muli %and3A_23, %mul3A_24 : i32
    %add3A_26 = arith.constant 0 : i32
    %add3A_27 = arith.addi %mul3A_25, %add3A_26 : i32
    %get3A = arith.constant 0 : i32
    %get3A_28 = arith.index_cast %get3A : i32 to index
    %get3A_29 = arith.index_cast %add3A_27 : i32 to index
    %get3A_30 = tpu.vector_load %arg5[%get3A_28, %get3A_29] {strides = array<i32>} : memref<4x128xi32, #tpu.memory_space<vmem>>, vector<16xi32>,
    %add3A_31 = arith.constant 0 : i32
    %add3A_32 = vector.broadcast %add3A_31 : i32 to vector<16xi32>
    %add3A_33 = arith.addi %get3A_30, %add3A_32 : vector<16xi32>
    %swap3A = arith.constant 0 : i32
    %swap3A_34 = arith.index_cast %swap3A : i32 to index
    %swap3A_35 = arith.constant 0 : index
    %swap3A_36 = tpu.vector_load %arg7[%swap3A_34, %swap3A_35] {strides = array<i32>} : memref<2x128xi32, #tpu.memory_space<vmem>>, vector<16xi32>,
    tpu.vector_store %arg7[%swap3A_34, %swap3A_35], %add3A_33 {strides = array<i32>} : memref<2x128xi32, #tpu.memory_space<vmem>>, vector<16xi32>,
    %add3A_37 = arith.constant 16 : i32
    %add3A_38 = arith.addi %mul3A_25, %add3A_37 : i32
    %get3A_39 = arith.constant 0 : i32
    %get3A_40 = arith.index_cast %get3A_39 : i32 to index
    %get3A_41 = arith.index_cast %add3A_38 : i32 to index
    %get3A_42 = tpu.vector_load %arg5[%get3A_40, %get3A_41] {strides = array<i32>} : memref<4x128xi32, #tpu.memory_space<vmem>>, vector<16xi32>,
    %add3A_43 = arith.constant 0 : i32
    %add3A_44 = vector.broadcast %add3A_43 : i32 to vector<16xi32>
    %add3A_45 = arith.addi %get3A_42, %add3A_44 : vector<16xi32>
    %swap3A_46 = arith.constant 0 : i32
    %swap3A_47 = arith.index_cast %swap3A_46 : i32 to index
    %swap3A_48 = arith.constant 16 : index
    %swap3A_49 = tpu.vector_load %arg7[%swap3A_47, %swap3A_48] {strides = array<i32>} : memref<2x128xi32, #tpu.memory_space<vmem>>, vector<16xi32>,
    tpu.vector_store %arg7[%swap3A_47, %swap3A_48], %add3A_45 {strides = array<i32>} : memref<2x128xi32, #tpu.memory_space<vmem>>, vector<16xi32>,
    %add3A_50 = arith.constant 32 : i32
    %add3A_51 = arith.addi %mul3A_25, %add3A_50 : i32
    %get3A_52 = arith.constant 0 : i32
    %get3A_53 = arith.index_cast %get3A_52 : i32 to index
    %get3A_54 = arith.index_cast %add3A_51 : i32 to index
    %get3A_55 = tpu.vector_load %arg5[%get3A_53, %get3A_54] {strides = array<i32>} : memref<4x128xi32, #tpu.memory_space<vmem>>, vector<16xi32>,
    %add3A_56 = arith.constant 0 : i32
    %add3A_57 = vector.broadcast %add3A_56 : i32 to vector<16xi32>
    %add3A_58 = arith.addi %get3A_55, %add3A_57 : vector<16xi32>
    %swap3A_59 = arith.constant 0 : i32
    %swap3A_60 = arith.index_cast %swap3A_59 : i32 to index
    %swap3A_61 = arith.constant 32 : index
    %swap3A_62 = tpu.vector_load %arg7[%swap3A_60, %swap3A_61] {strides = array<i32>} : memref<2x128xi32, #tpu.memory_space<vmem>>, vector<16xi32>,
    tpu.vector_store %arg7[%swap3A_60, %swap3A_61], %add3A_58 {strides = array<i32>} : memref<2x128xi32, #tpu.memory_space<vmem>>, vector<16xi32>,
    %add3A_63 = arith.constant 48 : i32
    %add3A_64 = arith.addi %mul3A_25, %add3A_63 : i32
    %get3A_65 = arith.constant 0 : i32
    %get3A_66 = arith.index_cast %get3A_65 : i32 to index
    %get3A_67 = arith.index_cast %add3A_64 : i32 to index
    %get3A_68 = tpu.vector_load %arg5[%get3A_66, %get3A_67] {strides = array<i32>} : memref<4x128xi32, #tpu.memory_space<vmem>>, vector<16xi32>,
    %add3A_69 = arith.constant 0 : i32
    %add3A_70 = vector.broadcast %add3A_69 : i32 to vector<16xi32>
    %add3A_71 = arith.addi %get3A_68, %add3A_70 : vector<16xi32>
    %swap3A_72 = arith.constant 0 : i32
    %swap3A_73 = arith.index_cast %swap3A_72 : i32 to index
    %swap3A_74 = arith.constant 48 : index
    %swap3A_75 = tpu.vector_load %arg7[%swap3A_73, %swap3A_74] {strides = array<i32>} : memref<2x128xi32, #tpu.memory_space<vmem>>, vector<16xi32>,
    tpu.vector_store %arg7[%swap3A_73, %swap3A_74], %add3A_71 {strides = array<i32>} : memref<2x128xi32, #tpu.memory_space<vmem>>, vector<16xi32>,
    %add3A_76 = arith.constant 0 : i32
    %add3A_77 = arith.addi %mul3A_25, %add3A_76 : i32
    %get3A_78 = arith.constant 1 : i32
    %get3A_79 = arith.index_cast %get3A_78 : i32 to index
    %get3A_80 = arith.index_cast %add3A_77 : i32 to index
    %get3A_81 = tpu.vector_load %arg5[%get3A_79, %get3A_80] {strides = array<i32>} : memref<4x128xi32, #tpu.memory_space<vmem>>, vector<16xi32>,
    %add3A_82 = arith.constant 1000 : i32
    %add3A_83 = vector.broadcast %add3A_82 : i32 to vector<16xi32>
    %add3A_84 = arith.addi %get3A_81, %add3A_83 : vector<16xi32>
    %swap3A_85 = arith.constant 0 : i32
    %swap3A_86 = arith.index_cast %swap3A_85 : i32 to index
    %swap3A_87 = arith.constant 64 : index
    %swap3A_88 = tpu.vector_load %arg7[%swap3A_86, %swap3A_87] {strides = array<i32>} : memref<2x128xi32, #tpu.memory_space<vmem>>, vector<16xi32>,
    tpu.vector_store %arg7[%swap3A_86, %swap3A_87], %add3A_84 {strides = array<i32>} : memref<2x128xi32, #tpu.memory_space<vmem>>, vector<16xi32>,
    %add3A_89 = arith.constant 16 : i32
    %add3A_90 = arith.addi %mul3A_25, %add3A_89 : i32
    %get3A_91 = arith.constant 1 : i32
    %get3A_92 = arith.index_cast %get3A_91 : i32 to index
    %get3A_93 = arith.index_cast %add3A_90 : i32 to index
    %get3A_94 = tpu.vector_load %arg5[%get3A_92, %get3A_93] {strides = array<i32>} : memref<4x128xi32, #tpu.memory_space<vmem>>, vector<16xi32>,
    %add3A_95 = arith.constant 1000 : i32
    %add3A_96 = vector.broadcast %add3A_95 : i32 to vector<16xi32>
    %add3A_97 = arith.addi %get3A_94, %add3A_96 : vector<16xi32>
    %swap3A_98 = arith.constant 0 : i32
    %swap3A_99 = arith.index_cast %swap3A_98 : i32 to index
    %swap3A_100 = arith.constant 80 : index
    %swap3A_101 = tpu.vector_load %arg7[%swap3A_99, %swap3A_100] {strides = array<i32>} : memref<2x128xi32, #tpu.memory_space<vmem>>, vector<16xi32>,
    tpu.vector_store %arg7[%swap3A_99, %swap3A_100], %add3A_97 {strides = array<i32>} : memref<2x128xi32, #tpu.memory_space<vmem>>, vector<16xi32>,
    %add3A_102 = arith.constant 32 : i32
    %add3A_103 = arith.addi %mul3A_25, %add3A_102 : i32
    %get3A_104 = arith.constant 1 : i32
    %get3A_105 = arith.index_cast %get3A_104 : i32 to index
    %get3A_106 = arith.index_cast %add3A_103 : i32 to index
    %get3A_107 = tpu.vector_load %arg5[%get3A_105, %get3A_106] {strides = array<i32>} : memref<4x128xi32, #tpu.memory_space<vmem>>, vector<16xi32>,
    %add3A_108 = arith.constant 1000 : i32
    %add3A_109 = vector.broadcast %add3A_108 : i32 to vector<16xi32>
    %add3A_110 = arith.addi %get3A_107, %add3A_109 : vector<16xi32>
    %swap3A_111 = arith.constant 0 : i32
    %swap3A_112 = arith.index_cast %swap3A_111 : i32 to index
    %swap3A_113 = arith.constant 96 : index
    %swap3A_114 = tpu.vector_load %arg7[%swap3A_112, %swap3A_113] {strides = array<i32>} : memref<2x128xi32, #tpu.memory_space<vmem>>, vector<16xi32>,
    tpu.vector_store %arg7[%swap3A_112, %swap3A_113], %add3A_110 {strides = array<i32>} : memref<2x128xi32, #tpu.memory_space<vmem>>, vector<16xi32>,
    %add3A_115 = arith.constant 48 : i32
    %add3A_116 = arith.addi %mul3A_25, %add3A_115 : i32
    %get3A_117 = arith.constant 1 : i32
    %get3A_118 = arith.index_cast %get3A_117 : i32 to index
    %get3A_119 = arith.index_cast %add3A_116 : i32 to index
    %get3A_120 = tpu.vector_load %arg5[%get3A_118, %get3A_119] {strides = array<i32>} : memref<4x128xi32, #tpu.memory_space<vmem>>, vector<16xi32>,
    %add3A_121 = arith.constant 1000 : i32
    %add3A_122 = vector.broadcast %add3A_121 : i32 to vector<16xi32>
    %add3A_123 = arith.addi %get3A_120, %add3A_122 : vector<16xi32>
    %swap3A_124 = arith.constant 0 : i32
    %swap3A_125 = arith.index_cast %swap3A_124 : i32 to index
    %swap3A_126 = arith.constant 112 : index
    %swap3A_127 = tpu.vector_load %arg7[%swap3A_125, %swap3A_126] {strides = array<i32>} : memref<2x128xi32, #tpu.memory_space<vmem>>, vector<16xi32>,
    tpu.vector_store %arg7[%swap3A_125, %swap3A_126], %add3A_123 {strides = array<i32>} : memref<2x128xi32, #tpu.memory_space<vmem>>, vector<16xi32>,
    %add3A_128 = arith.constant 0 : i32
    %add3A_129 = arith.addi %mul3A_25, %add3A_128 : i32
    %get3A_130 = arith.constant 2 : i32
    %get3A_131 = arith.index_cast %get3A_130 : i32 to index
    %get3A_132 = arith.index_cast %add3A_129 : i32 to index
    %get3A_133 = tpu.vector_load %arg5[%get3A_131, %get3A_132] {strides = array<i32>} : memref<4x128xi32, #tpu.memory_space<vmem>>, vector<16xi32>,
    %add3A_134 = arith.constant 2000 : i32
    %add3A_135 = vector.broadcast %add3A_134 : i32 to vector<16xi32>
    %add3A_136 = arith.addi %get3A_133, %add3A_135 : vector<16xi32>
    %swap3A_137 = arith.constant 1 : i32
    %swap3A_138 = arith.index_cast %swap3A_137 : i32 to index
    %swap3A_139 = arith.constant 0 : index
    %swap3A_140 = tpu.vector_load %arg7[%swap3A_138, %swap3A_139] {strides = array<i32>} : memref<2x128xi32, #tpu.memory_space<vmem>>, vector<16xi32>,
    tpu.vector_store %arg7[%swap3A_138, %swap3A_139], %add3A_136 {strides = array<i32>} : memref<2x128xi32, #tpu.memory_space<vmem>>, vector<16xi32>,
    %add3A_141 = arith.constant 16 : i32
    %add3A_142 = arith.addi %mul3A_25, %add3A_141 : i32
    %get3A_143 = arith.constant 2 : i32
    %get3A_144 = arith.index_cast %get3A_143 : i32 to index
    %get3A_145 = arith.index_cast %add3A_142 : i32 to index
    %get3A_146 = tpu.vector_load %arg5[%get3A_144, %get3A_145] {strides = array<i32>} : memref<4x128xi32, #tpu.memory_space<vmem>>, vector<16xi32>,
    %add3A_147 = arith.constant 2000 : i32
    %add3A_148 = vector.broadcast %add3A_147 : i32 to vector<16xi32>
    %add3A_149 = arith.addi %get3A_146, %add3A_148 : vector<16xi32>
    %swap3A_150 = arith.constant 1 : i32
    %swap3A_151 = arith.index_cast %swap3A_150 : i32 to index
    %swap3A_152 = arith.constant 16 : index
    %swap3A_153 = tpu.vector_load %arg7[%swap3A_151, %swap3A_152] {strides = array<i32>} : memref<2x128xi32, #tpu.memory_space<vmem>>, vector<16xi32>,
    tpu.vector_store %arg7[%swap3A_151, %swap3A_152], %add3A_149 {strides = array<i32>} : memref<2x128xi32, #tpu.memory_space<vmem>>, vector<16xi32>,
    %add3A_154 = arith.constant 32 : i32
    %add3A_155 = arith.addi %mul3A_25, %add3A_154 : i32
    %get3A_156 = arith.constant 2 : i32
    %get3A_157 = arith.index_cast %get3A_156 : i32 to index
    %get3A_158 = arith.index_cast %add3A_155 : i32 to index
    %get3A_159 = tpu.vector_load %arg5[%get3A_157, %get3A_158] {strides = array<i32>} : memref<4x128xi32, #tpu.memory_space<vmem>>, vector<16xi32>,
    %add3A_160 = arith.constant 2000 : i32
    %add3A_161 = vector.broadcast %add3A_160 : i32 to vector<16xi32>
    %add3A_162 = arith.addi %get3A_159, %add3A_161 : vector<16xi32>
    %swap3A_163 = arith.constant 1 : i32
    %swap3A_164 = arith.index_cast %swap3A_163 : i32 to index
    %swap3A_165 = arith.constant 32 : index
    %swap3A_166 = tpu.vector_load %arg7[%swap3A_164, %swap3A_165] {strides = array<i32>} : memref<2x128xi32, #tpu.memory_space<vmem>>, vector<16xi32>,
    tpu.vector_store %arg7[%swap3A_164, %swap3A_165], %add3A_162 {strides = array<i32>} : memref<2x128xi32, #tpu.memory_space<vmem>>, vector<16xi32>,
    %add3A_167 = arith.constant 48 : i32
    %add3A_168 = arith.addi %mul3A_25, %add3A_167 : i32
    %get3A_169 = arith.constant 2 : i32
    %get3A_170 = arith.index_cast %get3A_169 : i32 to index
    %get3A_171 = arith.index_cast %add3A_168 : i32 to index
    %get3A_172 = tpu.vector_load %arg5[%get3A_170, %get3A_171] {strides = array<i32>} : memref<4x128xi32, #tpu.memory_space<vmem>>, vector<16xi32>,
    %add3A_173 = arith.constant 2000 : i32
    %add3A_174 = vector.broadcast %add3A_173 : i32 to vector<16xi32>
    %add3A_175 = arith.addi %get3A_172, %add3A_174 : vector<16xi32>
    %swap3A_176 = arith.constant 1 : i32
    %swap3A_177 = arith.index_cast %swap3A_176 : i32 to index
    %swap3A_178 = arith.constant 48 : index
    %swap3A_179 = tpu.vector_load %arg7[%swap3A_177, %swap3A_178] {strides = array<i32>} : memref<2x128xi32, #tpu.memory_space<vmem>>, vector<16xi32>,
    tpu.vector_store %arg7[%swap3A_177, %swap3A_178], %add3A_175 {strides = array<i32>} : memref<2x128xi32, #tpu.memory_space<vmem>>, vector<16xi32>,
    %add3A_180 = arith.constant 0 : i32
    %add3A_181 = arith.addi %mul3A_25, %add3A_180 : i32
    %get3A_182 = arith.constant 3 : i32
    %get3A_183 = arith.index_cast %get3A_182 : i32 to index
    %get3A_184 = arith.index_cast %add3A_181 : i32 to index
    %get3A_185 = tpu.vector_load %arg5[%get3A_183, %get3A_184] {strides = array<i32>} : memref<4x128xi32, #tpu.memory_space<vmem>>, vector<16xi32>,
    %add3A_186 = arith.constant 3000 : i32
    %add3A_187 = vector.broadcast %add3A_186 : i32 to vector<16xi32>
    %add3A_188 = arith.addi %get3A_185, %add3A_187 : vector<16xi32>
    %swap3A_189 = arith.constant 1 : i32
    %swap3A_190 = arith.index_cast %swap3A_189 : i32 to index
    %swap3A_191 = arith.constant 64 : index
    %swap3A_192 = tpu.vector_load %arg7[%swap3A_190, %swap3A_191] {strides = array<i32>} : memref<2x128xi32, #tpu.memory_space<vmem>>, vector<16xi32>,
    tpu.vector_store %arg7[%swap3A_190, %swap3A_191], %add3A_188 {strides = array<i32>} : memref<2x128xi32, #tpu.memory_space<vmem>>, vector<16xi32>,
    %add3A_193 = arith.constant 16 : i32
    %add3A_194 = arith.addi %mul3A_25, %add3A_193 : i32
    %get3A_195 = arith.constant 3 : i32
    %get3A_196 = arith.index_cast %get3A_195 : i32 to index
    %get3A_197 = arith.index_cast %add3A_194 : i32 to index
    %get3A_198 = tpu.vector_load %arg5[%get3A_196, %get3A_197] {strides = array<i32>} : memref<4x128xi32, #tpu.memory_space<vmem>>, vector<16xi32>,
    %add3A_199 = arith.constant 3000 : i32
    %add3A_200 = vector.broadcast %add3A_199 : i32 to vector<16xi32>
    %add3A_201 = arith.addi %get3A_198, %add3A_200 : vector<16xi32>
    %swap3A_202 = arith.constant 1 : i32
    %swap3A_203 = arith.index_cast %swap3A_202 : i32 to index
    %swap3A_204 = arith.constant 80 : index
    %swap3A_205 = tpu.vector_load %arg7[%swap3A_203, %swap3A_204] {strides = array<i32>} : memref<2x128xi32, #tpu.memory_space<vmem>>, vector<16xi32>,
    tpu.vector_store %arg7[%swap3A_203, %swap3A_204], %add3A_201 {strides = array<i32>} : memref<2x128xi32, #tpu.memory_space<vmem>>, vector<16xi32>,
    %add3A_206 = arith.constant 32 : i32
    %add3A_207 = arith.addi %mul3A_25, %add3A_206 : i32
    %get3A_208 = arith.constant 3 : i32
    %get3A_209 = arith.index_cast %get3A_208 : i32 to index
    %get3A_210 = arith.index_cast %add3A_207 : i32 to index
    %get3A_211 = tpu.vector_load %arg5[%get3A_209, %get3A_210] {strides = array<i32>} : memref<4x128xi32, #tpu.memory_space<vmem>>, vector<16xi32>,
    %add3A_212 = arith.constant 3000 : i32
    %add3A_213 = vector.broadcast %add3A_212 : i32 to vector<16xi32>
    %add3A_214 = arith.addi %get3A_211, %add3A_213 : vector<16xi32>
    %swap3A_215 = arith.constant 1 : i32
    %swap3A_216 = arith.index_cast %swap3A_215 : i32 to index
    %swap3A_217 = arith.constant 96 : index
    %swap3A_218 = tpu.vector_load %arg7[%swap3A_216, %swap3A_217] {strides = array<i32>} : memref<2x128xi32, #tpu.memory_space<vmem>>, vector<16xi32>,
    tpu.vector_store %arg7[%swap3A_216, %swap3A_217], %add3A_214 {strides = array<i32>} : memref<2x128xi32, #tpu.memory_space<vmem>>, vector<16xi32>,
    %add3A_219 = arith.constant 48 : i32
    %add3A_220 = arith.addi %mul3A_25, %add3A_219 : i32
    %get3A_221 = arith.constant 3 : i32
    %get3A_222 = arith.index_cast %get3A_221 : i32 to index
    %get3A_223 = arith.index_cast %add3A_220 : i32 to index
    %get3A_224 = tpu.vector_load %arg5[%get3A_222, %get3A_223] {strides = array<i32>} : memref<4x128xi32, #tpu.memory_space<vmem>>, vector<16xi32>,
    %add3A_225 = arith.constant 3000 : i32
    %add3A_226 = vector.broadcast %add3A_225 : i32 to vector<16xi32>
    %add3A_227 = arith.addi %get3A_224, %add3A_226 : vector<16xi32>
    %swap3A_228 = arith.constant 1 : i32
    %swap3A_229 = arith.index_cast %swap3A_228 : i32 to index
    %swap3A_230 = arith.constant 112 : index
    %swap3A_231 = tpu.vector_load %arg7[%swap3A_229, %swap3A_230] {strides = array<i32>} : memref<2x128xi32, #tpu.memory_space<vmem>>, vector<16xi32>,
    tpu.vector_store %arg7[%swap3A_229, %swap3A_230], %add3A_227 {strides = array<i32>} : memref<2x128xi32, #tpu.memory_space<vmem>>, vector<16xi32>,
    %dma_start3A = arith.constant 0 : i32
    %dma_start3A_232 = arith.constant 0 : i32
    %dma_start3A_233 = arith.constant 0 : i32
    %dma_start3A_234 = tpu.memref_slice %arg9[%dma_start3A_232, %dma_start3A_233] : memref<256x128xf32, #tpu.memory_space<vmem>> -> memref<128x128xf32, #tpu.memory_space<vmem>>
    %dma_start3A_235 = arith.constant 0 : i32
    %dma_start3A_236 = tpu.memref_slice %arg7[%dma_start3A, %dma_start3A_235] : memref<2x128xi32, #tpu.memory_space<vmem>> -> memref<1x128xi32, #tpu.memory_space<vmem>>
    %dma_start3A_237 = tpu.memref_squeeze %dma_start3A_236 : memref<1x128xi32, #tpu.memory_space<vmem>> -> memref<128xi32, #tpu.memory_space<vmem>>
    %dma_start3A_238 = arith.constant 0 : i32
    %dma_start3A_239 = arith.constant 0 : i32
    %dma_start3A_240 = tpu.memref_slice %arg13[%dma_start3A_238, %dma_start3A_239] : memref<4000x128xf32, #tpu.memory_space<vmem_shared>> -> memref<4000x128xf32, #tpu.memory_space<vmem_shared>>
    tpu.enqueue_indirect_dma source(%dma_start3A_240 : memref<4000x128xf32, #tpu.memory_space<vmem_shared>>) target(%dma_start3A_234 : memref<128x128xf32, #tpu.memory_space<vmem>>) offsets(%dma_start3A_237 : memref<128xi32, #tpu.memory_space<vmem>>) semaphore(%arg16 : memref<!tpu.dma_semaphore, #tpu.memory_space<semaphore_mem>>)
    %dma_start3A_241 = arith.constant 1 : i32
    %dma_start3A_242 = arith.constant 128 : i32
    %dma_start3A_243 = arith.constant 0 : i32
    %dma_start3A_244 = tpu.memref_slice %arg9[%dma_start3A_242, %dma_start3A_243] : memref<256x128xf32, #tpu.memory_space<vmem>> -> memref<128x128xf32, #tpu.memory_space<vmem>>
    %dma_start3A_245 = arith.constant 0 : i32
    %dma_start3A_246 = tpu.memref_slice %arg7[%dma_start3A_241, %dma_start3A_245] : memref<2x128xi32, #tpu.memory_space<vmem>> -> memref<1x128xi32, #tpu.memory_space<vmem>>
    %dma_start3A_247 = tpu.memref_squeeze %dma_start3A_246 : memref<1x128xi32, #tpu.memory_space<vmem>> -> memref<128xi32, #tpu.memory_space<vmem>>
    %dma_start3A_248 = arith.constant 0 : i32
    %dma_start3A_249 = arith.constant 0 : i32
    %dma_start3A_250 = tpu.memref_slice %arg13[%dma_start3A_248, %dma_start3A_249] : memref<4000x128xf32, #tpu.memory_space<vmem_shared>> -> memref<4000x128xf32, #tpu.memory_space<vmem_shared>>
    tpu.enqueue_indirect_dma source(%dma_start3A_250 : memref<4000x128xf32, #tpu.memory_space<vmem_shared>>) target(%dma_start3A_244 : memref<128x128xf32, #tpu.memory_space<vmem>>) offsets(%dma_start3A_247 : memref<128xi32, #tpu.memory_space<vmem>>) semaphore(%arg16 : memref<!tpu.dma_semaphore, #tpu.memory_space<semaphore_mem>>)
    %and3A_251 = arith.constant 1 : i32
    %and3A_252 = arith.constant 1 : i32
    %and3A_253 = arith.andi %and3A_251, %and3A_252 : i32
    %mul3A_254 = arith.constant 64 : i32
    %mul3A_255 = arith.muli %and3A_253, %mul3A_254 : i32
    %add3A_256 = arith.constant 0 : i32
    %add3A_257 = arith.addi %mul3A_255, %add3A_256 : i32
    %get3A_258 = arith.constant 0 : i32
    %get3A_259 = arith.index_cast %get3A_258 : i32 to index
    %get3A_260 = arith.index_cast %add3A_257 : i32 to index
    %get3A_261 = tpu.vector_load %arg6[%get3A_259, %get3A_260] {strides = array<i32>} : memref<4x128xi32, #tpu.memory_space<vmem>>, vector<16xi32>,
    %add3A_262 = arith.constant 0 : i32
    %add3A_263 = vector.broadcast %add3A_262 : i32 to vector<16xi32>
    %add3A_264 = arith.addi %get3A_261, %add3A_263 : vector<16xi32>
    %swap3A_265 = arith.constant 0 : i32
    %swap3A_266 = arith.index_cast %swap3A_265 : i32 to index
    %swap3A_267 = arith.constant 0 : index
    %swap3A_268 = tpu.vector_load %arg8[%swap3A_266, %swap3A_267] {strides = array<i32>} : memref<2x128xi32, #tpu.memory_space<vmem>>, vector<16xi32>,
    tpu.vector_store %arg8[%swap3A_266, %swap3A_267], %add3A_264 {strides = array<i32>} : memref<2x128xi32, #tpu.memory_space<vmem>>, vector<16xi32>,
    %add3A_269 = arith.constant 16 : i32
    %add3A_270 = arith.addi %mul3A_255, %add3A_269 : i32
    %get3A_271 = arith.constant 0 : i32
    %get3A_272 = arith.index_cast %get3A_271 : i32 to index
    %get3A_273 = arith.index_cast %add3A_270 : i32 to index
    %get3A_274 = tpu.vector_load %arg6[%get3A_272, %get3A_273] {strides = array<i32>} : memref<4x128xi32, #tpu.memory_space<vmem>>, vector<16xi32>,
    %add3A_275 = arith.constant 0 : i32
    %add3A_276 = vector.broadcast %add3A_275 : i32 to vector<16xi32>
    %add3A_277 = arith.addi %get3A_274, %add3A_276 : vector<16xi32>
    %swap3A_278 = arith.constant 0 : i32
    %swap3A_279 = arith.index_cast %swap3A_278 : i32 to index
    %swap3A_280 = arith.constant 16 : index
    %swap3A_281 = tpu.vector_load %arg8[%swap3A_279, %swap3A_280] {strides = array<i32>} : memref<2x128xi32, #tpu.memory_space<vmem>>, vector<16xi32>,
    tpu.vector_store %arg8[%swap3A_279, %swap3A_280], %add3A_277 {strides = array<i32>} : memref<2x128xi32, #tpu.memory_space<vmem>>, vector<16xi32>,
    %add3A_282 = arith.constant 32 : i32
    %add3A_283 = arith.addi %mul3A_255, %add3A_282 : i32
    %get3A_284 = arith.constant 0 : i32
    %get3A_285 = arith.index_cast %get3A_284 : i32 to index
    %get3A_286 = arith.index_cast %add3A_283 : i32 to index
    %get3A_287 = tpu.vector_load %arg6[%get3A_285, %get3A_286] {strides = array<i32>} : memref<4x128xi32, #tpu.memory_space<vmem>>, vector<16xi32>,
    %add3A_288 = arith.constant 0 : i32
    %add3A_289 = vector.broadcast %add3A_288 : i32 to vector<16xi32>
    %add3A_290 = arith.addi %get3A_287, %add3A_289 : vector<16xi32>
    %swap3A_291 = arith.constant 0 : i32
    %swap3A_292 = arith.index_cast %swap3A_291 : i32 to index
    %swap3A_293 = arith.constant 32 : index
    %swap3A_294 = tpu.vector_load %arg8[%swap3A_292, %swap3A_293] {strides = array<i32>} : memref<2x128xi32, #tpu.memory_space<vmem>>, vector<16xi32>,
    tpu.vector_store %arg8[%swap3A_292, %swap3A_293], %add3A_290 {strides = array<i32>} : memref<2x128xi32, #tpu.memory_space<vmem>>, vector<16xi32>,
    %add3A_295 = arith.constant 48 : i32
    %add3A_296 = arith.addi %mul3A_255, %add3A_295 : i32
    %get3A_297 = arith.constant 0 : i32
    %get3A_298 = arith.index_cast %get3A_297 : i32 to index
    %get3A_299 = arith.index_cast %add3A_296 : i32 to index
    %get3A_300 = tpu.vector_load %arg6[%get3A_298, %get3A_299] {strides = array<i32>} : memref<4x128xi32, #tpu.memory_space<vmem>>, vector<16xi32>,
    %add3A_301 = arith.constant 0 : i32
    %add3A_302 = vector.broadcast %add3A_301 : i32 to vector<16xi32>
    %add3A_303 = arith.addi %get3A_300, %add3A_302 : vector<16xi32>
    %swap3A_304 = arith.constant 0 : i32
    %swap3A_305 = arith.index_cast %swap3A_304 : i32 to index
    %swap3A_306 = arith.constant 48 : index
    %swap3A_307 = tpu.vector_load %arg8[%swap3A_305, %swap3A_306] {strides = array<i32>} : memref<2x128xi32, #tpu.memory_space<vmem>>, vector<16xi32>,
    tpu.vector_store %arg8[%swap3A_305, %swap3A_306], %add3A_303 {strides = array<i32>} : memref<2x128xi32, #tpu.memory_space<vmem>>, vector<16xi32>,
    %add3A_308 = arith.constant 0 : i32
    %add3A_309 = arith.addi %mul3A_255, %add3A_308 : i32
    %get3A_310 = arith.constant 1 : i32
    %get3A_311 = arith.index_cast %get3A_310 : i32 to index
    %get3A_312 = arith.index_cast %add3A_309 : i32 to index
    %get3A_313 = tpu.vector_load %arg6[%get3A_311, %get3A_312] {strides = array<i32>} : memref<4x128xi32, #tpu.memory_space<vmem>>, vector<16xi32>,
    %add3A_314 = arith.constant 1000 : i32
    %add3A_315 = vector.broadcast %add3A_314 : i32 to vector<16xi32>
    %add3A_316 = arith.addi %get3A_313, %add3A_315 : vector<16xi32>
    %swap3A_317 = arith.constant 0 : i32
    %swap3A_318 = arith.index_cast %swap3A_317 : i32 to index
    %swap3A_319 = arith.constant 64 : index
    %swap3A_320 = tpu.vector_load %arg8[%swap3A_318, %swap3A_319] {strides = array<i32>} : memref<2x128xi32, #tpu.memory_space<vmem>>, vector<16xi32>,
    tpu.vector_store %arg8[%swap3A_318, %swap3A_319], %add3A_316 {strides = array<i32>} : memref<2x128xi32, #tpu.memory_space<vmem>>, vector<16xi32>,
    %add3A_321 = arith.constant 16 : i32
    %add3A_322 = arith.addi %mul3A_255, %add3A_321 : i32
    %get3A_323 = arith.constant 1 : i32
    %get3A_324 = arith.index_cast %get3A_323 : i32 to index
    %get3A_325 = arith.index_cast %add3A_322 : i32 to index
    %get3A_326 = tpu.vector_load %arg6[%get3A_324, %get3A_325] {strides = array<i32>} : memref<4x128xi32, #tpu.memory_space<vmem>>, vector<16xi32>,
    %add3A_327 = arith.constant 1000 : i32
    %add3A_328 = vector.broadcast %add3A_327 : i32 to vector<16xi32>
    %add3A_329 = arith.addi %get3A_326, %add3A_328 : vector<16xi32>
    %swap3A_330 = arith.constant 0 : i32
    %swap3A_331 = arith.index_cast %swap3A_330 : i32 to index
    %swap3A_332 = arith.constant 80 : index
    %swap3A_333 = tpu.vector_load %arg8[%swap3A_331, %swap3A_332] {strides = array<i32>} : memref<2x128xi32, #tpu.memory_space<vmem>>, vector<16xi32>,
    tpu.vector_store %arg8[%swap3A_331, %swap3A_332], %add3A_329 {strides = array<i32>} : memref<2x128xi32, #tpu.memory_space<vmem>>, vector<16xi32>,
    %add3A_334 = arith.constant 32 : i32
    %add3A_335 = arith.addi %mul3A_255, %add3A_334 : i32
    %get3A_336 = arith.constant 1 : i32
    %get3A_337 = arith.index_cast %get3A_336 : i32 to index
    %get3A_338 = arith.index_cast %add3A_335 : i32 to index
    %get3A_339 = tpu.vector_load %arg6[%get3A_337, %get3A_338] {strides = array<i32>} : memref<4x128xi32, #tpu.memory_space<vmem>>, vector<16xi32>,
    %add3A_340 = arith.constant 1000 : i32
    %add3A_341 = vector.broadcast %add3A_340 : i32 to vector<16xi32>
    %add3A_342 = arith.addi %get3A_339, %add3A_341 : vector<16xi32>
    %swap3A_343 = arith.constant 0 : i32
    %swap3A_344 = arith.index_cast %swap3A_343 : i32 to index
    %swap3A_345 = arith.constant 96 : index
    %swap3A_346 = tpu.vector_load %arg8[%swap3A_344, %swap3A_345] {strides = array<i32>} : memref<2x128xi32, #tpu.memory_space<vmem>>, vector<16xi32>,
    tpu.vector_store %arg8[%swap3A_344, %swap3A_345], %add3A_342 {strides = array<i32>} : memref<2x128xi32, #tpu.memory_space<vmem>>, vector<16xi32>,
    %add3A_347 = arith.constant 48 : i32
    %add3A_348 = arith.addi %mul3A_255, %add3A_347 : i32
    %get3A_349 = arith.constant 1 : i32
    %get3A_350 = arith.index_cast %get3A_349 : i32 to index
    %get3A_351 = arith.index_cast %add3A_348 : i32 to index
    %get3A_352 = tpu.vector_load %arg6[%get3A_350, %get3A_351] {strides = array<i32>} : memref<4x128xi32, #tpu.memory_space<vmem>>, vector<16xi32>,
    %add3A_353 = arith.constant 1000 : i32
    %add3A_354 = vector.broadcast %add3A_353 : i32 to vector<16xi32>
    %add3A_355 = arith.addi %get3A_352, %add3A_354 : vector<16xi32>
    %swap3A_356 = arith.constant 0 : i32
    %swap3A_357 = arith.index_cast %swap3A_356 : i32 to index
    %swap3A_358 = arith.constant 112 : index
    %swap3A_359 = tpu.vector_load %arg8[%swap3A_357, %swap3A_358] {strides = array<i32>} : memref<2x128xi32, #tpu.memory_space<vmem>>, vector<16xi32>,
    tpu.vector_store %arg8[%swap3A_357, %swap3A_358], %add3A_355 {strides = array<i32>} : memref<2x128xi32, #tpu.memory_space<vmem>>, vector<16xi32>,
    %add3A_360 = arith.constant 0 : i32
    %add3A_361 = arith.addi %mul3A_255, %add3A_360 : i32
    %get3A_362 = arith.constant 2 : i32
    %get3A_363 = arith.index_cast %get3A_362 : i32 to index
    %get3A_364 = arith.index_cast %add3A_361 : i32 to index
    %get3A_365 = tpu.vector_load %arg6[%get3A_363, %get3A_364] {strides = array<i32>} : memref<4x128xi32, #tpu.memory_space<vmem>>, vector<16xi32>,
    %add3A_366 = arith.constant 2000 : i32
    %add3A_367 = vector.broadcast %add3A_366 : i32 to vector<16xi32>
    %add3A_368 = arith.addi %get3A_365, %add3A_367 : vector<16xi32>
    %swap3A_369 = arith.constant 1 : i32
    %swap3A_370 = arith.index_cast %swap3A_369 : i32 to index
    %swap3A_371 = arith.constant 0 : index
    %swap3A_372 = tpu.vector_load %arg8[%swap3A_370, %swap3A_371] {strides = array<i32>} : memref<2x128xi32, #tpu.memory_space<vmem>>, vector<16xi32>,
    tpu.vector_store %arg8[%swap3A_370, %swap3A_371], %add3A_368 {strides = array<i32>} : memref<2x128xi32, #tpu.memory_space<vmem>>, vector<16xi32>,
    %add3A_373 = arith.constant 16 : i32
    %add3A_374 = arith.addi %mul3A_255, %add3A_373 : i32
    %get3A_375 = arith.constant 2 : i32
    %get3A_376 = arith.index_cast %get3A_375 : i32 to index
    %get3A_377 = arith.index_cast %add3A_374 : i32 to index
    %get3A_378 = tpu.vector_load %arg6[%get3A_376, %get3A_377] {strides = array<i32>} : memref<4x128xi32, #tpu.memory_space<vmem>>, vector<16xi32>,
    %add3A_379 = arith.constant 2000 : i32
    %add3A_380 = vector.broadcast %add3A_379 : i32 to vector<16xi32>
    %add3A_381 = arith.addi %get3A_378, %add3A_380 : vector<16xi32>
    %swap3A_382 = arith.constant 1 : i32
    %swap3A_383 = arith.index_cast %swap3A_382 : i32 to index
    %swap3A_384 = arith.constant 16 : index
    %swap3A_385 = tpu.vector_load %arg8[%swap3A_383, %swap3A_384] {strides = array<i32>} : memref<2x128xi32, #tpu.memory_space<vmem>>, vector<16xi32>,
    tpu.vector_store %arg8[%swap3A_383, %swap3A_384], %add3A_381 {strides = array<i32>} : memref<2x128xi32, #tpu.memory_space<vmem>>, vector<16xi32>,
    %add3A_386 = arith.constant 32 : i32
    %add3A_387 = arith.addi %mul3A_255, %add3A_386 : i32
    %get3A_388 = arith.constant 2 : i32
    %get3A_389 = arith.index_cast %get3A_388 : i32 to index
    %get3A_390 = arith.index_cast %add3A_387 : i32 to index
    %get3A_391 = tpu.vector_load %arg6[%get3A_389, %get3A_390] {strides = array<i32>} : memref<4x128xi32, #tpu.memory_space<vmem>>, vector<16xi32>,
    %add3A_392 = arith.constant 2000 : i32
    %add3A_393 = vector.broadcast %add3A_392 : i32 to vector<16xi32>
    %add3A_394 = arith.addi %get3A_391, %add3A_393 : vector<16xi32>
    %swap3A_395 = arith.constant 1 : i32
    %swap3A_396 = arith.index_cast %swap3A_395 : i32 to index
    %swap3A_397 = arith.constant 32 : index
    %swap3A_398 = tpu.vector_load %arg8[%swap3A_396, %swap3A_397] {strides = array<i32>} : memref<2x128xi32, #tpu.memory_space<vmem>>, vector<16xi32>,
    tpu.vector_store %arg8[%swap3A_396, %swap3A_397], %add3A_394 {strides = array<i32>} : memref<2x128xi32, #tpu.memory_space<vmem>>, vector<16xi32>,
    %add3A_399 = arith.constant 48 : i32
    %add3A_400 = arith.addi %mul3A_255, %add3A_399 : i32
    %get3A_401 = arith.constant 2 : i32
    %get3A_402 = arith.index_cast %get3A_401 : i32 to index
    %get3A_403 = arith.index_cast %add3A_400 : i32 to index
    %get3A_404 = tpu.vector_load %arg6[%get3A_402, %get3A_403] {strides = array<i32>} : memref<4x128xi32, #tpu.memory_space<vmem>>, vector<16xi32>,
    %add3A_405 = arith.constant 2000 : i32
    %add3A_406 = vector.broadcast %add3A_405 : i32 to vector<16xi32>
    %add3A_407 = arith.addi %get3A_404, %add3A_406 : vector<16xi32>
    %swap3A_408 = arith.constant 1 : i32
    %swap3A_409 = arith.index_cast %swap3A_408 : i32 to index
    %swap3A_410 = arith.constant 48 : index
    %swap3A_411 = tpu.vector_load %arg8[%swap3A_409, %swap3A_410] {strides = array<i32>} : memref<2x128xi32, #tpu.memory_space<vmem>>, vector<16xi32>,
    tpu.vector_store %arg8[%swap3A_409, %swap3A_410], %add3A_407 {strides = array<i32>} : memref<2x128xi32, #tpu.memory_space<vmem>>, vector<16xi32>,
    %add3A_412 = arith.constant 0 : i32
    %add3A_413 = arith.addi %mul3A_255, %add3A_412 : i32
    %get3A_414 = arith.constant 3 : i32
    %get3A_415 = arith.index_cast %get3A_414 : i32 to index
    %get3A_416 = arith.index_cast %add3A_413 : i32 to index
    %get3A_417 = tpu.vector_load %arg6[%get3A_415, %get3A_416] {strides = array<i32>} : memref<4x128xi32, #tpu.memory_space<vmem>>, vector<16xi32>,
    %add3A_418 = arith.constant 3000 : i32
    %add3A_419 = vector.broadcast %add3A_418 : i32 to vector<16xi32>
    %add3A_420 = arith.addi %get3A_417, %add3A_419 : vector<16xi32>
    %swap3A_421 = arith.constant 1 : i32
    %swap3A_422 = arith.index_cast %swap3A_421 : i32 to index
    %swap3A_423 = arith.constant 64 : index
    %swap3A_424 = tpu.vector_load %arg8[%swap3A_422, %swap3A_423] {strides = array<i32>} : memref<2x128xi32, #tpu.memory_space<vmem>>, vector<16xi32>,
    tpu.vector_store %arg8[%swap3A_422, %swap3A_423], %add3A_420 {strides = array<i32>} : memref<2x128xi32, #tpu.memory_space<vmem>>, vector<16xi32>,
    %add3A_425 = arith.constant 16 : i32
    %add3A_426 = arith.addi %mul3A_255, %add3A_425 : i32
    %get3A_427 = arith.constant 3 : i32
    %get3A_428 = arith.index_cast %get3A_427 : i32 to index
    %get3A_429 = arith.index_cast %add3A_426 : i32 to index
    %get3A_430 = tpu.vector_load %arg6[%get3A_428, %get3A_429] {strides = array<i32>} : memref<4x128xi32, #tpu.memory_space<vmem>>, vector<16xi32>,
    %add3A_431 = arith.constant 3000 : i32
    %add3A_432 = vector.broadcast %add3A_431 : i32 to vector<16xi32>
    %add3A_433 = arith.addi %get3A_430, %add3A_432 : vector<16xi32>
    %swap3A_434 = arith.constant 1 : i32
    %swap3A_435 = arith.index_cast %swap3A_434 : i32 to index
    %swap3A_436 = arith.constant 80 : index
    %swap3A_437 = tpu.vector_load %arg8[%swap3A_435, %swap3A_436] {strides = array<i32>} : memref<2x128xi32, #tpu.memory_space<vmem>>, vector<16xi32>,
    tpu.vector_store %arg8[%swap3A_435, %swap3A_436], %add3A_433 {strides = array<i32>} : memref<2x128xi32, #tpu.memory_space<vmem>>, vector<16xi32>,
    %add3A_438 = arith.constant 32 : i32
    %add3A_439 = arith.addi %mul3A_255, %add3A_438 : i32
    %get3A_440 = arith.constant 3 : i32
    %get3A_441 = arith.index_cast %get3A_440 : i32 to index
    %get3A_442 = arith.index_cast %add3A_439 : i32 to index
    %get3A_443 = tpu.vector_load %arg6[%get3A_441, %get3A_442] {strides = array<i32>} : memref<4x128xi32, #tpu.memory_space<vmem>>, vector<16xi32>,
    %add3A_444 = arith.constant 3000 : i32
    %add3A_445 = vector.broadcast %add3A_444 : i32 to vector<16xi32>
    %add3A_446 = arith.addi %get3A_443, %add3A_445 : vector<16xi32>
    %swap3A_447 = arith.constant 1 : i32
    %swap3A_448 = arith.index_cast %swap3A_447 : i32 to index
    %swap3A_449 = arith.constant 96 : index
    %swap3A_450 = tpu.vector_load %arg8[%swap3A_448, %swap3A_449] {strides = array<i32>} : memref<2x128xi32, #tpu.memory_space<vmem>>, vector<16xi32>,
    tpu.vector_store %arg8[%swap3A_448, %swap3A_449], %add3A_446 {strides = array<i32>} : memref<2x128xi32, #tpu.memory_space<vmem>>, vector<16xi32>,
    %add3A_451 = arith.constant 48 : i32
    %add3A_452 = arith.addi %mul3A_255, %add3A_451 : i32
    %get3A_453 = arith.constant 3 : i32
    %get3A_454 = arith.index_cast %get3A_453 : i32 to index
    %get3A_455 = arith.index_cast %add3A_452 : i32 to index
    %get3A_456 = tpu.vector_load %arg6[%get3A_454, %get3A_455] {strides = array<i32>} : memref<4x128xi32, #tpu.memory_space<vmem>>, vector<16xi32>,
    %add3A_457 = arith.constant 3000 : i32
    %add3A_458 = vector.broadcast %add3A_457 : i32 to vector<16xi32>
    %add3A_459 = arith.addi %get3A_456, %add3A_458 : vector<16xi32>
    %swap3A_460 = arith.constant 1 : i32
    %swap3A_461 = arith.index_cast %swap3A_460 : i32 to index
    %swap3A_462 = arith.constant 112 : index
    %swap3A_463 = tpu.vector_load %arg8[%swap3A_461, %swap3A_462] {strides = array<i32>} : memref<2x128xi32, #tpu.memory_space<vmem>>, vector<16xi32>,
    tpu.vector_store %arg8[%swap3A_461, %swap3A_462], %add3A_459 {strides = array<i32>} : memref<2x128xi32, #tpu.memory_space<vmem>>, vector<16xi32>,
    %dma_start3A_464 = arith.constant 0 : i32
    %dma_start3A_465 = arith.constant 0 : i32
    %dma_start3A_466 = arith.constant 0 : i32
    %dma_start3A_467 = tpu.memref_slice %arg10[%dma_start3A_465, %dma_start3A_466] : memref<256x128xf32, #tpu.memory_space<vmem>> -> memref<128x128xf32, #tpu.memory_space<vmem>>
    %dma_start3A_468 = arith.constant 0 : i32
    %dma_start3A_469 = tpu.memref_slice %arg8[%dma_start3A_464, %dma_start3A_468] : memref<2x128xi32, #tpu.memory_space<vmem>> -> memref<1x128xi32, #tpu.memory_space<vmem>>
    %dma_start3A_470 = tpu.memref_squeeze %dma_start3A_469 : memref<1x128xi32, #tpu.memory_space<vmem>> -> memref<128xi32, #tpu.memory_space<vmem>>
    %dma_start3A_471 = arith.constant 0 : i32
    %dma_start3A_472 = arith.constant 0 : i32
    %dma_start3A_473 = tpu.memref_slice %arg13[%dma_start3A_471, %dma_start3A_472] : memref<4000x128xf32, #tpu.memory_space<vmem_shared>> -> memref<4000x128xf32, #tpu.memory_space<vmem_shared>>
    tpu.enqueue_indirect_dma source(%dma_start3A_473 : memref<4000x128xf32, #tpu.memory_space<vmem_shared>>) target(%dma_start3A_467 : memref<128x128xf32, #tpu.memory_space<vmem>>) offsets(%dma_start3A_470 : memref<128xi32, #tpu.memory_space<vmem>>) semaphore(%arg17 : memref<!tpu.dma_semaphore, #tpu.memory_space<semaphore_mem>>)
    %dma_start3A_474 = arith.constant 1 : i32
    %dma_start3A_475 = arith.constant 128 : i32
    %dma_start3A_476 = arith.constant 0 : i32
    %dma_start3A_477 = tpu.memref_slice %arg10[%dma_start3A_475, %dma_start3A_476] : memref<256x128xf32, #tpu.memory_space<vmem>> -> memref<128x128xf32, #tpu.memory_space<vmem>>
    %dma_start3A_478 = arith.constant 0 : i32
    %dma_start3A_479 = tpu.memref_slice %arg8[%dma_start3A_474, %dma_start3A_478] : memref<2x128xi32, #tpu.memory_space<vmem>> -> memref<1x128xi32, #tpu.memory_space<vmem>>
    %dma_start3A_480 = tpu.memref_squeeze %dma_start3A_479 : memref<1x128xi32, #tpu.memory_space<vmem>> -> memref<128xi32, #tpu.memory_space<vmem>>
    %dma_start3A_481 = arith.constant 0 : i32
    %dma_start3A_482 = arith.constant 0 : i32
    %dma_start3A_483 = tpu.memref_slice %arg13[%dma_start3A_481, %dma_start3A_482] : memref<4000x128xf32, #tpu.memory_space<vmem_shared>> -> memref<4000x128xf32, #tpu.memory_space<vmem_shared>>
    tpu.enqueue_indirect_dma source(%dma_start3A_483 : memref<4000x128xf32, #tpu.memory_space<vmem_shared>>) target(%dma_start3A_477 : memref<128x128xf32, #tpu.memory_space<vmem>>) offsets(%dma_start3A_480 : memref<128xi32, #tpu.memory_space<vmem>>) semaphore(%arg17 : memref<!tpu.dma_semaphore, #tpu.memory_space<semaphore_mem>>)
    %shift_right_logical3A_484 = arith.constant 2 : i32
    %shift_right_logical3A_485 = arith.constant 1 : i32
    %shift_right_logical3A_486 = arith.shrui %shift_right_logical3A_484, %shift_right_logical3A_485 : i32
    %mul3A_487 = arith.constant 32 : i32
    %mul3A_488 = arith.muli %shift_right_logical3A_486, %mul3A_487 : i32
    %add3A_489 = arith.addi %mul3A_488, %add3A : i32
    %mul3A_490 = arith.constant 4 : i32
    %mul3A_491 = arith.muli %add3A_489, %mul3A_490 : i32
    %dma_start3A_492 = arith.constant 0 : i32
    %dma_start3A_493 = tpu.memref_slice %arg2[%mul3A_491, %dma_start3A_492] : memref<25600x128xi32, #tpu.memory_space<hbm>> -> memref<4x128xi32, #tpu.memory_space<hbm>>
    %dma_start3A_494 = arith.constant 0 : i32
    %dma_start3A_495 = tpu.memref_slice %arg2[%mul3A_491, %dma_start3A_494] : memref<25600x128xi32, #tpu.memory_space<hbm>> -> memref<4x128xi32, #tpu.memory_space<hbm>>
    tpu.enqueue_dma source(%dma_start3A_495 : memref<4x128xi32, #tpu.memory_space<hbm>>) target(%arg5 : memref<4x128xi32, #tpu.memory_space<vmem>>) target_semaphore(%arg14 : memref<!tpu.dma_semaphore, #tpu.memory_space<semaphore_mem>>)
    %shift_right_logical3A_496 = arith.constant 3 : i32
    %shift_right_logical3A_497 = arith.constant 1 : i32
    %shift_right_logical3A_498 = arith.shrui %shift_right_logical3A_496, %shift_right_logical3A_497 : i32
    %mul3A_499 = arith.constant 32 : i32
    %mul3A_500 = arith.muli %shift_right_logical3A_498, %mul3A_499 : i32
    %add3A_501 = arith.addi %mul3A_500, %add3A : i32
    %mul3A_502 = arith.constant 4 : i32
    %mul3A_503 = arith.muli %add3A_501, %mul3A_502 : i32
    %dma_start3A_504 = arith.constant 0 : i32
    %dma_start3A_505 = tpu.memref_slice %arg2[%mul3A_503, %dma_start3A_504] : memref<25600x128xi32, #tpu.memory_space<hbm>> -> memref<4x128xi32, #tpu.memory_space<hbm>>
    %dma_start3A_506 = arith.constant 0 : i32
    %dma_start3A_507 = tpu.memref_slice %arg2[%mul3A_503, %dma_start3A_506] : memref<25600x128xi32, #tpu.memory_space<hbm>> -> memref<4x128xi32, #tpu.memory_space<hbm>>
    tpu.enqueue_dma source(%dma_start3A_507 : memref<4x128xi32, #tpu.memory_space<hbm>>) target(%arg6 : memref<4x128xi32, #tpu.memory_space<vmem>>) target_semaphore(%arg15 : memref<!tpu.dma_semaphore, #tpu.memory_space<semaphore_mem>>)
    %dma_wait3A = arith.constant 0 : i32
    %dma_wait3A_508 = arith.constant 0 : i32
    %dma_wait3A_509 = arith.constant 0 : i32
    %dma_wait3A_510 = tpu.memref_slice %arg9[%dma_wait3A_508, %dma_wait3A_509] : memref<256x128xf32, #tpu.memory_space<vmem>> -> memref<128x128xf32, #tpu.memory_space<vmem>>
    %dma_wait3A_511 = arith.constant 0 : i32
    %dma_wait3A_512 = tpu.memref_slice %arg7[%dma_wait3A, %dma_wait3A_511] : memref<2x128xi32, #tpu.memory_space<vmem>> -> memref<1x128xi32, #tpu.memory_space<vmem>>
    %dma_wait3A_513 = tpu.memref_squeeze %dma_wait3A_512 : memref<1x128xi32, #tpu.memory_space<vmem>> -> memref<128xi32, #tpu.memory_space<vmem>>
    %dma_wait3A_514 = arith.constant 0 : i32
    %dma_wait3A_515 = arith.constant 0 : i32
    %dma_wait3A_516 = tpu.memref_slice %arg13[%dma_wait3A_514, %dma_wait3A_515] : memref<4000x128xf32, #tpu.memory_space<vmem_shared>> -> memref<4000x128xf32, #tpu.memory_space<vmem_shared>>
    tpu.wait_indirect_dma semaphore(%arg16 : memref<!tpu.dma_semaphore, #tpu.memory_space<semaphore_mem>>) src(%dma_wait3A_516 : memref<4000x128xf32, #tpu.memory_space<vmem_shared>>) dst(%dma_wait3A_510 : memref<128x128xf32, #tpu.memory_space<vmem>>)
    %dma_wait3A_517 = arith.constant 1 : i32
    %dma_wait3A_518 = arith.constant 128 : i32
    %dma_wait3A_519 = arith.constant 0 : i32
    %dma_wait3A_520 = tpu.memref_slice %arg9[%dma_wait3A_518, %dma_wait3A_519] : memref<256x128xf32, #tpu.memory_space<vmem>> -> memref<128x128xf32, #tpu.memory_space<vmem>>
    %dma_wait3A_521 = arith.constant 0 : i32
    %dma_wait3A_522 = tpu.memref_slice %arg7[%dma_wait3A_517, %dma_wait3A_521] : memref<2x128xi32, #tpu.memory_space<vmem>> -> memref<1x128xi32, #tpu.memory_space<vmem>>
    %dma_wait3A_523 = tpu.memref_squeeze %dma_wait3A_522 : memref<1x128xi32, #tpu.memory_space<vmem>> -> memref<128xi32, #tpu.memory_space<vmem>>
    %dma_wait3A_524 = arith.constant 0 : i32
    %dma_wait3A_525 = arith.constant 0 : i32
    %dma_wait3A_526 = tpu.memref_slice %arg13[%dma_wait3A_524, %dma_wait3A_525] : memref<4000x128xf32, #tpu.memory_space<vmem_shared>> -> memref<4000x128xf32, #tpu.memory_space<vmem_shared>>
    tpu.wait_indirect_dma semaphore(%arg16 : memref<!tpu.dma_semaphore, #tpu.memory_space<semaphore_mem>>) src(%dma_wait3A_526 : memref<4000x128xf32, #tpu.memory_space<vmem_shared>>) dst(%dma_wait3A_520 : memref<128x128xf32, #tpu.memory_space<vmem>>)
    %shift_right_logical3A_527 = arith.constant 2 : i32
    %shift_right_logical3A_528 = arith.constant 1 : i32
    %shift_right_logical3A_529 = arith.shrui %shift_right_logical3A_527, %shift_right_logical3A_528 : i32
    %mul3A_530 = arith.constant 32 : i32
    %mul3A_531 = arith.muli %shift_right_logical3A_529, %mul3A_530 : i32
    %add3A_532 = arith.addi %mul3A_531, %add3A : i32
    %mul3A_533 = arith.constant 4 : i32
    %mul3A_534 = arith.muli %add3A_532, %mul3A_533 : i32
    %dma_wait3A_535 = arith.constant 0 : i32
    %dma_wait3A_536 = tpu.memref_slice %arg2[%mul3A_534, %dma_wait3A_535] : memref<25600x128xi32, #tpu.memory_space<hbm>> -> memref<4x128xi32, #tpu.memory_space<hbm>>
    %dma_wait3A_537 = arith.constant 0 : i32
    %dma_wait3A_538 = tpu.memref_slice %arg2[%mul3A_534, %dma_wait3A_537] : memref<25600x128xi32, #tpu.memory_space<hbm>> -> memref<4x128xi32, #tpu.memory_space<hbm>>
    tpu.wait_dma2 semaphore(%arg14 : memref<!tpu.dma_semaphore, #tpu.memory_space<semaphore_mem>>) src(%dma_wait3A_538 : memref<4x128xi32, #tpu.memory_space<hbm>>) dst(%arg5 : memref<4x128xi32, #tpu.memory_space<vmem>>)
    %and3A_539 = arith.constant 2 : i32
    %and3A_540 = arith.constant 1 : i32
    %and3A_541 = arith.andi %and3A_539, %and3A_540 : i32
    %mul3A_542 = arith.constant 64 : i32
    %mul3A_543 = arith.muli %and3A_541, %mul3A_542 : i32
    %add3A_544 = arith.constant 0 : i32
    %add3A_545 = arith.addi %mul3A_543, %add3A_544 : i32
    %get3A_546 = arith.constant 0 : i32
    %get3A_547 = arith.index_cast %get3A_546 : i32 to index
    %get3A_548 = arith.index_cast %add3A_545 : i32 to index
    %get3A_549 = tpu.vector_load %arg5[%get3A_547, %get3A_548] {strides = array<i32>} : memref<4x128xi32, #tpu.memory_space<vmem>>, vector<16xi32>,
    %add3A_550 = arith.constant 0 : i32
    %add3A_551 = vector.broadcast %add3A_550 : i32 to vector<16xi32>
    %add3A_552 = arith.addi %get3A_549, %add3A_551 : vector<16xi32>
    %swap3A_553 = arith.constant 0 : i32
    %swap3A_554 = arith.index_cast %swap3A_553 : i32 to index
    %swap3A_555 = arith.constant 0 : index
    %swap3A_556 = tpu.vector_load %arg7[%swap3A_554, %swap3A_555] {strides = array<i32>} : memref<2x128xi32, #tpu.memory_space<vmem>>, vector<16xi32>,
    tpu.vector_store %arg7[%swap3A_554, %swap3A_555], %add3A_552 {strides = array<i32>} : memref<2x128xi32, #tpu.memory_space<vmem>>, vector<16xi32>,
    %add3A_557 = arith.constant 16 : i32
    %add3A_558 = arith.addi %mul3A_543, %add3A_557 : i32
    %get3A_559 = arith.constant 0 : i32
    %get3A_560 = arith.index_cast %get3A_559 : i32 to index
    %get3A_561 = arith.index_cast %add3A_558 : i32 to index
    %get3A_562 = tpu.vector_load %arg5[%get3A_560, %get3A_561] {strides = array<i32>} : memref<4x128xi32, #tpu.memory_space<vmem>>, vector<16xi32>,
    %add3A_563 = arith.constant 0 : i32
    %add3A_564 = vector.broadcast %add3A_563 : i32 to vector<16xi32>
    %add3A_565 = arith.addi %get3A_562, %add3A_564 : vector<16xi32>
    %swap3A_566 = arith.constant 0 : i32
    %swap3A_567 = arith.index_cast %swap3A_566 : i32 to index
    %swap3A_568 = arith.constant 16 : index
    %swap3A_569 = tpu.vector_load %arg7[%swap3A_567, %swap3A_568] {strides = array<i32>} : memref<2x128xi32, #tpu.memory_space<vmem>>, vector<16xi32>,
    tpu.vector_store %arg7[%swap3A_567, %swap3A_568], %add3A_565 {strides = array<i32>} : memref<2x128xi32, #tpu.memory_space<vmem>>, vector<16xi32>,
    %add3A_570 = arith.constant 32 : i32
    %add3A_571 = arith.addi %mul3A_543, %add3A_570 : i32
    %get3A_572 = arith.constant 0 : i32
    %get3A_573 = arith.index_cast %get3A_572 : i32 to index
    %get3A_574 = arith.index_cast %add3A_571 : i32 to index
    %get3A_575 = tpu.vector_load %arg5[%get3A_573, %get3A_574] {strides = array<i32>} : memref<4x128xi32, #tpu.memory_space<vmem>>, vector<16xi32>,
    %add3A_576 = arith.constant 0 : i32
    %add3A_577 = vector.broadcast %add3A_576 : i32 to vector<16xi32>
    %add3A_578 = arith.addi %get3A_575, %add3A_577 : vector<16xi32>
    %swap3A_579 = arith.constant 0 : i32
    %swap3A_580 = arith.index_cast %swap3A_579 : i32 to index
    %swap3A_581 = arith.constant 32 : index
    %swap3A_582 = tpu.vector_load %arg7[%swap3A_580, %swap3A_581] {strides = array<i32>} : memref<2x128xi32, #tpu.memory_space<vmem>>, vector<16xi32>,
    tpu.vector_store %arg7[%swap3A_580, %swap3A_581], %add3A_578 {strides = array<i32>} : memref<2x128xi32, #tpu.memory_space<vmem>>, vector<16xi32>,
    %add3A_583 = arith.constant 48 : i32
    %add3A_584 = arith.addi %mul3A_543, %add3A_583 : i32
    %get3A_585 = arith.constant 0 : i32
    %get3A_586 = arith.index_cast %get3A_585 : i32 to index
    %get3A_587 = arith.index_cast %add3A_584 : i32 to index
    %get3A_588 = tpu.vector_load %arg5[%get3A_586, %get3A_587] {strides = array<i32>} : memref<4x128xi32, #tpu.memory_space<vmem>>, vector<16xi32>,
    %add3A_589 = arith.constant 0 : i32
    %add3A_590 = vector.broadcast %add3A_589 : i32 to vector<16xi32>
    %add3A_591 = arith.addi %get3A_588, %add3A_590 : vector<16xi32>
    %swap3A_592 = arith.constant 0 : i32
    %swap3A_593 = arith.index_cast %swap3A_592 : i32 to index
    %swap3A_594 = arith.constant 48 : index
    %swap3A_595 = tpu.vector_load %arg7[%swap3A_593, %swap3A_594] {strides = array<i32>} : memref<2x128xi32, #tpu.memory_space<vmem>>, vector<16xi32>,
    tpu.vector_store %arg7[%swap3A_593, %swap3A_594], %add3A_591 {strides = array<i32>} : memref<2x128xi32, #tpu.memory_space<vmem>>, vector<16xi32>,
    %add3A_596 = arith.constant 0 : i32
    %add3A_597 = arith.addi %mul3A_543, %add3A_596 : i32
    %get3A_598 = arith.constant 1 : i32
    %get3A_599 = arith.index_cast %get3A_598 : i32 to index
    %get3A_600 = arith.index_cast %add3A_597 : i32 to index
    %get3A_601 = tpu.vector_load %arg5[%get3A_599, %get3A_600] {strides = array<i32>} : memref<4x128xi32, #tpu.memory_space<vmem>>, vector<16xi32>,
    %add3A_602 = arith.constant 1000 : i32
    %add3A_603 = vector.broadcast %add3A_602 : i32 to vector<16xi32>
    %add3A_604 = arith.addi %get3A_601, %add3A_603 : vector<16xi32>
    %swap3A_605 = arith.constant 0 : i32
    %swap3A_606 = arith.index_cast %swap3A_605 : i32 to index
    %swap3A_607 = arith.constant 64 : index
    %swap3A_608 = tpu.vector_load %arg7[%swap3A_606, %swap3A_607] {strides = array<i32>} : memref<2x128xi32, #tpu.memory_space<vmem>>, vector<16xi32>,
    tpu.vector_store %arg7[%swap3A_606, %swap3A_607], %add3A_604 {strides = array<i32>} : memref<2x128xi32, #tpu.memory_space<vmem>>, vector<16xi32>,
    %add3A_609 = arith.constant 16 : i32
    %add3A_610 = arith.addi %mul3A_543, %add3A_609 : i32
    %get3A_611 = arith.constant 1 : i32
    %get3A_612 = arith.index_cast %get3A_611 : i32 to index
    %get3A_613 = arith.index_cast %add3A_610 : i32 to index
    %get3A_614 = tpu.vector_load %arg5[%get3A_612, %get3A_613] {strides = array<i32>} : memref<4x128xi32, #tpu.memory_space<vmem>>, vector<16xi32>,
    %add3A_615 = arith.constant 1000 : i32
    %add3A_616 = vector.broadcast %add3A_615 : i32 to vector<16xi32>
    %add3A_617 = arith.addi %get3A_614, %add3A_616 : vector<16xi32>
    %swap3A_618 = arith.constant 0 : i32
    %swap3A_619 = arith.index_cast %swap3A_618 : i32 to index
    %swap3A_620 = arith.constant 80 : index
    %swap3A_621 = tpu.vector_load %arg7[%swap3A_619, %swap3A_620] {strides = array<i32>} : memref<2x128xi32, #tpu.memory_space<vmem>>, vector<16xi32>,
    tpu.vector_store %arg7[%swap3A_619, %swap3A_620], %add3A_617 {strides = array<i32>} : memref<2x128xi32, #tpu.memory_space<vmem>>, vector<16xi32>,
    %add3A_622 = arith.constant 32 : i32
    %add3A_623 = arith.addi %mul3A_543, %add3A_622 : i32
    %get3A_624 = arith.constant 1 : i32
    %get3A_625 = arith.index_cast %get3A_624 : i32 to index
    %get3A_626 = arith.index_cast %add3A_623 : i32 to index
    %get3A_627 = tpu.vector_load %arg5[%get3A_625, %get3A_626] {strides = array<i32>} : memref<4x128xi32, #tpu.memory_space<vmem>>, vector<16xi32>,
    %add3A_628 = arith.constant 1000 : i32
    %add3A_629 = vector.broadcast %add3A_628 : i32 to vector<16xi32>
    %add3A_630 = arith.addi %get3A_627, %add3A_629 : vector<16xi32>
    %swap3A_631 = arith.constant 0 : i32
    %swap3A_632 = arith.index_cast %swap3A_631 : i32 to index
    %swap3A_633 = arith.constant 96 : index
    %swap3A_634 = tpu.vector_load %arg7[%swap3A_632, %swap3A_633] {strides = array<i32>} : memref<2x128xi32, #tpu.memory_space<vmem>>, vector<16xi32>,
    tpu.vector_store %arg7[%swap3A_632, %swap3A_633], %add3A_630 {strides = array<i32>} : memref<2x128xi32, #tpu.memory_space<vmem>>, vector<16xi32>,
    %add3A_635 = arith.constant 48 : i32
    %add3A_636 = arith.addi %mul3A_543, %add3A_635 : i32
    %get3A_637 = arith.constant 1 : i32
    %get3A_638 = arith.index_cast %get3A_637 : i32 to index
    %get3A_639 = arith.index_cast %add3A_636 : i32 to index
    %get3A_640 = tpu.vector_load %arg5[%get3A_638, %get3A_639] {strides = array<i32>} : memref<4x128xi32, #tpu.memory_space<vmem>>, vector<16xi32>,
    %add3A_641 = arith.constant 1000 : i32
    %add3A_642 = vector.broadcast %add3A_641 : i32 to vector<16xi32>
    %add3A_643 = arith.addi %get3A_640, %add3A_642 : vector<16xi32>
    %swap3A_644 = arith.constant 0 : i32
    %swap3A_645 = arith.index_cast %swap3A_644 : i32 to index
    %swap3A_646 = arith.constant 112 : index
    %swap3A_647 = tpu.vector_load %arg7[%swap3A_645, %swap3A_646] {strides = array<i32>} : memref<2x128xi32, #tpu.memory_space<vmem>>, vector<16xi32>,
    tpu.vector_store %arg7[%swap3A_645, %swap3A_646], %add3A_643 {strides = array<i32>} : memref<2x128xi32, #tpu.memory_space<vmem>>, vector<16xi32>,
    %add3A_648 = arith.constant 0 : i32
    %add3A_649 = arith.addi %mul3A_543, %add3A_648 : i32
    %get3A_650 = arith.constant 2 : i32
    %get3A_651 = arith.index_cast %get3A_650 : i32 to index
    %get3A_652 = arith.index_cast %add3A_649 : i32 to index
    %get3A_653 = tpu.vector_load %arg5[%get3A_651, %get3A_652] {strides = array<i32>} : memref<4x128xi32, #tpu.memory_space<vmem>>, vector<16xi32>,
    %add3A_654 = arith.constant 2000 : i32
    %add3A_655 = vector.broadcast %add3A_654 : i32 to vector<16xi32>
    %add3A_656 = arith.addi %get3A_653, %add3A_655 : vector<16xi32>
    %swap3A_657 = arith.constant 1 : i32
    %swap3A_658 = arith.index_cast %swap3A_657 : i32 to index
    %swap3A_659 = arith.constant 0 : index
    %swap3A_660 = tpu.vector_load %arg7[%swap3A_658, %swap3A_659] {strides = array<i32>} : memref<2x128xi32, #tpu.memory_space<vmem>>, vector<16xi32>,
    tpu.vector_store %arg7[%swap3A_658, %swap3A_659], %add3A_656 {strides = array<i32>} : memref<2x128xi32, #tpu.memory_space<vmem>>, vector<16xi32>,
    %add3A_661 = arith.constant 16 : i32
    %add3A_662 = arith.addi %mul3A_543, %add3A_661 : i32
    %get3A_663 = arith.constant 2 : i32
    %get3A_664 = arith.index_cast %get3A_663 : i32 to index
    %get3A_665 = arith.index_cast %add3A_662 : i32 to index
    %get3A_666 = tpu.vector_load %arg5[%get3A_664, %get3A_665] {strides = array<i32>} : memref<4x128xi32, #tpu.memory_space<vmem>>, vector<16xi32>,
    %add3A_667 = arith.constant 2000 : i32
    %add3A_668 = vector.broadcast %add3A_667 : i32 to vector<16xi32>
    %add3A_669 = arith.addi %get3A_666, %add3A_668 : vector<16xi32>
    %swap3A_670 = arith.constant 1 : i32
    %swap3A_671 = arith.index_cast %swap3A_670 : i32 to index
    %swap3A_672 = arith.constant 16 : index
    %swap3A_673 = tpu.vector_load %arg7[%swap3A_671, %swap3A_672] {strides = array<i32>} : memref<2x128xi32, #tpu.memory_space<vmem>>, vector<16xi32>,
    tpu.vector_store %arg7[%swap3A_671, %swap3A_672], %add3A_669 {strides = array<i32>} : memref<2x128xi32, #tpu.memory_space<vmem>>, vector<16xi32>,
    %add3A_674 = arith.constant 32 : i32
    %add3A_675 = arith.addi %mul3A_543, %add3A_674 : i32
    %get3A_676 = arith.constant 2 : i32
    %get3A_677 = arith.index_cast %get3A_676 : i32 to index
    %get3A_678 = arith.index_cast %add3A_675 : i32 to index
    %get3A_679 = tpu.vector_load %arg5[%get3A_677, %get3A_678] {strides = array<i32>} : memref<4x128xi32, #tpu.memory_space<vmem>>, vector<16xi32>,
    %add3A_680 = arith.constant 2000 : i32
    %add3A_681 = vector.broadcast %add3A_680 : i32 to vector<16xi32>
    %add3A_682 = arith.addi %get3A_679, %add3A_681 : vector<16xi32>
    %swap3A_683 = arith.constant 1 : i32
    %swap3A_684 = arith.index_cast %swap3A_683 : i32 to index
    %swap3A_685 = arith.constant 32 : index
    %swap3A_686 = tpu.vector_load %arg7[%swap3A_684, %swap3A_685] {strides = array<i32>} : memref<2x128xi32, #tpu.memory_space<vmem>>, vector<16xi32>,
    tpu.vector_store %arg7[%swap3A_684, %swap3A_685], %add3A_682 {strides = array<i32>} : memref<2x128xi32, #tpu.memory_space<vmem>>, vector<16xi32>,
    %add3A_687 = arith.constant 48 : i32
    %add3A_688 = arith.addi %mul3A_543, %add3A_687 : i32
    %get3A_689 = arith.constant 2 : i32
    %get3A_690 = arith.index_cast %get3A_689 : i32 to index
    %get3A_691 = arith.index_cast %add3A_688 : i32 to index
    %get3A_692 = tpu.vector_load %arg5[%get3A_690, %get3A_691] {strides = array<i32>} : memref<4x128xi32, #tpu.memory_space<vmem>>, vector<16xi32>,
    %add3A_693 = arith.constant 2000 : i32
    %add3A_694 = vector.broadcast %add3A_693 : i32 to vector<16xi32>
    %add3A_695 = arith.addi %get3A_692, %add3A_694 : vector<16xi32>
    %swap3A_696 = arith.constant 1 : i32
    %swap3A_697 = arith.index_cast %swap3A_696 : i32 to index
    %swap3A_698 = arith.constant 48 : index
    %swap3A_699 = tpu.vector_load %arg7[%swap3A_697, %swap3A_698] {strides = array<i32>} : memref<2x128xi32, #tpu.memory_space<vmem>>, vector<16xi32>,
    tpu.vector_store %arg7[%swap3A_697, %swap3A_698], %add3A_695 {strides = array<i32>} : memref<2x128xi32, #tpu.memory_space<vmem>>, vector<16xi32>,
    %add3A_700 = arith.constant 0 : i32
    %add3A_701 = arith.addi %mul3A_543, %add3A_700 : i32
    %get3A_702 = arith.constant 3 : i32
    %get3A_703 = arith.index_cast %get3A_702 : i32 to index
    %get3A_704 = arith.index_cast %add3A_701 : i32 to index
    %get3A_705 = tpu.vector_load %arg5[%get3A_703, %get3A_704] {strides = array<i32>} : memref<4x128xi32, #tpu.memory_space<vmem>>, vector<16xi32>,
    %add3A_706 = arith.constant 3000 : i32
    %add3A_707 = vector.broadcast %add3A_706 : i32 to vector<16xi32>
    %add3A_708 = arith.addi %get3A_705, %add3A_707 : vector<16xi32>
    %swap3A_709 = arith.constant 1 : i32
    %swap3A_710 = arith.index_cast %swap3A_709 : i32 to index
    %swap3A_711 = arith.constant 64 : index
    %swap3A_712 = tpu.vector_load %arg7[%swap3A_710, %swap3A_711] {strides = array<i32>} : memref<2x128xi32, #tpu.memory_space<vmem>>, vector<16xi32>,
    tpu.vector_store %arg7[%swap3A_710, %swap3A_711], %add3A_708 {strides = array<i32>} : memref<2x128xi32, #tpu.memory_space<vmem>>, vector<16xi32>,
    %add3A_713 = arith.constant 16 : i32
    %add3A_714 = arith.addi %mul3A_543, %add3A_713 : i32
    %get3A_715 = arith.constant 3 : i32
    %get3A_716 = arith.index_cast %get3A_715 : i32 to index
    %get3A_717 = arith.index_cast %add3A_714 : i32 to index
    %get3A_718 = tpu.vector_load %arg5[%get3A_716, %get3A_717] {strides = array<i32>} : memref<4x128xi32, #tpu.memory_space<vmem>>, vector<16xi32>,
    %add3A_719 = arith.constant 3000 : i32
    %add3A_720 = vector.broadcast %add3A_719 : i32 to vector<16xi32>
    %add3A_721 = arith.addi %get3A_718, %add3A_720 : vector<16xi32>
    %swap3A_722 = arith.constant 1 : i32
    %swap3A_723 = arith.index_cast %swap3A_722 : i32 to index
    %swap3A_724 = arith.constant 80 : index
    %swap3A_725 = tpu.vector_load %arg7[%swap3A_723, %swap3A_724] {strides = array<i32>} : memref<2x128xi32, #tpu.memory_space<vmem>>, vector<16xi32>,
    tpu.vector_store %arg7[%swap3A_723, %swap3A_724], %add3A_721 {strides = array<i32>} : memref<2x128xi32, #tpu.memory_space<vmem>>, vector<16xi32>,
    %add3A_726 = arith.constant 32 : i32
    %add3A_727 = arith.addi %mul3A_543, %add3A_726 : i32
    %get3A_728 = arith.constant 3 : i32
    %get3A_729 = arith.index_cast %get3A_728 : i32 to index
    %get3A_730 = arith.index_cast %add3A_727 : i32 to index
    %get3A_731 = tpu.vector_load %arg5[%get3A_729, %get3A_730] {strides = array<i32>} : memref<4x128xi32, #tpu.memory_space<vmem>>, vector<16xi32>,
    %add3A_732 = arith.constant 3000 : i32
    %add3A_733 = vector.broadcast %add3A_732 : i32 to vector<16xi32>
    %add3A_734 = arith.addi %get3A_731, %add3A_733 : vector<16xi32>
    %swap3A_735 = arith.constant 1 : i32
    %swap3A_736 = arith.index_cast %swap3A_735 : i32 to index
    %swap3A_737 = arith.constant 96 : index
    %swap3A_738 = tpu.vector_load %arg7[%swap3A_736, %swap3A_737] {strides = array<i32>} : memref<2x128xi32, #tpu.memory_space<vmem>>, vector<16xi32>,
    tpu.vector_store %arg7[%swap3A_736, %swap3A_737], %add3A_734 {strides = array<i32>} : memref<2x128xi32, #tpu.memory_space<vmem>>, vector<16xi32>,
    %add3A_739 = arith.constant 48 : i32
    %add3A_740 = arith.addi %mul3A_543, %add3A_739 : i32
    %get3A_741 = arith.constant 3 : i32
    %get3A_742 = arith.index_cast %get3A_741 : i32 to index
    %get3A_743 = arith.index_cast %add3A_740 : i32 to index
    %get3A_744 = tpu.vector_load %arg5[%get3A_742, %get3A_743] {strides = array<i32>} : memref<4x128xi32, #tpu.memory_space<vmem>>, vector<16xi32>,
    %add3A_745 = arith.constant 3000 : i32
    %add3A_746 = vector.broadcast %add3A_745 : i32 to vector<16xi32>
    %add3A_747 = arith.addi %get3A_744, %add3A_746 : vector<16xi32>
    %swap3A_748 = arith.constant 1 : i32
    %swap3A_749 = arith.index_cast %swap3A_748 : i32 to index
    %swap3A_750 = arith.constant 112 : index
    %swap3A_751 = tpu.vector_load %arg7[%swap3A_749, %swap3A_750] {strides = array<i32>} : memref<2x128xi32, #tpu.memory_space<vmem>>, vector<16xi32>,
    tpu.vector_store %arg7[%swap3A_749, %swap3A_750], %add3A_747 {strides = array<i32>} : memref<2x128xi32, #tpu.memory_space<vmem>>, vector<16xi32>,
    %shift_right_logical3A_752 = arith.constant 4 : i32
    %shift_right_logical3A_753 = arith.constant 1 : i32
    %shift_right_logical3A_754 = arith.shrui %shift_right_logical3A_752, %shift_right_logical3A_753 : i32
    %mul3A_755 = arith.constant 32 : i32
    %mul3A_756 = arith.muli %shift_right_logical3A_754, %mul3A_755 : i32
    %add3A_757 = arith.addi %mul3A_756, %add3A : i32
    %mul3A_758 = arith.constant 4 : i32
    %mul3A_759 = arith.muli %add3A_757, %mul3A_758 : i32
    %dma_start3A_760 = arith.constant 0 : i32
    %dma_start3A_761 = tpu.memref_slice %arg2[%mul3A_759, %dma_start3A_760] : memref<25600x128xi32, #tpu.memory_space<hbm>> -> memref<4x128xi32, #tpu.memory_space<hbm>>
    %dma_start3A_762 = arith.constant 0 : i32
    %dma_start3A_763 = tpu.memref_slice %arg2[%mul3A_759, %dma_start3A_762] : memref<25600x128xi32, #tpu.memory_space<hbm>> -> memref<4x128xi32, #tpu.memory_space<hbm>>
    tpu.enqueue_dma source(%dma_start3A_763 : memref<4x128xi32, #tpu.memory_space<hbm>>) target(%arg5 : memref<4x128xi32, #tpu.memory_space<vmem>>) target_semaphore(%arg14 : memref<!tpu.dma_semaphore, #tpu.memory_space<semaphore_mem>>)
    %scan3A = arith.constant 0 : i32
    %scan3A_764 = arith.constant 2.500000e-01 : f32
    %scan3A_765 = arith.constant 0 : i32
    %scan3A_766 = arith.constant 64 : i32
    %scan3A_767 = arith.addi %scan3A_765, %scan3A_766 : i32
    %scan3A_768 = arith.constant 2 : i32
    scf.for %scan3A_1141 = %scan3A_765 to %scan3A_767 step %scan3A_768  : i32 {
      %get3A_1142 = arith.index_cast %scan3A_1141 : i32 to index
      %get3A_1143 = arith.constant 0 : index
      %get3A_1144 = tpu.vector_load %arg9[%get3A_1142, %get3A_1143] {strides = array<i32>} : memref<256x128xf32, #tpu.memory_space<vmem>>, vector<16xf32>,
      %add3A_1145 = arith.constant 64 : i32
      %add3A_1146 = arith.addi %add3A_1145, %scan3A_1141 : i32
      %get3A_1147 = arith.index_cast %add3A_1146 : i32 to index
      %get3A_1148 = arith.constant 0 : index
      %get3A_1149 = tpu.vector_load %arg9[%get3A_1147, %get3A_1148] {strides = array<i32>} : memref<256x128xf32, #tpu.memory_space<vmem>>, vector<16xf32>,
      %add3A_1150 = arith.addf %get3A_1144, %get3A_1149 : vector<16xf32>
      %add3A_1151 = arith.constant 128 : i32
      %add3A_1152 = arith.addi %add3A_1151, %scan3A_1141 : i32
      %get3A_1153 = arith.index_cast %add3A_1152 : i32 to index
      %get3A_1154 = arith.constant 0 : index
      %get3A_1155 = tpu.vector_load %arg9[%get3A_1153, %get3A_1154] {strides = array<i32>} : memref<256x128xf32, #tpu.memory_space<vmem>>, vector<16xf32>,
      %add3A_1156 = arith.constant 192 : i32
      %add3A_1157 = arith.addi %add3A_1156, %scan3A_1141 : i32
      %get3A_1158 = arith.index_cast %add3A_1157 : i32 to index
      %get3A_1159 = arith.constant 0 : index
      %get3A_1160 = tpu.vector_load %arg9[%get3A_1158, %get3A_1159] {strides = array<i32>} : memref<256x128xf32, #tpu.memory_space<vmem>>, vector<16xf32>,
      %add3A_1161 = arith.addf %get3A_1155, %get3A_1160 : vector<16xf32>
      %add3A_1162 = arith.addf %add3A_1150, %add3A_1161 : vector<16xf32>
      %mul3A_1163 = vector.broadcast %scan3A_764 : f32 to vector<16xf32>
      %mul3A_1164 = arith.mulf %add3A_1162, %mul3A_1163 : vector<16xf32>
      %get3A_1165 = arith.index_cast %scan3A_1141 : i32 to index
      %get3A_1166 = arith.constant 16 : index
      %get3A_1167 = tpu.vector_load %arg9[%get3A_1165, %get3A_1166] {strides = array<i32>} : memref<256x128xf32, #tpu.memory_space<vmem>>, vector<16xf32>,
      %add3A_1168 = arith.constant 64 : i32
      %add3A_1169 = arith.addi %add3A_1168, %scan3A_1141 : i32
      %get3A_1170 = arith.index_cast %add3A_1169 : i32 to index
      %get3A_1171 = arith.constant 16 : index
      %get3A_1172 = tpu.vector_load %arg9[%get3A_1170, %get3A_1171] {strides = array<i32>} : memref<256x128xf32, #tpu.memory_space<vmem>>, vector<16xf32>,
      %add3A_1173 = arith.addf %get3A_1167, %get3A_1172 : vector<16xf32>
      %add3A_1174 = arith.constant 128 : i32
      %add3A_1175 = arith.addi %add3A_1174, %scan3A_1141 : i32
      %get3A_1176 = arith.index_cast %add3A_1175 : i32 to index
      %get3A_1177 = arith.constant 16 : index
      %get3A_1178 = tpu.vector_load %arg9[%get3A_1176, %get3A_1177] {strides = array<i32>} : memref<256x128xf32, #tpu.memory_space<vmem>>, vector<16xf32>,
      %add3A_1179 = arith.constant 192 : i32
      %add3A_1180 = arith.addi %add3A_1179, %scan3A_1141 : i32
      %get3A_1181 = arith.index_cast %add3A_1180 : i32 to index
      %get3A_1182 = arith.constant 16 : index
      %get3A_1183 = tpu.vector_load %arg9[%get3A_1181, %get3A_1182] {strides = array<i32>} : memref<256x128xf32, #tpu.memory_space<vmem>>, vector<16xf32>,
      %add3A_1184 = arith.addf %get3A_1178, %get3A_1183 : vector<16xf32>
      %add3A_1185 = arith.addf %add3A_1173, %add3A_1184 : vector<16xf32>
      %mul3A_1186 = vector.broadcast %scan3A_764 : f32 to vector<16xf32>
      %mul3A_1187 = arith.mulf %add3A_1185, %mul3A_1186 : vector<16xf32>
      %get3A_1188 = arith.index_cast %scan3A_1141 : i32 to index
      %get3A_1189 = arith.constant 32 : index
      %get3A_1190 = tpu.vector_load %arg9[%get3A_1188, %get3A_1189] {strides = array<i32>} : memref<256x128xf32, #tpu.memory_space<vmem>>, vector<16xf32>,
      %add3A_1191 = arith.constant 64 : i32
      %add3A_1192 = arith.addi %add3A_1191, %scan3A_1141 : i32
      %get3A_1193 = arith.index_cast %add3A_1192 : i32 to index
      %get3A_1194 = arith.constant 32 : index
      %get3A_1195 = tpu.vector_load %arg9[%get3A_1193, %get3A_1194] {strides = array<i32>} : memref<256x128xf32, #tpu.memory_space<vmem>>, vector<16xf32>,
      %add3A_1196 = arith.addf %get3A_1190, %get3A_1195 : vector<16xf32>
      %add3A_1197 = arith.constant 128 : i32
      %add3A_1198 = arith.addi %add3A_1197, %scan3A_1141 : i32
      %get3A_1199 = arith.index_cast %add3A_1198 : i32 to index
      %get3A_1200 = arith.constant 32 : index
      %get3A_1201 = tpu.vector_load %arg9[%get3A_1199, %get3A_1200] {strides = array<i32>} : memref<256x128xf32, #tpu.memory_space<vmem>>, vector<16xf32>,
      %add3A_1202 = arith.constant 192 : i32
      %add3A_1203 = arith.addi %add3A_1202, %scan3A_1141 : i32
      %get3A_1204 = arith.index_cast %add3A_1203 : i32 to index
      %get3A_1205 = arith.constant 32 : index
      %get3A_1206 = tpu.vector_load %arg9[%get3A_1204, %get3A_1205] {strides = array<i32>} : memref<256x128xf32, #tpu.memory_space<vmem>>, vector<16xf32>,
      %add3A_1207 = arith.addf %get3A_1201, %get3A_1206 : vector<16xf32>
      %add3A_1208 = arith.addf %add3A_1196, %add3A_1207 : vector<16xf32>
      %mul3A_1209 = vector.broadcast %scan3A_764 : f32 to vector<16xf32>
      %mul3A_1210 = arith.mulf %add3A_1208, %mul3A_1209 : vector<16xf32>
      %get3A_1211 = arith.index_cast %scan3A_1141 : i32 to index
      %get3A_1212 = arith.constant 48 : index
      %get3A_1213 = tpu.vector_load %arg9[%get3A_1211, %get3A_1212] {strides = array<i32>} : memref<256x128xf32, #tpu.memory_space<vmem>>, vector<16xf32>,
      %add3A_1214 = arith.constant 64 : i32
      %add3A_1215 = arith.addi %add3A_1214, %scan3A_1141 : i32
      %get3A_1216 = arith.index_cast %add3A_1215 : i32 to index
      %get3A_1217 = arith.constant 48 : index
      %get3A_1218 = tpu.vector_load %arg9[%get3A_1216, %get3A_1217] {strides = array<i32>} : memref<256x128xf32, #tpu.memory_space<vmem>>, vector<16xf32>,
      %add3A_1219 = arith.addf %get3A_1213, %get3A_1218 : vector<16xf32>
      %add3A_1220 = arith.constant 128 : i32
      %add3A_1221 = arith.addi %add3A_1220, %scan3A_1141 : i32
      %get3A_1222 = arith.index_cast %add3A_1221 : i32 to index
      %get3A_1223 = arith.constant 48 : index
      %get3A_1224 = tpu.vector_load %arg9[%get3A_1222, %get3A_1223] {strides = array<i32>} : memref<256x128xf32, #tpu.memory_space<vmem>>, vector<16xf32>,
      %add3A_1225 = arith.constant 192 : i32
      %add3A_1226 = arith.addi %add3A_1225, %scan3A_1141 : i32
      %get3A_1227 = arith.index_cast %add3A_1226 : i32 to index
      %get3A_1228 = arith.constant 48 : index
      %get3A_1229 = tpu.vector_load %arg9[%get3A_1227, %get3A_1228] {strides = array<i32>} : memref<256x128xf32, #tpu.memory_space<vmem>>, vector<16xf32>,
      %add3A_1230 = arith.addf %get3A_1224, %get3A_1229 : vector<16xf32>
      %add3A_1231 = arith.addf %add3A_1219, %add3A_1230 : vector<16xf32>
      %mul3A_1232 = vector.broadcast %scan3A_764 : f32 to vector<16xf32>
      %mul3A_1233 = arith.mulf %add3A_1231, %mul3A_1232 : vector<16xf32>
      %get3A_1234 = arith.index_cast %scan3A_1141 : i32 to index
      %get3A_1235 = arith.constant 64 : index
      %get3A_1236 = tpu.vector_load %arg9[%get3A_1234, %get3A_1235] {strides = array<i32>} : memref<256x128xf32, #tpu.memory_space<vmem>>, vector<16xf32>,
      %add3A_1237 = arith.constant 64 : i32
      %add3A_1238 = arith.addi %add3A_1237, %scan3A_1141 : i32
      %get3A_1239 = arith.index_cast %add3A_1238 : i32 to index
      %get3A_1240 = arith.constant 64 : index
      %get3A_1241 = tpu.vector_load %arg9[%get3A_1239, %get3A_1240] {strides = array<i32>} : memref<256x128xf32, #tpu.memory_space<vmem>>, vector<16xf32>,
      %add3A_1242 = arith.addf %get3A_1236, %get3A_1241 : vector<16xf32>
      %add3A_1243 = arith.constant 128 : i32
      %add3A_1244 = arith.addi %add3A_1243, %scan3A_1141 : i32
      %get3A_1245 = arith.index_cast %add3A_1244 : i32 to index
      %get3A_1246 = arith.constant 64 : index
      %get3A_1247 = tpu.vector_load %arg9[%get3A_1245, %get3A_1246] {strides = array<i32>} : memref<256x128xf32, #tpu.memory_space<vmem>>, vector<16xf32>,
      %add3A_1248 = arith.constant 192 : i32
      %add3A_1249 = arith.addi %add3A_1248, %scan3A_1141 : i32
      %get3A_1250 = arith.index_cast %add3A_1249 : i32 to index
      %get3A_1251 = arith.constant 64 : index
      %get3A_1252 = tpu.vector_load %arg9[%get3A_1250, %get3A_1251] {strides = array<i32>} : memref<256x128xf32, #tpu.memory_space<vmem>>, vector<16xf32>,
      %add3A_1253 = arith.addf %get3A_1247, %get3A_1252 : vector<16xf32>
      %add3A_1254 = arith.addf %add3A_1242, %add3A_1253 : vector<16xf32>
      %mul3A_1255 = vector.broadcast %scan3A_764 : f32 to vector<16xf32>
      %mul3A_1256 = arith.mulf %add3A_1254, %mul3A_1255 : vector<16xf32>
      %get3A_1257 = arith.index_cast %scan3A_1141 : i32 to index
      %get3A_1258 = arith.constant 80 : index
      %get3A_1259 = tpu.vector_load %arg9[%get3A_1257, %get3A_1258] {strides = array<i32>} : memref<256x128xf32, #tpu.memory_space<vmem>>, vector<16xf32>,
      %add3A_1260 = arith.constant 64 : i32
      %add3A_1261 = arith.addi %add3A_1260, %scan3A_1141 : i32
      %get3A_1262 = arith.index_cast %add3A_1261 : i32 to index
      %get3A_1263 = arith.constant 80 : index
      %get3A_1264 = tpu.vector_load %arg9[%get3A_1262, %get3A_1263] {strides = array<i32>} : memref<256x128xf32, #tpu.memory_space<vmem>>, vector<16xf32>,
      %add3A_1265 = arith.addf %get3A_1259, %get3A_1264 : vector<16xf32>
      %add3A_1266 = arith.constant 128 : i32
      %add3A_1267 = arith.addi %add3A_1266, %scan3A_1141 : i32
      %get3A_1268 = arith.index_cast %add3A_1267 : i32 to index
      %get3A_1269 = arith.constant 80 : index
      %get3A_1270 = tpu.vector_load %arg9[%get3A_1268, %get3A_1269] {strides = array<i32>} : memref<256x128xf32, #tpu.memory_space<vmem>>, vector<16xf32>,
      %add3A_1271 = arith.constant 192 : i32
      %add3A_1272 = arith.addi %add3A_1271, %scan3A_1141 : i32
      %get3A_1273 = arith.index_cast %add3A_1272 : i32 to index
      %get3A_1274 = arith.constant 80 : index
      %get3A_1275 = tpu.vector_load %arg9[%get3A_1273, %get3A_1274] {strides = array<i32>} : memref<256x128xf32, #tpu.memory_space<vmem>>, vector<16xf32>,
      %add3A_1276 = arith.addf %get3A_1270, %get3A_1275 : vector<16xf32>
      %add3A_1277 = arith.addf %add3A_1265, %add3A_1276 : vector<16xf32>
      %mul3A_1278 = vector.broadcast %scan3A_764 : f32 to vector<16xf32>
      %mul3A_1279 = arith.mulf %add3A_1277, %mul3A_1278 : vector<16xf32>
      %get3A_1280 = arith.index_cast %scan3A_1141 : i32 to index
      %get3A_1281 = arith.constant 96 : index
      %get3A_1282 = tpu.vector_load %arg9[%get3A_1280, %get3A_1281] {strides = array<i32>} : memref<256x128xf32, #tpu.memory_space<vmem>>, vector<16xf32>,
      %add3A_1283 = arith.constant 64 : i32
      %add3A_1284 = arith.addi %add3A_1283, %scan3A_1141 : i32
      %get3A_1285 = arith.index_cast %add3A_1284 : i32 to index
      %get3A_1286 = arith.constant 96 : index
      %get3A_1287 = tpu.vector_load %arg9[%get3A_1285, %get3A_1286] {strides = array<i32>} : memref<256x128xf32, #tpu.memory_space<vmem>>, vector<16xf32>,
      %add3A_1288 = arith.addf %get3A_1282, %get3A_1287 : vector<16xf32>
      %add3A_1289 = arith.constant 128 : i32
      %add3A_1290 = arith.addi %add3A_1289, %scan3A_1141 : i32
      %get3A_1291 = arith.index_cast %add3A_1290 : i32 to index
      %get3A_1292 = arith.constant 96 : index
      %get3A_1293 = tpu.vector_load %arg9[%get3A_1291, %get3A_1292] {strides = array<i32>} : memref<256x128xf32, #tpu.memory_space<vmem>>, vector<16xf32>,
      %add3A_1294 = arith.constant 192 : i32
      %add3A_1295 = arith.addi %add3A_1294, %scan3A_1141 : i32
      %get3A_1296 = arith.index_cast %add3A_1295 : i32 to index
      %get3A_1297 = arith.constant 96 : index
      %get3A_1298 = tpu.vector_load %arg9[%get3A_1296, %get3A_1297] {strides = array<i32>} : memref<256x128xf32, #tpu.memory_space<vmem>>, vector<16xf32>,
      %add3A_1299 = arith.addf %get3A_1293, %get3A_1298 : vector<16xf32>
      %add3A_1300 = arith.addf %add3A_1288, %add3A_1299 : vector<16xf32>
      %mul3A_1301 = vector.broadcast %scan3A_764 : f32 to vector<16xf32>
      %mul3A_1302 = arith.mulf %add3A_1300, %mul3A_1301 : vector<16xf32>
      %get3A_1303 = arith.index_cast %scan3A_1141 : i32 to index
      %get3A_1304 = arith.constant 112 : index
      %get3A_1305 = tpu.vector_load %arg9[%get3A_1303, %get3A_1304] {strides = array<i32>} : memref<256x128xf32, #tpu.memory_space<vmem>>, vector<16xf32>,
      %add3A_1306 = arith.constant 64 : i32
      %add3A_1307 = arith.addi %add3A_1306, %scan3A_1141 : i32
      %get3A_1308 = arith.index_cast %add3A_1307 : i32 to index
      %get3A_1309 = arith.constant 112 : index
      %get3A_1310 = tpu.vector_load %arg9[%get3A_1308, %get3A_1309] {strides = array<i32>} : memref<256x128xf32, #tpu.memory_space<vmem>>, vector<16xf32>,
      %add3A_1311 = arith.addf %get3A_1305, %get3A_1310 : vector<16xf32>
      %add3A_1312 = arith.constant 128 : i32
      %add3A_1313 = arith.addi %add3A_1312, %scan3A_1141 : i32
      %get3A_1314 = arith.index_cast %add3A_1313 : i32 to index
      %get3A_1315 = arith.constant 112 : index
      %get3A_1316 = tpu.vector_load %arg9[%get3A_1314, %get3A_1315] {strides = array<i32>} : memref<256x128xf32, #tpu.memory_space<vmem>>, vector<16xf32>,
      %add3A_1317 = arith.constant 192 : i32
      %add3A_1318 = arith.addi %add3A_1317, %scan3A_1141 : i32
      %get3A_1319 = arith.index_cast %add3A_1318 : i32 to index
      %get3A_1320 = arith.constant 112 : index
      %get3A_1321 = tpu.vector_load %arg9[%get3A_1319, %get3A_1320] {strides = array<i32>} : memref<256x128xf32, #tpu.memory_space<vmem>>, vector<16xf32>,
      %add3A_1322 = arith.addf %get3A_1316, %get3A_1321 : vector<16xf32>
      %add3A_1323 = arith.addf %add3A_1311, %add3A_1322 : vector<16xf32>
      %mul3A_1324 = vector.broadcast %scan3A_764 : f32 to vector<16xf32>
      %mul3A_1325 = arith.mulf %add3A_1323, %mul3A_1324 : vector<16xf32>
      %swap3A_1326 = arith.constant 0 : i32
      %swap3A_1327 = arith.index_cast %scan3A_1141 : i32 to index
      %swap3A_1328 = arith.index_cast %swap3A_1326 : i32 to index
      %swap3A_1329 = arith.constant 0 : index
      %swap3A_1330 = tpu.vector_load %arg11[%swap3A_1327, %swap3A_1328, %swap3A_1329] {strides = array<i32>} : memref<64x1x128xf32, #tpu.memory_space<vmem>>, vector<16xf32>,
      tpu.vector_store %arg11[%swap3A_1327, %swap3A_1328, %swap3A_1329], %mul3A_1164 {strides = array<i32>} : memref<64x1x128xf32, #tpu.memory_space<vmem>>, vector<16xf32>,
      %swap3A_1331 = arith.constant 0 : i32
      %swap3A_1332 = arith.index_cast %scan3A_1141 : i32 to index
      %swap3A_1333 = arith.index_cast %swap3A_1331 : i32 to index
      %swap3A_1334 = arith.constant 16 : index
      %swap3A_1335 = tpu.vector_load %arg11[%swap3A_1332, %swap3A_1333, %swap3A_1334] {strides = array<i32>} : memref<64x1x128xf32, #tpu.memory_space<vmem>>, vector<16xf32>,
      tpu.vector_store %arg11[%swap3A_1332, %swap3A_1333, %swap3A_1334], %mul3A_1187 {strides = array<i32>} : memref<64x1x128xf32, #tpu.memory_space<vmem>>, vector<16xf32>,
      %swap3A_1336 = arith.constant 0 : i32
      %swap3A_1337 = arith.index_cast %scan3A_1141 : i32 to index
      %swap3A_1338 = arith.index_cast %swap3A_1336 : i32 to index
      %swap3A_1339 = arith.constant 32 : index
      %swap3A_1340 = tpu.vector_load %arg11[%swap3A_1337, %swap3A_1338, %swap3A_1339] {strides = array<i32>} : memref<64x1x128xf32, #tpu.memory_space<vmem>>, vector<16xf32>,
      tpu.vector_store %arg11[%swap3A_1337, %swap3A_1338, %swap3A_1339], %mul3A_1210 {strides = array<i32>} : memref<64x1x128xf32, #tpu.memory_space<vmem>>, vector<16xf32>,
      %swap3A_1341 = arith.constant 0 : i32
      %swap3A_1342 = arith.index_cast %scan3A_1141 : i32 to index
      %swap3A_1343 = arith.index_cast %swap3A_1341 : i32 to index
      %swap3A_1344 = arith.constant 48 : index
      %swap3A_1345 = tpu.vector_load %arg11[%swap3A_1342, %swap3A_1343, %swap3A_1344] {strides = array<i32>} : memref<64x1x128xf32, #tpu.memory_space<vmem>>, vector<16xf32>,
      tpu.vector_store %arg11[%swap3A_1342, %swap3A_1343, %swap3A_1344], %mul3A_1233 {strides = array<i32>} : memref<64x1x128xf32, #tpu.memory_space<vmem>>, vector<16xf32>,
      %swap3A_1346 = arith.constant 0 : i32
      %swap3A_1347 = arith.index_cast %scan3A_1141 : i32 to index
      %swap3A_1348 = arith.index_cast %swap3A_1346 : i32 to index
      %swap3A_1349 = arith.constant 64 : index
      %swap3A_1350 = tpu.vector_load %arg11[%swap3A_1347, %swap3A_1348, %swap3A_1349] {strides = array<i32>} : memref<64x1x128xf32, #tpu.memory_space<vmem>>, vector<16xf32>,
      tpu.vector_store %arg11[%swap3A_1347, %swap3A_1348, %swap3A_1349], %mul3A_1256 {strides = array<i32>} : memref<64x1x128xf32, #tpu.memory_space<vmem>>, vector<16xf32>,
      %swap3A_1351 = arith.constant 0 : i32
      %swap3A_1352 = arith.index_cast %scan3A_1141 : i32 to index
      %swap3A_1353 = arith.index_cast %swap3A_1351 : i32 to index
      %swap3A_1354 = arith.constant 80 : index
      %swap3A_1355 = tpu.vector_load %arg11[%swap3A_1352, %swap3A_1353, %swap3A_1354] {strides = array<i32>} : memref<64x1x128xf32, #tpu.memory_space<vmem>>, vector<16xf32>,
      tpu.vector_store %arg11[%swap3A_1352, %swap3A_1353, %swap3A_1354], %mul3A_1279 {strides = array<i32>} : memref<64x1x128xf32, #tpu.memory_space<vmem>>, vector<16xf32>,
      %swap3A_1356 = arith.constant 0 : i32
      %swap3A_1357 = arith.index_cast %scan3A_1141 : i32 to index
      %swap3A_1358 = arith.index_cast %swap3A_1356 : i32 to index
      %swap3A_1359 = arith.constant 96 : index
      %swap3A_1360 = tpu.vector_load %arg11[%swap3A_1357, %swap3A_1358, %swap3A_1359] {strides = array<i32>} : memref<64x1x128xf32, #tpu.memory_space<vmem>>, vector<16xf32>,
      tpu.vector_store %arg11[%swap3A_1357, %swap3A_1358, %swap3A_1359], %mul3A_1302 {strides = array<i32>} : memref<64x1x128xf32, #tpu.memory_space<vmem>>, vector<16xf32>,
      %swap3A_1361 = arith.constant 0 : i32
      %swap3A_1362 = arith.index_cast %scan3A_1141 : i32 to index
      %swap3A_1363 = arith.index_cast %swap3A_1361 : i32 to index
      %swap3A_1364 = arith.constant 112 : index
      %swap3A_1365 = tpu.vector_load %arg11[%swap3A_1362, %swap3A_1363, %swap3A_1364] {strides = array<i32>} : memref<64x1x128xf32, #tpu.memory_space<vmem>>, vector<16xf32>,
      tpu.vector_store %arg11[%swap3A_1362, %swap3A_1363, %swap3A_1364], %mul3A_1325 {strides = array<i32>} : memref<64x1x128xf32, #tpu.memory_space<vmem>>, vector<16xf32>,
      %scan3A_1366 = arith.constant 1 : i32
      %scan3A_1367 = arith.addi %scan3A_1141, %scan3A_1366 : i32
      %get3A_1368 = arith.index_cast %scan3A_1367 : i32 to index
      %get3A_1369 = arith.constant 0 : index
      %get3A_1370 = tpu.vector_load %arg9[%get3A_1368, %get3A_1369] {strides = array<i32>} : memref<256x128xf32, #tpu.memory_space<vmem>>, vector<16xf32>,
      %add3A_1371 = arith.constant 64 : i32
      %add3A_1372 = arith.addi %add3A_1371, %scan3A_1367 : i32
      %get3A_1373 = arith.index_cast %add3A_1372 : i32 to index
      %get3A_1374 = arith.constant 0 : index
      %get3A_1375 = tpu.vector_load %arg9[%get3A_1373, %get3A_1374] {strides = array<i32>} : memref<256x128xf32, #tpu.memory_space<vmem>>, vector<16xf32>,
      %add3A_1376 = arith.addf %get3A_1370, %get3A_1375 : vector<16xf32>
      %add3A_1377 = arith.constant 128 : i32
      %add3A_1378 = arith.addi %add3A_1377, %scan3A_1367 : i32
      %get3A_1379 = arith.index_cast %add3A_1378 : i32 to index
      %get3A_1380 = arith.constant 0 : index
      %get3A_1381 = tpu.vector_load %arg9[%get3A_1379, %get3A_1380] {strides = array<i32>} : memref<256x128xf32, #tpu.memory_space<vmem>>, vector<16xf32>,
      %add3A_1382 = arith.constant 192 : i32
      %add3A_1383 = arith.addi %add3A_1382, %scan3A_1367 : i32
      %get3A_1384 = arith.index_cast %add3A_1383 : i32 to index
      %get3A_1385 = arith.constant 0 : index
      %get3A_1386 = tpu.vector_load %arg9[%get3A_1384, %get3A_1385] {strides = array<i32>} : memref<256x128xf32, #tpu.memory_space<vmem>>, vector<16xf32>,
      %add3A_1387 = arith.addf %get3A_1381, %get3A_1386 : vector<16xf32>
      %add3A_1388 = arith.addf %add3A_1376, %add3A_1387 : vector<16xf32>
      %mul3A_1389 = vector.broadcast %scan3A_764 : f32 to vector<16xf32>
      %mul3A_1390 = arith.mulf %add3A_1388, %mul3A_1389 : vector<16xf32>
      %get3A_1391 = arith.index_cast %scan3A_1367 : i32 to index
      %get3A_1392 = arith.constant 16 : index
      %get3A_1393 = tpu.vector_load %arg9[%get3A_1391, %get3A_1392] {strides = array<i32>} : memref<256x128xf32, #tpu.memory_space<vmem>>, vector<16xf32>,
      %add3A_1394 = arith.constant 64 : i32
      %add3A_1395 = arith.addi %add3A_1394, %scan3A_1367 : i32
      %get3A_1396 = arith.index_cast %add3A_1395 : i32 to index
      %get3A_1397 = arith.constant 16 : index
      %get3A_1398 = tpu.vector_load %arg9[%get3A_1396, %get3A_1397] {strides = array<i32>} : memref<256x128xf32, #tpu.memory_space<vmem>>, vector<16xf32>,
      %add3A_1399 = arith.addf %get3A_1393, %get3A_1398 : vector<16xf32>
      %add3A_1400 = arith.constant 128 : i32
      %add3A_1401 = arith.addi %add3A_1400, %scan3A_1367 : i32
      %get3A_1402 = arith.index_cast %add3A_1401 : i32 to index
      %get3A_1403 = arith.constant 16 : index
      %get3A_1404 = tpu.vector_load %arg9[%get3A_1402, %get3A_1403] {strides = array<i32>} : memref<256x128xf32, #tpu.memory_space<vmem>>, vector<16xf32>,
      %add3A_1405 = arith.constant 192 : i32
      %add3A_1406 = arith.addi %add3A_1405, %scan3A_1367 : i32
      %get3A_1407 = arith.index_cast %add3A_1406 : i32 to index
      %get3A_1408 = arith.constant 16 : index
      %get3A_1409 = tpu.vector_load %arg9[%get3A_1407, %get3A_1408] {strides = array<i32>} : memref<256x128xf32, #tpu.memory_space<vmem>>, vector<16xf32>,
      %add3A_1410 = arith.addf %get3A_1404, %get3A_1409 : vector<16xf32>
      %add3A_1411 = arith.addf %add3A_1399, %add3A_1410 : vector<16xf32>
      %mul3A_1412 = vector.broadcast %scan3A_764 : f32 to vector<16xf32>
      %mul3A_1413 = arith.mulf %add3A_1411, %mul3A_1412 : vector<16xf32>
      %get3A_1414 = arith.index_cast %scan3A_1367 : i32 to index
      %get3A_1415 = arith.constant 32 : index
      %get3A_1416 = tpu.vector_load %arg9[%get3A_1414, %get3A_1415] {strides = array<i32>} : memref<256x128xf32, #tpu.memory_space<vmem>>, vector<16xf32>,
      %add3A_1417 = arith.constant 64 : i32
      %add3A_1418 = arith.addi %add3A_1417, %scan3A_1367 : i32
      %get3A_1419 = arith.index_cast %add3A_1418 : i32 to index
      %get3A_1420 = arith.constant 32 : index
      %get3A_1421 = tpu.vector_load %arg9[%get3A_1419, %get3A_1420] {strides = array<i32>} : memref<256x128xf32, #tpu.memory_space<vmem>>, vector<16xf32>,
      %add3A_1422 = arith.addf %get3A_1416, %get3A_1421 : vector<16xf32>
      %add3A_1423 = arith.constant 128 : i32
      %add3A_1424 = arith.addi %add3A_1423, %scan3A_1367 : i32
      %get3A_1425 = arith.index_cast %add3A_1424 : i32 to index
      %get3A_1426 = arith.constant 32 : index
      %get3A_1427 = tpu.vector_load %arg9[%get3A_1425, %get3A_1426] {strides = array<i32>} : memref<256x128xf32, #tpu.memory_space<vmem>>, vector<16xf32>,
      %add3A_1428 = arith.constant 192 : i32
      %add3A_1429 = arith.addi %add3A_1428, %scan3A_1367 : i32
      %get3A_1430 = arith.index_cast %add3A_1429 : i32 to index
      %get3A_1431 = arith.constant 32 : index
      %get3A_1432 = tpu.vector_load %arg9[%get3A_1430, %get3A_1431] {strides = array<i32>} : memref<256x128xf32, #tpu.memory_space<vmem>>, vector<16xf32>,
      %add3A_1433 = arith.addf %get3A_1427, %get3A_1432 : vector<16xf32>
      %add3A_1434 = arith.addf %add3A_1422, %add3A_1433 : vector<16xf32>
      %mul3A_1435 = vector.broadcast %scan3A_764 : f32 to vector<16xf32>
      %mul3A_1436 = arith.mulf %add3A_1434, %mul3A_1435 : vector<16xf32>
      %get3A_1437 = arith.index_cast %scan3A_1367 : i32 to index
      %get3A_1438 = arith.constant 48 : index
      %get3A_1439 = tpu.vector_load %arg9[%get3A_1437, %get3A_1438] {strides = array<i32>} : memref<256x128xf32, #tpu.memory_space<vmem>>, vector<16xf32>,
      %add3A_1440 = arith.constant 64 : i32
      %add3A_1441 = arith.addi %add3A_1440, %scan3A_1367 : i32
      %get3A_1442 = arith.index_cast %add3A_1441 : i32 to index
      %get3A_1443 = arith.constant 48 : index
      %get3A_1444 = tpu.vector_load %arg9[%get3A_1442, %get3A_1443] {strides = array<i32>} : memref<256x128xf32, #tpu.memory_space<vmem>>, vector<16xf32>,
      %add3A_1445 = arith.addf %get3A_1439, %get3A_1444 : vector<16xf32>
      %add3A_1446 = arith.constant 128 : i32
      %add3A_1447 = arith.addi %add3A_1446, %scan3A_1367 : i32
      %get3A_1448 = arith.index_cast %add3A_1447 : i32 to index
      %get3A_1449 = arith.constant 48 : index
      %get3A_1450 = tpu.vector_load %arg9[%get3A_1448, %get3A_1449] {strides = array<i32>} : memref<256x128xf32, #tpu.memory_space<vmem>>, vector<16xf32>,
      %add3A_1451 = arith.constant 192 : i32
      %add3A_1452 = arith.addi %add3A_1451, %scan3A_1367 : i32
      %get3A_1453 = arith.index_cast %add3A_1452 : i32 to index
      %get3A_1454 = arith.constant 48 : index
      %get3A_1455 = tpu.vector_load %arg9[%get3A_1453, %get3A_1454] {strides = array<i32>} : memref<256x128xf32, #tpu.memory_space<vmem>>, vector<16xf32>,
      %add3A_1456 = arith.addf %get3A_1450, %get3A_1455 : vector<16xf32>
      %add3A_1457 = arith.addf %add3A_1445, %add3A_1456 : vector<16xf32>
      %mul3A_1458 = vector.broadcast %scan3A_764 : f32 to vector<16xf32>
      %mul3A_1459 = arith.mulf %add3A_1457, %mul3A_1458 : vector<16xf32>
      %get3A_1460 = arith.index_cast %scan3A_1367 : i32 to index
      %get3A_1461 = arith.constant 64 : index
      %get3A_1462 = tpu.vector_load %arg9[%get3A_1460, %get3A_1461] {strides = array<i32>} : memref<256x128xf32, #tpu.memory_space<vmem>>, vector<16xf32>,
      %add3A_1463 = arith.constant 64 : i32
      %add3A_1464 = arith.addi %add3A_1463, %scan3A_1367 : i32
      %get3A_1465 = arith.index_cast %add3A_1464 : i32 to index
      %get3A_1466 = arith.constant 64 : index
      %get3A_1467 = tpu.vector_load %arg9[%get3A_1465, %get3A_1466] {strides = array<i32>} : memref<256x128xf32, #tpu.memory_space<vmem>>, vector<16xf32>,
      %add3A_1468 = arith.addf %get3A_1462, %get3A_1467 : vector<16xf32>
      %add3A_1469 = arith.constant 128 : i32
      %add3A_1470 = arith.addi %add3A_1469, %scan3A_1367 : i32
      %get3A_1471 = arith.index_cast %add3A_1470 : i32 to index
      %get3A_1472 = arith.constant 64 : index
      %get3A_1473 = tpu.vector_load %arg9[%get3A_1471, %get3A_1472] {strides = array<i32>} : memref<256x128xf32, #tpu.memory_space<vmem>>, vector<16xf32>,
      %add3A_1474 = arith.constant 192 : i32
      %add3A_1475 = arith.addi %add3A_1474, %scan3A_1367 : i32
      %get3A_1476 = arith.index_cast %add3A_1475 : i32 to index
      %get3A_1477 = arith.constant 64 : index
      %get3A_1478 = tpu.vector_load %arg9[%get3A_1476, %get3A_1477] {strides = array<i32>} : memref<256x128xf32, #tpu.memory_space<vmem>>, vector<16xf32>,
      %add3A_1479 = arith.addf %get3A_1473, %get3A_1478 : vector<16xf32>
      %add3A_1480 = arith.addf %add3A_1468, %add3A_1479 : vector<16xf32>
      %mul3A_1481 = vector.broadcast %scan3A_764 : f32 to vector<16xf32>
      %mul3A_1482 = arith.mulf %add3A_1480, %mul3A_1481 : vector<16xf32>
      %get3A_1483 = arith.index_cast %scan3A_1367 : i32 to index
      %get3A_1484 = arith.constant 80 : index
      %get3A_1485 = tpu.vector_load %arg9[%get3A_1483, %get3A_1484] {strides = array<i32>} : memref<256x128xf32, #tpu.memory_space<vmem>>, vector<16xf32>,
      %add3A_1486 = arith.constant 64 : i32
      %add3A_1487 = arith.addi %add3A_1486, %scan3A_1367 : i32
      %get3A_1488 = arith.index_cast %add3A_1487 : i32 to index
      %get3A_1489 = arith.constant 80 : index
      %get3A_1490 = tpu.vector_load %arg9[%get3A_1488, %get3A_1489] {strides = array<i32>} : memref<256x128xf32, #tpu.memory_space<vmem>>, vector<16xf32>,
      %add3A_1491 = arith.addf %get3A_1485, %get3A_1490 : vector<16xf32>
      %add3A_1492 = arith.constant 128 : i32
      %add3A_1493 = arith.addi %add3A_1492, %scan3A_1367 : i32
      %get3A_1494 = arith.index_cast %add3A_1493 : i32 to index
      %get3A_1495 = arith.constant 80 : index
      %get3A_1496 = tpu.vector_load %arg9[%get3A_1494, %get3A_1495] {strides = array<i32>} : memref<256x128xf32, #tpu.memory_space<vmem>>, vector<16xf32>,
      %add3A_1497 = arith.constant 192 : i32
      %add3A_1498 = arith.addi %add3A_1497, %scan3A_1367 : i32
      %get3A_1499 = arith.index_cast %add3A_1498 : i32 to index
      %get3A_1500 = arith.constant 80 : index
      %get3A_1501 = tpu.vector_load %arg9[%get3A_1499, %get3A_1500] {strides = array<i32>} : memref<256x128xf32, #tpu.memory_space<vmem>>, vector<16xf32>,
      %add3A_1502 = arith.addf %get3A_1496, %get3A_1501 : vector<16xf32>
      %add3A_1503 = arith.addf %add3A_1491, %add3A_1502 : vector<16xf32>
      %mul3A_1504 = vector.broadcast %scan3A_764 : f32 to vector<16xf32>
      %mul3A_1505 = arith.mulf %add3A_1503, %mul3A_1504 : vector<16xf32>
      %get3A_1506 = arith.index_cast %scan3A_1367 : i32 to index
      %get3A_1507 = arith.constant 96 : index
      %get3A_1508 = tpu.vector_load %arg9[%get3A_1506, %get3A_1507] {strides = array<i32>} : memref<256x128xf32, #tpu.memory_space<vmem>>, vector<16xf32>,
      %add3A_1509 = arith.constant 64 : i32
      %add3A_1510 = arith.addi %add3A_1509, %scan3A_1367 : i32
      %get3A_1511 = arith.index_cast %add3A_1510 : i32 to index
      %get3A_1512 = arith.constant 96 : index
      %get3A_1513 = tpu.vector_load %arg9[%get3A_1511, %get3A_1512] {strides = array<i32>} : memref<256x128xf32, #tpu.memory_space<vmem>>, vector<16xf32>,
      %add3A_1514 = arith.addf %get3A_1508, %get3A_1513 : vector<16xf32>
      %add3A_1515 = arith.constant 128 : i32
      %add3A_1516 = arith.addi %add3A_1515, %scan3A_1367 : i32
      %get3A_1517 = arith.index_cast %add3A_1516 : i32 to index
      %get3A_1518 = arith.constant 96 : index
      %get3A_1519 = tpu.vector_load %arg9[%get3A_1517, %get3A_1518] {strides = array<i32>} : memref<256x128xf32, #tpu.memory_space<vmem>>, vector<16xf32>,
      %add3A_1520 = arith.constant 192 : i32
      %add3A_1521 = arith.addi %add3A_1520, %scan3A_1367 : i32
      %get3A_1522 = arith.index_cast %add3A_1521 : i32 to index
      %get3A_1523 = arith.constant 96 : index
      %get3A_1524 = tpu.vector_load %arg9[%get3A_1522, %get3A_1523] {strides = array<i32>} : memref<256x128xf32, #tpu.memory_space<vmem>>, vector<16xf32>,
      %add3A_1525 = arith.addf %get3A_1519, %get3A_1524 : vector<16xf32>
      %add3A_1526 = arith.addf %add3A_1514, %add3A_1525 : vector<16xf32>
      %mul3A_1527 = vector.broadcast %scan3A_764 : f32 to vector<16xf32>
      %mul3A_1528 = arith.mulf %add3A_1526, %mul3A_1527 : vector<16xf32>
      %get3A_1529 = arith.index_cast %scan3A_1367 : i32 to index
      %get3A_1530 = arith.constant 112 : index
      %get3A_1531 = tpu.vector_load %arg9[%get3A_1529, %get3A_1530] {strides = array<i32>} : memref<256x128xf32, #tpu.memory_space<vmem>>, vector<16xf32>,
      %add3A_1532 = arith.constant 64 : i32
      %add3A_1533 = arith.addi %add3A_1532, %scan3A_1367 : i32
      %get3A_1534 = arith.index_cast %add3A_1533 : i32 to index
      %get3A_1535 = arith.constant 112 : index
      %get3A_1536 = tpu.vector_load %arg9[%get3A_1534, %get3A_1535] {strides = array<i32>} : memref<256x128xf32, #tpu.memory_space<vmem>>, vector<16xf32>,
      %add3A_1537 = arith.addf %get3A_1531, %get3A_1536 : vector<16xf32>
      %add3A_1538 = arith.constant 128 : i32
      %add3A_1539 = arith.addi %add3A_1538, %scan3A_1367 : i32
      %get3A_1540 = arith.index_cast %add3A_1539 : i32 to index
      %get3A_1541 = arith.constant 112 : index
      %get3A_1542 = tpu.vector_load %arg9[%get3A_1540, %get3A_1541] {strides = array<i32>} : memref<256x128xf32, #tpu.memory_space<vmem>>, vector<16xf32>,
      %add3A_1543 = arith.constant 192 : i32
      %add3A_1544 = arith.addi %add3A_1543, %scan3A_1367 : i32
      %get3A_1545 = arith.index_cast %add3A_1544 : i32 to index
      %get3A_1546 = arith.constant 112 : index
      %get3A_1547 = tpu.vector_load %arg9[%get3A_1545, %get3A_1546] {strides = array<i32>} : memref<256x128xf32, #tpu.memory_space<vmem>>, vector<16xf32>,
      %add3A_1548 = arith.addf %get3A_1542, %get3A_1547 : vector<16xf32>
      %add3A_1549 = arith.addf %add3A_1537, %add3A_1548 : vector<16xf32>
      %mul3A_1550 = vector.broadcast %scan3A_764 : f32 to vector<16xf32>
      %mul3A_1551 = arith.mulf %add3A_1549, %mul3A_1550 : vector<16xf32>
      %swap3A_1552 = arith.constant 0 : i32
      %swap3A_1553 = arith.index_cast %scan3A_1367 : i32 to index
      %swap3A_1554 = arith.index_cast %swap3A_1552 : i32 to index
      %swap3A_1555 = arith.constant 0 : index
      %swap3A_1556 = tpu.vector_load %arg11[%swap3A_1553, %swap3A_1554, %swap3A_1555] {strides = array<i32>} : memref<64x1x128xf32, #tpu.memory_space<vmem>>, vector<16xf32>,
      tpu.vector_store %arg11[%swap3A_1553, %swap3A_1554, %swap3A_1555], %mul3A_1390 {strides = array<i32>} : memref<64x1x128xf32, #tpu.memory_space<vmem>>, vector<16xf32>,
      %swap3A_1557 = arith.constant 0 : i32
      %swap3A_1558 = arith.index_cast %scan3A_1367 : i32 to index
      %swap3A_1559 = arith.index_cast %swap3A_1557 : i32 to index
      %swap3A_1560 = arith.constant 16 : index
      %swap3A_1561 = tpu.vector_load %arg11[%swap3A_1558, %swap3A_1559, %swap3A_1560] {strides = array<i32>} : memref<64x1x128xf32, #tpu.memory_space<vmem>>, vector<16xf32>,
      tpu.vector_store %arg11[%swap3A_1558, %swap3A_1559, %swap3A_1560], %mul3A_1413 {strides = array<i32>} : memref<64x1x128xf32, #tpu.memory_space<vmem>>, vector<16xf32>,
      %swap3A_1562 = arith.constant 0 : i32
      %swap3A_1563 = arith.index_cast %scan3A_1367 : i32 to index
      %swap3A_1564 = arith.index_cast %swap3A_1562 : i32 to index
      %swap3A_1565 = arith.constant 32 : index
      %swap3A_1566 = tpu.vector_load %arg11[%swap3A_1563, %swap3A_1564, %swap3A_1565] {strides = array<i32>} : memref<64x1x128xf32, #tpu.memory_space<vmem>>, vector<16xf32>,
      tpu.vector_store %arg11[%swap3A_1563, %swap3A_1564, %swap3A_1565], %mul3A_1436 {strides = array<i32>} : memref<64x1x128xf32, #tpu.memory_space<vmem>>, vector<16xf32>,
      %swap3A_1567 = arith.constant 0 : i32
      %swap3A_1568 = arith.index_cast %scan3A_1367 : i32 to index
      %swap3A_1569 = arith.index_cast %swap3A_1567 : i32 to index
      %swap3A_1570 = arith.constant 48 : index
      %swap3A_1571 = tpu.vector_load %arg11[%swap3A_1568, %swap3A_1569, %swap3A_1570] {strides = array<i32>} : memref<64x1x128xf32, #tpu.memory_space<vmem>>, vector<16xf32>,
      tpu.vector_store %arg11[%swap3A_1568, %swap3A_1569, %swap3A_1570], %mul3A_1459 {strides = array<i32>} : memref<64x1x128xf32, #tpu.memory_space<vmem>>, vector<16xf32>,
      %swap3A_1572 = arith.constant 0 : i32
      %swap3A_1573 = arith.index_cast %scan3A_1367 : i32 to index
      %swap3A_1574 = arith.index_cast %swap3A_1572 : i32 to index
      %swap3A_1575 = arith.constant 64 : index
      %swap3A_1576 = tpu.vector_load %arg11[%swap3A_1573, %swap3A_1574, %swap3A_1575] {strides = array<i32>} : memref<64x1x128xf32, #tpu.memory_space<vmem>>, vector<16xf32>,
      tpu.vector_store %arg11[%swap3A_1573, %swap3A_1574, %swap3A_1575], %mul3A_1482 {strides = array<i32>} : memref<64x1x128xf32, #tpu.memory_space<vmem>>, vector<16xf32>,
      %swap3A_1577 = arith.constant 0 : i32
      %swap3A_1578 = arith.index_cast %scan3A_1367 : i32 to index
      %swap3A_1579 = arith.index_cast %swap3A_1577 : i32 to index
      %swap3A_1580 = arith.constant 80 : index
      %swap3A_1581 = tpu.vector_load %arg11[%swap3A_1578, %swap3A_1579, %swap3A_1580] {strides = array<i32>} : memref<64x1x128xf32, #tpu.memory_space<vmem>>, vector<16xf32>,
      tpu.vector_store %arg11[%swap3A_1578, %swap3A_1579, %swap3A_1580], %mul3A_1505 {strides = array<i32>} : memref<64x1x128xf32, #tpu.memory_space<vmem>>, vector<16xf32>,
      %swap3A_1582 = arith.constant 0 : i32
      %swap3A_1583 = arith.index_cast %scan3A_1367 : i32 to index
      %swap3A_1584 = arith.index_cast %swap3A_1582 : i32 to index
      %swap3A_1585 = arith.constant 96 : index
      %swap3A_1586 = tpu.vector_load %arg11[%swap3A_1583, %swap3A_1584, %swap3A_1585] {strides = array<i32>} : memref<64x1x128xf32, #tpu.memory_space<vmem>>, vector<16xf32>,
      tpu.vector_store %arg11[%swap3A_1583, %swap3A_1584, %swap3A_1585], %mul3A_1528 {strides = array<i32>} : memref<64x1x128xf32, #tpu.memory_space<vmem>>, vector<16xf32>,
      %swap3A_1587 = arith.constant 0 : i32
      %swap3A_1588 = arith.index_cast %scan3A_1367 : i32 to index
      %swap3A_1589 = arith.index_cast %swap3A_1587 : i32 to index
      %swap3A_1590 = arith.constant 112 : index
      %swap3A_1591 = tpu.vector_load %arg11[%swap3A_1588, %swap3A_1589, %swap3A_1590] {strides = array<i32>} : memref<64x1x128xf32, #tpu.memory_space<vmem>>, vector<16xf32>,
      tpu.vector_store %arg11[%swap3A_1588, %swap3A_1589, %swap3A_1590], %mul3A_1551 {strides = array<i32>} : memref<64x1x128xf32, #tpu.memory_space<vmem>>, vector<16xf32>,
    }
    %scan3A_769 = arith.constant 64 : i32
    %dma_start3A_770 = arith.constant 0 : i32
    %dma_start3A_771 = arith.constant 0 : i32
    %dma_start3A_772 = arith.constant 0 : i32
    %dma_start3A_773 = tpu.memref_slice %arg9[%dma_start3A_771, %dma_start3A_772] : memref<256x128xf32, #tpu.memory_space<vmem>> -> memref<128x128xf32, #tpu.memory_space<vmem>>
    %dma_start3A_774 = arith.constant 0 : i32
    %dma_start3A_775 = tpu.memref_slice %arg7[%dma_start3A_770, %dma_start3A_774] : memref<2x128xi32, #tpu.memory_space<vmem>> -> memref<1x128xi32, #tpu.memory_space<vmem>>
    %dma_start3A_776 = tpu.memref_squeeze %dma_start3A_775 : memref<1x128xi32, #tpu.memory_space<vmem>> -> memref<128xi32, #tpu.memory_space<vmem>>
    %dma_start3A_777 = arith.constant 0 : i32
    %dma_start3A_778 = arith.constant 0 : i32
    %dma_start3A_779 = tpu.memref_slice %arg13[%dma_start3A_777, %dma_start3A_778] : memref<4000x128xf32, #tpu.memory_space<vmem_shared>> -> memref<4000x128xf32, #tpu.memory_space<vmem_shared>>
    tpu.enqueue_indirect_dma source(%dma_start3A_779 : memref<4000x128xf32, #tpu.memory_space<vmem_shared>>) target(%dma_start3A_773 : memref<128x128xf32, #tpu.memory_space<vmem>>) offsets(%dma_start3A_776 : memref<128xi32, #tpu.memory_space<vmem>>) semaphore(%arg16 : memref<!tpu.dma_semaphore, #tpu.memory_space<semaphore_mem>>)
    %dma_start3A_780 = arith.constant 1 : i32
    %dma_start3A_781 = arith.constant 128 : i32
    %dma_start3A_782 = arith.constant 0 : i32
    %dma_start3A_783 = tpu.memref_slice %arg9[%dma_start3A_781, %dma_start3A_782] : memref<256x128xf32, #tpu.memory_space<vmem>> -> memref<128x128xf32, #tpu.memory_space<vmem>>
    %dma_start3A_784 = arith.constant 0 : i32
    %dma_start3A_785 = tpu.memref_slice %arg7[%dma_start3A_780, %dma_start3A_784] : memref<2x128xi32, #tpu.memory_space<vmem>> -> memref<1x128xi32, #tpu.memory_space<vmem>>
    %dma_start3A_786 = tpu.memref_squeeze %dma_start3A_785 : memref<1x128xi32, #tpu.memory_space<vmem>> -> memref<128xi32, #tpu.memory_space<vmem>>
    %dma_start3A_787 = arith.constant 0 : i32
    %dma_start3A_788 = arith.constant 0 : i32
    %dma_start3A_789 = tpu.memref_slice %arg13[%dma_start3A_787, %dma_start3A_788] : memref<4000x128xf32, #tpu.memory_space<vmem_shared>> -> memref<4000x128xf32, #tpu.memory_space<vmem_shared>>
    tpu.enqueue_indirect_dma source(%dma_start3A_789 : memref<4000x128xf32, #tpu.memory_space<vmem_shared>>) target(%dma_start3A_783 : memref<128x128xf32, #tpu.memory_space<vmem>>) offsets(%dma_start3A_786 : memref<128xi32, #tpu.memory_space<vmem>>) semaphore(%arg16 : memref<!tpu.dma_semaphore, #tpu.memory_space<semaphore_mem>>)
    %shift_right_logical3A_790 = arith.constant 0 : i32
    %shift_right_logical3A_791 = arith.constant 1 : i32
    %shift_right_logical3A_792 = arith.shrui %shift_right_logical3A_790, %shift_right_logical3A_791 : i32
    %and3A_793 = arith.constant 0 : i32
    %and3A_794 = arith.constant 1 : i32
    %and3A_795 = arith.andi %and3A_793, %and3A_794 : i32
    %mul3A_796 = arith.constant 128 : i32
    %mul3A_797 = arith.muli %add3A, %mul3A_796 : i32
    %mul3A_798 = arith.constant 64 : i32
    %mul3A_799 = arith.muli %and3A_795, %mul3A_798 : i32
    %add3A_800 = arith.addi %mul3A_797, %mul3A_799 : i32
    %dma_start3A_801 = arith.constant 0 : i32
    %dma_start3A_802 = tpu.memref_slice %arg4[%add3A_800, %shift_right_logical3A_792, %dma_start3A_801] : memref<4096x200x128xf32, #tpu.memory_space<hbm>> -> memref<64x1x128xf32, #tpu.memory_space<hbm>>
    %dma_start3A_803 = arith.constant 0 : i32
    %dma_start3A_804 = tpu.memref_slice %arg4[%add3A_800, %shift_right_logical3A_792, %dma_start3A_803] : memref<4096x200x128xf32, #tpu.memory_space<hbm>> -> memref<64x1x128xf32, #tpu.memory_space<hbm>>
    tpu.enqueue_dma source(%arg11 : memref<64x1x128xf32, #tpu.memory_space<vmem>>) target(%dma_start3A_804 : memref<64x1x128xf32, #tpu.memory_space<hbm>>) target_semaphore(%arg18 : memref<!tpu.dma_semaphore, #tpu.memory_space<semaphore_mem>>)
    %dma_wait3A_805 = arith.constant 0 : i32
    %dma_wait3A_806 = arith.constant 0 : i32
    %dma_wait3A_807 = arith.constant 0 : i32
    %dma_wait3A_808 = tpu.memref_slice %arg10[%dma_wait3A_806, %dma_wait3A_807] : memref<256x128xf32, #tpu.memory_space<vmem>> -> memref<128x128xf32, #tpu.memory_space<vmem>>
    %dma_wait3A_809 = arith.constant 0 : i32
    %dma_wait3A_810 = tpu.memref_slice %arg8[%dma_wait3A_805, %dma_wait3A_809] : memref<2x128xi32, #tpu.memory_space<vmem>> -> memref<1x128xi32, #tpu.memory_space<vmem>>
    %dma_wait3A_811 = tpu.memref_squeeze %dma_wait3A_810 : memref<1x128xi32, #tpu.memory_space<vmem>> -> memref<128xi32, #tpu.memory_space<vmem>>
    %dma_wait3A_812 = arith.constant 0 : i32
    %dma_wait3A_813 = arith.constant 0 : i32
    %dma_wait3A_814 = tpu.memref_slice %arg13[%dma_wait3A_812, %dma_wait3A_813] : memref<4000x128xf32, #tpu.memory_space<vmem_shared>> -> memref<4000x128xf32, #tpu.memory_space<vmem_shared>>
    tpu.wait_indirect_dma semaphore(%arg17 : memref<!tpu.dma_semaphore, #tpu.memory_space<semaphore_mem>>) src(%dma_wait3A_814 : memref<4000x128xf32, #tpu.memory_space<vmem_shared>>) dst(%dma_wait3A_808 : memref<128x128xf32, #tpu.memory_space<vmem>>)
    %dma_wait3A_815 = arith.constant 1 : i32
    %dma_wait3A_816 = arith.constant 128 : i32
    %dma_wait3A_817 = arith.constant 0 : i32
    %dma_wait3A_818 = tpu.memref_slice %arg10[%dma_wait3A_816, %dma_wait3A_817] : memref<256x128xf32, #tpu.memory_space<vmem>> -> memref<128x128xf32, #tpu.memory_space<vmem>>
    %dma_wait3A_819 = arith.constant 0 : i32
    %dma_wait3A_820 = tpu.memref_slice %arg8[%dma_wait3A_815, %dma_wait3A_819] : memref<2x128xi32, #tpu.memory_space<vmem>> -> memref<1x128xi32, #tpu.memory_space<vmem>>
    %dma_wait3A_821 = tpu.memref_squeeze %dma_wait3A_820 : memref<1x128xi32, #tpu.memory_space<vmem>> -> memref<128xi32, #tpu.memory_space<vmem>>
    %dma_wait3A_822 = arith.constant 0 : i32
    %dma_wait3A_823 = arith.constant 0 : i32
    %dma_wait3A_824 = tpu.memref_slice %arg13[%dma_wait3A_822, %dma_wait3A_823] : memref<4000x128xf32, #tpu.memory_space<vmem_shared>> -> memref<4000x128xf32, #tpu.memory_space<vmem_shared>>
    tpu.wait_indirect_dma semaphore(%arg17 : memref<!tpu.dma_semaphore, #tpu.memory_space<semaphore_mem>>) src(%dma_wait3A_824 : memref<4000x128xf32, #tpu.memory_space<vmem_shared>>) dst(%dma_wait3A_818 : memref<128x128xf32, #tpu.memory_space<vmem>>)
    %shift_right_logical3A_825 = arith.constant 3 : i32
    %shift_right_logical3A_826 = arith.constant 1 : i32
    %shift_right_logical3A_827 = arith.shrui %shift_right_logical3A_825, %shift_right_logical3A_826 : i32
    %mul3A_828 = arith.constant 32 : i32
    %mul3A_829 = arith.muli %shift_right_logical3A_827, %mul3A_828 : i32
    %add3A_830 = arith.addi %mul3A_829, %add3A : i32
    %mul3A_831 = arith.constant 4 : i32
    %mul3A_832 = arith.muli %add3A_830, %mul3A_831 : i32
    %dma_wait3A_833 = arith.constant 0 : i32
    %dma_wait3A_834 = tpu.memref_slice %arg2[%mul3A_832, %dma_wait3A_833] : memref<25600x128xi32, #tpu.memory_space<hbm>> -> memref<4x128xi32, #tpu.memory_space<hbm>>
    %dma_wait3A_835 = arith.constant 0 : i32
    %dma_wait3A_836 = tpu.memref_slice %arg2[%mul3A_832, %dma_wait3A_835] : memref<25600x128xi32, #tpu.memory_space<hbm>> -> memref<4x128xi32, #tpu.memory_space<hbm>>
    tpu.wait_dma2 semaphore(%arg15 : memref<!tpu.dma_semaphore, #tpu.memory_space<semaphore_mem>>) src(%dma_wait3A_836 : memref<4x128xi32, #tpu.memory_space<hbm>>) dst(%arg6 : memref<4x128xi32, #tpu.memory_space<vmem>>)
    %and3A_837 = arith.constant 3 : i32
    %and3A_838 = arith.constant 1 : i32
    %and3A_839 = arith.andi %and3A_837, %and3A_838 : i32
    %mul3A_840 = arith.constant 64 : i32
    %mul3A_841 = arith.muli %and3A_839, %mul3A_840 : i32
    %add3A_842 = arith.constant 0 : i32
    %add3A_843 = arith.addi %mul3A_841, %add3A_842 : i32
    %get3A_844 = arith.constant 0 : i32
    %get3A_845 = arith.index_cast %get3A_844 : i32 to index
    %get3A_846 = arith.index_cast %add3A_843 : i32 to index
    %get3A_847 = tpu.vector_load %arg6[%get3A_845, %get3A_846] {strides = array<i32>} : memref<4x128xi32, #tpu.memory_space<vmem>>, vector<16xi32>,
    %add3A_848 = arith.constant 0 : i32
    %add3A_849 = vector.broadcast %add3A_848 : i32 to vector<16xi32>
    %add3A_850 = arith.addi %get3A_847, %add3A_849 : vector<16xi32>
    %swap3A_851 = arith.constant 0 : i32
    %swap3A_852 = arith.index_cast %swap3A_851 : i32 to index
    %swap3A_853 = arith.constant 0 : index
    %swap3A_854 = tpu.vector_load %arg8[%swap3A_852, %swap3A_853] {strides = array<i32>} : memref<2x128xi32, #tpu.memory_space<vmem>>, vector<16xi32>,
    tpu.vector_store %arg8[%swap3A_852, %swap3A_853], %add3A_850 {strides = array<i32>} : memref<2x128xi32, #tpu.memory_space<vmem>>, vector<16xi32>,
    %add3A_855 = arith.constant 16 : i32
    %add3A_856 = arith.addi %mul3A_841, %add3A_855 : i32
    %get3A_857 = arith.constant 0 : i32
    %get3A_858 = arith.index_cast %get3A_857 : i32 to index
    %get3A_859 = arith.index_cast %add3A_856 : i32 to index
    %get3A_860 = tpu.vector_load %arg6[%get3A_858, %get3A_859] {strides = array<i32>} : memref<4x128xi32, #tpu.memory_space<vmem>>, vector<16xi32>,
    %add3A_861 = arith.constant 0 : i32
    %add3A_862 = vector.broadcast %add3A_861 : i32 to vector<16xi32>
    %add3A_863 = arith.addi %get3A_860, %add3A_862 : vector<16xi32>
    %swap3A_864 = arith.constant 0 : i32
    %swap3A_865 = arith.index_cast %swap3A_864 : i32 to index
    %swap3A_866 = arith.constant 16 : index
    %swap3A_867 = tpu.vector_load %arg8[%swap3A_865, %swap3A_866] {strides = array<i32>} : memref<2x128xi32, #tpu.memory_space<vmem>>, vector<16xi32>,
    tpu.vector_store %arg8[%swap3A_865, %swap3A_866], %add3A_863 {strides = array<i32>} : memref<2x128xi32, #tpu.memory_space<vmem>>, vector<16xi32>,
    %add3A_868 = arith.constant 32 : i32
    %add3A_869 = arith.addi %mul3A_841, %add3A_868 : i32
    %get3A_870 = arith.constant 0 : i32
    %get3A_871 = arith.index_cast %get3A_870 : i32 to index
    %get3A_872 = arith.index_cast %add3A_869 : i32 to index
    %get3A_873 = tpu.vector_load %arg6[%get3A_871, %get3A_872] {strides = array<i32>} : memref<4x128xi32, #tpu.memory_space<vmem>>, vector<16xi32>,
    %add3A_874 = arith.constant 0 : i32
    %add3A_875 = vector.broadcast %add3A_874 : i32 to vector<16xi32>
    %add3A_876 = arith.addi %get3A_873, %add3A_875 : vector<16xi32>
    %swap3A_877 = arith.constant 0 : i32
    %swap3A_878 = arith.index_cast %swap3A_877 : i32 to index
    %swap3A_879 = arith.constant 32 : index
    %swap3A_880 = tpu.vector_load %arg8[%swap3A_878, %swap3A_879] {strides = array<i32>} : memref<2x128xi32, #tpu.memory_space<vmem>>, vector<16xi32>,
    tpu.vector_store %arg8[%swap3A_878, %swap3A_879], %add3A_876 {strides = array<i32>} : memref<2x128xi32, #tpu.memory_space<vmem>>, vector<16xi32>,
    %add3A_881 = arith.constant 48 : i32
    %add3A_882 = arith.addi %mul3A_841, %add3A_881 : i32
    %get3A_883 = arith.constant 0 : i32
    %get3A_884 = arith.index_cast %get3A_883 : i32 to index
    %get3A_885 = arith.index_cast %add3A_882 : i32 to index
    %get3A_886 = tpu.vector_load %arg6[%get3A_884, %get3A_885] {strides = array<i32>} : memref<4x128xi32, #tpu.memory_space<vmem>>, vector<16xi32>,
    %add3A_887 = arith.constant 0 : i32
    %add3A_888 = vector.broadcast %add3A_887 : i32 to vector<16xi32>
    %add3A_889 = arith.addi %get3A_886, %add3A_888 : vector<16xi32>
    %swap3A_890 = arith.constant 0 : i32
    %swap3A_891 = arith.index_cast %swap3A_890 : i32 to index
    %swap3A_892 = arith.constant 48 : index
    %swap3A_893 = tpu.vector_load %arg8[%swap3A_891, %swap3A_892] {strides = array<i32>} : memref<2x128xi32, #tpu.memory_space<vmem>>, vector<16xi32>,
    tpu.vector_store %arg8[%swap3A_891, %swap3A_892], %add3A_889 {strides = array<i32>} : memref<2x128xi32, #tpu.memory_space<vmem>>, vector<16xi32>,
    %add3A_894 = arith.constant 0 : i32
    %add3A_895 = arith.addi %mul3A_841, %add3A_894 : i32
    %get3A_896 = arith.constant 1 : i32
    %get3A_897 = arith.index_cast %get3A_896 : i32 to index
    %get3A_898 = arith.index_cast %add3A_895 : i32 to index
    %get3A_899 = tpu.vector_load %arg6[%get3A_897, %get3A_898] {strides = array<i32>} : memref<4x128xi32, #tpu.memory_space<vmem>>, vector<16xi32>,
    %add3A_900 = arith.constant 1000 : i32
    %add3A_901 = vector.broadcast %add3A_900 : i32 to vector<16xi32>
    %add3A_902 = arith.addi %get3A_899, %add3A_901 : vector<16xi32>
    %swap3A_903 = arith.constant 0 : i32
    %swap3A_904 = arith.index_cast %swap3A_903 : i32 to index
    %swap3A_905 = arith.constant 64 : index
    %swap3A_906 = tpu.vector_load %arg8[%swap3A_904, %swap3A_905] {strides = array<i32>} : memref<2x128xi32, #tpu.memory_space<vmem>>, vector<16xi32>,
    tpu.vector_store %arg8[%swap3A_904, %swap3A_905], %add3A_902 {strides = array<i32>} : memref<2x128xi32, #tpu.memory_space<vmem>>, vector<16xi32>,
    %add3A_907 = arith.constant 16 : i32
    %add3A_908 = arith.addi %mul3A_841, %add3A_907 : i32
    %get3A_909 = arith.constant 1 : i32
    %get3A_910 = arith.index_cast %get3A_909 : i32 to index
    %get3A_911 = arith.index_cast %add3A_908 : i32 to index
    %get3A_912 = tpu.vector_load %arg6[%get3A_910, %get3A_911] {strides = array<i32>} : memref<4x128xi32, #tpu.memory_space<vmem>>, vector<16xi32>,
    %add3A_913 = arith.constant 1000 : i32
    %add3A_914 = vector.broadcast %add3A_913 : i32 to vector<16xi32>
    %add3A_915 = arith.addi %get3A_912, %add3A_914 : vector<16xi32>
    %swap3A_916 = arith.constant 0 : i32
    %swap3A_917 = arith.index_cast %swap3A_916 : i32 to index
    %swap3A_918 = arith.constant 80 : index
    %swap3A_919 = tpu.vector_load %arg8[%swap3A_917, %swap3A_918] {strides = array<i32>} : memref<2x128xi32, #tpu.memory_space<vmem>>, vector<16xi32>,
    tpu.vector_store %arg8[%swap3A_917, %swap3A_918], %add3A_915 {strides = array<i32>} : memref<2x128xi32, #tpu.memory_space<vmem>>, vector<16xi32>,
    %add3A_920 = arith.constant 32 : i32
    %add3A_921 = arith.addi %mul3A_841, %add3A_920 : i32
    %get3A_922 = arith.constant 1 : i32
    %get3A_923 = arith.index_cast %get3A_922 : i32 to index
    %get3A_924 = arith.index_cast %add3A_921 : i32 to index
    %get3A_925 = tpu.vector_load %arg6[%get3A_923, %get3A_924] {strides = array<i32>} : memref<4x128xi32, #tpu.memory_space<vmem>>, vector<16xi32>,
    %add3A_926 = arith.constant 1000 : i32
    %add3A_927 = vector.broadcast %add3A_926 : i32 to vector<16xi32>
    %add3A_928 = arith.addi %get3A_925, %add3A_927 : vector<16xi32>
    %swap3A_929 = arith.constant 0 : i32
    %swap3A_930 = arith.index_cast %swap3A_929 : i32 to index
    %swap3A_931 = arith.constant 96 : index
    %swap3A_932 = tpu.vector_load %arg8[%swap3A_930, %swap3A_931] {strides = array<i32>} : memref<2x128xi32, #tpu.memory_space<vmem>>, vector<16xi32>,
    tpu.vector_store %arg8[%swap3A_930, %swap3A_931], %add3A_928 {strides = array<i32>} : memref<2x128xi32, #tpu.memory_space<vmem>>, vector<16xi32>,
    %add3A_933 = arith.constant 48 : i32
    %add3A_934 = arith.addi %mul3A_841, %add3A_933 : i32
    %get3A_935 = arith.constant 1 : i32
    %get3A_936 = arith.index_cast %get3A_935 : i32 to index
    %get3A_937 = arith.index_cast %add3A_934 : i32 to index
    %get3A_938 = tpu.vector_load %arg6[%get3A_936, %get3A_937] {strides = array<i32>} : memref<4x128xi32, #tpu.memory_space<vmem>>, vector<16xi32>,
    %add3A_939 = arith.constant 1000 : i32
    %add3A_940 = vector.broadcast %add3A_939 : i32 to vector<16xi32>
    %add3A_941 = arith.addi %get3A_938, %add3A_940 : vector<16xi32>
    %swap3A_942 = arith.constant 0 : i32
    %swap3A_943 = arith.index_cast %swap3A_942 : i32 to index
    %swap3A_944 = arith.constant 112 : index
    %swap3A_945 = tpu.vector_load %arg8[%swap3A_943, %swap3A_944] {strides = array<i32>} : memref<2x128xi32, #tpu.memory_space<vmem>>, vector<16xi32>,
    tpu.vector_store %arg8[%swap3A_943, %swap3A_944], %add3A_941 {strides = array<i32>} : memref<2x128xi32, #tpu.memory_space<vmem>>, vector<16xi32>,
    %add3A_946 = arith.constant 0 : i32
    %add3A_947 = arith.addi %mul3A_841, %add3A_946 : i32
    %get3A_948 = arith.constant 2 : i32
    %get3A_949 = arith.index_cast %get3A_948 : i32 to index
    %get3A_950 = arith.index_cast %add3A_947 : i32 to index
    %get3A_951 = tpu.vector_load %arg6[%get3A_949, %get3A_950] {strides = array<i32>} : memref<4x128xi32, #tpu.memory_space<vmem>>, vector<16xi32>,
    %add3A_952 = arith.constant 2000 : i32
    %add3A_953 = vector.broadcast %add3A_952 : i32 to vector<16xi32>
    %add3A_954 = arith.addi %get3A_951, %add3A_953 : vector<16xi32>
    %swap3A_955 = arith.constant 1 : i32
    %swap3A_956 = arith.index_cast %swap3A_955 : i32 to index
    %swap3A_957 = arith.constant 0 : index
    %swap3A_958 = tpu.vector_load %arg8[%swap3A_956, %swap3A_957] {strides = array<i32>} : memref<2x128xi32, #tpu.memory_space<vmem>>, vector<16xi32>,
    tpu.vector_store %arg8[%swap3A_956, %swap3A_957], %add3A_954 {strides = array<i32>} : memref<2x128xi32, #tpu.memory_space<vmem>>, vector<16xi32>,
    %add3A_959 = arith.constant 16 : i32
    %add3A_960 = arith.addi %mul3A_841, %add3A_959 : i32
    %get3A_961 = arith.constant 2 : i32
    %get3A_962 = arith.index_cast %get3A_961 : i32 to index
    %get3A_963 = arith.index_cast %add3A_960 : i32 to index
    %get3A_964 = tpu.vector_load %arg6[%get3A_962, %get3A_963] {strides = array<i32>} : memref<4x128xi32, #tpu.memory_space<vmem>>, vector<16xi32>,
    %add3A_965 = arith.constant 2000 : i32
    %add3A_966 = vector.broadcast %add3A_965 : i32 to vector<16xi32>
    %add3A_967 = arith.addi %get3A_964, %add3A_966 : vector<16xi32>
    %swap3A_968 = arith.constant 1 : i32
    %swap3A_969 = arith.index_cast %swap3A_968 : i32 to index
    %swap3A_970 = arith.constant 16 : index
    %swap3A_971 = tpu.vector_load %arg8[%swap3A_969, %swap3A_970] {strides = array<i32>} : memref<2x128xi32, #tpu.memory_space<vmem>>, vector<16xi32>,
    tpu.vector_store %arg8[%swap3A_969, %swap3A_970], %add3A_967 {strides = array<i32>} : memref<2x128xi32, #tpu.memory_space<vmem>>, vector<16xi32>,
    %add3A_972 = arith.constant 32 : i32
    %add3A_973 = arith.addi %mul3A_841, %add3A_972 : i32
    %get3A_974 = arith.constant 2 : i32
    %get3A_975 = arith.index_cast %get3A_974 : i32 to index
    %get3A_976 = arith.index_cast %add3A_973 : i32 to index
    %get3A_977 = tpu.vector_load %arg6[%get3A_975, %get3A_976] {strides = array<i32>} : memref<4x128xi32, #tpu.memory_space<vmem>>, vector<16xi32>,
    %add3A_978 = arith.constant 2000 : i32
    %add3A_979 = vector.broadcast %add3A_978 : i32 to vector<16xi32>
    %add3A_980 = arith.addi %get3A_977, %add3A_979 : vector<16xi32>
    %swap3A_981 = arith.constant 1 : i32
    %swap3A_982 = arith.index_cast %swap3A_981 : i32 to index
    %swap3A_983 = arith.constant 32 : index
    %swap3A_984 = tpu.vector_load %arg8[%swap3A_982, %swap3A_983] {strides = array<i32>} : memref<2x128xi32, #tpu.memory_space<vmem>>, vector<16xi32>,
    tpu.vector_store %arg8[%swap3A_982, %swap3A_983], %add3A_980 {strides = array<i32>} : memref<2x128xi32, #tpu.memory_space<vmem>>, vector<16xi32>,
    %add3A_985 = arith.constant 48 : i32
    %add3A_986 = arith.addi %mul3A_841, %add3A_985 : i32
    %get3A_987 = arith.constant 2 : i32
    %get3A_988 = arith.index_cast %get3A_987 : i32 to index
    %get3A_989 = arith.index_cast %add3A_986 : i32 to index
    %get3A_990 = tpu.vector_load %arg6[%get3A_988, %get3A_989] {strides = array<i32>} : memref<4x128xi32, #tpu.memory_space<vmem>>, vector<16xi32>,
    %add3A_991 = arith.constant 2000 : i32
    %add3A_992 = vector.broadcast %add3A_991 : i32 to vector<16xi32>
    %add3A_993 = arith.addi %get3A_990, %add3A_992 : vector<16xi32>
    %swap3A_994 = arith.constant 1 : i32
    %swap3A_995 = arith.index_cast %swap3A_994 : i32 to index
    %swap3A_996 = arith.constant 48 : index
    %swap3A_997 = tpu.vector_load %arg8[%swap3A_995, %swap3A_996] {strides = array<i32>} : memref<2x128xi32, #tpu.memory_space<vmem>>, vector<16xi32>,
    tpu.vector_store %arg8[%swap3A_995, %swap3A_996], %add3A_993 {strides = array<i32>} : memref<2x128xi32, #tpu.memory_space<vmem>>, vector<16xi32>,
    %add3A_998 = arith.constant 0 : i32
    %add3A_999 = arith.addi %mul3A_841, %add3A_998 : i32
    %get3A_1000 = arith.constant 3 : i32
    %get3A_1001 = arith.index_cast %get3A_1000 : i32 to index
    %get3A_1002 = arith.index_cast %add3A_999 : i32 to index
    %get3A_1003 = tpu.vector_load %arg6[%get3A_1001, %get3A_1002] {strides = array<i32>} : memref<4x128xi32, #tpu.memory_space<vmem>>, vector<16xi32>,
    %add3A_1004 = arith.constant 3000 : i32
    %add3A_1005 = vector.broadcast %add3A_1004 : i32 to vector<16xi32>
    %add3A_1006 = arith.addi %get3A_1003, %add3A_1005 : vector<16xi32>
    %swap3A_1007 = arith.constant 1 : i32
    %swap3A_1008 = arith.index_cast %swap3A_1007 : i32 to index
    %swap3A_1009 = arith.constant 64 : index
    %swap3A_1010 = tpu.vector_load %arg8[%swap3A_1008, %swap3A_1009] {strides = array<i32>} : memref<2x128xi32, #tpu.memory_space<vmem>>, vector<16xi32>,
    tpu.vector_store %arg8[%swap3A_1008, %swap3A_1009], %add3A_1006 {strides = array<i32>} : memref<2x128xi32, #tpu.memory_space<vmem>>, vector<16xi32>,
    %add3A_1011 = arith.constant 16 : i32
    %add3A_1012 = arith.addi %mul3A_841, %add3A_1011 : i32
    %get3A_1013 = arith.constant 3 : i32
    %get3A_1014 = arith.index_cast %get3A_1013 : i32 to index
    %get3A_1015 = arith.index_cast %add3A_1012 : i32 to index
    %get3A_1016 = tpu.vector_load %arg6[%get3A_1014, %get3A_1015] {strides = array<i32>} : memref<4x128xi32, #tpu.memory_space<vmem>>, vector<16xi32>,
    %add3A_1017 = arith.constant 3000 : i32
    %add3A_1018 = vector.broadcast %add3A_1017 : i32 to vector<16xi32>
    %add3A_1019 = arith.addi %get3A_1016, %add3A_1018 : vector<16xi32>
    %swap3A_1020 = arith.constant 1 : i32
    %swap3A_1021 = arith.index_cast %swap3A_1020 : i32 to index
    %swap3A_1022 = arith.constant 80 : index
    %swap3A_1023 = tpu.vector_load %arg8[%swap3A_1021, %swap3A_1022] {strides = array<i32>} : memref<2x128xi32, #tpu.memory_space<vmem>>, vector<16xi32>,
    tpu.vector_store %arg8[%swap3A_1021, %swap3A_1022], %add3A_1019 {strides = array<i32>} : memref<2x128xi32, #tpu.memory_space<vmem>>, vector<16xi32>,
    %add3A_1024 = arith.constant 32 : i32
    %add3A_1025 = arith.addi %mul3A_841, %add3A_1024 : i32
    %get3A_1026 = arith.constant 3 : i32
    %get3A_1027 = arith.index_cast %get3A_1026 : i32 to index
    %get3A_1028 = arith.index_cast %add3A_1025 : i32 to index
    %get3A_1029 = tpu.vector_load %arg6[%get3A_1027, %get3A_1028] {strides = array<i32>} : memref<4x128xi32, #tpu.memory_space<vmem>>, vector<16xi32>,
    %add3A_1030 = arith.constant 3000 : i32
    %add3A_1031 = vector.broadcast %add3A_1030 : i32 to vector<16xi32>
    %add3A_1032 = arith.addi %get3A_1029, %add3A_1031 : vector<16xi32>
    %swap3A_1033 = arith.constant 1 : i32
    %swap3A_1034 = arith.index_cast %swap3A_1033 : i32 to index
    %swap3A_1035 = arith.constant 96 : index
    %swap3A_1036 = tpu.vector_load %arg8[%swap3A_1034, %swap3A_1035] {strides = array<i32>} : memref<2x128xi32, #tpu.memory_space<vmem>>, vector<16xi32>,
    tpu.vector_store %arg8[%swap3A_1034, %swap3A_1035], %add3A_1032 {strides = array<i32>} : memref<2x128xi32, #tpu.memory_space<vmem>>, vector<16xi32>,
    %add3A_1037 = arith.constant 48 : i32
    %add3A_1038 = arith.addi %mul3A_841, %add3A_1037 : i32
    %get3A_1039 = arith.constant 3 : i32
    %get3A_1040 = arith.index_cast %get3A_1039 : i32 to index
    %get3A_1041 = arith.index_cast %add3A_1038 : i32 to index
    %get3A_1042 = tpu.vector_load %arg6[%get3A_1040, %get3A_1041] {strides = array<i32>} : memref<4x128xi32, #tpu.memory_space<vmem>>, vector<16xi32>,
    %add3A_1043 = arith.constant 3000 : i32
    %add3A_1044 = vector.broadcast %add3A_1043 : i32 to vector<16xi32>
    %add3A_1045 = arith.addi %get3A_1042, %add3A_1044 : vector<16xi32>
    %swap3A_1046 = arith.constant 1 : i32
    %swap3A_1047 = arith.index_cast %swap3A_1046 : i32 to index
    %swap3A_1048 = arith.constant 112 : index
    %swap3A_1049 = tpu.vector_load %arg8[%swap3A_1047, %swap3A_1048] {strides = array<i32>} : memref<2x128xi32, #tpu.memory_space<vmem>>, vector<16xi32>,
    tpu.vector_store %arg8[%swap3A_1047, %swap3A_1048], %add3A_1045 {strides = array<i32>} : memref<2x128xi32, #tpu.memory_space<vmem>>, vector<16xi32>,
    %shift_right_logical3A_1050 = arith.constant 5 : i32
    %shift_right_logical3A_1051 = arith.constant 1 : i32
    %shift_right_logical3A_1052 = arith.shrui %shift_right_logical3A_1050, %shift_right_logical3A_1051 : i32
    %mul3A_1053 = arith.constant 32 : i32
    %mul3A_1054 = arith.muli %shift_right_logical3A_1052, %mul3A_1053 : i32
    %add3A_1055 = arith.addi %mul3A_1054, %add3A : i32
    %mul3A_1056 = arith.constant 4 : i32
    %mul3A_1057 = arith.muli %add3A_1055, %mul3A_1056 : i32
    %dma_start3A_1058 = arith.constant 0 : i32
    %dma_start3A_1059 = tpu.memref_slice %arg2[%mul3A_1057, %dma_start3A_1058] : memref<25600x128xi32, #tpu.memory_space<hbm>> -> memref<4x128xi32, #tpu.memory_space<hbm>>
    %dma_start3A_1060 = arith.constant 0 : i32
    %dma_start3A_1061 = tpu.memref_slice %arg2[%mul3A_1057, %dma_start3A_1060] : memref<25600x128xi32, #tpu.memory_space<hbm>> -> memref<4x128xi32, #tpu.memory_space<hbm>>
    tpu.enqueue_dma source(%dma_start3A_1061 : memref<4x128xi32, #tpu.memory_space<hbm>>) target(%arg6 : memref<4x128xi32, #tpu.memory_space<vmem>>) target_semaphore(%arg15 : memref<!tpu.dma_semaphore, #tpu.memory_space<semaphore_mem>>)
    %scan3A_1062 = arith.constant 0 : i32
    %scan3A_1063 = arith.constant 2.500000e-01 : f32
    %scan3A_1064 = arith.constant 0 : i32
    %scan3A_1065 = arith.constant 64 : i32
    %scan3A_1066 = arith.addi %scan3A_1064, %scan3A_1065 : i32
    %scan3A_1067 = arith.constant 2 : i32
    scf.for %scan3A_1141 = %scan3A_1064 to %scan3A_1066 step %scan3A_1067  : i32 {
      %get3A_1142 = arith.index_cast %scan3A_1141 : i32 to index
      %get3A_1143 = arith.constant 0 : index
      %get3A_1144 = tpu.vector_load %arg10[%get3A_1142, %get3A_1143] {strides = array<i32>} : memref<256x128xf32, #tpu.memory_space<vmem>>, vector<16xf32>,
      %add3A_1145 = arith.constant 64 : i32
      %add3A_1146 = arith.addi %add3A_1145, %scan3A_1141 : i32
      %get3A_1147 = arith.index_cast %add3A_1146 : i32 to index
      %get3A_1148 = arith.constant 0 : index
      %get3A_1149 = tpu.vector_load %arg10[%get3A_1147, %get3A_1148] {strides = array<i32>} : memref<256x128xf32, #tpu.memory_space<vmem>>, vector<16xf32>,
      %add3A_1150 = arith.addf %get3A_1144, %get3A_1149 : vector<16xf32>
      %add3A_1151 = arith.constant 128 : i32
      %add3A_1152 = arith.addi %add3A_1151, %scan3A_1141 : i32
      %get3A_1153 = arith.index_cast %add3A_1152 : i32 to index
      %get3A_1154 = arith.constant 0 : index
      %get3A_1155 = tpu.vector_load %arg10[%get3A_1153, %get3A_1154] {strides = array<i32>} : memref<256x128xf32, #tpu.memory_space<vmem>>, vector<16xf32>,
      %add3A_1156 = arith.constant 192 : i32
      %add3A_1157 = arith.addi %add3A_1156, %scan3A_1141 : i32
      %get3A_1158 = arith.index_cast %add3A_1157 : i32 to index
      %get3A_1159 = arith.constant 0 : index
      %get3A_1160 = tpu.vector_load %arg10[%get3A_1158, %get3A_1159] {strides = array<i32>} : memref<256x128xf32, #tpu.memory_space<vmem>>, vector<16xf32>,
      %add3A_1161 = arith.addf %get3A_1155, %get3A_1160 : vector<16xf32>
      %add3A_1162 = arith.addf %add3A_1150, %add3A_1161 : vector<16xf32>
      %mul3A_1163 = vector.broadcast %scan3A_1063 : f32 to vector<16xf32>
      %mul3A_1164 = arith.mulf %add3A_1162, %mul3A_1163 : vector<16xf32>
      %get3A_1165 = arith.index_cast %scan3A_1141 : i32 to index
      %get3A_1166 = arith.constant 16 : index
      %get3A_1167 = tpu.vector_load %arg10[%get3A_1165, %get3A_1166] {strides = array<i32>} : memref<256x128xf32, #tpu.memory_space<vmem>>, vector<16xf32>,
      %add3A_1168 = arith.constant 64 : i32
      %add3A_1169 = arith.addi %add3A_1168, %scan3A_1141 : i32
      %get3A_1170 = arith.index_cast %add3A_1169 : i32 to index
      %get3A_1171 = arith.constant 16 : index
      %get3A_1172 = tpu.vector_load %arg10[%get3A_1170, %get3A_1171] {strides = array<i32>} : memref<256x128xf32, #tpu.memory_space<vmem>>, vector<16xf32>,
      %add3A_1173 = arith.addf %get3A_1167, %get3A_1172 : vector<16xf32>
      %add3A_1174 = arith.constant 128 : i32
      %add3A_1175 = arith.addi %add3A_1174, %scan3A_1141 : i32
      %get3A_1176 = arith.index_cast %add3A_1175 : i32 to index
      %get3A_1177 = arith.constant 16 : index
      %get3A_1178 = tpu.vector_load %arg10[%get3A_1176, %get3A_1177] {strides = array<i32>} : memref<256x128xf32, #tpu.memory_space<vmem>>, vector<16xf32>,
      %add3A_1179 = arith.constant 192 : i32
      %add3A_1180 = arith.addi %add3A_1179, %scan3A_1141 : i32
      %get3A_1181 = arith.index_cast %add3A_1180 : i32 to index
      %get3A_1182 = arith.constant 16 : index
      %get3A_1183 = tpu.vector_load %arg10[%get3A_1181, %get3A_1182] {strides = array<i32>} : memref<256x128xf32, #tpu.memory_space<vmem>>, vector<16xf32>,
      %add3A_1184 = arith.addf %get3A_1178, %get3A_1183 : vector<16xf32>
      %add3A_1185 = arith.addf %add3A_1173, %add3A_1184 : vector<16xf32>
      %mul3A_1186 = vector.broadcast %scan3A_1063 : f32 to vector<16xf32>
      %mul3A_1187 = arith.mulf %add3A_1185, %mul3A_1186 : vector<16xf32>
      %get3A_1188 = arith.index_cast %scan3A_1141 : i32 to index
      %get3A_1189 = arith.constant 32 : index
      %get3A_1190 = tpu.vector_load %arg10[%get3A_1188, %get3A_1189] {strides = array<i32>} : memref<256x128xf32, #tpu.memory_space<vmem>>, vector<16xf32>,
      %add3A_1191 = arith.constant 64 : i32
      %add3A_1192 = arith.addi %add3A_1191, %scan3A_1141 : i32
      %get3A_1193 = arith.index_cast %add3A_1192 : i32 to index
      %get3A_1194 = arith.constant 32 : index
      %get3A_1195 = tpu.vector_load %arg10[%get3A_1193, %get3A_1194] {strides = array<i32>} : memref<256x128xf32, #tpu.memory_space<vmem>>, vector<16xf32>,
      %add3A_1196 = arith.addf %get3A_1190, %get3A_1195 : vector<16xf32>
      %add3A_1197 = arith.constant 128 : i32
      %add3A_1198 = arith.addi %add3A_1197, %scan3A_1141 : i32
      %get3A_1199 = arith.index_cast %add3A_1198 : i32 to index
      %get3A_1200 = arith.constant 32 : index
      %get3A_1201 = tpu.vector_load %arg10[%get3A_1199, %get3A_1200] {strides = array<i32>} : memref<256x128xf32, #tpu.memory_space<vmem>>, vector<16xf32>,
      %add3A_1202 = arith.constant 192 : i32
      %add3A_1203 = arith.addi %add3A_1202, %scan3A_1141 : i32
      %get3A_1204 = arith.index_cast %add3A_1203 : i32 to index
      %get3A_1205 = arith.constant 32 : index
      %get3A_1206 = tpu.vector_load %arg10[%get3A_1204, %get3A_1205] {strides = array<i32>} : memref<256x128xf32, #tpu.memory_space<vmem>>, vector<16xf32>,
      %add3A_1207 = arith.addf %get3A_1201, %get3A_1206 : vector<16xf32>
      %add3A_1208 = arith.addf %add3A_1196, %add3A_1207 : vector<16xf32>
      %mul3A_1209 = vector.broadcast %scan3A_1063 : f32 to vector<16xf32>
      %mul3A_1210 = arith.mulf %add3A_1208, %mul3A_1209 : vector<16xf32>
      %get3A_1211 = arith.index_cast %scan3A_1141 : i32 to index
      %get3A_1212 = arith.constant 48 : index
      %get3A_1213 = tpu.vector_load %arg10[%get3A_1211, %get3A_1212] {strides = array<i32>} : memref<256x128xf32, #tpu.memory_space<vmem>>, vector<16xf32>,
      %add3A_1214 = arith.constant 64 : i32
      %add3A_1215 = arith.addi %add3A_1214, %scan3A_1141 : i32
      %get3A_1216 = arith.index_cast %add3A_1215 : i32 to index
      %get3A_1217 = arith.constant 48 : index
      %get3A_1218 = tpu.vector_load %arg10[%get3A_1216, %get3A_1217] {strides = array<i32>} : memref<256x128xf32, #tpu.memory_space<vmem>>, vector<16xf32>,
      %add3A_1219 = arith.addf %get3A_1213, %get3A_1218 : vector<16xf32>
      %add3A_1220 = arith.constant 128 : i32
      %add3A_1221 = arith.addi %add3A_1220, %scan3A_1141 : i32
      %get3A_1222 = arith.index_cast %add3A_1221 : i32 to index
      %get3A_1223 = arith.constant 48 : index
      %get3A_1224 = tpu.vector_load %arg10[%get3A_1222, %get3A_1223] {strides = array<i32>} : memref<256x128xf32, #tpu.memory_space<vmem>>, vector<16xf32>,
      %add3A_1225 = arith.constant 192 : i32
      %add3A_1226 = arith.addi %add3A_1225, %scan3A_1141 : i32
      %get3A_1227 = arith.index_cast %add3A_1226 : i32 to index
      %get3A_1228 = arith.constant 48 : index
      %get3A_1229 = tpu.vector_load %arg10[%get3A_1227, %get3A_1228] {strides = array<i32>} : memref<256x128xf32, #tpu.memory_space<vmem>>, vector<16xf32>,
      %add3A_1230 = arith.addf %get3A_1224, %get3A_1229 : vector<16xf32>
      %add3A_1231 = arith.addf %add3A_1219, %add3A_1230 : vector<16xf32>
      %mul3A_1232 = vector.broadcast %scan3A_1063 : f32 to vector<16xf32>
      %mul3A_1233 = arith.mulf %add3A_1231, %mul3A_1232 : vector<16xf32>
      %get3A_1234 = arith.index_cast %scan3A_1141 : i32 to index
      %get3A_1235 = arith.constant 64 : index
      %get3A_1236 = tpu.vector_load %arg10[%get3A_1234, %get3A_1235] {strides = array<i32>} : memref<256x128xf32, #tpu.memory_space<vmem>>, vector<16xf32>,
      %add3A_1237 = arith.constant 64 : i32
      %add3A_1238 = arith.addi %add3A_1237, %scan3A_1141 : i32
      %get3A_1239 = arith.index_cast %add3A_1238 : i32 to index
      %get3A_1240 = arith.constant 64 : index
      %get3A_1241 = tpu.vector_load %arg10[%get3A_1239, %get3A_1240] {strides = array<i32>} : memref<256x128xf32, #tpu.memory_space<vmem>>, vector<16xf32>,
      %add3A_1242 = arith.addf %get3A_1236, %get3A_1241 : vector<16xf32>
      %add3A_1243 = arith.constant 128 : i32
      %add3A_1244 = arith.addi %add3A_1243, %scan3A_1141 : i32
      %get3A_1245 = arith.index_cast %add3A_1244 : i32 to index
      %get3A_1246 = arith.constant 64 : index
      %get3A_1247 = tpu.vector_load %arg10[%get3A_1245, %get3A_1246] {strides = array<i32>} : memref<256x128xf32, #tpu.memory_space<vmem>>, vector<16xf32>,
      %add3A_1248 = arith.constant 192 : i32
      %add3A_1249 = arith.addi %add3A_1248, %scan3A_1141 : i32
      %get3A_1250 = arith.index_cast %add3A_1249 : i32 to index
      %get3A_1251 = arith.constant 64 : index
      %get3A_1252 = tpu.vector_load %arg10[%get3A_1250, %get3A_1251] {strides = array<i32>} : memref<256x128xf32, #tpu.memory_space<vmem>>, vector<16xf32>,
      %add3A_1253 = arith.addf %get3A_1247, %get3A_1252 : vector<16xf32>
      %add3A_1254 = arith.addf %add3A_1242, %add3A_1253 : vector<16xf32>
      %mul3A_1255 = vector.broadcast %scan3A_1063 : f32 to vector<16xf32>
      %mul3A_1256 = arith.mulf %add3A_1254, %mul3A_1255 : vector<16xf32>
      %get3A_1257 = arith.index_cast %scan3A_1141 : i32 to index
      %get3A_1258 = arith.constant 80 : index
      %get3A_1259 = tpu.vector_load %arg10[%get3A_1257, %get3A_1258] {strides = array<i32>} : memref<256x128xf32, #tpu.memory_space<vmem>>, vector<16xf32>,
      %add3A_1260 = arith.constant 64 : i32
      %add3A_1261 = arith.addi %add3A_1260, %scan3A_1141 : i32
      %get3A_1262 = arith.index_cast %add3A_1261 : i32 to index
      %get3A_1263 = arith.constant 80 : index
      %get3A_1264 = tpu.vector_load %arg10[%get3A_1262, %get3A_1263] {strides = array<i32>} : memref<256x128xf32, #tpu.memory_space<vmem>>, vector<16xf32>,
      %add3A_1265 = arith.addf %get3A_1259, %get3A_1264 : vector<16xf32>
      %add3A_1266 = arith.constant 128 : i32
      %add3A_1267 = arith.addi %add3A_1266, %scan3A_1141 : i32
      %get3A_1268 = arith.index_cast %add3A_1267 : i32 to index
      %get3A_1269 = arith.constant 80 : index
      %get3A_1270 = tpu.vector_load %arg10[%get3A_1268, %get3A_1269] {strides = array<i32>} : memref<256x128xf32, #tpu.memory_space<vmem>>, vector<16xf32>,
      %add3A_1271 = arith.constant 192 : i32
      %add3A_1272 = arith.addi %add3A_1271, %scan3A_1141 : i32
      %get3A_1273 = arith.index_cast %add3A_1272 : i32 to index
      %get3A_1274 = arith.constant 80 : index
      %get3A_1275 = tpu.vector_load %arg10[%get3A_1273, %get3A_1274] {strides = array<i32>} : memref<256x128xf32, #tpu.memory_space<vmem>>, vector<16xf32>,
      %add3A_1276 = arith.addf %get3A_1270, %get3A_1275 : vector<16xf32>
      %add3A_1277 = arith.addf %add3A_1265, %add3A_1276 : vector<16xf32>
      %mul3A_1278 = vector.broadcast %scan3A_1063 : f32 to vector<16xf32>
      %mul3A_1279 = arith.mulf %add3A_1277, %mul3A_1278 : vector<16xf32>
      %get3A_1280 = arith.index_cast %scan3A_1141 : i32 to index
      %get3A_1281 = arith.constant 96 : index
      %get3A_1282 = tpu.vector_load %arg10[%get3A_1280, %get3A_1281] {strides = array<i32>} : memref<256x128xf32, #tpu.memory_space<vmem>>, vector<16xf32>,
      %add3A_1283 = arith.constant 64 : i32
      %add3A_1284 = arith.addi %add3A_1283, %scan3A_1141 : i32
      %get3A_1285 = arith.index_cast %add3A_1284 : i32 to index
      %get3A_1286 = arith.constant 96 : index
      %get3A_1287 = tpu.vector_load %arg10[%get3A_1285, %get3A_1286] {strides = array<i32>} : memref<256x128xf32, #tpu.memory_space<vmem>>, vector<16xf32>,
      %add3A_1288 = arith.addf %get3A_1282, %get3A_1287 : vector<16xf32>
      %add3A_1289 = arith.constant 128 : i32
      %add3A_1290 = arith.addi %add3A_1289, %scan3A_1141 : i32
      %get3A_1291 = arith.index_cast %add3A_1290 : i32 to index
      %get3A_1292 = arith.constant 96 : index
      %get3A_1293 = tpu.vector_load %arg10[%get3A_1291, %get3A_1292] {strides = array<i32>} : memref<256x128xf32, #tpu.memory_space<vmem>>, vector<16xf32>,
      %add3A_1294 = arith.constant 192 : i32
      %add3A_1295 = arith.addi %add3A_1294, %scan3A_1141 : i32
      %get3A_1296 = arith.index_cast %add3A_1295 : i32 to index
      %get3A_1297 = arith.constant 96 : index
      %get3A_1298 = tpu.vector_load %arg10[%get3A_1296, %get3A_1297] {strides = array<i32>} : memref<256x128xf32, #tpu.memory_space<vmem>>, vector<16xf32>,
      %add3A_1299 = arith.addf %get3A_1293, %get3A_1298 : vector<16xf32>
      %add3A_1300 = arith.addf %add3A_1288, %add3A_1299 : vector<16xf32>
      %mul3A_1301 = vector.broadcast %scan3A_1063 : f32 to vector<16xf32>
      %mul3A_1302 = arith.mulf %add3A_1300, %mul3A_1301 : vector<16xf32>
      %get3A_1303 = arith.index_cast %scan3A_1141 : i32 to index
      %get3A_1304 = arith.constant 112 : index
      %get3A_1305 = tpu.vector_load %arg10[%get3A_1303, %get3A_1304] {strides = array<i32>} : memref<256x128xf32, #tpu.memory_space<vmem>>, vector<16xf32>,
      %add3A_1306 = arith.constant 64 : i32
      %add3A_1307 = arith.addi %add3A_1306, %scan3A_1141 : i32
      %get3A_1308 = arith.index_cast %add3A_1307 : i32 to index
      %get3A_1309 = arith.constant 112 : index
      %get3A_1310 = tpu.vector_load %arg10[%get3A_1308, %get3A_1309] {strides = array<i32>} : memref<256x128xf32, #tpu.memory_space<vmem>>, vector<16xf32>,
      %add3A_1311 = arith.addf %get3A_1305, %get3A_1310 : vector<16xf32>
      %add3A_1312 = arith.constant 128 : i32
      %add3A_1313 = arith.addi %add3A_1312, %scan3A_1141 : i32
      %get3A_1314 = arith.index_cast %add3A_1313 : i32 to index
      %get3A_1315 = arith.constant 112 : index
      %get3A_1316 = tpu.vector_load %arg10[%get3A_1314, %get3A_1315] {strides = array<i32>} : memref<256x128xf32, #tpu.memory_space<vmem>>, vector<16xf32>,
      %add3A_1317 = arith.constant 192 : i32
      %add3A_1318 = arith.addi %add3A_1317, %scan3A_1141 : i32
      %get3A_1319 = arith.index_cast %add3A_1318 : i32 to index
      %get3A_1320 = arith.constant 112 : index
      %get3A_1321 = tpu.vector_load %arg10[%get3A_1319, %get3A_1320] {strides = array<i32>} : memref<256x128xf32, #tpu.memory_space<vmem>>, vector<16xf32>,
      %add3A_1322 = arith.addf %get3A_1316, %get3A_1321 : vector<16xf32>
      %add3A_1323 = arith.addf %add3A_1311, %add3A_1322 : vector<16xf32>
      %mul3A_1324 = vector.broadcast %scan3A_1063 : f32 to vector<16xf32>
      %mul3A_1325 = arith.mulf %add3A_1323, %mul3A_1324 : vector<16xf32>
      %swap3A_1326 = arith.constant 0 : i32
      %swap3A_1327 = arith.index_cast %scan3A_1141 : i32 to index
      %swap3A_1328 = arith.index_cast %swap3A_1326 : i32 to index
      %swap3A_1329 = arith.constant 0 : index
      %swap3A_1330 = tpu.vector_load %arg12[%swap3A_1327, %swap3A_1328, %swap3A_1329] {strides = array<i32>} : memref<64x1x128xf32, #tpu.memory_space<vmem>>, vector<16xf32>,
      tpu.vector_store %arg12[%swap3A_1327, %swap3A_1328, %swap3A_1329], %mul3A_1164 {strides = array<i32>} : memref<64x1x128xf32, #tpu.memory_space<vmem>>, vector<16xf32>,
      %swap3A_1331 = arith.constant 0 : i32
      %swap3A_1332 = arith.index_cast %scan3A_1141 : i32 to index
      %swap3A_1333 = arith.index_cast %swap3A_1331 : i32 to index
      %swap3A_1334 = arith.constant 16 : index
      %swap3A_1335 = tpu.vector_load %arg12[%swap3A_1332, %swap3A_1333, %swap3A_1334] {strides = array<i32>} : memref<64x1x128xf32, #tpu.memory_space<vmem>>, vector<16xf32>,
      tpu.vector_store %arg12[%swap3A_1332, %swap3A_1333, %swap3A_1334], %mul3A_1187 {strides = array<i32>} : memref<64x1x128xf32, #tpu.memory_space<vmem>>, vector<16xf32>,
      %swap3A_1336 = arith.constant 0 : i32
      %swap3A_1337 = arith.index_cast %scan3A_1141 : i32 to index
      %swap3A_1338 = arith.index_cast %swap3A_1336 : i32 to index
      %swap3A_1339 = arith.constant 32 : index
      %swap3A_1340 = tpu.vector_load %arg12[%swap3A_1337, %swap3A_1338, %swap3A_1339] {strides = array<i32>} : memref<64x1x128xf32, #tpu.memory_space<vmem>>, vector<16xf32>,
      tpu.vector_store %arg12[%swap3A_1337, %swap3A_1338, %swap3A_1339], %mul3A_1210 {strides = array<i32>} : memref<64x1x128xf32, #tpu.memory_space<vmem>>, vector<16xf32>,
      %swap3A_1341 = arith.constant 0 : i32
      %swap3A_1342 = arith.index_cast %scan3A_1141 : i32 to index
      %swap3A_1343 = arith.index_cast %swap3A_1341 : i32 to index
      %swap3A_1344 = arith.constant 48 : index
      %swap3A_1345 = tpu.vector_load %arg12[%swap3A_1342, %swap3A_1343, %swap3A_1344] {strides = array<i32>} : memref<64x1x128xf32, #tpu.memory_space<vmem>>, vector<16xf32>,
      tpu.vector_store %arg12[%swap3A_1342, %swap3A_1343, %swap3A_1344], %mul3A_1233 {strides = array<i32>} : memref<64x1x128xf32, #tpu.memory_space<vmem>>, vector<16xf32>,
      %swap3A_1346 = arith.constant 0 : i32
      %swap3A_1347 = arith.index_cast %scan3A_1141 : i32 to index
      %swap3A_1348 = arith.index_cast %swap3A_1346 : i32 to index
      %swap3A_1349 = arith.constant 64 : index
      %swap3A_1350 = tpu.vector_load %arg12[%swap3A_1347, %swap3A_1348, %swap3A_1349] {strides = array<i32>} : memref<64x1x128xf32, #tpu.memory_space<vmem>>, vector<16xf32>,
      tpu.vector_store %arg12[%swap3A_1347, %swap3A_1348, %swap3A_1349], %mul3A_1256 {strides = array<i32>} : memref<64x1x128xf32, #tpu.memory_space<vmem>>, vector<16xf32>,
      %swap3A_1351 = arith.constant 0 : i32
      %swap3A_1352 = arith.index_cast %scan3A_1141 : i32 to index
      %swap3A_1353 = arith.index_cast %swap3A_1351 : i32 to index
      %swap3A_1354 = arith.constant 80 : index
      %swap3A_1355 = tpu.vector_load %arg12[%swap3A_1352, %swap3A_1353, %swap3A_1354] {strides = array<i32>} : memref<64x1x128xf32, #tpu.memory_space<vmem>>, vector<16xf32>,
      tpu.vector_store %arg12[%swap3A_1352, %swap3A_1353, %swap3A_1354], %mul3A_1279 {strides = array<i32>} : memref<64x1x128xf32, #tpu.memory_space<vmem>>, vector<16xf32>,
      %swap3A_1356 = arith.constant 0 : i32
      %swap3A_1357 = arith.index_cast %scan3A_1141 : i32 to index
      %swap3A_1358 = arith.index_cast %swap3A_1356 : i32 to index
      %swap3A_1359 = arith.constant 96 : index
      %swap3A_1360 = tpu.vector_load %arg12[%swap3A_1357, %swap3A_1358, %swap3A_1359] {strides = array<i32>} : memref<64x1x128xf32, #tpu.memory_space<vmem>>, vector<16xf32>,
      tpu.vector_store %arg12[%swap3A_1357, %swap3A_1358, %swap3A_1359], %mul3A_1302 {strides = array<i32>} : memref<64x1x128xf32, #tpu.memory_space<vmem>>, vector<16xf32>,
      %swap3A_1361 = arith.constant 0 : i32
      %swap3A_1362 = arith.index_cast %scan3A_1141 : i32 to index
      %swap3A_1363 = arith.index_cast %swap3A_1361 : i32 to index
      %swap3A_1364 = arith.constant 112 : index
      %swap3A_1365 = tpu.vector_load %arg12[%swap3A_1362, %swap3A_1363, %swap3A_1364] {strides = array<i32>} : memref<64x1x128xf32, #tpu.memory_space<vmem>>, vector<16xf32>,
      tpu.vector_store %arg12[%swap3A_1362, %swap3A_1363, %swap3A_1364], %mul3A_1325 {strides = array<i32>} : memref<64x1x128xf32, #tpu.memory_space<vmem>>, vector<16xf32>,
      %scan3A_1366 = arith.constant 1 : i32
      %scan3A_1367 = arith.addi %scan3A_1141, %scan3A_1366 : i32
      %get3A_1368 = arith.index_cast %scan3A_1367 : i32 to index
      %get3A_1369 = arith.constant 0 : index
      %get3A_1370 = tpu.vector_load %arg10[%get3A_1368, %get3A_1369] {strides = array<i32>} : memref<256x128xf32, #tpu.memory_space<vmem>>, vector<16xf32>,
      %add3A_1371 = arith.constant 64 : i32
      %add3A_1372 = arith.addi %add3A_1371, %scan3A_1367 : i32
      %get3A_1373 = arith.index_cast %add3A_1372 : i32 to index
      %get3A_1374 = arith.constant 0 : index
      %get3A_1375 = tpu.vector_load %arg10[%get3A_1373, %get3A_1374] {strides = array<i32>} : memref<256x128xf32, #tpu.memory_space<vmem>>, vector<16xf32>,
      %add3A_1376 = arith.addf %get3A_1370, %get3A_1375 : vector<16xf32>
      %add3A_1377 = arith.constant 128 : i32
      %add3A_1378 = arith.addi %add3A_1377, %scan3A_1367 : i32
      %get3A_1379 = arith.index_cast %add3A_1378 : i32 to index
      %get3A_1380 = arith.constant 0 : index
      %get3A_1381 = tpu.vector_load %arg10[%get3A_1379, %get3A_1380] {strides = array<i32>} : memref<256x128xf32, #tpu.memory_space<vmem>>, vector<16xf32>,
      %add3A_1382 = arith.constant 192 : i32
      %add3A_1383 = arith.addi %add3A_1382, %scan3A_1367 : i32
      %get3A_1384 = arith.index_cast %add3A_1383 : i32 to index
      %get3A_1385 = arith.constant 0 : index
      %get3A_1386 = tpu.vector_load %arg10[%get3A_1384, %get3A_1385] {strides = array<i32>} : memref<256x128xf32, #tpu.memory_space<vmem>>, vector<16xf32>,
      %add3A_1387 = arith.addf %get3A_1381, %get3A_1386 : vector<16xf32>
      %add3A_1388 = arith.addf %add3A_1376, %add3A_1387 : vector<16xf32>
      %mul3A_1389 = vector.broadcast %scan3A_1063 : f32 to vector<16xf32>
      %mul3A_1390 = arith.mulf %add3A_1388, %mul3A_1389 : vector<16xf32>
      %get3A_1391 = arith.index_cast %scan3A_1367 : i32 to index
      %get3A_1392 = arith.constant 16 : index
      %get3A_1393 = tpu.vector_load %arg10[%get3A_1391, %get3A_1392] {strides = array<i32>} : memref<256x128xf32, #tpu.memory_space<vmem>>, vector<16xf32>,
      %add3A_1394 = arith.constant 64 : i32
      %add3A_1395 = arith.addi %add3A_1394, %scan3A_1367 : i32
      %get3A_1396 = arith.index_cast %add3A_1395 : i32 to index
      %get3A_1397 = arith.constant 16 : index
      %get3A_1398 = tpu.vector_load %arg10[%get3A_1396, %get3A_1397] {strides = array<i32>} : memref<256x128xf32, #tpu.memory_space<vmem>>, vector<16xf32>,
      %add3A_1399 = arith.addf %get3A_1393, %get3A_1398 : vector<16xf32>
      %add3A_1400 = arith.constant 128 : i32
      %add3A_1401 = arith.addi %add3A_1400, %scan3A_1367 : i32
      %get3A_1402 = arith.index_cast %add3A_1401 : i32 to index
      %get3A_1403 = arith.constant 16 : index
      %get3A_1404 = tpu.vector_load %arg10[%get3A_1402, %get3A_1403] {strides = array<i32>} : memref<256x128xf32, #tpu.memory_space<vmem>>, vector<16xf32>,
      %add3A_1405 = arith.constant 192 : i32
      %add3A_1406 = arith.addi %add3A_1405, %scan3A_1367 : i32
      %get3A_1407 = arith.index_cast %add3A_1406 : i32 to index
      %get3A_1408 = arith.constant 16 : index
      %get3A_1409 = tpu.vector_load %arg10[%get3A_1407, %get3A_1408] {strides = array<i32>} : memref<256x128xf32, #tpu.memory_space<vmem>>, vector<16xf32>,
      %add3A_1410 = arith.addf %get3A_1404, %get3A_1409 : vector<16xf32>
      %add3A_1411 = arith.addf %add3A_1399, %add3A_1410 : vector<16xf32>
      %mul3A_1412 = vector.broadcast %scan3A_1063 : f32 to vector<16xf32>
      %mul3A_1413 = arith.mulf %add3A_1411, %mul3A_1412 : vector<16xf32>
      %get3A_1414 = arith.index_cast %scan3A_1367 : i32 to index
      %get3A_1415 = arith.constant 32 : index
      %get3A_1416 = tpu.vector_load %arg10[%get3A_1414, %get3A_1415] {strides = array<i32>} : memref<256x128xf32, #tpu.memory_space<vmem>>, vector<16xf32>,
      %add3A_1417 = arith.constant 64 : i32
      %add3A_1418 = arith.addi %add3A_1417, %scan3A_1367 : i32
      %get3A_1419 = arith.index_cast %add3A_1418 : i32 to index
      %get3A_1420 = arith.constant 32 : index
      %get3A_1421 = tpu.vector_load %arg10[%get3A_1419, %get3A_1420] {strides = array<i32>} : memref<256x128xf32, #tpu.memory_space<vmem>>, vector<16xf32>,
      %add3A_1422 = arith.addf %get3A_1416, %get3A_1421 : vector<16xf32>
      %add3A_1423 = arith.constant 128 : i32
      %add3A_1424 = arith.addi %add3A_1423, %scan3A_1367 : i32
      %get3A_1425 = arith.index_cast %add3A_1424 : i32 to index
      %get3A_1426 = arith.constant 32 : index
      %get3A_1427 = tpu.vector_load %arg10[%get3A_1425, %get3A_1426] {strides = array<i32>} : memref<256x128xf32, #tpu.memory_space<vmem>>, vector<16xf32>,
      %add3A_1428 = arith.constant 192 : i32
      %add3A_1429 = arith.addi %add3A_1428, %scan3A_1367 : i32
      %get3A_1430 = arith.index_cast %add3A_1429 : i32 to index
      %get3A_1431 = arith.constant 32 : index
      %get3A_1432 = tpu.vector_load %arg10[%get3A_1430, %get3A_1431] {strides = array<i32>} : memref<256x128xf32, #tpu.memory_space<vmem>>, vector<16xf32>,
      %add3A_1433 = arith.addf %get3A_1427, %get3A_1432 : vector<16xf32>
      %add3A_1434 = arith.addf %add3A_1422, %add3A_1433 : vector<16xf32>
      %mul3A_1435 = vector.broadcast %scan3A_1063 : f32 to vector<16xf32>
      %mul3A_1436 = arith.mulf %add3A_1434, %mul3A_1435 : vector<16xf32>
      %get3A_1437 = arith.index_cast %scan3A_1367 : i32 to index
      %get3A_1438 = arith.constant 48 : index
      %get3A_1439 = tpu.vector_load %arg10[%get3A_1437, %get3A_1438] {strides = array<i32>} : memref<256x128xf32, #tpu.memory_space<vmem>>, vector<16xf32>,
      %add3A_1440 = arith.constant 64 : i32
      %add3A_1441 = arith.addi %add3A_1440, %scan3A_1367 : i32
      %get3A_1442 = arith.index_cast %add3A_1441 : i32 to index
      %get3A_1443 = arith.constant 48 : index
      %get3A_1444 = tpu.vector_load %arg10[%get3A_1442, %get3A_1443] {strides = array<i32>} : memref<256x128xf32, #tpu.memory_space<vmem>>, vector<16xf32>,
      %add3A_1445 = arith.addf %get3A_1439, %get3A_1444 : vector<16xf32>
      %add3A_1446 = arith.constant 128 : i32
      %add3A_1447 = arith.addi %add3A_1446, %scan3A_1367 : i32
      %get3A_1448 = arith.index_cast %add3A_1447 : i32 to index
      %get3A_1449 = arith.constant 48 : index
      %get3A_1450 = tpu.vector_load %arg10[%get3A_1448, %get3A_1449] {strides = array<i32>} : memref<256x128xf32, #tpu.memory_space<vmem>>, vector<16xf32>,
      %add3A_1451 = arith.constant 192 : i32
      %add3A_1452 = arith.addi %add3A_1451, %scan3A_1367 : i32
      %get3A_1453 = arith.index_cast %add3A_1452 : i32 to index
      %get3A_1454 = arith.constant 48 : index
      %get3A_1455 = tpu.vector_load %arg10[%get3A_1453, %get3A_1454] {strides = array<i32>} : memref<256x128xf32, #tpu.memory_space<vmem>>, vector<16xf32>,
      %add3A_1456 = arith.addf %get3A_1450, %get3A_1455 : vector<16xf32>
      %add3A_1457 = arith.addf %add3A_1445, %add3A_1456 : vector<16xf32>
      %mul3A_1458 = vector.broadcast %scan3A_1063 : f32 to vector<16xf32>
      %mul3A_1459 = arith.mulf %add3A_1457, %mul3A_1458 : vector<16xf32>
      %get3A_1460 = arith.index_cast %scan3A_1367 : i32 to index
      %get3A_1461 = arith.constant 64 : index
      %get3A_1462 = tpu.vector_load %arg10[%get3A_1460, %get3A_1461] {strides = array<i32>} : memref<256x128xf32, #tpu.memory_space<vmem>>, vector<16xf32>,
      %add3A_1463 = arith.constant 64 : i32
      %add3A_1464 = arith.addi %add3A_1463, %scan3A_1367 : i32
      %get3A_1465 = arith.index_cast %add3A_1464 : i32 to index
      %get3A_1466 = arith.constant 64 : index
      %get3A_1467 = tpu.vector_load %arg10[%get3A_1465, %get3A_1466] {strides = array<i32>} : memref<256x128xf32, #tpu.memory_space<vmem>>, vector<16xf32>,
      %add3A_1468 = arith.addf %get3A_1462, %get3A_1467 : vector<16xf32>
      %add3A_1469 = arith.constant 128 : i32
      %add3A_1470 = arith.addi %add3A_1469, %scan3A_1367 : i32
      %get3A_1471 = arith.index_cast %add3A_1470 : i32 to index
      %get3A_1472 = arith.constant 64 : index
      %get3A_1473 = tpu.vector_load %arg10[%get3A_1471, %get3A_1472] {strides = array<i32>} : memref<256x128xf32, #tpu.memory_space<vmem>>, vector<16xf32>,
      %add3A_1474 = arith.constant 192 : i32
      %add3A_1475 = arith.addi %add3A_1474, %scan3A_1367 : i32
      %get3A_1476 = arith.index_cast %add3A_1475 : i32 to index
      %get3A_1477 = arith.constant 64 : index
      %get3A_1478 = tpu.vector_load %arg10[%get3A_1476, %get3A_1477] {strides = array<i32>} : memref<256x128xf32, #tpu.memory_space<vmem>>, vector<16xf32>,
      %add3A_1479 = arith.addf %get3A_1473, %get3A_1478 : vector<16xf32>
      %add3A_1480 = arith.addf %add3A_1468, %add3A_1479 : vector<16xf32>
      %mul3A_1481 = vector.broadcast %scan3A_1063 : f32 to vector<16xf32>
      %mul3A_1482 = arith.mulf %add3A_1480, %mul3A_1481 : vector<16xf32>
      %get3A_1483 = arith.index_cast %scan3A_1367 : i32 to index
      %get3A_1484 = arith.constant 80 : index
      %get3A_1485 = tpu.vector_load %arg10[%get3A_1483, %get3A_1484] {strides = array<i32>} : memref<256x128xf32, #tpu.memory_space<vmem>>, vector<16xf32>,
      %add3A_1486 = arith.constant 64 : i32
      %add3A_1487 = arith.addi %add3A_1486, %scan3A_1367 : i32
      %get3A_1488 = arith.index_cast %add3A_1487 : i32 to index
      %get3A_1489 = arith.constant 80 : index
      %get3A_1490 = tpu.vector_load %arg10[%get3A_1488, %get3A_1489] {strides = array<i32>} : memref<256x128xf32, #tpu.memory_space<vmem>>, vector<16xf32>,
      %add3A_1491 = arith.addf %get3A_1485, %get3A_1490 : vector<16xf32>
      %add3A_1492 = arith.constant 128 : i32
      %add3A_1493 = arith.addi %add3A_1492, %scan3A_1367 : i32
      %get3A_1494 = arith.index_cast %add3A_1493 : i32 to index
      %get3A_1495 = arith.constant 80 : index
      %get3A_1496 = tpu.vector_load %arg10[%get3A_1494, %get3A_1495] {strides = array<i32>} : memref<256x128xf32, #tpu.memory_space<vmem>>, vector<16xf32>,
      %add3A_1497 = arith.constant 192 : i32
      %add3A_1498 = arith.addi %add3A_1497, %scan3A_1367 : i32
      %get3A_1499 = arith.index_cast %add3A_1498 : i32 to index
      %get3A_1500 = arith.constant 80 : index
      %get3A_1501 = tpu.vector_load %arg10[%get3A_1499, %get3A_1500] {strides = array<i32>} : memref<256x128xf32, #tpu.memory_space<vmem>>, vector<16xf32>,
      %add3A_1502 = arith.addf %get3A_1496, %get3A_1501 : vector<16xf32>
      %add3A_1503 = arith.addf %add3A_1491, %add3A_1502 : vector<16xf32>
      %mul3A_1504 = vector.broadcast %scan3A_1063 : f32 to vector<16xf32>
      %mul3A_1505 = arith.mulf %add3A_1503, %mul3A_1504 : vector<16xf32>
      %get3A_1506 = arith.index_cast %scan3A_1367 : i32 to index
      %get3A_1507 = arith.constant 96 : index
      %get3A_1508 = tpu.vector_load %arg10[%get3A_1506, %get3A_1507] {strides = array<i32>} : memref<256x128xf32, #tpu.memory_space<vmem>>, vector<16xf32>,
      %add3A_1509 = arith.constant 64 : i32
      %add3A_1510 = arith.addi %add3A_1509, %scan3A_1367 : i32
      %get3A_1511 = arith.index_cast %add3A_1510 : i32 to index
      %get3A_1512 = arith.constant 96 : index
      %get3A_1513 = tpu.vector_load %arg10[%get3A_1511, %get3A_1512] {strides = array<i32>} : memref<256x128xf32, #tpu.memory_space<vmem>>, vector<16xf32>,
      %add3A_1514 = arith.addf %get3A_1508, %get3A_1513 : vector<16xf32>
      %add3A_1515 = arith.constant 128 : i32
      %add3A_1516 = arith.addi %add3A_1515, %scan3A_1367 : i32
      %get3A_1517 = arith.index_cast %add3A_1516 : i32 to index
      %get3A_1518 = arith.constant 96 : index
      %get3A_1519 = tpu.vector_load %arg10[%get3A_1517, %get3A_1518] {strides = array<i32>} : memref<256x128xf32, #tpu.memory_space<vmem>>, vector<16xf32>,
      %add3A_1520 = arith.constant 192 : i32
      %add3A_1521 = arith.addi %add3A_1520, %scan3A_1367 : i32
      %get3A_1522 = arith.index_cast %add3A_1521 : i32 to index
      %get3A_1523 = arith.constant 96 : index
      %get3A_1524 = tpu.vector_load %arg10[%get3A_1522, %get3A_1523] {strides = array<i32>} : memref<256x128xf32, #tpu.memory_space<vmem>>, vector<16xf32>,
      %add3A_1525 = arith.addf %get3A_1519, %get3A_1524 : vector<16xf32>
      %add3A_1526 = arith.addf %add3A_1514, %add3A_1525 : vector<16xf32>
      %mul3A_1527 = vector.broadcast %scan3A_1063 : f32 to vector<16xf32>
      %mul3A_1528 = arith.mulf %add3A_1526, %mul3A_1527 : vector<16xf32>
      %get3A_1529 = arith.index_cast %scan3A_1367 : i32 to index
      %get3A_1530 = arith.constant 112 : index
      %get3A_1531 = tpu.vector_load %arg10[%get3A_1529, %get3A_1530] {strides = array<i32>} : memref<256x128xf32, #tpu.memory_space<vmem>>, vector<16xf32>,
      %add3A_1532 = arith.constant 64 : i32
      %add3A_1533 = arith.addi %add3A_1532, %scan3A_1367 : i32
      %get3A_1534 = arith.index_cast %add3A_1533 : i32 to index
      %get3A_1535 = arith.constant 112 : index
      %get3A_1536 = tpu.vector_load %arg10[%get3A_1534, %get3A_1535] {strides = array<i32>} : memref<256x128xf32, #tpu.memory_space<vmem>>, vector<16xf32>,
      %add3A_1537 = arith.addf %get3A_1531, %get3A_1536 : vector<16xf32>
      %add3A_1538 = arith.constant 128 : i32
      %add3A_1539 = arith.addi %add3A_1538, %scan3A_1367 : i32
      %get3A_1540 = arith.index_cast %add3A_1539 : i32 to index
      %get3A_1541 = arith.constant 112 : index
      %get3A_1542 = tpu.vector_load %arg10[%get3A_1540, %get3A_1541] {strides = array<i32>} : memref<256x128xf32, #tpu.memory_space<vmem>>, vector<16xf32>,
      %add3A_1543 = arith.constant 192 : i32
      %add3A_1544 = arith.addi %add3A_1543, %scan3A_1367 : i32
      %get3A_1545 = arith.index_cast %add3A_1544 : i32 to index
      %get3A_1546 = arith.constant 112 : index
      %get3A_1547 = tpu.vector_load %arg10[%get3A_1545, %get3A_1546] {strides = array<i32>} : memref<256x128xf32, #tpu.memory_space<vmem>>, vector<16xf32>,
      %add3A_1548 = arith.addf %get3A_1542, %get3A_1547 : vector<16xf32>
      %add3A_1549 = arith.addf %add3A_1537, %add3A_1548 : vector<16xf32>
      %mul3A_1550 = vector.broadcast %scan3A_1063 : f32 to vector<16xf32>
      %mul3A_1551 = arith.mulf %add3A_1549, %mul3A_1550 : vector<16xf32>
      %swap3A_1552 = arith.constant 0 : i32
      %swap3A_1553 = arith.index_cast %scan3A_1367 : i32 to index
      %swap3A_1554 = arith.index_cast %swap3A_1552 : i32 to index
      %swap3A_1555 = arith.constant 0 : index
      %swap3A_1556 = tpu.vector_load %arg12[%swap3A_1553, %swap3A_1554, %swap3A_1555] {strides = array<i32>} : memref<64x1x128xf32, #tpu.memory_space<vmem>>, vector<16xf32>,
      tpu.vector_store %arg12[%swap3A_1553, %swap3A_1554, %swap3A_1555], %mul3A_1390 {strides = array<i32>} : memref<64x1x128xf32, #tpu.memory_space<vmem>>, vector<16xf32>,
      %swap3A_1557 = arith.constant 0 : i32
      %swap3A_1558 = arith.index_cast %scan3A_1367 : i32 to index
      %swap3A_1559 = arith.index_cast %swap3A_1557 : i32 to index
      %swap3A_1560 = arith.constant 16 : index
      %swap3A_1561 = tpu.vector_load %arg12[%swap3A_1558, %swap3A_1559, %swap3A_1560] {strides = array<i32>} : memref<64x1x128xf32, #tpu.memory_space<vmem>>, vector<16xf32>,
      tpu.vector_store %arg12[%swap3A_1558, %swap3A_1559, %swap3A_1560], %mul3A_1413 {strides = array<i32>} : memref<64x1x128xf32, #tpu.memory_space<vmem>>, vector<16xf32>,
      %swap3A_1562 = arith.constant 0 : i32
      %swap3A_1563 = arith.index_cast %scan3A_1367 : i32 to index
      %swap3A_1564 = arith.index_cast %swap3A_1562 : i32 to index
      %swap3A_1565 = arith.constant 32 : index
      %swap3A_1566 = tpu.vector_load %arg12[%swap3A_1563, %swap3A_1564, %swap3A_1565] {strides = array<i32>} : memref<64x1x128xf32, #tpu.memory_space<vmem>>, vector<16xf32>,
      tpu.vector_store %arg12[%swap3A_1563, %swap3A_1564, %swap3A_1565], %mul3A_1436 {strides = array<i32>} : memref<64x1x128xf32, #tpu.memory_space<vmem>>, vector<16xf32>,
      %swap3A_1567 = arith.constant 0 : i32
      %swap3A_1568 = arith.index_cast %scan3A_1367 : i32 to index
      %swap3A_1569 = arith.index_cast %swap3A_1567 : i32 to index
      %swap3A_1570 = arith.constant 48 : index
      %swap3A_1571 = tpu.vector_load %arg12[%swap3A_1568, %swap3A_1569, %swap3A_1570] {strides = array<i32>} : memref<64x1x128xf32, #tpu.memory_space<vmem>>, vector<16xf32>,
      tpu.vector_store %arg12[%swap3A_1568, %swap3A_1569, %swap3A_1570], %mul3A_1459 {strides = array<i32>} : memref<64x1x128xf32, #tpu.memory_space<vmem>>, vector<16xf32>,
      %swap3A_1572 = arith.constant 0 : i32
      %swap3A_1573 = arith.index_cast %scan3A_1367 : i32 to index
      %swap3A_1574 = arith.index_cast %swap3A_1572 : i32 to index
      %swap3A_1575 = arith.constant 64 : index
      %swap3A_1576 = tpu.vector_load %arg12[%swap3A_1573, %swap3A_1574, %swap3A_1575] {strides = array<i32>} : memref<64x1x128xf32, #tpu.memory_space<vmem>>, vector<16xf32>,
      tpu.vector_store %arg12[%swap3A_1573, %swap3A_1574, %swap3A_1575], %mul3A_1482 {strides = array<i32>} : memref<64x1x128xf32, #tpu.memory_space<vmem>>, vector<16xf32>,
      %swap3A_1577 = arith.constant 0 : i32
      %swap3A_1578 = arith.index_cast %scan3A_1367 : i32 to index
      %swap3A_1579 = arith.index_cast %swap3A_1577 : i32 to index
      %swap3A_1580 = arith.constant 80 : index
      %swap3A_1581 = tpu.vector_load %arg12[%swap3A_1578, %swap3A_1579, %swap3A_1580] {strides = array<i32>} : memref<64x1x128xf32, #tpu.memory_space<vmem>>, vector<16xf32>,
      tpu.vector_store %arg12[%swap3A_1578, %swap3A_1579, %swap3A_1580], %mul3A_1505 {strides = array<i32>} : memref<64x1x128xf32, #tpu.memory_space<vmem>>, vector<16xf32>,
      %swap3A_1582 = arith.constant 0 : i32
      %swap3A_1583 = arith.index_cast %scan3A_1367 : i32 to index
      %swap3A_1584 = arith.index_cast %swap3A_1582 : i32 to index
      %swap3A_1585 = arith.constant 96 : index
      %swap3A_1586 = tpu.vector_load %arg12[%swap3A_1583, %swap3A_1584, %swap3A_1585] {strides = array<i32>} : memref<64x1x128xf32, #tpu.memory_space<vmem>>, vector<16xf32>,
      tpu.vector_store %arg12[%swap3A_1583, %swap3A_1584, %swap3A_1585], %mul3A_1528 {strides = array<i32>} : memref<64x1x128xf32, #tpu.memory_space<vmem>>, vector<16xf32>,
      %swap3A_1587 = arith.constant 0 : i32
      %swap3A_1588 = arith.index_cast %scan3A_1367 : i32 to index
      %swap3A_1589 = arith.index_cast %swap3A_1587 : i32 to index
      %swap3A_1590 = arith.constant 112 : index
      %swap3A_1591 = tpu.vector_load %arg12[%swap3A_1588, %swap3A_1589, %swap3A_1590] {strides = array<i32>} : memref<64x1x128xf32, #tpu.memory_space<vmem>>, vector<16xf32>,
      tpu.vector_store %arg12[%swap3A_1588, %swap3A_1589, %swap3A_1590], %mul3A_1551 {strides = array<i32>} : memref<64x1x128xf32, #tpu.memory_space<vmem>>, vector<16xf32>,
    }
    %scan3A_1068 = arith.constant 64 : i32
    %dma_start3A_1069 = arith.constant 0 : i32
    %dma_start3A_1070 = arith.constant 0 : i32
    %dma_start3A_1071 = arith.constant 0 : i32
    %dma_start3A_1072 = tpu.memref_slice %arg10[%dma_start3A_1070, %dma_start3A_1071] : memref<256x128xf32, #tpu.memory_space<vmem>> -> memref<128x128xf32, #tpu.memory_space<vmem>>
    %dma_start3A_1073 = arith.constant 0 : i32
    %dma_start3A_1074 = tpu.memref_slice %arg8[%dma_start3A_1069, %dma_start3A_1073] : memref<2x128xi32, #tpu.memory_space<vmem>> -> memref<1x128xi32, #tpu.memory_space<vmem>>
    %dma_start3A_1075 = tpu.memref_squeeze %dma_start3A_1074 : memref<1x128xi32, #tpu.memory_space<vmem>> -> memref<128xi32, #tpu.memory_space<vmem>>
    %dma_start3A_1076 = arith.constant 0 : i32
    %dma_start3A_1077 = arith.constant 0 : i32
    %dma_start3A_1078 = tpu.memref_slice %arg13[%dma_start3A_1076, %dma_start3A_1077] : memref<4000x128xf32, #tpu.memory_space<vmem_shared>> -> memref<4000x128xf32, #tpu.memory_space<vmem_shared>>
    tpu.enqueue_indirect_dma source(%dma_start3A_1078 : memref<4000x128xf32, #tpu.memory_space<vmem_shared>>) target(%dma_start3A_1072 : memref<128x128xf32, #tpu.memory_space<vmem>>) offsets(%dma_start3A_1075 : memref<128xi32, #tpu.memory_space<vmem>>) semaphore(%arg17 : memref<!tpu.dma_semaphore, #tpu.memory_space<semaphore_mem>>)
    %dma_start3A_1079 = arith.constant 1 : i32
    %dma_start3A_1080 = arith.constant 128 : i32
    %dma_start3A_1081 = arith.constant 0 : i32
    %dma_start3A_1082 = tpu.memref_slice %arg10[%dma_start3A_1080, %dma_start3A_1081] : memref<256x128xf32, #tpu.memory_space<vmem>> -> memref<128x128xf32, #tpu.memory_space<vmem>>
    %dma_start3A_1083 = arith.constant 0 : i32
    %dma_start3A_1084 = tpu.memref_slice %arg8[%dma_start3A_1079, %dma_start3A_1083] : memref<2x128xi32, #tpu.memory_space<vmem>> -> memref<1x128xi32, #tpu.memory_space<vmem>>
    %dma_start3A_1085 = tpu.memref_squeeze %dma_start3A_1084 : memref<1x128xi32, #tpu.memory_space<vmem>> -> memref<128xi32, #tpu.memory_space<vmem>>
    %dma_start3A_1086 = arith.constant 0 : i32
    %dma_start3A_1087 = arith.constant 0 : i32
    %dma_start3A_1088 = tpu.memref_slice %arg13[%dma_start3A_1086, %dma_start3A_1087] : memref<4000x128xf32, #tpu.memory_space<vmem_shared>> -> memref<4000x128xf32, #tpu.memory_space<vmem_shared>>
    tpu.enqueue_indirect_dma source(%dma_start3A_1088 : memref<4000x128xf32, #tpu.memory_space<vmem_shared>>) target(%dma_start3A_1082 : memref<128x128xf32, #tpu.memory_space<vmem>>) offsets(%dma_start3A_1085 : memref<128xi32, #tpu.memory_space<vmem>>) semaphore(%arg17 : memref<!tpu.dma_semaphore, #tpu.memory_space<semaphore_mem>>)
    %shift_right_logical3A_1089 = arith.constant 1 : i32
    %shift_right_logical3A_1090 = arith.constant 1 : i32
    %shift_right_logical3A_1091 = arith.shrui %shift_right_logical3A_1089, %shift_right_logical3A_1090 : i32
    %and3A_1092 = arith.constant 1 : i32
    %and3A_1093 = arith.constant 1 : i32
    %and3A_1094 = arith.andi %and3A_1092, %and3A_1093 : i32
    %mul3A_1095 = arith.constant 128 : i32
    %mul3A_1096 = arith.muli %add3A, %mul3A_1095 : i32
    %mul3A_1097 = arith.constant 64 : i32
    %mul3A_1098 = arith.muli %and3A_1094, %mul3A_1097 : i32
    %add3A_1099 = arith.addi %mul3A_1096, %mul3A_1098 : i32
    %dma_start3A_1100 = arith.constant 0 : i32
    %dma_start3A_1101 = tpu.memref_slice %arg4[%add3A_1099, %shift_right_logical3A_1091, %dma_start3A_1100] : memref<4096x200x128xf32, #tpu.memory_space<hbm>> -> memref<64x1x128xf32, #tpu.memory_space<hbm>>
    %dma_start3A_1102 = arith.constant 0 : i32
    %dma_start3A_1103 = tpu.memref_slice %arg4[%add3A_1099, %shift_right_logical3A_1091, %dma_start3A_1102] : memref<4096x200x128xf32, #tpu.memory_space<hbm>> -> memref<64x1x128xf32, #tpu.memory_space<hbm>>
    tpu.enqueue_dma source(%arg12 : memref<64x1x128xf32, #tpu.memory_space<vmem>>) target(%dma_start3A_1103 : memref<64x1x128xf32, #tpu.memory_space<hbm>>) target_semaphore(%arg19 : memref<!tpu.dma_semaphore, #tpu.memory_space<semaphore_mem>>)
    %scan3A_1104 = arith.constant 0 : i32
    %scan3A_1105 = arith.constant 2.500000e-01 : f32
    %scan3A_1106 = arith.constant 1 : i32
    %scan3A_1107 = arith.constant 199 : i32
    %scan3A_1108 = arith.addi %scan3A_1106, %scan3A_1107 : i32
    %scan3A_1109 = arith.constant 1 : i32
    scf.for %scan3A_1141 = %scan3A_1106 to %scan3A_1108 step %scan3A_1109  : i32 {
      %mul3A_1142 = arith.constant 2 : i32
      %mul3A_1143 = arith.muli %mul3A_1142, %scan3A_1141 : i32
      %dma_wait3A_1144 = arith.constant 0 : i32
      %dma_wait3A_1145 = arith.constant 0 : i32
      %dma_wait3A_1146 = arith.constant 0 : i32
      %dma_wait3A_1147 = tpu.memref_slice %arg9[%dma_wait3A_1145, %dma_wait3A_1146] : memref<256x128xf32, #tpu.memory_space<vmem>> -> memref<128x128xf32, #tpu.memory_space<vmem>>
      %dma_wait3A_1148 = arith.constant 0 : i32
      %dma_wait3A_1149 = tpu.memref_slice %arg7[%dma_wait3A_1144, %dma_wait3A_1148] : memref<2x128xi32, #tpu.memory_space<vmem>> -> memref<1x128xi32, #tpu.memory_space<vmem>>
      %dma_wait3A_1150 = tpu.memref_squeeze %dma_wait3A_1149 : memref<1x128xi32, #tpu.memory_space<vmem>> -> memref<128xi32, #tpu.memory_space<vmem>>
      %dma_wait3A_1151 = arith.constant 0 : i32
      %dma_wait3A_1152 = arith.constant 0 : i32
      %dma_wait3A_1153 = tpu.memref_slice %arg13[%dma_wait3A_1151, %dma_wait3A_1152] : memref<4000x128xf32, #tpu.memory_space<vmem_shared>> -> memref<4000x128xf32, #tpu.memory_space<vmem_shared>>
      tpu.wait_indirect_dma semaphore(%arg16 : memref<!tpu.dma_semaphore, #tpu.memory_space<semaphore_mem>>) src(%dma_wait3A_1153 : memref<4000x128xf32, #tpu.memory_space<vmem_shared>>) dst(%dma_wait3A_1147 : memref<128x128xf32, #tpu.memory_space<vmem>>)
      %dma_wait3A_1154 = arith.constant 1 : i32
      %dma_wait3A_1155 = arith.constant 128 : i32
      %dma_wait3A_1156 = arith.constant 0 : i32
      %dma_wait3A_1157 = tpu.memref_slice %arg9[%dma_wait3A_1155, %dma_wait3A_1156] : memref<256x128xf32, #tpu.memory_space<vmem>> -> memref<128x128xf32, #tpu.memory_space<vmem>>
      %dma_wait3A_1158 = arith.constant 0 : i32
      %dma_wait3A_1159 = tpu.memref_slice %arg7[%dma_wait3A_1154, %dma_wait3A_1158] : memref<2x128xi32, #tpu.memory_space<vmem>> -> memref<1x128xi32, #tpu.memory_space<vmem>>
      %dma_wait3A_1160 = tpu.memref_squeeze %dma_wait3A_1159 : memref<1x128xi32, #tpu.memory_space<vmem>> -> memref<128xi32, #tpu.memory_space<vmem>>
      %dma_wait3A_1161 = arith.constant 0 : i32
      %dma_wait3A_1162 = arith.constant 0 : i32
      %dma_wait3A_1163 = tpu.memref_slice %arg13[%dma_wait3A_1161, %dma_wait3A_1162] : memref<4000x128xf32, #tpu.memory_space<vmem_shared>> -> memref<4000x128xf32, #tpu.memory_space<vmem_shared>>
      tpu.wait_indirect_dma semaphore(%arg16 : memref<!tpu.dma_semaphore, #tpu.memory_space<semaphore_mem>>) src(%dma_wait3A_1163 : memref<4000x128xf32, #tpu.memory_space<vmem_shared>>) dst(%dma_wait3A_1157 : memref<128x128xf32, #tpu.memory_space<vmem>>)
      %add3A_1164 = arith.constant 2 : i32
      %add3A_1165 = arith.addi %mul3A_1143, %add3A_1164 : i32
      %lt3A_1166 = arith.constant 400 : i32
      %lt3A_1167 = arith.cmpi slt, %add3A_1165, %lt3A_1166 : i32
      %convert_element_type3A_1168 = arith.extui %lt3A_1167 : i1 to i32
      %cond3A_1169 = arith.constant 0 : i32
      %cond3A_1170 = arith.cmpi ne, %convert_element_type3A_1168, %cond3A_1169 : i32
      scf.if %cond3A_1170 {
        %add3A_1294 = arith.constant 2 : i32
        %add3A_1295 = arith.addi %mul3A_1143, %add3A_1294 : i32
        %shift_right_logical3A_1296 = arith.constant 1 : i32
        %shift_right_logical3A_1297 = arith.shrui %add3A_1295, %shift_right_logical3A_1296 : i32
        %mul3A_1298 = arith.constant 32 : i32
        %mul3A_1299 = arith.muli %shift_right_logical3A_1297, %mul3A_1298 : i32
        %add3A_1300 = arith.addi %mul3A_1299, %add3A : i32
        %mul3A_1301 = arith.constant 4 : i32
        %mul3A_1302 = arith.muli %add3A_1300, %mul3A_1301 : i32
        %dma_wait3A_1303 = arith.constant 0 : i32
        %dma_wait3A_1304 = tpu.memref_slice %arg2[%mul3A_1302, %dma_wait3A_1303] : memref<25600x128xi32, #tpu.memory_space<hbm>> -> memref<4x128xi32, #tpu.memory_space<hbm>>
        %dma_wait3A_1305 = arith.constant 0 : i32
        %dma_wait3A_1306 = tpu.memref_slice %arg2[%mul3A_1302, %dma_wait3A_1305] : memref<25600x128xi32, #tpu.memory_space<hbm>> -> memref<4x128xi32, #tpu.memory_space<hbm>>
        tpu.wait_dma2 semaphore(%arg14 : memref<!tpu.dma_semaphore, #tpu.memory_space<semaphore_mem>>) src(%dma_wait3A_1306 : memref<4x128xi32, #tpu.memory_space<hbm>>) dst(%arg5 : memref<4x128xi32, #tpu.memory_space<vmem>>)
        %add3A_1307 = arith.constant 2 : i32
        %add3A_1308 = arith.addi %mul3A_1143, %add3A_1307 : i32
        %and3A_1309 = arith.constant 1 : i32
        %and3A_1310 = arith.andi %add3A_1308, %and3A_1309 : i32
        %mul3A_1311 = arith.constant 64 : i32
        %mul3A_1312 = arith.muli %and3A_1310, %mul3A_1311 : i32
        %add3A_1313 = arith.constant 0 : i32
        %add3A_1314 = arith.addi %mul3A_1312, %add3A_1313 : i32
        %get3A_1315 = arith.constant 0 : i32
        %get3A_1316 = arith.index_cast %get3A_1315 : i32 to index
        %get3A_1317 = arith.index_cast %add3A_1314 : i32 to index
        %get3A_1318 = tpu.vector_load %arg5[%get3A_1316, %get3A_1317] {strides = array<i32>} : memref<4x128xi32, #tpu.memory_space<vmem>>, vector<16xi32>,
        %add3A_1319 = arith.constant 0 : i32
        %add3A_1320 = vector.broadcast %add3A_1319 : i32 to vector<16xi32>
        %add3A_1321 = arith.addi %get3A_1318, %add3A_1320 : vector<16xi32>
        %swap3A_1322 = arith.constant 0 : i32
        %swap3A_1323 = arith.index_cast %swap3A_1322 : i32 to index
        %swap3A_1324 = arith.constant 0 : index
        %swap3A_1325 = tpu.vector_load %arg7[%swap3A_1323, %swap3A_1324] {strides = array<i32>} : memref<2x128xi32, #tpu.memory_space<vmem>>, vector<16xi32>,
        tpu.vector_store %arg7[%swap3A_1323, %swap3A_1324], %add3A_1321 {strides = array<i32>} : memref<2x128xi32, #tpu.memory_space<vmem>>, vector<16xi32>,
        %add3A_1326 = arith.constant 16 : i32
        %add3A_1327 = arith.addi %mul3A_1312, %add3A_1326 : i32
        %get3A_1328 = arith.constant 0 : i32
        %get3A_1329 = arith.index_cast %get3A_1328 : i32 to index
        %get3A_1330 = arith.index_cast %add3A_1327 : i32 to index
        %get3A_1331 = tpu.vector_load %arg5[%get3A_1329, %get3A_1330] {strides = array<i32>} : memref<4x128xi32, #tpu.memory_space<vmem>>, vector<16xi32>,
        %add3A_1332 = arith.constant 0 : i32
        %add3A_1333 = vector.broadcast %add3A_1332 : i32 to vector<16xi32>
        %add3A_1334 = arith.addi %get3A_1331, %add3A_1333 : vector<16xi32>
        %swap3A_1335 = arith.constant 0 : i32
        %swap3A_1336 = arith.index_cast %swap3A_1335 : i32 to index
        %swap3A_1337 = arith.constant 16 : index
        %swap3A_1338 = tpu.vector_load %arg7[%swap3A_1336, %swap3A_1337] {strides = array<i32>} : memref<2x128xi32, #tpu.memory_space<vmem>>, vector<16xi32>,
        tpu.vector_store %arg7[%swap3A_1336, %swap3A_1337], %add3A_1334 {strides = array<i32>} : memref<2x128xi32, #tpu.memory_space<vmem>>, vector<16xi32>,
        %add3A_1339 = arith.constant 32 : i32
        %add3A_1340 = arith.addi %mul3A_1312, %add3A_1339 : i32
        %get3A_1341 = arith.constant 0 : i32
        %get3A_1342 = arith.index_cast %get3A_1341 : i32 to index
        %get3A_1343 = arith.index_cast %add3A_1340 : i32 to index
        %get3A_1344 = tpu.vector_load %arg5[%get3A_1342, %get3A_1343] {strides = array<i32>} : memref<4x128xi32, #tpu.memory_space<vmem>>, vector<16xi32>,
        %add3A_1345 = arith.constant 0 : i32
        %add3A_1346 = vector.broadcast %add3A_1345 : i32 to vector<16xi32>
        %add3A_1347 = arith.addi %get3A_1344, %add3A_1346 : vector<16xi32>
        %swap3A_1348 = arith.constant 0 : i32
        %swap3A_1349 = arith.index_cast %swap3A_1348 : i32 to index
        %swap3A_1350 = arith.constant 32 : index
        %swap3A_1351 = tpu.vector_load %arg7[%swap3A_1349, %swap3A_1350] {strides = array<i32>} : memref<2x128xi32, #tpu.memory_space<vmem>>, vector<16xi32>,
        tpu.vector_store %arg7[%swap3A_1349, %swap3A_1350], %add3A_1347 {strides = array<i32>} : memref<2x128xi32, #tpu.memory_space<vmem>>, vector<16xi32>,
        %add3A_1352 = arith.constant 48 : i32
        %add3A_1353 = arith.addi %mul3A_1312, %add3A_1352 : i32
        %get3A_1354 = arith.constant 0 : i32
        %get3A_1355 = arith.index_cast %get3A_1354 : i32 to index
        %get3A_1356 = arith.index_cast %add3A_1353 : i32 to index
        %get3A_1357 = tpu.vector_load %arg5[%get3A_1355, %get3A_1356] {strides = array<i32>} : memref<4x128xi32, #tpu.memory_space<vmem>>, vector<16xi32>,
        %add3A_1358 = arith.constant 0 : i32
        %add3A_1359 = vector.broadcast %add3A_1358 : i32 to vector<16xi32>
        %add3A_1360 = arith.addi %get3A_1357, %add3A_1359 : vector<16xi32>
        %swap3A_1361 = arith.constant 0 : i32
        %swap3A_1362 = arith.index_cast %swap3A_1361 : i32 to index
        %swap3A_1363 = arith.constant 48 : index
        %swap3A_1364 = tpu.vector_load %arg7[%swap3A_1362, %swap3A_1363] {strides = array<i32>} : memref<2x128xi32, #tpu.memory_space<vmem>>, vector<16xi32>,
        tpu.vector_store %arg7[%swap3A_1362, %swap3A_1363], %add3A_1360 {strides = array<i32>} : memref<2x128xi32, #tpu.memory_space<vmem>>, vector<16xi32>,
        %add3A_1365 = arith.constant 0 : i32
        %add3A_1366 = arith.addi %mul3A_1312, %add3A_1365 : i32
        %get3A_1367 = arith.constant 1 : i32
        %get3A_1368 = arith.index_cast %get3A_1367 : i32 to index
        %get3A_1369 = arith.index_cast %add3A_1366 : i32 to index
        %get3A_1370 = tpu.vector_load %arg5[%get3A_1368, %get3A_1369] {strides = array<i32>} : memref<4x128xi32, #tpu.memory_space<vmem>>, vector<16xi32>,
        %add3A_1371 = arith.constant 1000 : i32
        %add3A_1372 = vector.broadcast %add3A_1371 : i32 to vector<16xi32>
        %add3A_1373 = arith.addi %get3A_1370, %add3A_1372 : vector<16xi32>
        %swap3A_1374 = arith.constant 0 : i32
        %swap3A_1375 = arith.index_cast %swap3A_1374 : i32 to index
        %swap3A_1376 = arith.constant 64 : index
        %swap3A_1377 = tpu.vector_load %arg7[%swap3A_1375, %swap3A_1376] {strides = array<i32>} : memref<2x128xi32, #tpu.memory_space<vmem>>, vector<16xi32>,
        tpu.vector_store %arg7[%swap3A_1375, %swap3A_1376], %add3A_1373 {strides = array<i32>} : memref<2x128xi32, #tpu.memory_space<vmem>>, vector<16xi32>,
        %add3A_1378 = arith.constant 16 : i32
        %add3A_1379 = arith.addi %mul3A_1312, %add3A_1378 : i32
        %get3A_1380 = arith.constant 1 : i32
        %get3A_1381 = arith.index_cast %get3A_1380 : i32 to index
        %get3A_1382 = arith.index_cast %add3A_1379 : i32 to index
        %get3A_1383 = tpu.vector_load %arg5[%get3A_1381, %get3A_1382] {strides = array<i32>} : memref<4x128xi32, #tpu.memory_space<vmem>>, vector<16xi32>,
        %add3A_1384 = arith.constant 1000 : i32
        %add3A_1385 = vector.broadcast %add3A_1384 : i32 to vector<16xi32>
        %add3A_1386 = arith.addi %get3A_1383, %add3A_1385 : vector<16xi32>
        %swap3A_1387 = arith.constant 0 : i32
        %swap3A_1388 = arith.index_cast %swap3A_1387 : i32 to index
        %swap3A_1389 = arith.constant 80 : index
        %swap3A_1390 = tpu.vector_load %arg7[%swap3A_1388, %swap3A_1389] {strides = array<i32>} : memref<2x128xi32, #tpu.memory_space<vmem>>, vector<16xi32>,
        tpu.vector_store %arg7[%swap3A_1388, %swap3A_1389], %add3A_1386 {strides = array<i32>} : memref<2x128xi32, #tpu.memory_space<vmem>>, vector<16xi32>,
        %add3A_1391 = arith.constant 32 : i32
        %add3A_1392 = arith.addi %mul3A_1312, %add3A_1391 : i32
        %get3A_1393 = arith.constant 1 : i32
        %get3A_1394 = arith.index_cast %get3A_1393 : i32 to index
        %get3A_1395 = arith.index_cast %add3A_1392 : i32 to index
        %get3A_1396 = tpu.vector_load %arg5[%get3A_1394, %get3A_1395] {strides = array<i32>} : memref<4x128xi32, #tpu.memory_space<vmem>>, vector<16xi32>,
        %add3A_1397 = arith.constant 1000 : i32
        %add3A_1398 = vector.broadcast %add3A_1397 : i32 to vector<16xi32>
        %add3A_1399 = arith.addi %get3A_1396, %add3A_1398 : vector<16xi32>
        %swap3A_1400 = arith.constant 0 : i32
        %swap3A_1401 = arith.index_cast %swap3A_1400 : i32 to index
        %swap3A_1402 = arith.constant 96 : index
        %swap3A_1403 = tpu.vector_load %arg7[%swap3A_1401, %swap3A_1402] {strides = array<i32>} : memref<2x128xi32, #tpu.memory_space<vmem>>, vector<16xi32>,
        tpu.vector_store %arg7[%swap3A_1401, %swap3A_1402], %add3A_1399 {strides = array<i32>} : memref<2x128xi32, #tpu.memory_space<vmem>>, vector<16xi32>,
        %add3A_1404 = arith.constant 48 : i32
        %add3A_1405 = arith.addi %mul3A_1312, %add3A_1404 : i32
        %get3A_1406 = arith.constant 1 : i32
        %get3A_1407 = arith.index_cast %get3A_1406 : i32 to index
        %get3A_1408 = arith.index_cast %add3A_1405 : i32 to index
        %get3A_1409 = tpu.vector_load %arg5[%get3A_1407, %get3A_1408] {strides = array<i32>} : memref<4x128xi32, #tpu.memory_space<vmem>>, vector<16xi32>,
        %add3A_1410 = arith.constant 1000 : i32
        %add3A_1411 = vector.broadcast %add3A_1410 : i32 to vector<16xi32>
        %add3A_1412 = arith.addi %get3A_1409, %add3A_1411 : vector<16xi32>
        %swap3A_1413 = arith.constant 0 : i32
        %swap3A_1414 = arith.index_cast %swap3A_1413 : i32 to index
        %swap3A_1415 = arith.constant 112 : index
        %swap3A_1416 = tpu.vector_load %arg7[%swap3A_1414, %swap3A_1415] {strides = array<i32>} : memref<2x128xi32, #tpu.memory_space<vmem>>, vector<16xi32>,
        tpu.vector_store %arg7[%swap3A_1414, %swap3A_1415], %add3A_1412 {strides = array<i32>} : memref<2x128xi32, #tpu.memory_space<vmem>>, vector<16xi32>,
        %add3A_1417 = arith.constant 0 : i32
        %add3A_1418 = arith.addi %mul3A_1312, %add3A_1417 : i32
        %get3A_1419 = arith.constant 2 : i32
        %get3A_1420 = arith.index_cast %get3A_1419 : i32 to index
        %get3A_1421 = arith.index_cast %add3A_1418 : i32 to index
        %get3A_1422 = tpu.vector_load %arg5[%get3A_1420, %get3A_1421] {strides = array<i32>} : memref<4x128xi32, #tpu.memory_space<vmem>>, vector<16xi32>,
        %add3A_1423 = arith.constant 2000 : i32
        %add3A_1424 = vector.broadcast %add3A_1423 : i32 to vector<16xi32>
        %add3A_1425 = arith.addi %get3A_1422, %add3A_1424 : vector<16xi32>
        %swap3A_1426 = arith.constant 1 : i32
        %swap3A_1427 = arith.index_cast %swap3A_1426 : i32 to index
        %swap3A_1428 = arith.constant 0 : index
        %swap3A_1429 = tpu.vector_load %arg7[%swap3A_1427, %swap3A_1428] {strides = array<i32>} : memref<2x128xi32, #tpu.memory_space<vmem>>, vector<16xi32>,
        tpu.vector_store %arg7[%swap3A_1427, %swap3A_1428], %add3A_1425 {strides = array<i32>} : memref<2x128xi32, #tpu.memory_space<vmem>>, vector<16xi32>,
        %add3A_1430 = arith.constant 16 : i32
        %add3A_1431 = arith.addi %mul3A_1312, %add3A_1430 : i32
        %get3A_1432 = arith.constant 2 : i32
        %get3A_1433 = arith.index_cast %get3A_1432 : i32 to index
        %get3A_1434 = arith.index_cast %add3A_1431 : i32 to index
        %get3A_1435 = tpu.vector_load %arg5[%get3A_1433, %get3A_1434] {strides = array<i32>} : memref<4x128xi32, #tpu.memory_space<vmem>>, vector<16xi32>,
        %add3A_1436 = arith.constant 2000 : i32
        %add3A_1437 = vector.broadcast %add3A_1436 : i32 to vector<16xi32>
        %add3A_1438 = arith.addi %get3A_1435, %add3A_1437 : vector<16xi32>
        %swap3A_1439 = arith.constant 1 : i32
        %swap3A_1440 = arith.index_cast %swap3A_1439 : i32 to index
        %swap3A_1441 = arith.constant 16 : index
        %swap3A_1442 = tpu.vector_load %arg7[%swap3A_1440, %swap3A_1441] {strides = array<i32>} : memref<2x128xi32, #tpu.memory_space<vmem>>, vector<16xi32>,
        tpu.vector_store %arg7[%swap3A_1440, %swap3A_1441], %add3A_1438 {strides = array<i32>} : memref<2x128xi32, #tpu.memory_space<vmem>>, vector<16xi32>,
        %add3A_1443 = arith.constant 32 : i32
        %add3A_1444 = arith.addi %mul3A_1312, %add3A_1443 : i32
        %get3A_1445 = arith.constant 2 : i32
        %get3A_1446 = arith.index_cast %get3A_1445 : i32 to index
        %get3A_1447 = arith.index_cast %add3A_1444 : i32 to index
        %get3A_1448 = tpu.vector_load %arg5[%get3A_1446, %get3A_1447] {strides = array<i32>} : memref<4x128xi32, #tpu.memory_space<vmem>>, vector<16xi32>,
        %add3A_1449 = arith.constant 2000 : i32
        %add3A_1450 = vector.broadcast %add3A_1449 : i32 to vector<16xi32>
        %add3A_1451 = arith.addi %get3A_1448, %add3A_1450 : vector<16xi32>
        %swap3A_1452 = arith.constant 1 : i32
        %swap3A_1453 = arith.index_cast %swap3A_1452 : i32 to index
        %swap3A_1454 = arith.constant 32 : index
        %swap3A_1455 = tpu.vector_load %arg7[%swap3A_1453, %swap3A_1454] {strides = array<i32>} : memref<2x128xi32, #tpu.memory_space<vmem>>, vector<16xi32>,
        tpu.vector_store %arg7[%swap3A_1453, %swap3A_1454], %add3A_1451 {strides = array<i32>} : memref<2x128xi32, #tpu.memory_space<vmem>>, vector<16xi32>,
        %add3A_1456 = arith.constant 48 : i32
        %add3A_1457 = arith.addi %mul3A_1312, %add3A_1456 : i32
        %get3A_1458 = arith.constant 2 : i32
        %get3A_1459 = arith.index_cast %get3A_1458 : i32 to index
        %get3A_1460 = arith.index_cast %add3A_1457 : i32 to index
        %get3A_1461 = tpu.vector_load %arg5[%get3A_1459, %get3A_1460] {strides = array<i32>} : memref<4x128xi32, #tpu.memory_space<vmem>>, vector<16xi32>,
        %add3A_1462 = arith.constant 2000 : i32
        %add3A_1463 = vector.broadcast %add3A_1462 : i32 to vector<16xi32>
        %add3A_1464 = arith.addi %get3A_1461, %add3A_1463 : vector<16xi32>
        %swap3A_1465 = arith.constant 1 : i32
        %swap3A_1466 = arith.index_cast %swap3A_1465 : i32 to index
        %swap3A_1467 = arith.constant 48 : index
        %swap3A_1468 = tpu.vector_load %arg7[%swap3A_1466, %swap3A_1467] {strides = array<i32>} : memref<2x128xi32, #tpu.memory_space<vmem>>, vector<16xi32>,
        tpu.vector_store %arg7[%swap3A_1466, %swap3A_1467], %add3A_1464 {strides = array<i32>} : memref<2x128xi32, #tpu.memory_space<vmem>>, vector<16xi32>,
        %add3A_1469 = arith.constant 0 : i32
        %add3A_1470 = arith.addi %mul3A_1312, %add3A_1469 : i32
        %get3A_1471 = arith.constant 3 : i32
        %get3A_1472 = arith.index_cast %get3A_1471 : i32 to index
        %get3A_1473 = arith.index_cast %add3A_1470 : i32 to index
        %get3A_1474 = tpu.vector_load %arg5[%get3A_1472, %get3A_1473] {strides = array<i32>} : memref<4x128xi32, #tpu.memory_space<vmem>>, vector<16xi32>,
        %add3A_1475 = arith.constant 3000 : i32
        %add3A_1476 = vector.broadcast %add3A_1475 : i32 to vector<16xi32>
        %add3A_1477 = arith.addi %get3A_1474, %add3A_1476 : vector<16xi32>
        %swap3A_1478 = arith.constant 1 : i32
        %swap3A_1479 = arith.index_cast %swap3A_1478 : i32 to index
        %swap3A_1480 = arith.constant 64 : index
        %swap3A_1481 = tpu.vector_load %arg7[%swap3A_1479, %swap3A_1480] {strides = array<i32>} : memref<2x128xi32, #tpu.memory_space<vmem>>, vector<16xi32>,
        tpu.vector_store %arg7[%swap3A_1479, %swap3A_1480], %add3A_1477 {strides = array<i32>} : memref<2x128xi32, #tpu.memory_space<vmem>>, vector<16xi32>,
        %add3A_1482 = arith.constant 16 : i32
        %add3A_1483 = arith.addi %mul3A_1312, %add3A_1482 : i32
        %get3A_1484 = arith.constant 3 : i32
        %get3A_1485 = arith.index_cast %get3A_1484 : i32 to index
        %get3A_1486 = arith.index_cast %add3A_1483 : i32 to index
        %get3A_1487 = tpu.vector_load %arg5[%get3A_1485, %get3A_1486] {strides = array<i32>} : memref<4x128xi32, #tpu.memory_space<vmem>>, vector<16xi32>,
        %add3A_1488 = arith.constant 3000 : i32
        %add3A_1489 = vector.broadcast %add3A_1488 : i32 to vector<16xi32>
        %add3A_1490 = arith.addi %get3A_1487, %add3A_1489 : vector<16xi32>
        %swap3A_1491 = arith.constant 1 : i32
        %swap3A_1492 = arith.index_cast %swap3A_1491 : i32 to index
        %swap3A_1493 = arith.constant 80 : index
        %swap3A_1494 = tpu.vector_load %arg7[%swap3A_1492, %swap3A_1493] {strides = array<i32>} : memref<2x128xi32, #tpu.memory_space<vmem>>, vector<16xi32>,
        tpu.vector_store %arg7[%swap3A_1492, %swap3A_1493], %add3A_1490 {strides = array<i32>} : memref<2x128xi32, #tpu.memory_space<vmem>>, vector<16xi32>,
        %add3A_1495 = arith.constant 32 : i32
        %add3A_1496 = arith.addi %mul3A_1312, %add3A_1495 : i32
        %get3A_1497 = arith.constant 3 : i32
        %get3A_1498 = arith.index_cast %get3A_1497 : i32 to index
        %get3A_1499 = arith.index_cast %add3A_1496 : i32 to index
        %get3A_1500 = tpu.vector_load %arg5[%get3A_1498, %get3A_1499] {strides = array<i32>} : memref<4x128xi32, #tpu.memory_space<vmem>>, vector<16xi32>,
        %add3A_1501 = arith.constant 3000 : i32
        %add3A_1502 = vector.broadcast %add3A_1501 : i32 to vector<16xi32>
        %add3A_1503 = arith.addi %get3A_1500, %add3A_1502 : vector<16xi32>
        %swap3A_1504 = arith.constant 1 : i32
        %swap3A_1505 = arith.index_cast %swap3A_1504 : i32 to index
        %swap3A_1506 = arith.constant 96 : index
        %swap3A_1507 = tpu.vector_load %arg7[%swap3A_1505, %swap3A_1506] {strides = array<i32>} : memref<2x128xi32, #tpu.memory_space<vmem>>, vector<16xi32>,
        tpu.vector_store %arg7[%swap3A_1505, %swap3A_1506], %add3A_1503 {strides = array<i32>} : memref<2x128xi32, #tpu.memory_space<vmem>>, vector<16xi32>,
        %add3A_1508 = arith.constant 48 : i32
        %add3A_1509 = arith.addi %mul3A_1312, %add3A_1508 : i32
        %get3A_1510 = arith.constant 3 : i32
        %get3A_1511 = arith.index_cast %get3A_1510 : i32 to index
        %get3A_1512 = arith.index_cast %add3A_1509 : i32 to index
        %get3A_1513 = tpu.vector_load %arg5[%get3A_1511, %get3A_1512] {strides = array<i32>} : memref<4x128xi32, #tpu.memory_space<vmem>>, vector<16xi32>,
        %add3A_1514 = arith.constant 3000 : i32
        %add3A_1515 = vector.broadcast %add3A_1514 : i32 to vector<16xi32>
        %add3A_1516 = arith.addi %get3A_1513, %add3A_1515 : vector<16xi32>
        %swap3A_1517 = arith.constant 1 : i32
        %swap3A_1518 = arith.index_cast %swap3A_1517 : i32 to index
        %swap3A_1519 = arith.constant 112 : index
        %swap3A_1520 = tpu.vector_load %arg7[%swap3A_1518, %swap3A_1519] {strides = array<i32>} : memref<2x128xi32, #tpu.memory_space<vmem>>, vector<16xi32>,
        tpu.vector_store %arg7[%swap3A_1518, %swap3A_1519], %add3A_1516 {strides = array<i32>} : memref<2x128xi32, #tpu.memory_space<vmem>>, vector<16xi32>,
      } else {
      }
      %add3A_1171 = arith.constant 4 : i32
      %add3A_1172 = arith.addi %mul3A_1143, %add3A_1171 : i32
      %lt3A_1173 = arith.constant 400 : i32
      %lt3A_1174 = arith.cmpi slt, %add3A_1172, %lt3A_1173 : i32
      %convert_element_type3A_1175 = arith.extui %lt3A_1174 : i1 to i32
      %cond3A_1176 = arith.constant 0 : i32
      %cond3A_1177 = arith.cmpi ne, %convert_element_type3A_1175, %cond3A_1176 : i32
      scf.if %cond3A_1177 {
        %add3A_1294 = arith.constant 4 : i32
        %add3A_1295 = arith.addi %mul3A_1143, %add3A_1294 : i32
        %shift_right_logical3A_1296 = arith.constant 1 : i32
        %shift_right_logical3A_1297 = arith.shrui %add3A_1295, %shift_right_logical3A_1296 : i32
        %mul3A_1298 = arith.constant 32 : i32
        %mul3A_1299 = arith.muli %shift_right_logical3A_1297, %mul3A_1298 : i32
        %add3A_1300 = arith.addi %mul3A_1299, %add3A : i32
        %mul3A_1301 = arith.constant 4 : i32
        %mul3A_1302 = arith.muli %add3A_1300, %mul3A_1301 : i32
        %dma_start3A_1303 = arith.constant 0 : i32
        %dma_start3A_1304 = tpu.memref_slice %arg2[%mul3A_1302, %dma_start3A_1303] : memref<25600x128xi32, #tpu.memory_space<hbm>> -> memref<4x128xi32, #tpu.memory_space<hbm>>
        %dma_start3A_1305 = arith.constant 0 : i32
        %dma_start3A_1306 = tpu.memref_slice %arg2[%mul3A_1302, %dma_start3A_1305] : memref<25600x128xi32, #tpu.memory_space<hbm>> -> memref<4x128xi32, #tpu.memory_space<hbm>>
        tpu.enqueue_dma source(%dma_start3A_1306 : memref<4x128xi32, #tpu.memory_space<hbm>>) target(%arg5 : memref<4x128xi32, #tpu.memory_space<vmem>>) target_semaphore(%arg14 : memref<!tpu.dma_semaphore, #tpu.memory_space<semaphore_mem>>)
      } else {
      }
      %shift_right_logical3A_1178 = arith.constant 1 : i32
      %shift_right_logical3A_1179 = arith.shrui %mul3A_1143, %shift_right_logical3A_1178 : i32
      %and3A_1180 = arith.constant 1 : i32
      %and3A_1181 = arith.andi %mul3A_1143, %and3A_1180 : i32
      %mul3A_1182 = arith.constant 128 : i32
      %mul3A_1183 = arith.muli %add3A, %mul3A_1182 : i32
      %mul3A_1184 = arith.constant 64 : i32
      %mul3A_1185 = arith.muli %and3A_1181, %mul3A_1184 : i32
      %add3A_1186 = arith.addi %mul3A_1183, %mul3A_1185 : i32
      %dma_wait3A_1187 = arith.constant 0 : i32
      %dma_wait3A_1188 = tpu.memref_slice %arg4[%add3A_1186, %shift_right_logical3A_1179, %dma_wait3A_1187] : memref<4096x200x128xf32, #tpu.memory_space<hbm>> -> memref<64x1x128xf32, #tpu.memory_space<hbm>>
      %dma_wait3A_1189 = arith.constant 0 : i32
      %dma_wait3A_1190 = tpu.memref_slice %arg4[%add3A_1186, %shift_right_logical3A_1179, %dma_wait3A_1189] : memref<4096x200x128xf32, #tpu.memory_space<hbm>> -> memref<64x1x128xf32, #tpu.memory_space<hbm>>
      tpu.wait_dma2 semaphore(%arg18 : memref<!tpu.dma_semaphore, #tpu.memory_space<semaphore_mem>>) src(%arg11 : memref<64x1x128xf32, #tpu.memory_space<vmem>>) dst(%dma_wait3A_1190 : memref<64x1x128xf32, #tpu.memory_space<hbm>>)
      %scan3A_1191 = arith.constant 0 : i32
      %scan3A_1192 = arith.constant 0 : i32
      %scan3A_1193 = arith.constant 64 : i32
      %scan3A_1194 = arith.addi %scan3A_1192, %scan3A_1193 : i32
      %scan3A_1195 = arith.constant 2 : i32
      scf.for %scan3A_1294 = %scan3A_1192 to %scan3A_1194 step %scan3A_1195  : i32 {
        %get3A_1295 = arith.index_cast %scan3A_1294 : i32 to index
        %get3A_1296 = arith.constant 0 : index
        %get3A_1297 = tpu.vector_load %arg9[%get3A_1295, %get3A_1296] {strides = array<i32>} : memref<256x128xf32, #tpu.memory_space<vmem>>, vector<16xf32>,
        %add3A_1298 = arith.constant 64 : i32
        %add3A_1299 = arith.addi %add3A_1298, %scan3A_1294 : i32
        %get3A_1300 = arith.index_cast %add3A_1299 : i32 to index
        %get3A_1301 = arith.constant 0 : index
        %get3A_1302 = tpu.vector_load %arg9[%get3A_1300, %get3A_1301] {strides = array<i32>} : memref<256x128xf32, #tpu.memory_space<vmem>>, vector<16xf32>,
        %add3A_1303 = arith.addf %get3A_1297, %get3A_1302 : vector<16xf32>
        %add3A_1304 = arith.constant 128 : i32
        %add3A_1305 = arith.addi %add3A_1304, %scan3A_1294 : i32
        %get3A_1306 = arith.index_cast %add3A_1305 : i32 to index
        %get3A_1307 = arith.constant 0 : index
        %get3A_1308 = tpu.vector_load %arg9[%get3A_1306, %get3A_1307] {strides = array<i32>} : memref<256x128xf32, #tpu.memory_space<vmem>>, vector<16xf32>,
        %add3A_1309 = arith.constant 192 : i32
        %add3A_1310 = arith.addi %add3A_1309, %scan3A_1294 : i32
        %get3A_1311 = arith.index_cast %add3A_1310 : i32 to index
        %get3A_1312 = arith.constant 0 : index
        %get3A_1313 = tpu.vector_load %arg9[%get3A_1311, %get3A_1312] {strides = array<i32>} : memref<256x128xf32, #tpu.memory_space<vmem>>, vector<16xf32>,
        %add3A_1314 = arith.addf %get3A_1308, %get3A_1313 : vector<16xf32>
        %add3A_1315 = arith.addf %add3A_1303, %add3A_1314 : vector<16xf32>
        %mul3A_1316 = vector.broadcast %scan3A_1105 : f32 to vector<16xf32>
        %mul3A_1317 = arith.mulf %add3A_1315, %mul3A_1316 : vector<16xf32>
        %get3A_1318 = arith.index_cast %scan3A_1294 : i32 to index
        %get3A_1319 = arith.constant 16 : index
        %get3A_1320 = tpu.vector_load %arg9[%get3A_1318, %get3A_1319] {strides = array<i32>} : memref<256x128xf32, #tpu.memory_space<vmem>>, vector<16xf32>,
        %add3A_1321 = arith.constant 64 : i32
        %add3A_1322 = arith.addi %add3A_1321, %scan3A_1294 : i32
        %get3A_1323 = arith.index_cast %add3A_1322 : i32 to index
        %get3A_1324 = arith.constant 16 : index
        %get3A_1325 = tpu.vector_load %arg9[%get3A_1323, %get3A_1324] {strides = array<i32>} : memref<256x128xf32, #tpu.memory_space<vmem>>, vector<16xf32>,
        %add3A_1326 = arith.addf %get3A_1320, %get3A_1325 : vector<16xf32>
        %add3A_1327 = arith.constant 128 : i32
        %add3A_1328 = arith.addi %add3A_1327, %scan3A_1294 : i32
        %get3A_1329 = arith.index_cast %add3A_1328 : i32 to index
        %get3A_1330 = arith.constant 16 : index
        %get3A_1331 = tpu.vector_load %arg9[%get3A_1329, %get3A_1330] {strides = array<i32>} : memref<256x128xf32, #tpu.memory_space<vmem>>, vector<16xf32>,
        %add3A_1332 = arith.constant 192 : i32
        %add3A_1333 = arith.addi %add3A_1332, %scan3A_1294 : i32
        %get3A_1334 = arith.index_cast %add3A_1333 : i32 to index
        %get3A_1335 = arith.constant 16 : index
        %get3A_1336 = tpu.vector_load %arg9[%get3A_1334, %get3A_1335] {strides = array<i32>} : memref<256x128xf32, #tpu.memory_space<vmem>>, vector<16xf32>,
        %add3A_1337 = arith.addf %get3A_1331, %get3A_1336 : vector<16xf32>
        %add3A_1338 = arith.addf %add3A_1326, %add3A_1337 : vector<16xf32>
        %mul3A_1339 = vector.broadcast %scan3A_1105 : f32 to vector<16xf32>
        %mul3A_1340 = arith.mulf %add3A_1338, %mul3A_1339 : vector<16xf32>
        %get3A_1341 = arith.index_cast %scan3A_1294 : i32 to index
        %get3A_1342 = arith.constant 32 : index
        %get3A_1343 = tpu.vector_load %arg9[%get3A_1341, %get3A_1342] {strides = array<i32>} : memref<256x128xf32, #tpu.memory_space<vmem>>, vector<16xf32>,
        %add3A_1344 = arith.constant 64 : i32
        %add3A_1345 = arith.addi %add3A_1344, %scan3A_1294 : i32
        %get3A_1346 = arith.index_cast %add3A_1345 : i32 to index
        %get3A_1347 = arith.constant 32 : index
        %get3A_1348 = tpu.vector_load %arg9[%get3A_1346, %get3A_1347] {strides = array<i32>} : memref<256x128xf32, #tpu.memory_space<vmem>>, vector<16xf32>,
        %add3A_1349 = arith.addf %get3A_1343, %get3A_1348 : vector<16xf32>
        %add3A_1350 = arith.constant 128 : i32
        %add3A_1351 = arith.addi %add3A_1350, %scan3A_1294 : i32
        %get3A_1352 = arith.index_cast %add3A_1351 : i32 to index
        %get3A_1353 = arith.constant 32 : index
        %get3A_1354 = tpu.vector_load %arg9[%get3A_1352, %get3A_1353] {strides = array<i32>} : memref<256x128xf32, #tpu.memory_space<vmem>>, vector<16xf32>,
        %add3A_1355 = arith.constant 192 : i32
        %add3A_1356 = arith.addi %add3A_1355, %scan3A_1294 : i32
        %get3A_1357 = arith.index_cast %add3A_1356 : i32 to index
        %get3A_1358 = arith.constant 32 : index
        %get3A_1359 = tpu.vector_load %arg9[%get3A_1357, %get3A_1358] {strides = array<i32>} : memref<256x128xf32, #tpu.memory_space<vmem>>, vector<16xf32>,
        %add3A_1360 = arith.addf %get3A_1354, %get3A_1359 : vector<16xf32>
        %add3A_1361 = arith.addf %add3A_1349, %add3A_1360 : vector<16xf32>
        %mul3A_1362 = vector.broadcast %scan3A_1105 : f32 to vector<16xf32>
        %mul3A_1363 = arith.mulf %add3A_1361, %mul3A_1362 : vector<16xf32>
        %get3A_1364 = arith.index_cast %scan3A_1294 : i32 to index
        %get3A_1365 = arith.constant 48 : index
        %get3A_1366 = tpu.vector_load %arg9[%get3A_1364, %get3A_1365] {strides = array<i32>} : memref<256x128xf32, #tpu.memory_space<vmem>>, vector<16xf32>,
        %add3A_1367 = arith.constant 64 : i32
        %add3A_1368 = arith.addi %add3A_1367, %scan3A_1294 : i32
        %get3A_1369 = arith.index_cast %add3A_1368 : i32 to index
        %get3A_1370 = arith.constant 48 : index
        %get3A_1371 = tpu.vector_load %arg9[%get3A_1369, %get3A_1370] {strides = array<i32>} : memref<256x128xf32, #tpu.memory_space<vmem>>, vector<16xf32>,
        %add3A_1372 = arith.addf %get3A_1366, %get3A_1371 : vector<16xf32>
        %add3A_1373 = arith.constant 128 : i32
        %add3A_1374 = arith.addi %add3A_1373, %scan3A_1294 : i32
        %get3A_1375 = arith.index_cast %add3A_1374 : i32 to index
        %get3A_1376 = arith.constant 48 : index
        %get3A_1377 = tpu.vector_load %arg9[%get3A_1375, %get3A_1376] {strides = array<i32>} : memref<256x128xf32, #tpu.memory_space<vmem>>, vector<16xf32>,
        %add3A_1378 = arith.constant 192 : i32
        %add3A_1379 = arith.addi %add3A_1378, %scan3A_1294 : i32
        %get3A_1380 = arith.index_cast %add3A_1379 : i32 to index
        %get3A_1381 = arith.constant 48 : index
        %get3A_1382 = tpu.vector_load %arg9[%get3A_1380, %get3A_1381] {strides = array<i32>} : memref<256x128xf32, #tpu.memory_space<vmem>>, vector<16xf32>,
        %add3A_1383 = arith.addf %get3A_1377, %get3A_1382 : vector<16xf32>
        %add3A_1384 = arith.addf %add3A_1372, %add3A_1383 : vector<16xf32>
        %mul3A_1385 = vector.broadcast %scan3A_1105 : f32 to vector<16xf32>
        %mul3A_1386 = arith.mulf %add3A_1384, %mul3A_1385 : vector<16xf32>
        %get3A_1387 = arith.index_cast %scan3A_1294 : i32 to index
        %get3A_1388 = arith.constant 64 : index
        %get3A_1389 = tpu.vector_load %arg9[%get3A_1387, %get3A_1388] {strides = array<i32>} : memref<256x128xf32, #tpu.memory_space<vmem>>, vector<16xf32>,
        %add3A_1390 = arith.constant 64 : i32
        %add3A_1391 = arith.addi %add3A_1390, %scan3A_1294 : i32
        %get3A_1392 = arith.index_cast %add3A_1391 : i32 to index
        %get3A_1393 = arith.constant 64 : index
        %get3A_1394 = tpu.vector_load %arg9[%get3A_1392, %get3A_1393] {strides = array<i32>} : memref<256x128xf32, #tpu.memory_space<vmem>>, vector<16xf32>,
        %add3A_1395 = arith.addf %get3A_1389, %get3A_1394 : vector<16xf32>
        %add3A_1396 = arith.constant 128 : i32
        %add3A_1397 = arith.addi %add3A_1396, %scan3A_1294 : i32
        %get3A_1398 = arith.index_cast %add3A_1397 : i32 to index
        %get3A_1399 = arith.constant 64 : index
        %get3A_1400 = tpu.vector_load %arg9[%get3A_1398, %get3A_1399] {strides = array<i32>} : memref<256x128xf32, #tpu.memory_space<vmem>>, vector<16xf32>,
        %add3A_1401 = arith.constant 192 : i32
        %add3A_1402 = arith.addi %add3A_1401, %scan3A_1294 : i32
        %get3A_1403 = arith.index_cast %add3A_1402 : i32 to index
        %get3A_1404 = arith.constant 64 : index
        %get3A_1405 = tpu.vector_load %arg9[%get3A_1403, %get3A_1404] {strides = array<i32>} : memref<256x128xf32, #tpu.memory_space<vmem>>, vector<16xf32>,
        %add3A_1406 = arith.addf %get3A_1400, %get3A_1405 : vector<16xf32>
        %add3A_1407 = arith.addf %add3A_1395, %add3A_1406 : vector<16xf32>
        %mul3A_1408 = vector.broadcast %scan3A_1105 : f32 to vector<16xf32>
        %mul3A_1409 = arith.mulf %add3A_1407, %mul3A_1408 : vector<16xf32>
        %get3A_1410 = arith.index_cast %scan3A_1294 : i32 to index
        %get3A_1411 = arith.constant 80 : index
        %get3A_1412 = tpu.vector_load %arg9[%get3A_1410, %get3A_1411] {strides = array<i32>} : memref<256x128xf32, #tpu.memory_space<vmem>>, vector<16xf32>,
        %add3A_1413 = arith.constant 64 : i32
        %add3A_1414 = arith.addi %add3A_1413, %scan3A_1294 : i32
        %get3A_1415 = arith.index_cast %add3A_1414 : i32 to index
        %get3A_1416 = arith.constant 80 : index
        %get3A_1417 = tpu.vector_load %arg9[%get3A_1415, %get3A_1416] {strides = array<i32>} : memref<256x128xf32, #tpu.memory_space<vmem>>, vector<16xf32>,
        %add3A_1418 = arith.addf %get3A_1412, %get3A_1417 : vector<16xf32>
        %add3A_1419 = arith.constant 128 : i32
        %add3A_1420 = arith.addi %add3A_1419, %scan3A_1294 : i32
        %get3A_1421 = arith.index_cast %add3A_1420 : i32 to index
        %get3A_1422 = arith.constant 80 : index
        %get3A_1423 = tpu.vector_load %arg9[%get3A_1421, %get3A_1422] {strides = array<i32>} : memref<256x128xf32, #tpu.memory_space<vmem>>, vector<16xf32>,
        %add3A_1424 = arith.constant 192 : i32
        %add3A_1425 = arith.addi %add3A_1424, %scan3A_1294 : i32
        %get3A_1426 = arith.index_cast %add3A_1425 : i32 to index
        %get3A_1427 = arith.constant 80 : index
        %get3A_1428 = tpu.vector_load %arg9[%get3A_1426, %get3A_1427] {strides = array<i32>} : memref<256x128xf32, #tpu.memory_space<vmem>>, vector<16xf32>,
        %add3A_1429 = arith.addf %get3A_1423, %get3A_1428 : vector<16xf32>
        %add3A_1430 = arith.addf %add3A_1418, %add3A_1429 : vector<16xf32>
        %mul3A_1431 = vector.broadcast %scan3A_1105 : f32 to vector<16xf32>
        %mul3A_1432 = arith.mulf %add3A_1430, %mul3A_1431 : vector<16xf32>
        %get3A_1433 = arith.index_cast %scan3A_1294 : i32 to index
        %get3A_1434 = arith.constant 96 : index
        %get3A_1435 = tpu.vector_load %arg9[%get3A_1433, %get3A_1434] {strides = array<i32>} : memref<256x128xf32, #tpu.memory_space<vmem>>, vector<16xf32>,
        %add3A_1436 = arith.constant 64 : i32
        %add3A_1437 = arith.addi %add3A_1436, %scan3A_1294 : i32
        %get3A_1438 = arith.index_cast %add3A_1437 : i32 to index
        %get3A_1439 = arith.constant 96 : index
        %get3A_1440 = tpu.vector_load %arg9[%get3A_1438, %get3A_1439] {strides = array<i32>} : memref<256x128xf32, #tpu.memory_space<vmem>>, vector<16xf32>,
        %add3A_1441 = arith.addf %get3A_1435, %get3A_1440 : vector<16xf32>
        %add3A_1442 = arith.constant 128 : i32
        %add3A_1443 = arith.addi %add3A_1442, %scan3A_1294 : i32
        %get3A_1444 = arith.index_cast %add3A_1443 : i32 to index
        %get3A_1445 = arith.constant 96 : index
        %get3A_1446 = tpu.vector_load %arg9[%get3A_1444, %get3A_1445] {strides = array<i32>} : memref<256x128xf32, #tpu.memory_space<vmem>>, vector<16xf32>,
        %add3A_1447 = arith.constant 192 : i32
        %add3A_1448 = arith.addi %add3A_1447, %scan3A_1294 : i32
        %get3A_1449 = arith.index_cast %add3A_1448 : i32 to index
        %get3A_1450 = arith.constant 96 : index
        %get3A_1451 = tpu.vector_load %arg9[%get3A_1449, %get3A_1450] {strides = array<i32>} : memref<256x128xf32, #tpu.memory_space<vmem>>, vector<16xf32>,
        %add3A_1452 = arith.addf %get3A_1446, %get3A_1451 : vector<16xf32>
        %add3A_1453 = arith.addf %add3A_1441, %add3A_1452 : vector<16xf32>
        %mul3A_1454 = vector.broadcast %scan3A_1105 : f32 to vector<16xf32>
        %mul3A_1455 = arith.mulf %add3A_1453, %mul3A_1454 : vector<16xf32>
        %get3A_1456 = arith.index_cast %scan3A_1294 : i32 to index
        %get3A_1457 = arith.constant 112 : index
        %get3A_1458 = tpu.vector_load %arg9[%get3A_1456, %get3A_1457] {strides = array<i32>} : memref<256x128xf32, #tpu.memory_space<vmem>>, vector<16xf32>,
        %add3A_1459 = arith.constant 64 : i32
        %add3A_1460 = arith.addi %add3A_1459, %scan3A_1294 : i32
        %get3A_1461 = arith.index_cast %add3A_1460 : i32 to index
        %get3A_1462 = arith.constant 112 : index
        %get3A_1463 = tpu.vector_load %arg9[%get3A_1461, %get3A_1462] {strides = array<i32>} : memref<256x128xf32, #tpu.memory_space<vmem>>, vector<16xf32>,
        %add3A_1464 = arith.addf %get3A_1458, %get3A_1463 : vector<16xf32>
        %add3A_1465 = arith.constant 128 : i32
        %add3A_1466 = arith.addi %add3A_1465, %scan3A_1294 : i32
        %get3A_1467 = arith.index_cast %add3A_1466 : i32 to index
        %get3A_1468 = arith.constant 112 : index
        %get3A_1469 = tpu.vector_load %arg9[%get3A_1467, %get3A_1468] {strides = array<i32>} : memref<256x128xf32, #tpu.memory_space<vmem>>, vector<16xf32>,
        %add3A_1470 = arith.constant 192 : i32
        %add3A_1471 = arith.addi %add3A_1470, %scan3A_1294 : i32
        %get3A_1472 = arith.index_cast %add3A_1471 : i32 to index
        %get3A_1473 = arith.constant 112 : index
        %get3A_1474 = tpu.vector_load %arg9[%get3A_1472, %get3A_1473] {strides = array<i32>} : memref<256x128xf32, #tpu.memory_space<vmem>>, vector<16xf32>,
        %add3A_1475 = arith.addf %get3A_1469, %get3A_1474 : vector<16xf32>
        %add3A_1476 = arith.addf %add3A_1464, %add3A_1475 : vector<16xf32>
        %mul3A_1477 = vector.broadcast %scan3A_1105 : f32 to vector<16xf32>
        %mul3A_1478 = arith.mulf %add3A_1476, %mul3A_1477 : vector<16xf32>
        %swap3A_1479 = arith.constant 0 : i32
        %swap3A_1480 = arith.index_cast %scan3A_1294 : i32 to index
        %swap3A_1481 = arith.index_cast %swap3A_1479 : i32 to index
        %swap3A_1482 = arith.constant 0 : index
        %swap3A_1483 = tpu.vector_load %arg11[%swap3A_1480, %swap3A_1481, %swap3A_1482] {strides = array<i32>} : memref<64x1x128xf32, #tpu.memory_space<vmem>>, vector<16xf32>,
        tpu.vector_store %arg11[%swap3A_1480, %swap3A_1481, %swap3A_1482], %mul3A_1317 {strides = array<i32>} : memref<64x1x128xf32, #tpu.memory_space<vmem>>, vector<16xf32>,
        %swap3A_1484 = arith.constant 0 : i32
        %swap3A_1485 = arith.index_cast %scan3A_1294 : i32 to index
        %swap3A_1486 = arith.index_cast %swap3A_1484 : i32 to index
        %swap3A_1487 = arith.constant 16 : index
        %swap3A_1488 = tpu.vector_load %arg11[%swap3A_1485, %swap3A_1486, %swap3A_1487] {strides = array<i32>} : memref<64x1x128xf32, #tpu.memory_space<vmem>>, vector<16xf32>,
        tpu.vector_store %arg11[%swap3A_1485, %swap3A_1486, %swap3A_1487], %mul3A_1340 {strides = array<i32>} : memref<64x1x128xf32, #tpu.memory_space<vmem>>, vector<16xf32>,
        %swap3A_1489 = arith.constant 0 : i32
        %swap3A_1490 = arith.index_cast %scan3A_1294 : i32 to index
        %swap3A_1491 = arith.index_cast %swap3A_1489 : i32 to index
        %swap3A_1492 = arith.constant 32 : index
        %swap3A_1493 = tpu.vector_load %arg11[%swap3A_1490, %swap3A_1491, %swap3A_1492] {strides = array<i32>} : memref<64x1x128xf32, #tpu.memory_space<vmem>>, vector<16xf32>,
        tpu.vector_store %arg11[%swap3A_1490, %swap3A_1491, %swap3A_1492], %mul3A_1363 {strides = array<i32>} : memref<64x1x128xf32, #tpu.memory_space<vmem>>, vector<16xf32>,
        %swap3A_1494 = arith.constant 0 : i32
        %swap3A_1495 = arith.index_cast %scan3A_1294 : i32 to index
        %swap3A_1496 = arith.index_cast %swap3A_1494 : i32 to index
        %swap3A_1497 = arith.constant 48 : index
        %swap3A_1498 = tpu.vector_load %arg11[%swap3A_1495, %swap3A_1496, %swap3A_1497] {strides = array<i32>} : memref<64x1x128xf32, #tpu.memory_space<vmem>>, vector<16xf32>,
        tpu.vector_store %arg11[%swap3A_1495, %swap3A_1496, %swap3A_1497], %mul3A_1386 {strides = array<i32>} : memref<64x1x128xf32, #tpu.memory_space<vmem>>, vector<16xf32>,
        %swap3A_1499 = arith.constant 0 : i32
        %swap3A_1500 = arith.index_cast %scan3A_1294 : i32 to index
        %swap3A_1501 = arith.index_cast %swap3A_1499 : i32 to index
        %swap3A_1502 = arith.constant 64 : index
        %swap3A_1503 = tpu.vector_load %arg11[%swap3A_1500, %swap3A_1501, %swap3A_1502] {strides = array<i32>} : memref<64x1x128xf32, #tpu.memory_space<vmem>>, vector<16xf32>,
        tpu.vector_store %arg11[%swap3A_1500, %swap3A_1501, %swap3A_1502], %mul3A_1409 {strides = array<i32>} : memref<64x1x128xf32, #tpu.memory_space<vmem>>, vector<16xf32>,
        %swap3A_1504 = arith.constant 0 : i32
        %swap3A_1505 = arith.index_cast %scan3A_1294 : i32 to index
        %swap3A_1506 = arith.index_cast %swap3A_1504 : i32 to index
        %swap3A_1507 = arith.constant 80 : index
        %swap3A_1508 = tpu.vector_load %arg11[%swap3A_1505, %swap3A_1506, %swap3A_1507] {strides = array<i32>} : memref<64x1x128xf32, #tpu.memory_space<vmem>>, vector<16xf32>,
        tpu.vector_store %arg11[%swap3A_1505, %swap3A_1506, %swap3A_1507], %mul3A_1432 {strides = array<i32>} : memref<64x1x128xf32, #tpu.memory_space<vmem>>, vector<16xf32>,
        %swap3A_1509 = arith.constant 0 : i32
        %swap3A_1510 = arith.index_cast %scan3A_1294 : i32 to index
        %swap3A_1511 = arith.index_cast %swap3A_1509 : i32 to index
        %swap3A_1512 = arith.constant 96 : index
        %swap3A_1513 = tpu.vector_load %arg11[%swap3A_1510, %swap3A_1511, %swap3A_1512] {strides = array<i32>} : memref<64x1x128xf32, #tpu.memory_space<vmem>>, vector<16xf32>,
        tpu.vector_store %arg11[%swap3A_1510, %swap3A_1511, %swap3A_1512], %mul3A_1455 {strides = array<i32>} : memref<64x1x128xf32, #tpu.memory_space<vmem>>, vector<16xf32>,
        %swap3A_1514 = arith.constant 0 : i32
        %swap3A_1515 = arith.index_cast %scan3A_1294 : i32 to index
        %swap3A_1516 = arith.index_cast %swap3A_1514 : i32 to index
        %swap3A_1517 = arith.constant 112 : index
        %swap3A_1518 = tpu.vector_load %arg11[%swap3A_1515, %swap3A_1516, %swap3A_1517] {strides = array<i32>} : memref<64x1x128xf32, #tpu.memory_space<vmem>>, vector<16xf32>,
        tpu.vector_store %arg11[%swap3A_1515, %swap3A_1516, %swap3A_1517], %mul3A_1478 {strides = array<i32>} : memref<64x1x128xf32, #tpu.memory_space<vmem>>, vector<16xf32>,
        %scan3A_1519 = arith.constant 1 : i32
        %scan3A_1520 = arith.addi %scan3A_1294, %scan3A_1519 : i32
        %get3A_1521 = arith.index_cast %scan3A_1520 : i32 to index
        %get3A_1522 = arith.constant 0 : index
        %get3A_1523 = tpu.vector_load %arg9[%get3A_1521, %get3A_1522] {strides = array<i32>} : memref<256x128xf32, #tpu.memory_space<vmem>>, vector<16xf32>,
        %add3A_1524 = arith.constant 64 : i32
        %add3A_1525 = arith.addi %add3A_1524, %scan3A_1520 : i32
        %get3A_1526 = arith.index_cast %add3A_1525 : i32 to index
        %get3A_1527 = arith.constant 0 : index
        %get3A_1528 = tpu.vector_load %arg9[%get3A_1526, %get3A_1527] {strides = array<i32>} : memref<256x128xf32, #tpu.memory_space<vmem>>, vector<16xf32>,
        %add3A_1529 = arith.addf %get3A_1523, %get3A_1528 : vector<16xf32>
        %add3A_1530 = arith.constant 128 : i32
        %add3A_1531 = arith.addi %add3A_1530, %scan3A_1520 : i32
        %get3A_1532 = arith.index_cast %add3A_1531 : i32 to index
        %get3A_1533 = arith.constant 0 : index
        %get3A_1534 = tpu.vector_load %arg9[%get3A_1532, %get3A_1533] {strides = array<i32>} : memref<256x128xf32, #tpu.memory_space<vmem>>, vector<16xf32>,
        %add3A_1535 = arith.constant 192 : i32
        %add3A_1536 = arith.addi %add3A_1535, %scan3A_1520 : i32
        %get3A_1537 = arith.index_cast %add3A_1536 : i32 to index
        %get3A_1538 = arith.constant 0 : index
        %get3A_1539 = tpu.vector_load %arg9[%get3A_1537, %get3A_1538] {strides = array<i32>} : memref<256x128xf32, #tpu.memory_space<vmem>>, vector<16xf32>,
        %add3A_1540 = arith.addf %get3A_1534, %get3A_1539 : vector<16xf32>
        %add3A_1541 = arith.addf %add3A_1529, %add3A_1540 : vector<16xf32>
        %mul3A_1542 = vector.broadcast %scan3A_1105 : f32 to vector<16xf32>
        %mul3A_1543 = arith.mulf %add3A_1541, %mul3A_1542 : vector<16xf32>
        %get3A_1544 = arith.index_cast %scan3A_1520 : i32 to index
        %get3A_1545 = arith.constant 16 : index
        %get3A_1546 = tpu.vector_load %arg9[%get3A_1544, %get3A_1545] {strides = array<i32>} : memref<256x128xf32, #tpu.memory_space<vmem>>, vector<16xf32>,
        %add3A_1547 = arith.constant 64 : i32
        %add3A_1548 = arith.addi %add3A_1547, %scan3A_1520 : i32
        %get3A_1549 = arith.index_cast %add3A_1548 : i32 to index
        %get3A_1550 = arith.constant 16 : index
        %get3A_1551 = tpu.vector_load %arg9[%get3A_1549, %get3A_1550] {strides = array<i32>} : memref<256x128xf32, #tpu.memory_space<vmem>>, vector<16xf32>,
        %add3A_1552 = arith.addf %get3A_1546, %get3A_1551 : vector<16xf32>
        %add3A_1553 = arith.constant 128 : i32
        %add3A_1554 = arith.addi %add3A_1553, %scan3A_1520 : i32
        %get3A_1555 = arith.index_cast %add3A_1554 : i32 to index
        %get3A_1556 = arith.constant 16 : index
        %get3A_1557 = tpu.vector_load %arg9[%get3A_1555, %get3A_1556] {strides = array<i32>} : memref<256x128xf32, #tpu.memory_space<vmem>>, vector<16xf32>,
        %add3A_1558 = arith.constant 192 : i32
        %add3A_1559 = arith.addi %add3A_1558, %scan3A_1520 : i32
        %get3A_1560 = arith.index_cast %add3A_1559 : i32 to index
        %get3A_1561 = arith.constant 16 : index
        %get3A_1562 = tpu.vector_load %arg9[%get3A_1560, %get3A_1561] {strides = array<i32>} : memref<256x128xf32, #tpu.memory_space<vmem>>, vector<16xf32>,
        %add3A_1563 = arith.addf %get3A_1557, %get3A_1562 : vector<16xf32>
        %add3A_1564 = arith.addf %add3A_1552, %add3A_1563 : vector<16xf32>
        %mul3A_1565 = vector.broadcast %scan3A_1105 : f32 to vector<16xf32>
        %mul3A_1566 = arith.mulf %add3A_1564, %mul3A_1565 : vector<16xf32>
        %get3A_1567 = arith.index_cast %scan3A_1520 : i32 to index
        %get3A_1568 = arith.constant 32 : index
        %get3A_1569 = tpu.vector_load %arg9[%get3A_1567, %get3A_1568] {strides = array<i32>} : memref<256x128xf32, #tpu.memory_space<vmem>>, vector<16xf32>,
        %add3A_1570 = arith.constant 64 : i32
        %add3A_1571 = arith.addi %add3A_1570, %scan3A_1520 : i32
        %get3A_1572 = arith.index_cast %add3A_1571 : i32 to index
        %get3A_1573 = arith.constant 32 : index
        %get3A_1574 = tpu.vector_load %arg9[%get3A_1572, %get3A_1573] {strides = array<i32>} : memref<256x128xf32, #tpu.memory_space<vmem>>, vector<16xf32>,
        %add3A_1575 = arith.addf %get3A_1569, %get3A_1574 : vector<16xf32>
        %add3A_1576 = arith.constant 128 : i32
        %add3A_1577 = arith.addi %add3A_1576, %scan3A_1520 : i32
        %get3A_1578 = arith.index_cast %add3A_1577 : i32 to index
        %get3A_1579 = arith.constant 32 : index
        %get3A_1580 = tpu.vector_load %arg9[%get3A_1578, %get3A_1579] {strides = array<i32>} : memref<256x128xf32, #tpu.memory_space<vmem>>, vector<16xf32>,
        %add3A_1581 = arith.constant 192 : i32
        %add3A_1582 = arith.addi %add3A_1581, %scan3A_1520 : i32
        %get3A_1583 = arith.index_cast %add3A_1582 : i32 to index
        %get3A_1584 = arith.constant 32 : index
        %get3A_1585 = tpu.vector_load %arg9[%get3A_1583, %get3A_1584] {strides = array<i32>} : memref<256x128xf32, #tpu.memory_space<vmem>>, vector<16xf32>,
        %add3A_1586 = arith.addf %get3A_1580, %get3A_1585 : vector<16xf32>
        %add3A_1587 = arith.addf %add3A_1575, %add3A_1586 : vector<16xf32>
        %mul3A_1588 = vector.broadcast %scan3A_1105 : f32 to vector<16xf32>
        %mul3A_1589 = arith.mulf %add3A_1587, %mul3A_1588 : vector<16xf32>
        %get3A_1590 = arith.index_cast %scan3A_1520 : i32 to index
        %get3A_1591 = arith.constant 48 : index
        %get3A_1592 = tpu.vector_load %arg9[%get3A_1590, %get3A_1591] {strides = array<i32>} : memref<256x128xf32, #tpu.memory_space<vmem>>, vector<16xf32>,
        %add3A_1593 = arith.constant 64 : i32
        %add3A_1594 = arith.addi %add3A_1593, %scan3A_1520 : i32
        %get3A_1595 = arith.index_cast %add3A_1594 : i32 to index
        %get3A_1596 = arith.constant 48 : index
        %get3A_1597 = tpu.vector_load %arg9[%get3A_1595, %get3A_1596] {strides = array<i32>} : memref<256x128xf32, #tpu.memory_space<vmem>>, vector<16xf32>,
        %add3A_1598 = arith.addf %get3A_1592, %get3A_1597 : vector<16xf32>
        %add3A_1599 = arith.constant 128 : i32
        %add3A_1600 = arith.addi %add3A_1599, %scan3A_1520 : i32
        %get3A_1601 = arith.index_cast %add3A_1600 : i32 to index
        %get3A_1602 = arith.constant 48 : index
        %get3A_1603 = tpu.vector_load %arg9[%get3A_1601, %get3A_1602] {strides = array<i32>} : memref<256x128xf32, #tpu.memory_space<vmem>>, vector<16xf32>,
        %add3A_1604 = arith.constant 192 : i32
        %add3A_1605 = arith.addi %add3A_1604, %scan3A_1520 : i32
        %get3A_1606 = arith.index_cast %add3A_1605 : i32 to index
        %get3A_1607 = arith.constant 48 : index
        %get3A_1608 = tpu.vector_load %arg9[%get3A_1606, %get3A_1607] {strides = array<i32>} : memref<256x128xf32, #tpu.memory_space<vmem>>, vector<16xf32>,
        %add3A_1609 = arith.addf %get3A_1603, %get3A_1608 : vector<16xf32>
        %add3A_1610 = arith.addf %add3A_1598, %add3A_1609 : vector<16xf32>
        %mul3A_1611 = vector.broadcast %scan3A_1105 : f32 to vector<16xf32>
        %mul3A_1612 = arith.mulf %add3A_1610, %mul3A_1611 : vector<16xf32>
        %get3A_1613 = arith.index_cast %scan3A_1520 : i32 to index
        %get3A_1614 = arith.constant 64 : index
        %get3A_1615 = tpu.vector_load %arg9[%get3A_1613, %get3A_1614] {strides = array<i32>} : memref<256x128xf32, #tpu.memory_space<vmem>>, vector<16xf32>,
        %add3A_1616 = arith.constant 64 : i32
        %add3A_1617 = arith.addi %add3A_1616, %scan3A_1520 : i32
        %get3A_1618 = arith.index_cast %add3A_1617 : i32 to index
        %get3A_1619 = arith.constant 64 : index
        %get3A_1620 = tpu.vector_load %arg9[%get3A_1618, %get3A_1619] {strides = array<i32>} : memref<256x128xf32, #tpu.memory_space<vmem>>, vector<16xf32>,
        %add3A_1621 = arith.addf %get3A_1615, %get3A_1620 : vector<16xf32>
        %add3A_1622 = arith.constant 128 : i32
        %add3A_1623 = arith.addi %add3A_1622, %scan3A_1520 : i32
        %get3A_1624 = arith.index_cast %add3A_1623 : i32 to index
        %get3A_1625 = arith.constant 64 : index
        %get3A_1626 = tpu.vector_load %arg9[%get3A_1624, %get3A_1625] {strides = array<i32>} : memref<256x128xf32, #tpu.memory_space<vmem>>, vector<16xf32>,
        %add3A_1627 = arith.constant 192 : i32
        %add3A_1628 = arith.addi %add3A_1627, %scan3A_1520 : i32
        %get3A_1629 = arith.index_cast %add3A_1628 : i32 to index
        %get3A_1630 = arith.constant 64 : index
        %get3A_1631 = tpu.vector_load %arg9[%get3A_1629, %get3A_1630] {strides = array<i32>} : memref<256x128xf32, #tpu.memory_space<vmem>>, vector<16xf32>,
        %add3A_1632 = arith.addf %get3A_1626, %get3A_1631 : vector<16xf32>
        %add3A_1633 = arith.addf %add3A_1621, %add3A_1632 : vector<16xf32>
        %mul3A_1634 = vector.broadcast %scan3A_1105 : f32 to vector<16xf32>
        %mul3A_1635 = arith.mulf %add3A_1633, %mul3A_1634 : vector<16xf32>
        %get3A_1636 = arith.index_cast %scan3A_1520 : i32 to index
        %get3A_1637 = arith.constant 80 : index
        %get3A_1638 = tpu.vector_load %arg9[%get3A_1636, %get3A_1637] {strides = array<i32>} : memref<256x128xf32, #tpu.memory_space<vmem>>, vector<16xf32>,
        %add3A_1639 = arith.constant 64 : i32
        %add3A_1640 = arith.addi %add3A_1639, %scan3A_1520 : i32
        %get3A_1641 = arith.index_cast %add3A_1640 : i32 to index
        %get3A_1642 = arith.constant 80 : index
        %get3A_1643 = tpu.vector_load %arg9[%get3A_1641, %get3A_1642] {strides = array<i32>} : memref<256x128xf32, #tpu.memory_space<vmem>>, vector<16xf32>,
        %add3A_1644 = arith.addf %get3A_1638, %get3A_1643 : vector<16xf32>
        %add3A_1645 = arith.constant 128 : i32
        %add3A_1646 = arith.addi %add3A_1645, %scan3A_1520 : i32
        %get3A_1647 = arith.index_cast %add3A_1646 : i32 to index
        %get3A_1648 = arith.constant 80 : index
        %get3A_1649 = tpu.vector_load %arg9[%get3A_1647, %get3A_1648] {strides = array<i32>} : memref<256x128xf32, #tpu.memory_space<vmem>>, vector<16xf32>,
        %add3A_1650 = arith.constant 192 : i32
        %add3A_1651 = arith.addi %add3A_1650, %scan3A_1520 : i32
        %get3A_1652 = arith.index_cast %add3A_1651 : i32 to index
        %get3A_1653 = arith.constant 80 : index
        %get3A_1654 = tpu.vector_load %arg9[%get3A_1652, %get3A_1653] {strides = array<i32>} : memref<256x128xf32, #tpu.memory_space<vmem>>, vector<16xf32>,
        %add3A_1655 = arith.addf %get3A_1649, %get3A_1654 : vector<16xf32>
        %add3A_1656 = arith.addf %add3A_1644, %add3A_1655 : vector<16xf32>
        %mul3A_1657 = vector.broadcast %scan3A_1105 : f32 to vector<16xf32>
        %mul3A_1658 = arith.mulf %add3A_1656, %mul3A_1657 : vector<16xf32>
        %get3A_1659 = arith.index_cast %scan3A_1520 : i32 to index
        %get3A_1660 = arith.constant 96 : index
        %get3A_1661 = tpu.vector_load %arg9[%get3A_1659, %get3A_1660] {strides = array<i32>} : memref<256x128xf32, #tpu.memory_space<vmem>>, vector<16xf32>,
        %add3A_1662 = arith.constant 64 : i32
        %add3A_1663 = arith.addi %add3A_1662, %scan3A_1520 : i32
        %get3A_1664 = arith.index_cast %add3A_1663 : i32 to index
        %get3A_1665 = arith.constant 96 : index
        %get3A_1666 = tpu.vector_load %arg9[%get3A_1664, %get3A_1665] {strides = array<i32>} : memref<256x128xf32, #tpu.memory_space<vmem>>, vector<16xf32>,
        %add3A_1667 = arith.addf %get3A_1661, %get3A_1666 : vector<16xf32>
        %add3A_1668 = arith.constant 128 : i32
        %add3A_1669 = arith.addi %add3A_1668, %scan3A_1520 : i32
        %get3A_1670 = arith.index_cast %add3A_1669 : i32 to index
        %get3A_1671 = arith.constant 96 : index
        %get3A_1672 = tpu.vector_load %arg9[%get3A_1670, %get3A_1671] {strides = array<i32>} : memref<256x128xf32, #tpu.memory_space<vmem>>, vector<16xf32>,
        %add3A_1673 = arith.constant 192 : i32
        %add3A_1674 = arith.addi %add3A_1673, %scan3A_1520 : i32
        %get3A_1675 = arith.index_cast %add3A_1674 : i32 to index
        %get3A_1676 = arith.constant 96 : index
        %get3A_1677 = tpu.vector_load %arg9[%get3A_1675, %get3A_1676] {strides = array<i32>} : memref<256x128xf32, #tpu.memory_space<vmem>>, vector<16xf32>,
        %add3A_1678 = arith.addf %get3A_1672, %get3A_1677 : vector<16xf32>
        %add3A_1679 = arith.addf %add3A_1667, %add3A_1678 : vector<16xf32>
        %mul3A_1680 = vector.broadcast %scan3A_1105 : f32 to vector<16xf32>
        %mul3A_1681 = arith.mulf %add3A_1679, %mul3A_1680 : vector<16xf32>
        %get3A_1682 = arith.index_cast %scan3A_1520 : i32 to index
        %get3A_1683 = arith.constant 112 : index
        %get3A_1684 = tpu.vector_load %arg9[%get3A_1682, %get3A_1683] {strides = array<i32>} : memref<256x128xf32, #tpu.memory_space<vmem>>, vector<16xf32>,
        %add3A_1685 = arith.constant 64 : i32
        %add3A_1686 = arith.addi %add3A_1685, %scan3A_1520 : i32
        %get3A_1687 = arith.index_cast %add3A_1686 : i32 to index
        %get3A_1688 = arith.constant 112 : index
        %get3A_1689 = tpu.vector_load %arg9[%get3A_1687, %get3A_1688] {strides = array<i32>} : memref<256x128xf32, #tpu.memory_space<vmem>>, vector<16xf32>,
        %add3A_1690 = arith.addf %get3A_1684, %get3A_1689 : vector<16xf32>
        %add3A_1691 = arith.constant 128 : i32
        %add3A_1692 = arith.addi %add3A_1691, %scan3A_1520 : i32
        %get3A_1693 = arith.index_cast %add3A_1692 : i32 to index
        %get3A_1694 = arith.constant 112 : index
        %get3A_1695 = tpu.vector_load %arg9[%get3A_1693, %get3A_1694] {strides = array<i32>} : memref<256x128xf32, #tpu.memory_space<vmem>>, vector<16xf32>,
        %add3A_1696 = arith.constant 192 : i32
        %add3A_1697 = arith.addi %add3A_1696, %scan3A_1520 : i32
        %get3A_1698 = arith.index_cast %add3A_1697 : i32 to index
        %get3A_1699 = arith.constant 112 : index
        %get3A_1700 = tpu.vector_load %arg9[%get3A_1698, %get3A_1699] {strides = array<i32>} : memref<256x128xf32, #tpu.memory_space<vmem>>, vector<16xf32>,
        %add3A_1701 = arith.addf %get3A_1695, %get3A_1700 : vector<16xf32>
        %add3A_1702 = arith.addf %add3A_1690, %add3A_1701 : vector<16xf32>
        %mul3A_1703 = vector.broadcast %scan3A_1105 : f32 to vector<16xf32>
        %mul3A_1704 = arith.mulf %add3A_1702, %mul3A_1703 : vector<16xf32>
        %swap3A_1705 = arith.constant 0 : i32
        %swap3A_1706 = arith.index_cast %scan3A_1520 : i32 to index
        %swap3A_1707 = arith.index_cast %swap3A_1705 : i32 to index
        %swap3A_1708 = arith.constant 0 : index
        %swap3A_1709 = tpu.vector_load %arg11[%swap3A_1706, %swap3A_1707, %swap3A_1708] {strides = array<i32>} : memref<64x1x128xf32, #tpu.memory_space<vmem>>, vector<16xf32>,
        tpu.vector_store %arg11[%swap3A_1706, %swap3A_1707, %swap3A_1708], %mul3A_1543 {strides = array<i32>} : memref<64x1x128xf32, #tpu.memory_space<vmem>>, vector<16xf32>,
        %swap3A_1710 = arith.constant 0 : i32
        %swap3A_1711 = arith.index_cast %scan3A_1520 : i32 to index
        %swap3A_1712 = arith.index_cast %swap3A_1710 : i32 to index
        %swap3A_1713 = arith.constant 16 : index
        %swap3A_1714 = tpu.vector_load %arg11[%swap3A_1711, %swap3A_1712, %swap3A_1713] {strides = array<i32>} : memref<64x1x128xf32, #tpu.memory_space<vmem>>, vector<16xf32>,
        tpu.vector_store %arg11[%swap3A_1711, %swap3A_1712, %swap3A_1713], %mul3A_1566 {strides = array<i32>} : memref<64x1x128xf32, #tpu.memory_space<vmem>>, vector<16xf32>,
        %swap3A_1715 = arith.constant 0 : i32
        %swap3A_1716 = arith.index_cast %scan3A_1520 : i32 to index
        %swap3A_1717 = arith.index_cast %swap3A_1715 : i32 to index
        %swap3A_1718 = arith.constant 32 : index
        %swap3A_1719 = tpu.vector_load %arg11[%swap3A_1716, %swap3A_1717, %swap3A_1718] {strides = array<i32>} : memref<64x1x128xf32, #tpu.memory_space<vmem>>, vector<16xf32>,
        tpu.vector_store %arg11[%swap3A_1716, %swap3A_1717, %swap3A_1718], %mul3A_1589 {strides = array<i32>} : memref<64x1x128xf32, #tpu.memory_space<vmem>>, vector<16xf32>,
        %swap3A_1720 = arith.constant 0 : i32
        %swap3A_1721 = arith.index_cast %scan3A_1520 : i32 to index
        %swap3A_1722 = arith.index_cast %swap3A_1720 : i32 to index
        %swap3A_1723 = arith.constant 48 : index
        %swap3A_1724 = tpu.vector_load %arg11[%swap3A_1721, %swap3A_1722, %swap3A_1723] {strides = array<i32>} : memref<64x1x128xf32, #tpu.memory_space<vmem>>, vector<16xf32>,
        tpu.vector_store %arg11[%swap3A_1721, %swap3A_1722, %swap3A_1723], %mul3A_1612 {strides = array<i32>} : memref<64x1x128xf32, #tpu.memory_space<vmem>>, vector<16xf32>,
        %swap3A_1725 = arith.constant 0 : i32
        %swap3A_1726 = arith.index_cast %scan3A_1520 : i32 to index
        %swap3A_1727 = arith.index_cast %swap3A_1725 : i32 to index
        %swap3A_1728 = arith.constant 64 : index
        %swap3A_1729 = tpu.vector_load %arg11[%swap3A_1726, %swap3A_1727, %swap3A_1728] {strides = array<i32>} : memref<64x1x128xf32, #tpu.memory_space<vmem>>, vector<16xf32>,
        tpu.vector_store %arg11[%swap3A_1726, %swap3A_1727, %swap3A_1728], %mul3A_1635 {strides = array<i32>} : memref<64x1x128xf32, #tpu.memory_space<vmem>>, vector<16xf32>,
        %swap3A_1730 = arith.constant 0 : i32
        %swap3A_1731 = arith.index_cast %scan3A_1520 : i32 to index
        %swap3A_1732 = arith.index_cast %swap3A_1730 : i32 to index
        %swap3A_1733 = arith.constant 80 : index
        %swap3A_1734 = tpu.vector_load %arg11[%swap3A_1731, %swap3A_1732, %swap3A_1733] {strides = array<i32>} : memref<64x1x128xf32, #tpu.memory_space<vmem>>, vector<16xf32>,
        tpu.vector_store %arg11[%swap3A_1731, %swap3A_1732, %swap3A_1733], %mul3A_1658 {strides = array<i32>} : memref<64x1x128xf32, #tpu.memory_space<vmem>>, vector<16xf32>,
        %swap3A_1735 = arith.constant 0 : i32
        %swap3A_1736 = arith.index_cast %scan3A_1520 : i32 to index
        %swap3A_1737 = arith.index_cast %swap3A_1735 : i32 to index
        %swap3A_1738 = arith.constant 96 : index
        %swap3A_1739 = tpu.vector_load %arg11[%swap3A_1736, %swap3A_1737, %swap3A_1738] {strides = array<i32>} : memref<64x1x128xf32, #tpu.memory_space<vmem>>, vector<16xf32>,
        tpu.vector_store %arg11[%swap3A_1736, %swap3A_1737, %swap3A_1738], %mul3A_1681 {strides = array<i32>} : memref<64x1x128xf32, #tpu.memory_space<vmem>>, vector<16xf32>,
        %swap3A_1740 = arith.constant 0 : i32
        %swap3A_1741 = arith.index_cast %scan3A_1520 : i32 to index
        %swap3A_1742 = arith.index_cast %swap3A_1740 : i32 to index
        %swap3A_1743 = arith.constant 112 : index
        %swap3A_1744 = tpu.vector_load %arg11[%swap3A_1741, %swap3A_1742, %swap3A_1743] {strides = array<i32>} : memref<64x1x128xf32, #tpu.memory_space<vmem>>, vector<16xf32>,
        tpu.vector_store %arg11[%swap3A_1741, %swap3A_1742, %swap3A_1743], %mul3A_1704 {strides = array<i32>} : memref<64x1x128xf32, #tpu.memory_space<vmem>>, vector<16xf32>,
      }
      %scan3A_1196 = arith.constant 64 : i32
      %add3A_1197 = arith.constant 2 : i32
      %add3A_1198 = arith.addi %mul3A_1143, %add3A_1197 : i32
      %lt3A_1199 = arith.constant 400 : i32
      %lt3A_1200 = arith.cmpi slt, %add3A_1198, %lt3A_1199 : i32
      %convert_element_type3A_1201 = arith.extui %lt3A_1200 : i1 to i32
      %cond3A_1202 = arith.constant 0 : i32
      %cond3A_1203 = arith.cmpi ne, %convert_element_type3A_1201, %cond3A_1202 : i32
      scf.if %cond3A_1203 {
        %dma_start3A_1294 = arith.constant 0 : i32
        %dma_start3A_1295 = arith.constant 0 : i32
        %dma_start3A_1296 = arith.constant 0 : i32
        %dma_start3A_1297 = tpu.memref_slice %arg9[%dma_start3A_1295, %dma_start3A_1296] : memref<256x128xf32, #tpu.memory_space<vmem>> -> memref<128x128xf32, #tpu.memory_space<vmem>>
        %dma_start3A_1298 = arith.constant 0 : i32
        %dma_start3A_1299 = tpu.memref_slice %arg7[%dma_start3A_1294, %dma_start3A_1298] : memref<2x128xi32, #tpu.memory_space<vmem>> -> memref<1x128xi32, #tpu.memory_space<vmem>>
        %dma_start3A_1300 = tpu.memref_squeeze %dma_start3A_1299 : memref<1x128xi32, #tpu.memory_space<vmem>> -> memref<128xi32, #tpu.memory_space<vmem>>
        %dma_start3A_1301 = arith.constant 0 : i32
        %dma_start3A_1302 = arith.constant 0 : i32
        %dma_start3A_1303 = tpu.memref_slice %arg13[%dma_start3A_1301, %dma_start3A_1302] : memref<4000x128xf32, #tpu.memory_space<vmem_shared>> -> memref<4000x128xf32, #tpu.memory_space<vmem_shared>>
        tpu.enqueue_indirect_dma source(%dma_start3A_1303 : memref<4000x128xf32, #tpu.memory_space<vmem_shared>>) target(%dma_start3A_1297 : memref<128x128xf32, #tpu.memory_space<vmem>>) offsets(%dma_start3A_1300 : memref<128xi32, #tpu.memory_space<vmem>>) semaphore(%arg16 : memref<!tpu.dma_semaphore, #tpu.memory_space<semaphore_mem>>)
        %dma_start3A_1304 = arith.constant 1 : i32
        %dma_start3A_1305 = arith.constant 128 : i32
        %dma_start3A_1306 = arith.constant 0 : i32
        %dma_start3A_1307 = tpu.memref_slice %arg9[%dma_start3A_1305, %dma_start3A_1306] : memref<256x128xf32, #tpu.memory_space<vmem>> -> memref<128x128xf32, #tpu.memory_space<vmem>>
        %dma_start3A_1308 = arith.constant 0 : i32
        %dma_start3A_1309 = tpu.memref_slice %arg7[%dma_start3A_1304, %dma_start3A_1308] : memref<2x128xi32, #tpu.memory_space<vmem>> -> memref<1x128xi32, #tpu.memory_space<vmem>>
        %dma_start3A_1310 = tpu.memref_squeeze %dma_start3A_1309 : memref<1x128xi32, #tpu.memory_space<vmem>> -> memref<128xi32, #tpu.memory_space<vmem>>
        %dma_start3A_1311 = arith.constant 0 : i32
        %dma_start3A_1312 = arith.constant 0 : i32
        %dma_start3A_1313 = tpu.memref_slice %arg13[%dma_start3A_1311, %dma_start3A_1312] : memref<4000x128xf32, #tpu.memory_space<vmem_shared>> -> memref<4000x128xf32, #tpu.memory_space<vmem_shared>>
        tpu.enqueue_indirect_dma source(%dma_start3A_1313 : memref<4000x128xf32, #tpu.memory_space<vmem_shared>>) target(%dma_start3A_1307 : memref<128x128xf32, #tpu.memory_space<vmem>>) offsets(%dma_start3A_1310 : memref<128xi32, #tpu.memory_space<vmem>>) semaphore(%arg16 : memref<!tpu.dma_semaphore, #tpu.memory_space<semaphore_mem>>)
      } else {
      }
      %shift_right_logical3A_1204 = arith.constant 1 : i32
      %shift_right_logical3A_1205 = arith.shrui %mul3A_1143, %shift_right_logical3A_1204 : i32
      %and3A_1206 = arith.constant 1 : i32
      %and3A_1207 = arith.andi %mul3A_1143, %and3A_1206 : i32
      %mul3A_1208 = arith.constant 128 : i32
      %mul3A_1209 = arith.muli %add3A, %mul3A_1208 : i32
      %mul3A_1210 = arith.constant 64 : i32
      %mul3A_1211 = arith.muli %and3A_1207, %mul3A_1210 : i32
      %add3A_1212 = arith.addi %mul3A_1209, %mul3A_1211 : i32
      %dma_start3A_1213 = arith.constant 0 : i32
      %dma_start3A_1214 = tpu.memref_slice %arg4[%add3A_1212, %shift_right_logical3A_1205, %dma_start3A_1213] : memref<4096x200x128xf32, #tpu.memory_space<hbm>> -> memref<64x1x128xf32, #tpu.memory_space<hbm>>
      %dma_start3A_1215 = arith.constant 0 : i32
      %dma_start3A_1216 = tpu.memref_slice %arg4[%add3A_1212, %shift_right_logical3A_1205, %dma_start3A_1215] : memref<4096x200x128xf32, #tpu.memory_space<hbm>> -> memref<64x1x128xf32, #tpu.memory_space<hbm>>
      tpu.enqueue_dma source(%arg11 : memref<64x1x128xf32, #tpu.memory_space<vmem>>) target(%dma_start3A_1216 : memref<64x1x128xf32, #tpu.memory_space<hbm>>) target_semaphore(%arg18 : memref<!tpu.dma_semaphore, #tpu.memory_space<semaphore_mem>>)
      %mul3A_1217 = arith.constant 2 : i32
      %mul3A_1218 = arith.muli %mul3A_1217, %scan3A_1141 : i32
      %add3A_1219 = arith.constant 1 : i32
      %add3A_1220 = arith.addi %mul3A_1218, %add3A_1219 : i32
      %dma_wait3A_1221 = arith.constant 0 : i32
      %dma_wait3A_1222 = arith.constant 0 : i32
      %dma_wait3A_1223 = arith.constant 0 : i32
      %dma_wait3A_1224 = tpu.memref_slice %arg10[%dma_wait3A_1222, %dma_wait3A_1223] : memref<256x128xf32, #tpu.memory_space<vmem>> -> memref<128x128xf32, #tpu.memory_space<vmem>>
      %dma_wait3A_1225 = arith.constant 0 : i32
      %dma_wait3A_1226 = tpu.memref_slice %arg8[%dma_wait3A_1221, %dma_wait3A_1225] : memref<2x128xi32, #tpu.memory_space<vmem>> -> memref<1x128xi32, #tpu.memory_space<vmem>>
      %dma_wait3A_1227 = tpu.memref_squeeze %dma_wait3A_1226 : memref<1x128xi32, #tpu.memory_space<vmem>> -> memref<128xi32, #tpu.memory_space<vmem>>
      %dma_wait3A_1228 = arith.constant 0 : i32
      %dma_wait3A_1229 = arith.constant 0 : i32
      %dma_wait3A_1230 = tpu.memref_slice %arg13[%dma_wait3A_1228, %dma_wait3A_1229] : memref<4000x128xf32, #tpu.memory_space<vmem_shared>> -> memref<4000x128xf32, #tpu.memory_space<vmem_shared>>
      tpu.wait_indirect_dma semaphore(%arg17 : memref<!tpu.dma_semaphore, #tpu.memory_space<semaphore_mem>>) src(%dma_wait3A_1230 : memref<4000x128xf32, #tpu.memory_space<vmem_shared>>) dst(%dma_wait3A_1224 : memref<128x128xf32, #tpu.memory_space<vmem>>)
      %dma_wait3A_1231 = arith.constant 1 : i32
      %dma_wait3A_1232 = arith.constant 128 : i32
      %dma_wait3A_1233 = arith.constant 0 : i32
      %dma_wait3A_1234 = tpu.memref_slice %arg10[%dma_wait3A_1232, %dma_wait3A_1233] : memref<256x128xf32, #tpu.memory_space<vmem>> -> memref<128x128xf32, #tpu.memory_space<vmem>>
      %dma_wait3A_1235 = arith.constant 0 : i32
      %dma_wait3A_1236 = tpu.memref_slice %arg8[%dma_wait3A_1231, %dma_wait3A_1235] : memref<2x128xi32, #tpu.memory_space<vmem>> -> memref<1x128xi32, #tpu.memory_space<vmem>>
      %dma_wait3A_1237 = tpu.memref_squeeze %dma_wait3A_1236 : memref<1x128xi32, #tpu.memory_space<vmem>> -> memref<128xi32, #tpu.memory_space<vmem>>
      %dma_wait3A_1238 = arith.constant 0 : i32
      %dma_wait3A_1239 = arith.constant 0 : i32
      %dma_wait3A_1240 = tpu.memref_slice %arg13[%dma_wait3A_1238, %dma_wait3A_1239] : memref<4000x128xf32, #tpu.memory_space<vmem_shared>> -> memref<4000x128xf32, #tpu.memory_space<vmem_shared>>
      tpu.wait_indirect_dma semaphore(%arg17 : memref<!tpu.dma_semaphore, #tpu.memory_space<semaphore_mem>>) src(%dma_wait3A_1240 : memref<4000x128xf32, #tpu.memory_space<vmem_shared>>) dst(%dma_wait3A_1234 : memref<128x128xf32, #tpu.memory_space<vmem>>)
      %add3A_1241 = arith.constant 2 : i32
      %add3A_1242 = arith.addi %add3A_1220, %add3A_1241 : i32
      %lt3A_1243 = arith.constant 400 : i32
      %lt3A_1244 = arith.cmpi slt, %add3A_1242, %lt3A_1243 : i32
      %convert_element_type3A_1245 = arith.extui %lt3A_1244 : i1 to i32
      %cond3A_1246 = arith.constant 0 : i32
      %cond3A_1247 = arith.cmpi ne, %convert_element_type3A_1245, %cond3A_1246 : i32
      scf.if %cond3A_1247 {
        %add3A_1294 = arith.constant 2 : i32
        %add3A_1295 = arith.addi %add3A_1220, %add3A_1294 : i32
        %shift_right_logical3A_1296 = arith.constant 1 : i32
        %shift_right_logical3A_1297 = arith.shrui %add3A_1295, %shift_right_logical3A_1296 : i32
        %mul3A_1298 = arith.constant 32 : i32
        %mul3A_1299 = arith.muli %shift_right_logical3A_1297, %mul3A_1298 : i32
        %add3A_1300 = arith.addi %mul3A_1299, %add3A : i32
        %mul3A_1301 = arith.constant 4 : i32
        %mul3A_1302 = arith.muli %add3A_1300, %mul3A_1301 : i32
        %dma_wait3A_1303 = arith.constant 0 : i32
        %dma_wait3A_1304 = tpu.memref_slice %arg2[%mul3A_1302, %dma_wait3A_1303] : memref<25600x128xi32, #tpu.memory_space<hbm>> -> memref<4x128xi32, #tpu.memory_space<hbm>>
        %dma_wait3A_1305 = arith.constant 0 : i32
        %dma_wait3A_1306 = tpu.memref_slice %arg2[%mul3A_1302, %dma_wait3A_1305] : memref<25600x128xi32, #tpu.memory_space<hbm>> -> memref<4x128xi32, #tpu.memory_space<hbm>>
        tpu.wait_dma2 semaphore(%arg15 : memref<!tpu.dma_semaphore, #tpu.memory_space<semaphore_mem>>) src(%dma_wait3A_1306 : memref<4x128xi32, #tpu.memory_space<hbm>>) dst(%arg6 : memref<4x128xi32, #tpu.memory_space<vmem>>)
        %add3A_1307 = arith.constant 2 : i32
        %add3A_1308 = arith.addi %add3A_1220, %add3A_1307 : i32
        %and3A_1309 = arith.constant 1 : i32
        %and3A_1310 = arith.andi %add3A_1308, %and3A_1309 : i32
        %mul3A_1311 = arith.constant 64 : i32
        %mul3A_1312 = arith.muli %and3A_1310, %mul3A_1311 : i32
        %add3A_1313 = arith.constant 0 : i32
        %add3A_1314 = arith.addi %mul3A_1312, %add3A_1313 : i32
        %get3A_1315 = arith.constant 0 : i32
        %get3A_1316 = arith.index_cast %get3A_1315 : i32 to index
        %get3A_1317 = arith.index_cast %add3A_1314 : i32 to index
        %get3A_1318 = tpu.vector_load %arg6[%get3A_1316, %get3A_1317] {strides = array<i32>} : memref<4x128xi32, #tpu.memory_space<vmem>>, vector<16xi32>,
        %add3A_1319 = arith.constant 0 : i32
        %add3A_1320 = vector.broadcast %add3A_1319 : i32 to vector<16xi32>
        %add3A_1321 = arith.addi %get3A_1318, %add3A_1320 : vector<16xi32>
        %swap3A_1322 = arith.constant 0 : i32
        %swap3A_1323 = arith.index_cast %swap3A_1322 : i32 to index
        %swap3A_1324 = arith.constant 0 : index
        %swap3A_1325 = tpu.vector_load %arg8[%swap3A_1323, %swap3A_1324] {strides = array<i32>} : memref<2x128xi32, #tpu.memory_space<vmem>>, vector<16xi32>,
        tpu.vector_store %arg8[%swap3A_1323, %swap3A_1324], %add3A_1321 {strides = array<i32>} : memref<2x128xi32, #tpu.memory_space<vmem>>, vector<16xi32>,
        %add3A_1326 = arith.constant 16 : i32
        %add3A_1327 = arith.addi %mul3A_1312, %add3A_1326 : i32
        %get3A_1328 = arith.constant 0 : i32
        %get3A_1329 = arith.index_cast %get3A_1328 : i32 to index
        %get3A_1330 = arith.index_cast %add3A_1327 : i32 to index
        %get3A_1331 = tpu.vector_load %arg6[%get3A_1329, %get3A_1330] {strides = array<i32>} : memref<4x128xi32, #tpu.memory_space<vmem>>, vector<16xi32>,
        %add3A_1332 = arith.constant 0 : i32
        %add3A_1333 = vector.broadcast %add3A_1332 : i32 to vector<16xi32>
        %add3A_1334 = arith.addi %get3A_1331, %add3A_1333 : vector<16xi32>
        %swap3A_1335 = arith.constant 0 : i32
        %swap3A_1336 = arith.index_cast %swap3A_1335 : i32 to index
        %swap3A_1337 = arith.constant 16 : index
        %swap3A_1338 = tpu.vector_load %arg8[%swap3A_1336, %swap3A_1337] {strides = array<i32>} : memref<2x128xi32, #tpu.memory_space<vmem>>, vector<16xi32>,
        tpu.vector_store %arg8[%swap3A_1336, %swap3A_1337], %add3A_1334 {strides = array<i32>} : memref<2x128xi32, #tpu.memory_space<vmem>>, vector<16xi32>,
        %add3A_1339 = arith.constant 32 : i32
        %add3A_1340 = arith.addi %mul3A_1312, %add3A_1339 : i32
        %get3A_1341 = arith.constant 0 : i32
        %get3A_1342 = arith.index_cast %get3A_1341 : i32 to index
        %get3A_1343 = arith.index_cast %add3A_1340 : i32 to index
        %get3A_1344 = tpu.vector_load %arg6[%get3A_1342, %get3A_1343] {strides = array<i32>} : memref<4x128xi32, #tpu.memory_space<vmem>>, vector<16xi32>,
        %add3A_1345 = arith.constant 0 : i32
        %add3A_1346 = vector.broadcast %add3A_1345 : i32 to vector<16xi32>
        %add3A_1347 = arith.addi %get3A_1344, %add3A_1346 : vector<16xi32>
        %swap3A_1348 = arith.constant 0 : i32
        %swap3A_1349 = arith.index_cast %swap3A_1348 : i32 to index
        %swap3A_1350 = arith.constant 32 : index
        %swap3A_1351 = tpu.vector_load %arg8[%swap3A_1349, %swap3A_1350] {strides = array<i32>} : memref<2x128xi32, #tpu.memory_space<vmem>>, vector<16xi32>,
        tpu.vector_store %arg8[%swap3A_1349, %swap3A_1350], %add3A_1347 {strides = array<i32>} : memref<2x128xi32, #tpu.memory_space<vmem>>, vector<16xi32>,
        %add3A_1352 = arith.constant 48 : i32
        %add3A_1353 = arith.addi %mul3A_1312, %add3A_1352 : i32
        %get3A_1354 = arith.constant 0 : i32
        %get3A_1355 = arith.index_cast %get3A_1354 : i32 to index
        %get3A_1356 = arith.index_cast %add3A_1353 : i32 to index
        %get3A_1357 = tpu.vector_load %arg6[%get3A_1355, %get3A_1356] {strides = array<i32>} : memref<4x128xi32, #tpu.memory_space<vmem>>, vector<16xi32>,
        %add3A_1358 = arith.constant 0 : i32
        %add3A_1359 = vector.broadcast %add3A_1358 : i32 to vector<16xi32>
        %add3A_1360 = arith.addi %get3A_1357, %add3A_1359 : vector<16xi32>
        %swap3A_1361 = arith.constant 0 : i32
        %swap3A_1362 = arith.index_cast %swap3A_1361 : i32 to index
        %swap3A_1363 = arith.constant 48 : index
        %swap3A_1364 = tpu.vector_load %arg8[%swap3A_1362, %swap3A_1363] {strides = array<i32>} : memref<2x128xi32, #tpu.memory_space<vmem>>, vector<16xi32>,
        tpu.vector_store %arg8[%swap3A_1362, %swap3A_1363], %add3A_1360 {strides = array<i32>} : memref<2x128xi32, #tpu.memory_space<vmem>>, vector<16xi32>,
        %add3A_1365 = arith.constant 0 : i32
        %add3A_1366 = arith.addi %mul3A_1312, %add3A_1365 : i32
        %get3A_1367 = arith.constant 1 : i32
        %get3A_1368 = arith.index_cast %get3A_1367 : i32 to index
        %get3A_1369 = arith.index_cast %add3A_1366 : i32 to index
        %get3A_1370 = tpu.vector_load %arg6[%get3A_1368, %get3A_1369] {strides = array<i32>} : memref<4x128xi32, #tpu.memory_space<vmem>>, vector<16xi32>,
        %add3A_1371 = arith.constant 1000 : i32
        %add3A_1372 = vector.broadcast %add3A_1371 : i32 to vector<16xi32>
        %add3A_1373 = arith.addi %get3A_1370, %add3A_1372 : vector<16xi32>
        %swap3A_1374 = arith.constant 0 : i32
        %swap3A_1375 = arith.index_cast %swap3A_1374 : i32 to index
        %swap3A_1376 = arith.constant 64 : index
        %swap3A_1377 = tpu.vector_load %arg8[%swap3A_1375, %swap3A_1376] {strides = array<i32>} : memref<2x128xi32, #tpu.memory_space<vmem>>, vector<16xi32>,
        tpu.vector_store %arg8[%swap3A_1375, %swap3A_1376], %add3A_1373 {strides = array<i32>} : memref<2x128xi32, #tpu.memory_space<vmem>>, vector<16xi32>,
        %add3A_1378 = arith.constant 16 : i32
        %add3A_1379 = arith.addi %mul3A_1312, %add3A_1378 : i32
        %get3A_1380 = arith.constant 1 : i32
        %get3A_1381 = arith.index_cast %get3A_1380 : i32 to index
        %get3A_1382 = arith.index_cast %add3A_1379 : i32 to index
        %get3A_1383 = tpu.vector_load %arg6[%get3A_1381, %get3A_1382] {strides = array<i32>} : memref<4x128xi32, #tpu.memory_space<vmem>>, vector<16xi32>,
        %add3A_1384 = arith.constant 1000 : i32
        %add3A_1385 = vector.broadcast %add3A_1384 : i32 to vector<16xi32>
        %add3A_1386 = arith.addi %get3A_1383, %add3A_1385 : vector<16xi32>
        %swap3A_1387 = arith.constant 0 : i32
        %swap3A_1388 = arith.index_cast %swap3A_1387 : i32 to index
        %swap3A_1389 = arith.constant 80 : index
        %swap3A_1390 = tpu.vector_load %arg8[%swap3A_1388, %swap3A_1389] {strides = array<i32>} : memref<2x128xi32, #tpu.memory_space<vmem>>, vector<16xi32>,
        tpu.vector_store %arg8[%swap3A_1388, %swap3A_1389], %add3A_1386 {strides = array<i32>} : memref<2x128xi32, #tpu.memory_space<vmem>>, vector<16xi32>,
        %add3A_1391 = arith.constant 32 : i32
        %add3A_1392 = arith.addi %mul3A_1312, %add3A_1391 : i32
        %get3A_1393 = arith.constant 1 : i32
        %get3A_1394 = arith.index_cast %get3A_1393 : i32 to index
        %get3A_1395 = arith.index_cast %add3A_1392 : i32 to index
        %get3A_1396 = tpu.vector_load %arg6[%get3A_1394, %get3A_1395] {strides = array<i32>} : memref<4x128xi32, #tpu.memory_space<vmem>>, vector<16xi32>,
        %add3A_1397 = arith.constant 1000 : i32
        %add3A_1398 = vector.broadcast %add3A_1397 : i32 to vector<16xi32>
        %add3A_1399 = arith.addi %get3A_1396, %add3A_1398 : vector<16xi32>
        %swap3A_1400 = arith.constant 0 : i32
        %swap3A_1401 = arith.index_cast %swap3A_1400 : i32 to index
        %swap3A_1402 = arith.constant 96 : index
        %swap3A_1403 = tpu.vector_load %arg8[%swap3A_1401, %swap3A_1402] {strides = array<i32>} : memref<2x128xi32, #tpu.memory_space<vmem>>, vector<16xi32>,
        tpu.vector_store %arg8[%swap3A_1401, %swap3A_1402], %add3A_1399 {strides = array<i32>} : memref<2x128xi32, #tpu.memory_space<vmem>>, vector<16xi32>,
        %add3A_1404 = arith.constant 48 : i32
        %add3A_1405 = arith.addi %mul3A_1312, %add3A_1404 : i32
        %get3A_1406 = arith.constant 1 : i32
        %get3A_1407 = arith.index_cast %get3A_1406 : i32 to index
        %get3A_1408 = arith.index_cast %add3A_1405 : i32 to index
        %get3A_1409 = tpu.vector_load %arg6[%get3A_1407, %get3A_1408] {strides = array<i32>} : memref<4x128xi32, #tpu.memory_space<vmem>>, vector<16xi32>,
        %add3A_1410 = arith.constant 1000 : i32
        %add3A_1411 = vector.broadcast %add3A_1410 : i32 to vector<16xi32>
        %add3A_1412 = arith.addi %get3A_1409, %add3A_1411 : vector<16xi32>
        %swap3A_1413 = arith.constant 0 : i32
        %swap3A_1414 = arith.index_cast %swap3A_1413 : i32 to index
        %swap3A_1415 = arith.constant 112 : index
        %swap3A_1416 = tpu.vector_load %arg8[%swap3A_1414, %swap3A_1415] {strides = array<i32>} : memref<2x128xi32, #tpu.memory_space<vmem>>, vector<16xi32>,
        tpu.vector_store %arg8[%swap3A_1414, %swap3A_1415], %add3A_1412 {strides = array<i32>} : memref<2x128xi32, #tpu.memory_space<vmem>>, vector<16xi32>,
        %add3A_1417 = arith.constant 0 : i32
        %add3A_1418 = arith.addi %mul3A_1312, %add3A_1417 : i32
        %get3A_1419 = arith.constant 2 : i32
        %get3A_1420 = arith.index_cast %get3A_1419 : i32 to index
        %get3A_1421 = arith.index_cast %add3A_1418 : i32 to index
        %get3A_1422 = tpu.vector_load %arg6[%get3A_1420, %get3A_1421] {strides = array<i32>} : memref<4x128xi32, #tpu.memory_space<vmem>>, vector<16xi32>,
        %add3A_1423 = arith.constant 2000 : i32
        %add3A_1424 = vector.broadcast %add3A_1423 : i32 to vector<16xi32>
        %add3A_1425 = arith.addi %get3A_1422, %add3A_1424 : vector<16xi32>
        %swap3A_1426 = arith.constant 1 : i32
        %swap3A_1427 = arith.index_cast %swap3A_1426 : i32 to index
        %swap3A_1428 = arith.constant 0 : index
        %swap3A_1429 = tpu.vector_load %arg8[%swap3A_1427, %swap3A_1428] {strides = array<i32>} : memref<2x128xi32, #tpu.memory_space<vmem>>, vector<16xi32>,
        tpu.vector_store %arg8[%swap3A_1427, %swap3A_1428], %add3A_1425 {strides = array<i32>} : memref<2x128xi32, #tpu.memory_space<vmem>>, vector<16xi32>,
        %add3A_1430 = arith.constant 16 : i32
        %add3A_1431 = arith.addi %mul3A_1312, %add3A_1430 : i32
        %get3A_1432 = arith.constant 2 : i32
        %get3A_1433 = arith.index_cast %get3A_1432 : i32 to index
        %get3A_1434 = arith.index_cast %add3A_1431 : i32 to index
        %get3A_1435 = tpu.vector_load %arg6[%get3A_1433, %get3A_1434] {strides = array<i32>} : memref<4x128xi32, #tpu.memory_space<vmem>>, vector<16xi32>,
        %add3A_1436 = arith.constant 2000 : i32
        %add3A_1437 = vector.broadcast %add3A_1436 : i32 to vector<16xi32>
        %add3A_1438 = arith.addi %get3A_1435, %add3A_1437 : vector<16xi32>
        %swap3A_1439 = arith.constant 1 : i32
        %swap3A_1440 = arith.index_cast %swap3A_1439 : i32 to index
        %swap3A_1441 = arith.constant 16 : index
        %swap3A_1442 = tpu.vector_load %arg8[%swap3A_1440, %swap3A_1441] {strides = array<i32>} : memref<2x128xi32, #tpu.memory_space<vmem>>, vector<16xi32>,
        tpu.vector_store %arg8[%swap3A_1440, %swap3A_1441], %add3A_1438 {strides = array<i32>} : memref<2x128xi32, #tpu.memory_space<vmem>>, vector<16xi32>,
        %add3A_1443 = arith.constant 32 : i32
        %add3A_1444 = arith.addi %mul3A_1312, %add3A_1443 : i32
        %get3A_1445 = arith.constant 2 : i32
        %get3A_1446 = arith.index_cast %get3A_1445 : i32 to index
        %get3A_1447 = arith.index_cast %add3A_1444 : i32 to index
        %get3A_1448 = tpu.vector_load %arg6[%get3A_1446, %get3A_1447] {strides = array<i32>} : memref<4x128xi32, #tpu.memory_space<vmem>>, vector<16xi32>,
        %add3A_1449 = arith.constant 2000 : i32
        %add3A_1450 = vector.broadcast %add3A_1449 : i32 to vector<16xi32>
        %add3A_1451 = arith.addi %get3A_1448, %add3A_1450 : vector<16xi32>
        %swap3A_1452 = arith.constant 1 : i32
        %swap3A_1453 = arith.index_cast %swap3A_1452 : i32 to index
        %swap3A_1454 = arith.constant 32 : index
        %swap3A_1455 = tpu.vector_load %arg8[%swap3A_1453, %swap3A_1454] {strides = array<i32>} : memref<2x128xi32, #tpu.memory_space<vmem>>, vector<16xi32>,
        tpu.vector_store %arg8[%swap3A_1453, %swap3A_1454], %add3A_1451 {strides = array<i32>} : memref<2x128xi32, #tpu.memory_space<vmem>>, vector<16xi32>,
        %add3A_1456 = arith.constant 48 : i32
        %add3A_1457 = arith.addi %mul3A_1312, %add3A_1456 : i32
        %get3A_1458 = arith.constant 2 : i32
        %get3A_1459 = arith.index_cast %get3A_1458 : i32 to index
        %get3A_1460 = arith.index_cast %add3A_1457 : i32 to index
        %get3A_1461 = tpu.vector_load %arg6[%get3A_1459, %get3A_1460] {strides = array<i32>} : memref<4x128xi32, #tpu.memory_space<vmem>>, vector<16xi32>,
        %add3A_1462 = arith.constant 2000 : i32
        %add3A_1463 = vector.broadcast %add3A_1462 : i32 to vector<16xi32>
        %add3A_1464 = arith.addi %get3A_1461, %add3A_1463 : vector<16xi32>
        %swap3A_1465 = arith.constant 1 : i32
        %swap3A_1466 = arith.index_cast %swap3A_1465 : i32 to index
        %swap3A_1467 = arith.constant 48 : index
        %swap3A_1468 = tpu.vector_load %arg8[%swap3A_1466, %swap3A_1467] {strides = array<i32>} : memref<2x128xi32, #tpu.memory_space<vmem>>, vector<16xi32>,
        tpu.vector_store %arg8[%swap3A_1466, %swap3A_1467], %add3A_1464 {strides = array<i32>} : memref<2x128xi32, #tpu.memory_space<vmem>>, vector<16xi32>,
        %add3A_1469 = arith.constant 0 : i32
        %add3A_1470 = arith.addi %mul3A_1312, %add3A_1469 : i32
        %get3A_1471 = arith.constant 3 : i32
        %get3A_1472 = arith.index_cast %get3A_1471 : i32 to index
        %get3A_1473 = arith.index_cast %add3A_1470 : i32 to index
        %get3A_1474 = tpu.vector_load %arg6[%get3A_1472, %get3A_1473] {strides = array<i32>} : memref<4x128xi32, #tpu.memory_space<vmem>>, vector<16xi32>,
        %add3A_1475 = arith.constant 3000 : i32
        %add3A_1476 = vector.broadcast %add3A_1475 : i32 to vector<16xi32>
        %add3A_1477 = arith.addi %get3A_1474, %add3A_1476 : vector<16xi32>
        %swap3A_1478 = arith.constant 1 : i32
        %swap3A_1479 = arith.index_cast %swap3A_1478 : i32 to index
        %swap3A_1480 = arith.constant 64 : index
        %swap3A_1481 = tpu.vector_load %arg8[%swap3A_1479, %swap3A_1480] {strides = array<i32>} : memref<2x128xi32, #tpu.memory_space<vmem>>, vector<16xi32>,
        tpu.vector_store %arg8[%swap3A_1479, %swap3A_1480], %add3A_1477 {strides = array<i32>} : memref<2x128xi32, #tpu.memory_space<vmem>>, vector<16xi32>,
        %add3A_1482 = arith.constant 16 : i32
        %add3A_1483 = arith.addi %mul3A_1312, %add3A_1482 : i32
        %get3A_1484 = arith.constant 3 : i32
        %get3A_1485 = arith.index_cast %get3A_1484 : i32 to index
        %get3A_1486 = arith.index_cast %add3A_1483 : i32 to index
        %get3A_1487 = tpu.vector_load %arg6[%get3A_1485, %get3A_1486] {strides = array<i32>} : memref<4x128xi32, #tpu.memory_space<vmem>>, vector<16xi32>,
        %add3A_1488 = arith.constant 3000 : i32
        %add3A_1489 = vector.broadcast %add3A_1488 : i32 to vector<16xi32>
        %add3A_1490 = arith.addi %get3A_1487, %add3A_1489 : vector<16xi32>
        %swap3A_1491 = arith.constant 1 : i32
        %swap3A_1492 = arith.index_cast %swap3A_1491 : i32 to index
        %swap3A_1493 = arith.constant 80 : index
        %swap3A_1494 = tpu.vector_load %arg8[%swap3A_1492, %swap3A_1493] {strides = array<i32>} : memref<2x128xi32, #tpu.memory_space<vmem>>, vector<16xi32>,
        tpu.vector_store %arg8[%swap3A_1492, %swap3A_1493], %add3A_1490 {strides = array<i32>} : memref<2x128xi32, #tpu.memory_space<vmem>>, vector<16xi32>,
        %add3A_1495 = arith.constant 32 : i32
        %add3A_1496 = arith.addi %mul3A_1312, %add3A_1495 : i32
        %get3A_1497 = arith.constant 3 : i32
        %get3A_1498 = arith.index_cast %get3A_1497 : i32 to index
        %get3A_1499 = arith.index_cast %add3A_1496 : i32 to index
        %get3A_1500 = tpu.vector_load %arg6[%get3A_1498, %get3A_1499] {strides = array<i32>} : memref<4x128xi32, #tpu.memory_space<vmem>>, vector<16xi32>,
        %add3A_1501 = arith.constant 3000 : i32
        %add3A_1502 = vector.broadcast %add3A_1501 : i32 to vector<16xi32>
        %add3A_1503 = arith.addi %get3A_1500, %add3A_1502 : vector<16xi32>
        %swap3A_1504 = arith.constant 1 : i32
        %swap3A_1505 = arith.index_cast %swap3A_1504 : i32 to index
        %swap3A_1506 = arith.constant 96 : index
        %swap3A_1507 = tpu.vector_load %arg8[%swap3A_1505, %swap3A_1506] {strides = array<i32>} : memref<2x128xi32, #tpu.memory_space<vmem>>, vector<16xi32>,
        tpu.vector_store %arg8[%swap3A_1505, %swap3A_1506], %add3A_1503 {strides = array<i32>} : memref<2x128xi32, #tpu.memory_space<vmem>>, vector<16xi32>,
        %add3A_1508 = arith.constant 48 : i32
        %add3A_1509 = arith.addi %mul3A_1312, %add3A_1508 : i32
        %get3A_1510 = arith.constant 3 : i32
        %get3A_1511 = arith.index_cast %get3A_1510 : i32 to index
        %get3A_1512 = arith.index_cast %add3A_1509 : i32 to index
        %get3A_1513 = tpu.vector_load %arg6[%get3A_1511, %get3A_1512] {strides = array<i32>} : memref<4x128xi32, #tpu.memory_space<vmem>>, vector<16xi32>,
        %add3A_1514 = arith.constant 3000 : i32
        %add3A_1515 = vector.broadcast %add3A_1514 : i32 to vector<16xi32>
        %add3A_1516 = arith.addi %get3A_1513, %add3A_1515 : vector<16xi32>
        %swap3A_1517 = arith.constant 1 : i32
        %swap3A_1518 = arith.index_cast %swap3A_1517 : i32 to index
        %swap3A_1519 = arith.constant 112 : index
        %swap3A_1520 = tpu.vector_load %arg8[%swap3A_1518, %swap3A_1519] {strides = array<i32>} : memref<2x128xi32, #tpu.memory_space<vmem>>, vector<16xi32>,
        tpu.vector_store %arg8[%swap3A_1518, %swap3A_1519], %add3A_1516 {strides = array<i32>} : memref<2x128xi32, #tpu.memory_space<vmem>>, vector<16xi32>,
      } else {
      }
      %add3A_1248 = arith.constant 4 : i32
      %add3A_1249 = arith.addi %add3A_1220, %add3A_1248 : i32
      %lt3A_1250 = arith.constant 400 : i32
      %lt3A_1251 = arith.cmpi slt, %add3A_1249, %lt3A_1250 : i32
      %convert_element_type3A_1252 = arith.extui %lt3A_1251 : i1 to i32
      %cond3A_1253 = arith.constant 0 : i32
      %cond3A_1254 = arith.cmpi ne, %convert_element_type3A_1252, %cond3A_1253 : i32
      scf.if %cond3A_1254 {
        %add3A_1294 = arith.constant 4 : i32
        %add3A_1295 = arith.addi %add3A_1220, %add3A_1294 : i32
        %shift_right_logical3A_1296 = arith.constant 1 : i32
        %shift_right_logical3A_1297 = arith.shrui %add3A_1295, %shift_right_logical3A_1296 : i32
        %mul3A_1298 = arith.constant 32 : i32
        %mul3A_1299 = arith.muli %shift_right_logical3A_1297, %mul3A_1298 : i32
        %add3A_1300 = arith.addi %mul3A_1299, %add3A : i32
        %mul3A_1301 = arith.constant 4 : i32
        %mul3A_1302 = arith.muli %add3A_1300, %mul3A_1301 : i32
        %dma_start3A_1303 = arith.constant 0 : i32
        %dma_start3A_1304 = tpu.memref_slice %arg2[%mul3A_1302, %dma_start3A_1303] : memref<25600x128xi32, #tpu.memory_space<hbm>> -> memref<4x128xi32, #tpu.memory_space<hbm>>
        %dma_start3A_1305 = arith.constant 0 : i32
        %dma_start3A_1306 = tpu.memref_slice %arg2[%mul3A_1302, %dma_start3A_1305] : memref<25600x128xi32, #tpu.memory_space<hbm>> -> memref<4x128xi32, #tpu.memory_space<hbm>>
        tpu.enqueue_dma source(%dma_start3A_1306 : memref<4x128xi32, #tpu.memory_space<hbm>>) target(%arg6 : memref<4x128xi32, #tpu.memory_space<vmem>>) target_semaphore(%arg15 : memref<!tpu.dma_semaphore, #tpu.memory_space<semaphore_mem>>)
      } else {
      }
      %shift_right_logical3A_1255 = arith.constant 1 : i32
      %shift_right_logical3A_1256 = arith.shrui %add3A_1220, %shift_right_logical3A_1255 : i32
      %and3A_1257 = arith.constant 1 : i32
      %and3A_1258 = arith.andi %add3A_1220, %and3A_1257 : i32
      %mul3A_1259 = arith.constant 128 : i32
      %mul3A_1260 = arith.muli %add3A, %mul3A_1259 : i32
      %mul3A_1261 = arith.constant 64 : i32
      %mul3A_1262 = arith.muli %and3A_1258, %mul3A_1261 : i32
      %add3A_1263 = arith.addi %mul3A_1260, %mul3A_1262 : i32
      %dma_wait3A_1264 = arith.constant 0 : i32
      %dma_wait3A_1265 = tpu.memref_slice %arg4[%add3A_1263, %shift_right_logical3A_1256, %dma_wait3A_1264] : memref<4096x200x128xf32, #tpu.memory_space<hbm>> -> memref<64x1x128xf32, #tpu.memory_space<hbm>>
      %dma_wait3A_1266 = arith.constant 0 : i32
      %dma_wait3A_1267 = tpu.memref_slice %arg4[%add3A_1263, %shift_right_logical3A_1256, %dma_wait3A_1266] : memref<4096x200x128xf32, #tpu.memory_space<hbm>> -> memref<64x1x128xf32, #tpu.memory_space<hbm>>
      tpu.wait_dma2 semaphore(%arg19 : memref<!tpu.dma_semaphore, #tpu.memory_space<semaphore_mem>>) src(%arg12 : memref<64x1x128xf32, #tpu.memory_space<vmem>>) dst(%dma_wait3A_1267 : memref<64x1x128xf32, #tpu.memory_space<hbm>>)
      %scan3A_1268 = arith.constant 0 : i32
      %scan3A_1269 = arith.constant 0 : i32
      %scan3A_1270 = arith.constant 64 : i32
      %scan3A_1271 = arith.addi %scan3A_1269, %scan3A_1270 : i32
      %scan3A_1272 = arith.constant 2 : i32
      scf.for %scan3A_1294 = %scan3A_1269 to %scan3A_1271 step %scan3A_1272  : i32 {
        %get3A_1295 = arith.index_cast %scan3A_1294 : i32 to index
        %get3A_1296 = arith.constant 0 : index
        %get3A_1297 = tpu.vector_load %arg10[%get3A_1295, %get3A_1296] {strides = array<i32>} : memref<256x128xf32, #tpu.memory_space<vmem>>, vector<16xf32>,
        %add3A_1298 = arith.constant 64 : i32
        %add3A_1299 = arith.addi %add3A_1298, %scan3A_1294 : i32
        %get3A_1300 = arith.index_cast %add3A_1299 : i32 to index
        %get3A_1301 = arith.constant 0 : index
        %get3A_1302 = tpu.vector_load %arg10[%get3A_1300, %get3A_1301] {strides = array<i32>} : memref<256x128xf32, #tpu.memory_space<vmem>>, vector<16xf32>,
        %add3A_1303 = arith.addf %get3A_1297, %get3A_1302 : vector<16xf32>
        %add3A_1304 = arith.constant 128 : i32
        %add3A_1305 = arith.addi %add3A_1304, %scan3A_1294 : i32
        %get3A_1306 = arith.index_cast %add3A_1305 : i32 to index
        %get3A_1307 = arith.constant 0 : index
        %get3A_1308 = tpu.vector_load %arg10[%get3A_1306, %get3A_1307] {strides = array<i32>} : memref<256x128xf32, #tpu.memory_space<vmem>>, vector<16xf32>,
        %add3A_1309 = arith.constant 192 : i32
        %add3A_1310 = arith.addi %add3A_1309, %scan3A_1294 : i32
        %get3A_1311 = arith.index_cast %add3A_1310 : i32 to index
        %get3A_1312 = arith.constant 0 : index
        %get3A_1313 = tpu.vector_load %arg10[%get3A_1311, %get3A_1312] {strides = array<i32>} : memref<256x128xf32, #tpu.memory_space<vmem>>, vector<16xf32>,
        %add3A_1314 = arith.addf %get3A_1308, %get3A_1313 : vector<16xf32>
        %add3A_1315 = arith.addf %add3A_1303, %add3A_1314 : vector<16xf32>
        %mul3A_1316 = vector.broadcast %scan3A_1105 : f32 to vector<16xf32>
        %mul3A_1317 = arith.mulf %add3A_1315, %mul3A_1316 : vector<16xf32>
        %get3A_1318 = arith.index_cast %scan3A_1294 : i32 to index
        %get3A_1319 = arith.constant 16 : index
        %get3A_1320 = tpu.vector_load %arg10[%get3A_1318, %get3A_1319] {strides = array<i32>} : memref<256x128xf32, #tpu.memory_space<vmem>>, vector<16xf32>,
        %add3A_1321 = arith.constant 64 : i32
        %add3A_1322 = arith.addi %add3A_1321, %scan3A_1294 : i32
        %get3A_1323 = arith.index_cast %add3A_1322 : i32 to index
        %get3A_1324 = arith.constant 16 : index
        %get3A_1325 = tpu.vector_load %arg10[%get3A_1323, %get3A_1324] {strides = array<i32>} : memref<256x128xf32, #tpu.memory_space<vmem>>, vector<16xf32>,
        %add3A_1326 = arith.addf %get3A_1320, %get3A_1325 : vector<16xf32>
        %add3A_1327 = arith.constant 128 : i32
        %add3A_1328 = arith.addi %add3A_1327, %scan3A_1294 : i32
        %get3A_1329 = arith.index_cast %add3A_1328 : i32 to index
        %get3A_1330 = arith.constant 16 : index
        %get3A_1331 = tpu.vector_load %arg10[%get3A_1329, %get3A_1330] {strides = array<i32>} : memref<256x128xf32, #tpu.memory_space<vmem>>, vector<16xf32>,
        %add3A_1332 = arith.constant 192 : i32
        %add3A_1333 = arith.addi %add3A_1332, %scan3A_1294 : i32
        %get3A_1334 = arith.index_cast %add3A_1333 : i32 to index
        %get3A_1335 = arith.constant 16 : index
        %get3A_1336 = tpu.vector_load %arg10[%get3A_1334, %get3A_1335] {strides = array<i32>} : memref<256x128xf32, #tpu.memory_space<vmem>>, vector<16xf32>,
        %add3A_1337 = arith.addf %get3A_1331, %get3A_1336 : vector<16xf32>
        %add3A_1338 = arith.addf %add3A_1326, %add3A_1337 : vector<16xf32>
        %mul3A_1339 = vector.broadcast %scan3A_1105 : f32 to vector<16xf32>
        %mul3A_1340 = arith.mulf %add3A_1338, %mul3A_1339 : vector<16xf32>
        %get3A_1341 = arith.index_cast %scan3A_1294 : i32 to index
        %get3A_1342 = arith.constant 32 : index
        %get3A_1343 = tpu.vector_load %arg10[%get3A_1341, %get3A_1342] {strides = array<i32>} : memref<256x128xf32, #tpu.memory_space<vmem>>, vector<16xf32>,
        %add3A_1344 = arith.constant 64 : i32
        %add3A_1345 = arith.addi %add3A_1344, %scan3A_1294 : i32
        %get3A_1346 = arith.index_cast %add3A_1345 : i32 to index
        %get3A_1347 = arith.constant 32 : index
        %get3A_1348 = tpu.vector_load %arg10[%get3A_1346, %get3A_1347] {strides = array<i32>} : memref<256x128xf32, #tpu.memory_space<vmem>>, vector<16xf32>,
        %add3A_1349 = arith.addf %get3A_1343, %get3A_1348 : vector<16xf32>
        %add3A_1350 = arith.constant 128 : i32
        %add3A_1351 = arith.addi %add3A_1350, %scan3A_1294 : i32
        %get3A_1352 = arith.index_cast %add3A_1351 : i32 to index
        %get3A_1353 = arith.constant 32 : index
        %get3A_1354 = tpu.vector_load %arg10[%get3A_1352, %get3A_1353] {strides = array<i32>} : memref<256x128xf32, #tpu.memory_space<vmem>>, vector<16xf32>,
        %add3A_1355 = arith.constant 192 : i32
        %add3A_1356 = arith.addi %add3A_1355, %scan3A_1294 : i32
        %get3A_1357 = arith.index_cast %add3A_1356 : i32 to index
        %get3A_1358 = arith.constant 32 : index
        %get3A_1359 = tpu.vector_load %arg10[%get3A_1357, %get3A_1358] {strides = array<i32>} : memref<256x128xf32, #tpu.memory_space<vmem>>, vector<16xf32>,
        %add3A_1360 = arith.addf %get3A_1354, %get3A_1359 : vector<16xf32>
        %add3A_1361 = arith.addf %add3A_1349, %add3A_1360 : vector<16xf32>
        %mul3A_1362 = vector.broadcast %scan3A_1105 : f32 to vector<16xf32>
        %mul3A_1363 = arith.mulf %add3A_1361, %mul3A_1362 : vector<16xf32>
        %get3A_1364 = arith.index_cast %scan3A_1294 : i32 to index
        %get3A_1365 = arith.constant 48 : index
        %get3A_1366 = tpu.vector_load %arg10[%get3A_1364, %get3A_1365] {strides = array<i32>} : memref<256x128xf32, #tpu.memory_space<vmem>>, vector<16xf32>,
        %add3A_1367 = arith.constant 64 : i32
        %add3A_1368 = arith.addi %add3A_1367, %scan3A_1294 : i32
        %get3A_1369 = arith.index_cast %add3A_1368 : i32 to index
        %get3A_1370 = arith.constant 48 : index
        %get3A_1371 = tpu.vector_load %arg10[%get3A_1369, %get3A_1370] {strides = array<i32>} : memref<256x128xf32, #tpu.memory_space<vmem>>, vector<16xf32>,
        %add3A_1372 = arith.addf %get3A_1366, %get3A_1371 : vector<16xf32>
        %add3A_1373 = arith.constant 128 : i32
        %add3A_1374 = arith.addi %add3A_1373, %scan3A_1294 : i32
        %get3A_1375 = arith.index_cast %add3A_1374 : i32 to index
        %get3A_1376 = arith.constant 48 : index
        %get3A_1377 = tpu.vector_load %arg10[%get3A_1375, %get3A_1376] {strides = array<i32>} : memref<256x128xf32, #tpu.memory_space<vmem>>, vector<16xf32>,
        %add3A_1378 = arith.constant 192 : i32
        %add3A_1379 = arith.addi %add3A_1378, %scan3A_1294 : i32
        %get3A_1380 = arith.index_cast %add3A_1379 : i32 to index
        %get3A_1381 = arith.constant 48 : index
        %get3A_1382 = tpu.vector_load %arg10[%get3A_1380, %get3A_1381] {strides = array<i32>} : memref<256x128xf32, #tpu.memory_space<vmem>>, vector<16xf32>,
        %add3A_1383 = arith.addf %get3A_1377, %get3A_1382 : vector<16xf32>
        %add3A_1384 = arith.addf %add3A_1372, %add3A_1383 : vector<16xf32>
        %mul3A_1385 = vector.broadcast %scan3A_1105 : f32 to vector<16xf32>
        %mul3A_1386 = arith.mulf %add3A_1384, %mul3A_1385 : vector<16xf32>
        %get3A_1387 = arith.index_cast %scan3A_1294 : i32 to index
        %get3A_1388 = arith.constant 64 : index
        %get3A_1389 = tpu.vector_load %arg10[%get3A_1387, %get3A_1388] {strides = array<i32>} : memref<256x128xf32, #tpu.memory_space<vmem>>, vector<16xf32>,
        %add3A_1390 = arith.constant 64 : i32
        %add3A_1391 = arith.addi %add3A_1390, %scan3A_1294 : i32
        %get3A_1392 = arith.index_cast %add3A_1391 : i32 to index
        %get3A_1393 = arith.constant 64 : index
        %get3A_1394 = tpu.vector_load %arg10[%get3A_1392, %get3A_1393] {strides = array<i32>} : memref<256x128xf32, #tpu.memory_space<vmem>>, vector<16xf32>,
        %add3A_1395 = arith.addf %get3A_1389, %get3A_1394 : vector<16xf32>
        %add3A_1396 = arith.constant 128 : i32
        %add3A_1397 = arith.addi %add3A_1396, %scan3A_1294 : i32
        %get3A_1398 = arith.index_cast %add3A_1397 : i32 to index
        %get3A_1399 = arith.constant 64 : index
        %get3A_1400 = tpu.vector_load %arg10[%get3A_1398, %get3A_1399] {strides = array<i32>} : memref<256x128xf32, #tpu.memory_space<vmem>>, vector<16xf32>,
        %add3A_1401 = arith.constant 192 : i32
        %add3A_1402 = arith.addi %add3A_1401, %scan3A_1294 : i32
        %get3A_1403 = arith.index_cast %add3A_1402 : i32 to index
        %get3A_1404 = arith.constant 64 : index
        %get3A_1405 = tpu.vector_load %arg10[%get3A_1403, %get3A_1404] {strides = array<i32>} : memref<256x128xf32, #tpu.memory_space<vmem>>, vector<16xf32>,
        %add3A_1406 = arith.addf %get3A_1400, %get3A_1405 : vector<16xf32>
        %add3A_1407 = arith.addf %add3A_1395, %add3A_1406 : vector<16xf32>
        %mul3A_1408 = vector.broadcast %scan3A_1105 : f32 to vector<16xf32>
        %mul3A_1409 = arith.mulf %add3A_1407, %mul3A_1408 : vector<16xf32>
        %get3A_1410 = arith.index_cast %scan3A_1294 : i32 to index
        %get3A_1411 = arith.constant 80 : index
        %get3A_1412 = tpu.vector_load %arg10[%get3A_1410, %get3A_1411] {strides = array<i32>} : memref<256x128xf32, #tpu.memory_space<vmem>>, vector<16xf32>,
        %add3A_1413 = arith.constant 64 : i32
        %add3A_1414 = arith.addi %add3A_1413, %scan3A_1294 : i32
        %get3A_1415 = arith.index_cast %add3A_1414 : i32 to index
        %get3A_1416 = arith.constant 80 : index
        %get3A_1417 = tpu.vector_load %arg10[%get3A_1415, %get3A_1416] {strides = array<i32>} : memref<256x128xf32, #tpu.memory_space<vmem>>, vector<16xf32>,
        %add3A_1418 = arith.addf %get3A_1412, %get3A_1417 : vector<16xf32>
        %add3A_1419 = arith.constant 128 : i32
        %add3A_1420 = arith.addi %add3A_1419, %scan3A_1294 : i32
        %get3A_1421 = arith.index_cast %add3A_1420 : i32 to index
        %get3A_1422 = arith.constant 80 : index
        %get3A_1423 = tpu.vector_load %arg10[%get3A_1421, %get3A_1422] {strides = array<i32>} : memref<256x128xf32, #tpu.memory_space<vmem>>, vector<16xf32>,
        %add3A_1424 = arith.constant 192 : i32
        %add3A_1425 = arith.addi %add3A_1424, %scan3A_1294 : i32
        %get3A_1426 = arith.index_cast %add3A_1425 : i32 to index
        %get3A_1427 = arith.constant 80 : index
        %get3A_1428 = tpu.vector_load %arg10[%get3A_1426, %get3A_1427] {strides = array<i32>} : memref<256x128xf32, #tpu.memory_space<vmem>>, vector<16xf32>,
        %add3A_1429 = arith.addf %get3A_1423, %get3A_1428 : vector<16xf32>
        %add3A_1430 = arith.addf %add3A_1418, %add3A_1429 : vector<16xf32>
        %mul3A_1431 = vector.broadcast %scan3A_1105 : f32 to vector<16xf32>
        %mul3A_1432 = arith.mulf %add3A_1430, %mul3A_1431 : vector<16xf32>
        %get3A_1433 = arith.index_cast %scan3A_1294 : i32 to index
        %get3A_1434 = arith.constant 96 : index
        %get3A_1435 = tpu.vector_load %arg10[%get3A_1433, %get3A_1434] {strides = array<i32>} : memref<256x128xf32, #tpu.memory_space<vmem>>, vector<16xf32>,
        %add3A_1436 = arith.constant 64 : i32
        %add3A_1437 = arith.addi %add3A_1436, %scan3A_1294 : i32
        %get3A_1438 = arith.index_cast %add3A_1437 : i32 to index
        %get3A_1439 = arith.constant 96 : index
        %get3A_1440 = tpu.vector_load %arg10[%get3A_1438, %get3A_1439] {strides = array<i32>} : memref<256x128xf32, #tpu.memory_space<vmem>>, vector<16xf32>,
        %add3A_1441 = arith.addf %get3A_1435, %get3A_1440 : vector<16xf32>
        %add3A_1442 = arith.constant 128 : i32
        %add3A_1443 = arith.addi %add3A_1442, %scan3A_1294 : i32
        %get3A_1444 = arith.index_cast %add3A_1443 : i32 to index
        %get3A_1445 = arith.constant 96 : index
        %get3A_1446 = tpu.vector_load %arg10[%get3A_1444, %get3A_1445] {strides = array<i32>} : memref<256x128xf32, #tpu.memory_space<vmem>>, vector<16xf32>,
        %add3A_1447 = arith.constant 192 : i32
        %add3A_1448 = arith.addi %add3A_1447, %scan3A_1294 : i32
        %get3A_1449 = arith.index_cast %add3A_1448 : i32 to index
        %get3A_1450 = arith.constant 96 : index
        %get3A_1451 = tpu.vector_load %arg10[%get3A_1449, %get3A_1450] {strides = array<i32>} : memref<256x128xf32, #tpu.memory_space<vmem>>, vector<16xf32>,
        %add3A_1452 = arith.addf %get3A_1446, %get3A_1451 : vector<16xf32>
        %add3A_1453 = arith.addf %add3A_1441, %add3A_1452 : vector<16xf32>
        %mul3A_1454 = vector.broadcast %scan3A_1105 : f32 to vector<16xf32>
        %mul3A_1455 = arith.mulf %add3A_1453, %mul3A_1454 : vector<16xf32>
        %get3A_1456 = arith.index_cast %scan3A_1294 : i32 to index
        %get3A_1457 = arith.constant 112 : index
        %get3A_1458 = tpu.vector_load %arg10[%get3A_1456, %get3A_1457] {strides = array<i32>} : memref<256x128xf32, #tpu.memory_space<vmem>>, vector<16xf32>,
        %add3A_1459 = arith.constant 64 : i32
        %add3A_1460 = arith.addi %add3A_1459, %scan3A_1294 : i32
        %get3A_1461 = arith.index_cast %add3A_1460 : i32 to index
        %get3A_1462 = arith.constant 112 : index
        %get3A_1463 = tpu.vector_load %arg10[%get3A_1461, %get3A_1462] {strides = array<i32>} : memref<256x128xf32, #tpu.memory_space<vmem>>, vector<16xf32>,
        %add3A_1464 = arith.addf %get3A_1458, %get3A_1463 : vector<16xf32>
        %add3A_1465 = arith.constant 128 : i32
        %add3A_1466 = arith.addi %add3A_1465, %scan3A_1294 : i32
        %get3A_1467 = arith.index_cast %add3A_1466 : i32 to index
        %get3A_1468 = arith.constant 112 : index
        %get3A_1469 = tpu.vector_load %arg10[%get3A_1467, %get3A_1468] {strides = array<i32>} : memref<256x128xf32, #tpu.memory_space<vmem>>, vector<16xf32>,
        %add3A_1470 = arith.constant 192 : i32
        %add3A_1471 = arith.addi %add3A_1470, %scan3A_1294 : i32
        %get3A_1472 = arith.index_cast %add3A_1471 : i32 to index
        %get3A_1473 = arith.constant 112 : index
        %get3A_1474 = tpu.vector_load %arg10[%get3A_1472, %get3A_1473] {strides = array<i32>} : memref<256x128xf32, #tpu.memory_space<vmem>>, vector<16xf32>,
        %add3A_1475 = arith.addf %get3A_1469, %get3A_1474 : vector<16xf32>
        %add3A_1476 = arith.addf %add3A_1464, %add3A_1475 : vector<16xf32>
        %mul3A_1477 = vector.broadcast %scan3A_1105 : f32 to vector<16xf32>
        %mul3A_1478 = arith.mulf %add3A_1476, %mul3A_1477 : vector<16xf32>
        %swap3A_1479 = arith.constant 0 : i32
        %swap3A_1480 = arith.index_cast %scan3A_1294 : i32 to index
        %swap3A_1481 = arith.index_cast %swap3A_1479 : i32 to index
        %swap3A_1482 = arith.constant 0 : index
        %swap3A_1483 = tpu.vector_load %arg12[%swap3A_1480, %swap3A_1481, %swap3A_1482] {strides = array<i32>} : memref<64x1x128xf32, #tpu.memory_space<vmem>>, vector<16xf32>,
        tpu.vector_store %arg12[%swap3A_1480, %swap3A_1481, %swap3A_1482], %mul3A_1317 {strides = array<i32>} : memref<64x1x128xf32, #tpu.memory_space<vmem>>, vector<16xf32>,
        %swap3A_1484 = arith.constant 0 : i32
        %swap3A_1485 = arith.index_cast %scan3A_1294 : i32 to index
        %swap3A_1486 = arith.index_cast %swap3A_1484 : i32 to index
        %swap3A_1487 = arith.constant 16 : index
        %swap3A_1488 = tpu.vector_load %arg12[%swap3A_1485, %swap3A_1486, %swap3A_1487] {strides = array<i32>} : memref<64x1x128xf32, #tpu.memory_space<vmem>>, vector<16xf32>,
        tpu.vector_store %arg12[%swap3A_1485, %swap3A_1486, %swap3A_1487], %mul3A_1340 {strides = array<i32>} : memref<64x1x128xf32, #tpu.memory_space<vmem>>, vector<16xf32>,
        %swap3A_1489 = arith.constant 0 : i32
        %swap3A_1490 = arith.index_cast %scan3A_1294 : i32 to index
        %swap3A_1491 = arith.index_cast %swap3A_1489 : i32 to index
        %swap3A_1492 = arith.constant 32 : index
        %swap3A_1493 = tpu.vector_load %arg12[%swap3A_1490, %swap3A_1491, %swap3A_1492] {strides = array<i32>} : memref<64x1x128xf32, #tpu.memory_space<vmem>>, vector<16xf32>,
        tpu.vector_store %arg12[%swap3A_1490, %swap3A_1491, %swap3A_1492], %mul3A_1363 {strides = array<i32>} : memref<64x1x128xf32, #tpu.memory_space<vmem>>, vector<16xf32>,
        %swap3A_1494 = arith.constant 0 : i32
        %swap3A_1495 = arith.index_cast %scan3A_1294 : i32 to index
        %swap3A_1496 = arith.index_cast %swap3A_1494 : i32 to index
        %swap3A_1497 = arith.constant 48 : index
        %swap3A_1498 = tpu.vector_load %arg12[%swap3A_1495, %swap3A_1496, %swap3A_1497] {strides = array<i32>} : memref<64x1x128xf32, #tpu.memory_space<vmem>>, vector<16xf32>,
        tpu.vector_store %arg12[%swap3A_1495, %swap3A_1496, %swap3A_1497], %mul3A_1386 {strides = array<i32>} : memref<64x1x128xf32, #tpu.memory_space<vmem>>, vector<16xf32>,
        %swap3A_1499 = arith.constant 0 : i32
        %swap3A_1500 = arith.index_cast %scan3A_1294 : i32 to index
        %swap3A_1501 = arith.index_cast %swap3A_1499 : i32 to index
        %swap3A_1502 = arith.constant 64 : index
        %swap3A_1503 = tpu.vector_load %arg12[%swap3A_1500, %swap3A_1501, %swap3A_1502] {strides = array<i32>} : memref<64x1x128xf32, #tpu.memory_space<vmem>>, vector<16xf32>,
        tpu.vector_store %arg12[%swap3A_1500, %swap3A_1501, %swap3A_1502], %mul3A_1409 {strides = array<i32>} : memref<64x1x128xf32, #tpu.memory_space<vmem>>, vector<16xf32>,
        %swap3A_1504 = arith.constant 0 : i32
        %swap3A_1505 = arith.index_cast %scan3A_1294 : i32 to index
        %swap3A_1506 = arith.index_cast %swap3A_1504 : i32 to index
        %swap3A_1507 = arith.constant 80 : index
        %swap3A_1508 = tpu.vector_load %arg12[%swap3A_1505, %swap3A_1506, %swap3A_1507] {strides = array<i32>} : memref<64x1x128xf32, #tpu.memory_space<vmem>>, vector<16xf32>,
        tpu.vector_store %arg12[%swap3A_1505, %swap3A_1506, %swap3A_1507], %mul3A_1432 {strides = array<i32>} : memref<64x1x128xf32, #tpu.memory_space<vmem>>, vector<16xf32>,
        %swap3A_1509 = arith.constant 0 : i32
        %swap3A_1510 = arith.index_cast %scan3A_1294 : i32 to index
        %swap3A_1511 = arith.index_cast %swap3A_1509 : i32 to index
        %swap3A_1512 = arith.constant 96 : index
        %swap3A_1513 = tpu.vector_load %arg12[%swap3A_1510, %swap3A_1511, %swap3A_1512] {strides = array<i32>} : memref<64x1x128xf32, #tpu.memory_space<vmem>>, vector<16xf32>,
        tpu.vector_store %arg12[%swap3A_1510, %swap3A_1511, %swap3A_1512], %mul3A_1455 {strides = array<i32>} : memref<64x1x128xf32, #tpu.memory_space<vmem>>, vector<16xf32>,
        %swap3A_1514 = arith.constant 0 : i32
        %swap3A_1515 = arith.index_cast %scan3A_1294 : i32 to index
        %swap3A_1516 = arith.index_cast %swap3A_1514 : i32 to index
        %swap3A_1517 = arith.constant 112 : index
        %swap3A_1518 = tpu.vector_load %arg12[%swap3A_1515, %swap3A_1516, %swap3A_1517] {strides = array<i32>} : memref<64x1x128xf32, #tpu.memory_space<vmem>>, vector<16xf32>,
        tpu.vector_store %arg12[%swap3A_1515, %swap3A_1516, %swap3A_1517], %mul3A_1478 {strides = array<i32>} : memref<64x1x128xf32, #tpu.memory_space<vmem>>, vector<16xf32>,
        %scan3A_1519 = arith.constant 1 : i32
        %scan3A_1520 = arith.addi %scan3A_1294, %scan3A_1519 : i32
        %get3A_1521 = arith.index_cast %scan3A_1520 : i32 to index
        %get3A_1522 = arith.constant 0 : index
        %get3A_1523 = tpu.vector_load %arg10[%get3A_1521, %get3A_1522] {strides = array<i32>} : memref<256x128xf32, #tpu.memory_space<vmem>>, vector<16xf32>,
        %add3A_1524 = arith.constant 64 : i32
        %add3A_1525 = arith.addi %add3A_1524, %scan3A_1520 : i32
        %get3A_1526 = arith.index_cast %add3A_1525 : i32 to index
        %get3A_1527 = arith.constant 0 : index
        %get3A_1528 = tpu.vector_load %arg10[%get3A_1526, %get3A_1527] {strides = array<i32>} : memref<256x128xf32, #tpu.memory_space<vmem>>, vector<16xf32>,
        %add3A_1529 = arith.addf %get3A_1523, %get3A_1528 : vector<16xf32>
        %add3A_1530 = arith.constant 128 : i32
        %add3A_1531 = arith.addi %add3A_1530, %scan3A_1520 : i32
        %get3A_1532 = arith.index_cast %add3A_1531 : i32 to index
        %get3A_1533 = arith.constant 0 : index
        %get3A_1534 = tpu.vector_load %arg10[%get3A_1532, %get3A_1533] {strides = array<i32>} : memref<256x128xf32, #tpu.memory_space<vmem>>, vector<16xf32>,
        %add3A_1535 = arith.constant 192 : i32
        %add3A_1536 = arith.addi %add3A_1535, %scan3A_1520 : i32
        %get3A_1537 = arith.index_cast %add3A_1536 : i32 to index
        %get3A_1538 = arith.constant 0 : index
        %get3A_1539 = tpu.vector_load %arg10[%get3A_1537, %get3A_1538] {strides = array<i32>} : memref<256x128xf32, #tpu.memory_space<vmem>>, vector<16xf32>,
        %add3A_1540 = arith.addf %get3A_1534, %get3A_1539 : vector<16xf32>
        %add3A_1541 = arith.addf %add3A_1529, %add3A_1540 : vector<16xf32>
        %mul3A_1542 = vector.broadcast %scan3A_1105 : f32 to vector<16xf32>
        %mul3A_1543 = arith.mulf %add3A_1541, %mul3A_1542 : vector<16xf32>
        %get3A_1544 = arith.index_cast %scan3A_1520 : i32 to index
        %get3A_1545 = arith.constant 16 : index
        %get3A_1546 = tpu.vector_load %arg10[%get3A_1544, %get3A_1545] {strides = array<i32>} : memref<256x128xf32, #tpu.memory_space<vmem>>, vector<16xf32>,
        %add3A_1547 = arith.constant 64 : i32
        %add3A_1548 = arith.addi %add3A_1547, %scan3A_1520 : i32
        %get3A_1549 = arith.index_cast %add3A_1548 : i32 to index
        %get3A_1550 = arith.constant 16 : index
        %get3A_1551 = tpu.vector_load %arg10[%get3A_1549, %get3A_1550] {strides = array<i32>} : memref<256x128xf32, #tpu.memory_space<vmem>>, vector<16xf32>,
        %add3A_1552 = arith.addf %get3A_1546, %get3A_1551 : vector<16xf32>
        %add3A_1553 = arith.constant 128 : i32
        %add3A_1554 = arith.addi %add3A_1553, %scan3A_1520 : i32
        %get3A_1555 = arith.index_cast %add3A_1554 : i32 to index
        %get3A_1556 = arith.constant 16 : index
        %get3A_1557 = tpu.vector_load %arg10[%get3A_1555, %get3A_1556] {strides = array<i32>} : memref<256x128xf32, #tpu.memory_space<vmem>>, vector<16xf32>,
        %add3A_1558 = arith.constant 192 : i32
        %add3A_1559 = arith.addi %add3A_1558, %scan3A_1520 : i32
        %get3A_1560 = arith.index_cast %add3A_1559 : i32 to index
        %get3A_1561 = arith.constant 16 : index
        %get3A_1562 = tpu.vector_load %arg10[%get3A_1560, %get3A_1561] {strides = array<i32>} : memref<256x128xf32, #tpu.memory_space<vmem>>, vector<16xf32>,
        %add3A_1563 = arith.addf %get3A_1557, %get3A_1562 : vector<16xf32>
        %add3A_1564 = arith.addf %add3A_1552, %add3A_1563 : vector<16xf32>
        %mul3A_1565 = vector.broadcast %scan3A_1105 : f32 to vector<16xf32>
        %mul3A_1566 = arith.mulf %add3A_1564, %mul3A_1565 : vector<16xf32>
        %get3A_1567 = arith.index_cast %scan3A_1520 : i32 to index
        %get3A_1568 = arith.constant 32 : index
        %get3A_1569 = tpu.vector_load %arg10[%get3A_1567, %get3A_1568] {strides = array<i32>} : memref<256x128xf32, #tpu.memory_space<vmem>>, vector<16xf32>,
        %add3A_1570 = arith.constant 64 : i32
        %add3A_1571 = arith.addi %add3A_1570, %scan3A_1520 : i32
        %get3A_1572 = arith.index_cast %add3A_1571 : i32 to index
        %get3A_1573 = arith.constant 32 : index
        %get3A_1574 = tpu.vector_load %arg10[%get3A_1572, %get3A_1573] {strides = array<i32>} : memref<256x128xf32, #tpu.memory_space<vmem>>, vector<16xf32>,
        %add3A_1575 = arith.addf %get3A_1569, %get3A_1574 : vector<16xf32>
        %add3A_1576 = arith.constant 128 : i32
        %add3A_1577 = arith.addi %add3A_1576, %scan3A_1520 : i32
        %get3A_1578 = arith.index_cast %add3A_1577 : i32 to index
        %get3A_1579 = arith.constant 32 : index
        %get3A_1580 = tpu.vector_load %arg10[%get3A_1578, %get3A_1579] {strides = array<i32>} : memref<256x128xf32, #tpu.memory_space<vmem>>, vector<16xf32>,
        %add3A_1581 = arith.constant 192 : i32
        %add3A_1582 = arith.addi %add3A_1581, %scan3A_1520 : i32
        %get3A_1583 = arith.index_cast %add3A_1582 : i32 to index
        %get3A_1584 = arith.constant 32 : index
        %get3A_1585 = tpu.vector_load %arg10[%get3A_1583, %get3A_1584] {strides = array<i32>} : memref<256x128xf32, #tpu.memory_space<vmem>>, vector<16xf32>,
        %add3A_1586 = arith.addf %get3A_1580, %get3A_1585 : vector<16xf32>
        %add3A_1587 = arith.addf %add3A_1575, %add3A_1586 : vector<16xf32>
        %mul3A_1588 = vector.broadcast %scan3A_1105 : f32 to vector<16xf32>
        %mul3A_1589 = arith.mulf %add3A_1587, %mul3A_1588 : vector<16xf32>
        %get3A_1590 = arith.index_cast %scan3A_1520 : i32 to index
        %get3A_1591 = arith.constant 48 : index
        %get3A_1592 = tpu.vector_load %arg10[%get3A_1590, %get3A_1591] {strides = array<i32>} : memref<256x128xf32, #tpu.memory_space<vmem>>, vector<16xf32>,
        %add3A_1593 = arith.constant 64 : i32
        %add3A_1594 = arith.addi %add3A_1593, %scan3A_1520 : i32
        %get3A_1595 = arith.index_cast %add3A_1594 : i32 to index
        %get3A_1596 = arith.constant 48 : index
        %get3A_1597 = tpu.vector_load %arg10[%get3A_1595, %get3A_1596] {strides = array<i32>} : memref<256x128xf32, #tpu.memory_space<vmem>>, vector<16xf32>,
        %add3A_1598 = arith.addf %get3A_1592, %get3A_1597 : vector<16xf32>
        %add3A_1599 = arith.constant 128 : i32
        %add3A_1600 = arith.addi %add3A_1599, %scan3A_1520 : i32
        %get3A_1601 = arith.index_cast %add3A_1600 : i32 to index
        %get3A_1602 = arith.constant 48 : index
        %get3A_1603 = tpu.vector_load %arg10[%get3A_1601, %get3A_1602] {strides = array<i32>} : memref<256x128xf32, #tpu.memory_space<vmem>>, vector<16xf32>,
        %add3A_1604 = arith.constant 192 : i32
        %add3A_1605 = arith.addi %add3A_1604, %scan3A_1520 : i32
        %get3A_1606 = arith.index_cast %add3A_1605 : i32 to index
        %get3A_1607 = arith.constant 48 : index
        %get3A_1608 = tpu.vector_load %arg10[%get3A_1606, %get3A_1607] {strides = array<i32>} : memref<256x128xf32, #tpu.memory_space<vmem>>, vector<16xf32>,
        %add3A_1609 = arith.addf %get3A_1603, %get3A_1608 : vector<16xf32>
        %add3A_1610 = arith.addf %add3A_1598, %add3A_1609 : vector<16xf32>
        %mul3A_1611 = vector.broadcast %scan3A_1105 : f32 to vector<16xf32>
        %mul3A_1612 = arith.mulf %add3A_1610, %mul3A_1611 : vector<16xf32>
        %get3A_1613 = arith.index_cast %scan3A_1520 : i32 to index
        %get3A_1614 = arith.constant 64 : index
        %get3A_1615 = tpu.vector_load %arg10[%get3A_1613, %get3A_1614] {strides = array<i32>} : memref<256x128xf32, #tpu.memory_space<vmem>>, vector<16xf32>,
        %add3A_1616 = arith.constant 64 : i32
        %add3A_1617 = arith.addi %add3A_1616, %scan3A_1520 : i32
        %get3A_1618 = arith.index_cast %add3A_1617 : i32 to index
        %get3A_1619 = arith.constant 64 : index
        %get3A_1620 = tpu.vector_load %arg10[%get3A_1618, %get3A_1619] {strides = array<i32>} : memref<256x128xf32, #tpu.memory_space<vmem>>, vector<16xf32>,
        %add3A_1621 = arith.addf %get3A_1615, %get3A_1620 : vector<16xf32>
        %add3A_1622 = arith.constant 128 : i32
        %add3A_1623 = arith.addi %add3A_1622, %scan3A_1520 : i32
        %get3A_1624 = arith.index_cast %add3A_1623 : i32 to index
        %get3A_1625 = arith.constant 64 : index
        %get3A_1626 = tpu.vector_load %arg10[%get3A_1624, %get3A_1625] {strides = array<i32>} : memref<256x128xf32, #tpu.memory_space<vmem>>, vector<16xf32>,
        %add3A_1627 = arith.constant 192 : i32
        %add3A_1628 = arith.addi %add3A_1627, %scan3A_1520 : i32
        %get3A_1629 = arith.index_cast %add3A_1628 : i32 to index
        %get3A_1630 = arith.constant 64 : index
        %get3A_1631 = tpu.vector_load %arg10[%get3A_1629, %get3A_1630] {strides = array<i32>} : memref<256x128xf32, #tpu.memory_space<vmem>>, vector<16xf32>,
        %add3A_1632 = arith.addf %get3A_1626, %get3A_1631 : vector<16xf32>
        %add3A_1633 = arith.addf %add3A_1621, %add3A_1632 : vector<16xf32>
        %mul3A_1634 = vector.broadcast %scan3A_1105 : f32 to vector<16xf32>
        %mul3A_1635 = arith.mulf %add3A_1633, %mul3A_1634 : vector<16xf32>
        %get3A_1636 = arith.index_cast %scan3A_1520 : i32 to index
        %get3A_1637 = arith.constant 80 : index
        %get3A_1638 = tpu.vector_load %arg10[%get3A_1636, %get3A_1637] {strides = array<i32>} : memref<256x128xf32, #tpu.memory_space<vmem>>, vector<16xf32>,
        %add3A_1639 = arith.constant 64 : i32
        %add3A_1640 = arith.addi %add3A_1639, %scan3A_1520 : i32
        %get3A_1641 = arith.index_cast %add3A_1640 : i32 to index
        %get3A_1642 = arith.constant 80 : index
        %get3A_1643 = tpu.vector_load %arg10[%get3A_1641, %get3A_1642] {strides = array<i32>} : memref<256x128xf32, #tpu.memory_space<vmem>>, vector<16xf32>,
        %add3A_1644 = arith.addf %get3A_1638, %get3A_1643 : vector<16xf32>
        %add3A_1645 = arith.constant 128 : i32
        %add3A_1646 = arith.addi %add3A_1645, %scan3A_1520 : i32
        %get3A_1647 = arith.index_cast %add3A_1646 : i32 to index
        %get3A_1648 = arith.constant 80 : index
        %get3A_1649 = tpu.vector_load %arg10[%get3A_1647, %get3A_1648] {strides = array<i32>} : memref<256x128xf32, #tpu.memory_space<vmem>>, vector<16xf32>,
        %add3A_1650 = arith.constant 192 : i32
        %add3A_1651 = arith.addi %add3A_1650, %scan3A_1520 : i32
        %get3A_1652 = arith.index_cast %add3A_1651 : i32 to index
        %get3A_1653 = arith.constant 80 : index
        %get3A_1654 = tpu.vector_load %arg10[%get3A_1652, %get3A_1653] {strides = array<i32>} : memref<256x128xf32, #tpu.memory_space<vmem>>, vector<16xf32>,
        %add3A_1655 = arith.addf %get3A_1649, %get3A_1654 : vector<16xf32>
        %add3A_1656 = arith.addf %add3A_1644, %add3A_1655 : vector<16xf32>
        %mul3A_1657 = vector.broadcast %scan3A_1105 : f32 to vector<16xf32>
        %mul3A_1658 = arith.mulf %add3A_1656, %mul3A_1657 : vector<16xf32>
        %get3A_1659 = arith.index_cast %scan3A_1520 : i32 to index
        %get3A_1660 = arith.constant 96 : index
        %get3A_1661 = tpu.vector_load %arg10[%get3A_1659, %get3A_1660] {strides = array<i32>} : memref<256x128xf32, #tpu.memory_space<vmem>>, vector<16xf32>,
        %add3A_1662 = arith.constant 64 : i32
        %add3A_1663 = arith.addi %add3A_1662, %scan3A_1520 : i32
        %get3A_1664 = arith.index_cast %add3A_1663 : i32 to index
        %get3A_1665 = arith.constant 96 : index
        %get3A_1666 = tpu.vector_load %arg10[%get3A_1664, %get3A_1665] {strides = array<i32>} : memref<256x128xf32, #tpu.memory_space<vmem>>, vector<16xf32>,
        %add3A_1667 = arith.addf %get3A_1661, %get3A_1666 : vector<16xf32>
        %add3A_1668 = arith.constant 128 : i32
        %add3A_1669 = arith.addi %add3A_1668, %scan3A_1520 : i32
        %get3A_1670 = arith.index_cast %add3A_1669 : i32 to index
        %get3A_1671 = arith.constant 96 : index
        %get3A_1672 = tpu.vector_load %arg10[%get3A_1670, %get3A_1671] {strides = array<i32>} : memref<256x128xf32, #tpu.memory_space<vmem>>, vector<16xf32>,
        %add3A_1673 = arith.constant 192 : i32
        %add3A_1674 = arith.addi %add3A_1673, %scan3A_1520 : i32
        %get3A_1675 = arith.index_cast %add3A_1674 : i32 to index
        %get3A_1676 = arith.constant 96 : index
        %get3A_1677 = tpu.vector_load %arg10[%get3A_1675, %get3A_1676] {strides = array<i32>} : memref<256x128xf32, #tpu.memory_space<vmem>>, vector<16xf32>,
        %add3A_1678 = arith.addf %get3A_1672, %get3A_1677 : vector<16xf32>
        %add3A_1679 = arith.addf %add3A_1667, %add3A_1678 : vector<16xf32>
        %mul3A_1680 = vector.broadcast %scan3A_1105 : f32 to vector<16xf32>
        %mul3A_1681 = arith.mulf %add3A_1679, %mul3A_1680 : vector<16xf32>
        %get3A_1682 = arith.index_cast %scan3A_1520 : i32 to index
        %get3A_1683 = arith.constant 112 : index
        %get3A_1684 = tpu.vector_load %arg10[%get3A_1682, %get3A_1683] {strides = array<i32>} : memref<256x128xf32, #tpu.memory_space<vmem>>, vector<16xf32>,
        %add3A_1685 = arith.constant 64 : i32
        %add3A_1686 = arith.addi %add3A_1685, %scan3A_1520 : i32
        %get3A_1687 = arith.index_cast %add3A_1686 : i32 to index
        %get3A_1688 = arith.constant 112 : index
        %get3A_1689 = tpu.vector_load %arg10[%get3A_1687, %get3A_1688] {strides = array<i32>} : memref<256x128xf32, #tpu.memory_space<vmem>>, vector<16xf32>,
        %add3A_1690 = arith.addf %get3A_1684, %get3A_1689 : vector<16xf32>
        %add3A_1691 = arith.constant 128 : i32
        %add3A_1692 = arith.addi %add3A_1691, %scan3A_1520 : i32
        %get3A_1693 = arith.index_cast %add3A_1692 : i32 to index
        %get3A_1694 = arith.constant 112 : index
        %get3A_1695 = tpu.vector_load %arg10[%get3A_1693, %get3A_1694] {strides = array<i32>} : memref<256x128xf32, #tpu.memory_space<vmem>>, vector<16xf32>,
        %add3A_1696 = arith.constant 192 : i32
        %add3A_1697 = arith.addi %add3A_1696, %scan3A_1520 : i32
        %get3A_1698 = arith.index_cast %add3A_1697 : i32 to index
        %get3A_1699 = arith.constant 112 : index
        %get3A_1700 = tpu.vector_load %arg10[%get3A_1698, %get3A_1699] {strides = array<i32>} : memref<256x128xf32, #tpu.memory_space<vmem>>, vector<16xf32>,
        %add3A_1701 = arith.addf %get3A_1695, %get3A_1700 : vector<16xf32>
        %add3A_1702 = arith.addf %add3A_1690, %add3A_1701 : vector<16xf32>
        %mul3A_1703 = vector.broadcast %scan3A_1105 : f32 to vector<16xf32>
        %mul3A_1704 = arith.mulf %add3A_1702, %mul3A_1703 : vector<16xf32>
        %swap3A_1705 = arith.constant 0 : i32
        %swap3A_1706 = arith.index_cast %scan3A_1520 : i32 to index
        %swap3A_1707 = arith.index_cast %swap3A_1705 : i32 to index
        %swap3A_1708 = arith.constant 0 : index
        %swap3A_1709 = tpu.vector_load %arg12[%swap3A_1706, %swap3A_1707, %swap3A_1708] {strides = array<i32>} : memref<64x1x128xf32, #tpu.memory_space<vmem>>, vector<16xf32>,
        tpu.vector_store %arg12[%swap3A_1706, %swap3A_1707, %swap3A_1708], %mul3A_1543 {strides = array<i32>} : memref<64x1x128xf32, #tpu.memory_space<vmem>>, vector<16xf32>,
        %swap3A_1710 = arith.constant 0 : i32
        %swap3A_1711 = arith.index_cast %scan3A_1520 : i32 to index
        %swap3A_1712 = arith.index_cast %swap3A_1710 : i32 to index
        %swap3A_1713 = arith.constant 16 : index
        %swap3A_1714 = tpu.vector_load %arg12[%swap3A_1711, %swap3A_1712, %swap3A_1713] {strides = array<i32>} : memref<64x1x128xf32, #tpu.memory_space<vmem>>, vector<16xf32>,
        tpu.vector_store %arg12[%swap3A_1711, %swap3A_1712, %swap3A_1713], %mul3A_1566 {strides = array<i32>} : memref<64x1x128xf32, #tpu.memory_space<vmem>>, vector<16xf32>,
        %swap3A_1715 = arith.constant 0 : i32
        %swap3A_1716 = arith.index_cast %scan3A_1520 : i32 to index
        %swap3A_1717 = arith.index_cast %swap3A_1715 : i32 to index
        %swap3A_1718 = arith.constant 32 : index
        %swap3A_1719 = tpu.vector_load %arg12[%swap3A_1716, %swap3A_1717, %swap3A_1718] {strides = array<i32>} : memref<64x1x128xf32, #tpu.memory_space<vmem>>, vector<16xf32>,
        tpu.vector_store %arg12[%swap3A_1716, %swap3A_1717, %swap3A_1718], %mul3A_1589 {strides = array<i32>} : memref<64x1x128xf32, #tpu.memory_space<vmem>>, vector<16xf32>,
        %swap3A_1720 = arith.constant 0 : i32
        %swap3A_1721 = arith.index_cast %scan3A_1520 : i32 to index
        %swap3A_1722 = arith.index_cast %swap3A_1720 : i32 to index
        %swap3A_1723 = arith.constant 48 : index
        %swap3A_1724 = tpu.vector_load %arg12[%swap3A_1721, %swap3A_1722, %swap3A_1723] {strides = array<i32>} : memref<64x1x128xf32, #tpu.memory_space<vmem>>, vector<16xf32>,
        tpu.vector_store %arg12[%swap3A_1721, %swap3A_1722, %swap3A_1723], %mul3A_1612 {strides = array<i32>} : memref<64x1x128xf32, #tpu.memory_space<vmem>>, vector<16xf32>,
        %swap3A_1725 = arith.constant 0 : i32
        %swap3A_1726 = arith.index_cast %scan3A_1520 : i32 to index
        %swap3A_1727 = arith.index_cast %swap3A_1725 : i32 to index
        %swap3A_1728 = arith.constant 64 : index
        %swap3A_1729 = tpu.vector_load %arg12[%swap3A_1726, %swap3A_1727, %swap3A_1728] {strides = array<i32>} : memref<64x1x128xf32, #tpu.memory_space<vmem>>, vector<16xf32>,
        tpu.vector_store %arg12[%swap3A_1726, %swap3A_1727, %swap3A_1728], %mul3A_1635 {strides = array<i32>} : memref<64x1x128xf32, #tpu.memory_space<vmem>>, vector<16xf32>,
        %swap3A_1730 = arith.constant 0 : i32
        %swap3A_1731 = arith.index_cast %scan3A_1520 : i32 to index
        %swap3A_1732 = arith.index_cast %swap3A_1730 : i32 to index
        %swap3A_1733 = arith.constant 80 : index
        %swap3A_1734 = tpu.vector_load %arg12[%swap3A_1731, %swap3A_1732, %swap3A_1733] {strides = array<i32>} : memref<64x1x128xf32, #tpu.memory_space<vmem>>, vector<16xf32>,
        tpu.vector_store %arg12[%swap3A_1731, %swap3A_1732, %swap3A_1733], %mul3A_1658 {strides = array<i32>} : memref<64x1x128xf32, #tpu.memory_space<vmem>>, vector<16xf32>,
        %swap3A_1735 = arith.constant 0 : i32
        %swap3A_1736 = arith.index_cast %scan3A_1520 : i32 to index
        %swap3A_1737 = arith.index_cast %swap3A_1735 : i32 to index
        %swap3A_1738 = arith.constant 96 : index
        %swap3A_1739 = tpu.vector_load %arg12[%swap3A_1736, %swap3A_1737, %swap3A_1738] {strides = array<i32>} : memref<64x1x128xf32, #tpu.memory_space<vmem>>, vector<16xf32>,
        tpu.vector_store %arg12[%swap3A_1736, %swap3A_1737, %swap3A_1738], %mul3A_1681 {strides = array<i32>} : memref<64x1x128xf32, #tpu.memory_space<vmem>>, vector<16xf32>,
        %swap3A_1740 = arith.constant 0 : i32
        %swap3A_1741 = arith.index_cast %scan3A_1520 : i32 to index
        %swap3A_1742 = arith.index_cast %swap3A_1740 : i32 to index
        %swap3A_1743 = arith.constant 112 : index
        %swap3A_1744 = tpu.vector_load %arg12[%swap3A_1741, %swap3A_1742, %swap3A_1743] {strides = array<i32>} : memref<64x1x128xf32, #tpu.memory_space<vmem>>, vector<16xf32>,
        tpu.vector_store %arg12[%swap3A_1741, %swap3A_1742, %swap3A_1743], %mul3A_1704 {strides = array<i32>} : memref<64x1x128xf32, #tpu.memory_space<vmem>>, vector<16xf32>,
      }
      %scan3A_1273 = arith.constant 64 : i32
      %add3A_1274 = arith.constant 2 : i32
      %add3A_1275 = arith.addi %add3A_1220, %add3A_1274 : i32
      %lt3A_1276 = arith.constant 400 : i32
      %lt3A_1277 = arith.cmpi slt, %add3A_1275, %lt3A_1276 : i32
      %convert_element_type3A_1278 = arith.extui %lt3A_1277 : i1 to i32
      %cond3A_1279 = arith.constant 0 : i32
      %cond3A_1280 = arith.cmpi ne, %convert_element_type3A_1278, %cond3A_1279 : i32
      scf.if %cond3A_1280 {
        %dma_start3A_1294 = arith.constant 0 : i32
        %dma_start3A_1295 = arith.constant 0 : i32
        %dma_start3A_1296 = arith.constant 0 : i32
        %dma_start3A_1297 = tpu.memref_slice %arg10[%dma_start3A_1295, %dma_start3A_1296] : memref<256x128xf32, #tpu.memory_space<vmem>> -> memref<128x128xf32, #tpu.memory_space<vmem>>
        %dma_start3A_1298 = arith.constant 0 : i32
        %dma_start3A_1299 = tpu.memref_slice %arg8[%dma_start3A_1294, %dma_start3A_1298] : memref<2x128xi32, #tpu.memory_space<vmem>> -> memref<1x128xi32, #tpu.memory_space<vmem>>
        %dma_start3A_1300 = tpu.memref_squeeze %dma_start3A_1299 : memref<1x128xi32, #tpu.memory_space<vmem>> -> memref<128xi32, #tpu.memory_space<vmem>>
        %dma_start3A_1301 = arith.constant 0 : i32
        %dma_start3A_1302 = arith.constant 0 : i32
        %dma_start3A_1303 = tpu.memref_slice %arg13[%dma_start3A_1301, %dma_start3A_1302] : memref<4000x128xf32, #tpu.memory_space<vmem_shared>> -> memref<4000x128xf32, #tpu.memory_space<vmem_shared>>
        tpu.enqueue_indirect_dma source(%dma_start3A_1303 : memref<4000x128xf32, #tpu.memory_space<vmem_shared>>) target(%dma_start3A_1297 : memref<128x128xf32, #tpu.memory_space<vmem>>) offsets(%dma_start3A_1300 : memref<128xi32, #tpu.memory_space<vmem>>) semaphore(%arg17 : memref<!tpu.dma_semaphore, #tpu.memory_space<semaphore_mem>>)
        %dma_start3A_1304 = arith.constant 1 : i32
        %dma_start3A_1305 = arith.constant 128 : i32
        %dma_start3A_1306 = arith.constant 0 : i32
        %dma_start3A_1307 = tpu.memref_slice %arg10[%dma_start3A_1305, %dma_start3A_1306] : memref<256x128xf32, #tpu.memory_space<vmem>> -> memref<128x128xf32, #tpu.memory_space<vmem>>
        %dma_start3A_1308 = arith.constant 0 : i32
        %dma_start3A_1309 = tpu.memref_slice %arg8[%dma_start3A_1304, %dma_start3A_1308] : memref<2x128xi32, #tpu.memory_space<vmem>> -> memref<1x128xi32, #tpu.memory_space<vmem>>
        %dma_start3A_1310 = tpu.memref_squeeze %dma_start3A_1309 : memref<1x128xi32, #tpu.memory_space<vmem>> -> memref<128xi32, #tpu.memory_space<vmem>>
        %dma_start3A_1311 = arith.constant 0 : i32
        %dma_start3A_1312 = arith.constant 0 : i32
        %dma_start3A_1313 = tpu.memref_slice %arg13[%dma_start3A_1311, %dma_start3A_1312] : memref<4000x128xf32, #tpu.memory_space<vmem_shared>> -> memref<4000x128xf32, #tpu.memory_space<vmem_shared>>
        tpu.enqueue_indirect_dma source(%dma_start3A_1313 : memref<4000x128xf32, #tpu.memory_space<vmem_shared>>) target(%dma_start3A_1307 : memref<128x128xf32, #tpu.memory_space<vmem>>) offsets(%dma_start3A_1310 : memref<128xi32, #tpu.memory_space<vmem>>) semaphore(%arg17 : memref<!tpu.dma_semaphore, #tpu.memory_space<semaphore_mem>>)
      } else {
      }
      %shift_right_logical3A_1281 = arith.constant 1 : i32
      %shift_right_logical3A_1282 = arith.shrui %add3A_1220, %shift_right_logical3A_1281 : i32
      %and3A_1283 = arith.constant 1 : i32
      %and3A_1284 = arith.andi %add3A_1220, %and3A_1283 : i32
      %mul3A_1285 = arith.constant 128 : i32
      %mul3A_1286 = arith.muli %add3A, %mul3A_1285 : i32
      %mul3A_1287 = arith.constant 64 : i32
      %mul3A_1288 = arith.muli %and3A_1284, %mul3A_1287 : i32
      %add3A_1289 = arith.addi %mul3A_1286, %mul3A_1288 : i32
      %dma_start3A_1290 = arith.constant 0 : i32
      %dma_start3A_1291 = tpu.memref_slice %arg4[%add3A_1289, %shift_right_logical3A_1282, %dma_start3A_1290] : memref<4096x200x128xf32, #tpu.memory_space<hbm>> -> memref<64x1x128xf32, #tpu.memory_space<hbm>>
      %dma_start3A_1292 = arith.constant 0 : i32
      %dma_start3A_1293 = tpu.memref_slice %arg4[%add3A_1289, %shift_right_logical3A_1282, %dma_start3A_1292] : memref<4096x200x128xf32, #tpu.memory_space<hbm>> -> memref<64x1x128xf32, #tpu.memory_space<hbm>>
      tpu.enqueue_dma source(%arg12 : memref<64x1x128xf32, #tpu.memory_space<vmem>>) target(%dma_start3A_1293 : memref<64x1x128xf32, #tpu.memory_space<hbm>>) target_semaphore(%arg19 : memref<!tpu.dma_semaphore, #tpu.memory_space<semaphore_mem>>)
    }
    %scan3A_1110 = arith.constant 199 : i32
    %shift_right_logical3A_1111 = arith.constant 398 : i32
    %shift_right_logical3A_1112 = arith.constant 1 : i32
    %shift_right_logical3A_1113 = arith.shrui %shift_right_logical3A_1111, %shift_right_logical3A_1112 : i32
    %and3A_1114 = arith.constant 398 : i32
    %and3A_1115 = arith.constant 1 : i32
    %and3A_1116 = arith.andi %and3A_1114, %and3A_1115 : i32
    %mul3A_1117 = arith.constant 128 : i32
    %mul3A_1118 = arith.muli %add3A, %mul3A_1117 : i32
    %mul3A_1119 = arith.constant 64 : i32
    %mul3A_1120 = arith.muli %and3A_1116, %mul3A_1119 : i32
    %add3A_1121 = arith.addi %mul3A_1118, %mul3A_1120 : i32
    %dma_wait3A_1122 = arith.constant 0 : i32
    %dma_wait3A_1123 = tpu.memref_slice %arg4[%add3A_1121, %shift_right_logical3A_1113, %dma_wait3A_1122] : memref<4096x200x128xf32, #tpu.memory_space<hbm>> -> memref<64x1x128xf32, #tpu.memory_space<hbm>>
    %dma_wait3A_1124 = arith.constant 0 : i32
    %dma_wait3A_1125 = tpu.memref_slice %arg4[%add3A_1121, %shift_right_logical3A_1113, %dma_wait3A_1124] : memref<4096x200x128xf32, #tpu.memory_space<hbm>> -> memref<64x1x128xf32, #tpu.memory_space<hbm>>
    tpu.wait_dma2 semaphore(%arg18 : memref<!tpu.dma_semaphore, #tpu.memory_space<semaphore_mem>>) src(%arg11 : memref<64x1x128xf32, #tpu.memory_space<vmem>>) dst(%dma_wait3A_1125 : memref<64x1x128xf32, #tpu.memory_space<hbm>>)
    %shift_right_logical3A_1126 = arith.constant 399 : i32
    %shift_right_logical3A_1127 = arith.constant 1 : i32
    %shift_right_logical3A_1128 = arith.shrui %shift_right_logical3A_1126, %shift_right_logical3A_1127 : i32
    %and3A_1129 = arith.constant 399 : i32
    %and3A_1130 = arith.constant 1 : i32
    %and3A_1131 = arith.andi %and3A_1129, %and3A_1130 : i32
    %mul3A_1132 = arith.constant 128 : i32
    %mul3A_1133 = arith.muli %add3A, %mul3A_1132 : i32
    %mul3A_1134 = arith.constant 64 : i32
    %mul3A_1135 = arith.muli %and3A_1131, %mul3A_1134 : i32
    %add3A_1136 = arith.addi %mul3A_1133, %mul3A_1135 : i32
    %dma_wait3A_1137 = arith.constant 0 : i32
    %dma_wait3A_1138 = tpu.memref_slice %arg4[%add3A_1136, %shift_right_logical3A_1128, %dma_wait3A_1137] : memref<4096x200x128xf32, #tpu.memory_space<hbm>> -> memref<64x1x128xf32, #tpu.memory_space<hbm>>
    %dma_wait3A_1139 = arith.constant 0 : i32
    %dma_wait3A_1140 = tpu.memref_slice %arg4[%add3A_1136, %shift_right_logical3A_1128, %dma_wait3A_1139] : memref<4096x200x128xf32, #tpu.memory_space<hbm>> -> memref<64x1x128xf32, #tpu.memory_space<hbm>>
    tpu.wait_dma2 semaphore(%arg19 : memref<!tpu.dma_semaphore, #tpu.memory_space<semaphore_mem>>) src(%arg12 : memref<64x1x128xf32, #tpu.memory_space<vmem>>) dst(%dma_wait3A_1140 : memref<64x1x128xf32, #tpu.memory_space<hbm>>)
    return
  }
}

</mosaic_0001>

<sc_bundles>
// kernel: kernel.3.cloned.1.call-start
scs
__scs_entry_jumppad:
0x0: {  	(pc) =	sbr.rel $0x88, $3  }
0x1: {  	(tag) =	ssettag $0x0;
	lr =	simm.s32 $0x1  }
0x2: {  	[smem:$0x3F9F] =	sst lr;
	_ =	strace $0xD0000000  }
0x3: {  	_ = 	snop  }
0x4: {  	_ = 	snop  }
0x5: {  	_ = 	snop  }
0x6: {  	_ = 	snop  }
0x7: {  	_ = 	snop  }
__scs_overlays_trampoline_lowered:
0x8: {  	[smem:$0x3FAE] =	sst s0  }
0x9: {  	[smem:$0x3FAF] =	sst s1  }
0xa: {  	[smem:$0x3FB0] =	sst s2  }
0xb: {  	[smem:$0x3FB1] =	sst s3  }
0xc: {  	[smem:$0x3FB2] =	sst s4  }
0xd: {  	[smem:$0x3FB3] =	sst s5  }
0xe: {  	[smem:$0x3FB4] =	sst s6  }
0xf: {  	[smem:$0x3FB5] =	sst s7  }
0x10: {  	[smem:$0x3FB6] =	sst s8  }
0x11: {  	[smem:$0x3FB7] =	sst s9;
	s0 =	simm.s32 @!p0 $0x0  }
0x12: {  	s1 =	sld [smem:$0x3F9D];
	s0 =	simm.s32 @p0 $0x1  }
0x13: {  	[smem:$0x3FB8] =	sst s0;
	s0 =	simm.s32 @!p1 $0x0  }
0x14: {  	s2 =	sld [smem:$0x3F9C];
	s0 =	simm.s32 @p1 $0x1  }
0x15: {  	[smem:$0x3FB9] =	sst s0;
	s0 =	simm.s32 @!p2 $0x0  }
0x16: {  	s3 =	sld [smem:$0x3FDB];
	s0 =	simm.s32 @p2 $0x1  }
0x17: {  	s4 =	simm.s32 $0x1BF5;
	[smem:$0x3FBB] =	sst s0  }
0x18: {  	s0 =	sld [smem:$0x3F9E];
	_ =	swait.ge [sflag:s4], $0x0  }
0x19: {  	s7 =	sld [smem:$0x3F9F]  }
0x1a: {  	s8 =	sadd.s32 $0xFFFFE003, lr  }
0x1b: {  	s9 =	sadd.s32 $0xFFFFFEF7, lr;
	s5 =	simm.s32 $0xFFFFFFFF;
	p2 =	slt.u32 s8, $0xFFFFF086  }
0x1c: {  	p1 =	slt.u32 s9, $0xF7A;
	s5 =	simm.s32 @!p2 $0x0  }
0x1d: {  	s5 =	simm.s32 @p1 $0x1;
	p0 =	seq.s32 s7, s2  }
0x1e: {  	s7 =	smul.u32 @!p0 $0xF7A, s2;
	p2 =	seq.s32 @!p0 s5, $0x0  }
0x1f: {  	s9 =	smul.u32 $0xF7A, s1;
	s8 =	simm.s32 @!p0 $0x1BF5;
	p2 =	por !p2, p0  }
0x20: {  	[sflag:s8] =	ssyncset.s32 @!p0 $0xFFFFF086;
	s6 =	sadd.s32 @!p0 s3, s7;
	s7 =	simm.s32 @!p0 $0x108  }
0x21: {  	s3 =	sadd.s32 s3, s9;
	s6 =	sadd.s32 @!p0 $0x88, s6;
	s7 =	simm.s32 @p2 $0x1082  }
0x22: {  	[simem:s7], [sflag:s8] =	dma.local @!p0 [hbm:s6], $0xF7A  }
0x23: {  	s9 =	sor.u32 $0xD0000000, s2;
	s6 =	simm.s32 $0x108;
	_ =	swait.ge @!p0 [sflag:s8], $0x0  }
0x24: {  	s3 =	sadd.s32 $0x88, s3;
	s6 =	simm.s32 @!p1 $0x1082;
	[sflag:s4] =	ssyncset.s32 $0xFFFFF086  }
0x25: {  	[simem:s6], [sflag:s4] =	dma.local [hbm:s3], $0xF7A  }
0x26: {  	[smem:$0x3F9F] =	sst s1;
	(tag) =	ssettag s2;
	_ =	strace s9  }
0x27: {  	s1 =	sld [smem:$0x3FAF]  }
0x28: {  	s2 =	sld [smem:$0x3FB0]  }
0x29: {  	s4 =	sld [smem:$0x3FB2]  }
0x2a: {  	p0 =	seq.s32 s5, $0x0;
	s5 =	sld [smem:$0x3FB3]  }
0x2b: {  	s6 =	sld [smem:$0x3FB4]  }
0x2c: {  	s7 =	sld [smem:$0x3FB5]  }
0x2d: {  	s3 =	simm.s32 $0x108;
	s8 =	sld [smem:$0x3FB6]  }
0x2e: {  	s3 =	simm.s32 @!p0 $0x1082;
	s9 =	sld [smem:$0x3FB7]  }
0x2f: {  	lr =	sadd.s32 s0, s3;
	s0 =	sld [smem:$0x3FAE]  }
0x30: {  	s3 =	sld [smem:$0x3FB1]  }
0x31: {  	[smem:$0x3FBA] =	sst s10  }
0x32: {  	s10 =	sld [smem:$0x3FB8];
	_ =	sdelay $0x3  }
0x33: {  	p0 =	seq.s32 s10, $0x1;
	s10 =	sld [smem:$0x3FBA];
	_ =	sdelay $0x3  }
0x34: {  	[smem:$0x3FBA] =	sst s10  }
0x35: {  	s10 =	sld [smem:$0x3FB9];
	_ =	sdelay $0x3  }
0x36: {  	p1 =	seq.s32 s10, $0x1;
	s10 =	sld [smem:$0x3FBA];
	_ =	sdelay $0x3  }
0x37: {  	[smem:$0x3FBA] =	sst s10  }
0x38: {  	s10 =	sld [smem:$0x3FBB]  }
0x39: {  	_ = 	snop;
	(pc) =	sbr.ind lr, $3  }
0x3a: {  	_ = 	snop  }
0x3b: {  	_ = 	snop  }
0x3c: {  	p2 =	seq.s32 s10, $0x1;
	s10 =	sld [smem:$0x3FBA]  }
0x3d: {  	_ =	shalt  }
0x3e: {  	_ =	shalt  }
0x3f: {  	_ =	shalt  }
0x40: {  	_ =	shalt  }
0x41: {  	_ =	shalt  }
0x42: {  	_ =	shalt  }
0x43: {  	_ =	shalt  }
0x44: {  	_ =	shalt  }
0x45: {  	_ =	shalt  }
0x46: {  	_ =	shalt  }
0x47: {  	_ =	shalt  }
0x48: {  	_ =	shalt  }
0x49: {  	_ =	shalt  }
0x4a: {  	_ =	shalt  }
0x4b: {  	_ =	shalt  }
0x4c: {  	_ =	shalt  }
0x4d: {  	_ =	shalt  }
0x4e: {  	_ =	shalt  }
0x4f: {  	_ =	shalt  }
0x50: {  	_ =	shalt  }
0x51: {  	_ =	shalt  }
0x52: {  	_ =	shalt  }
0x53: {  	_ =	shalt  }
0x54: {  	_ =	shalt  }
0x55: {  	_ =	shalt  }
0x56: {  	_ =	shalt  }
0x57: {  	_ =	shalt  }
0x58: {  	_ =	shalt  }
0x59: {  	_ =	shalt  }
0x5a: {  	_ =	shalt  }
0x5b: {  	_ =	shalt  }
0x5c: {  	_ =	shalt  }
0x5d: {  	_ =	shalt  }
0x5e: {  	_ =	shalt  }
0x5f: {  	_ =	shalt  }
0x60: {  	_ =	shalt  }
0x61: {  	_ =	shalt  }
0x62: {  	_ =	shalt  }
0x63: {  	_ =	shalt  }
0x64: {  	_ =	shalt  }
0x65: {  	_ =	shalt  }
0x66: {  	_ =	shalt  }
0x67: {  	_ =	shalt  }
0x68: {  	_ =	shalt  }
0x69: {  	_ =	shalt  }
0x6a: {  	_ =	shalt  }
0x6b: {  	_ =	shalt  }
0x6c: {  	_ =	shalt  }
0x6d: {  	_ =	shalt  }
0x6e: {  	_ =	shalt  }
0x6f: {  	_ =	shalt  }
0x70: {  	_ =	shalt  }
0x71: {  	_ =	shalt  }
0x72: {  	_ =	shalt  }
0x73: {  	_ =	shalt  }
0x74: {  	_ =	shalt  }
0x75: {  	_ =	shalt  }
0x76: {  	_ =	shalt  }
0x77: {  	_ =	shalt  }
0x78: {  	_ =	shalt  }
0x79: {  	_ =	shalt  }
0x7a: {  	_ =	shalt  }
0x7b: {  	_ =	shalt  }
0x7c: {  	_ =	shalt  }
0x7d: {  	_ =	shalt  }
0x7e: {  	_ =	shalt  }
0x7f: {  	_ =	shalt  }
0x80: {  	_ =	shalt  }
0x81: {  	_ =	shalt  }
0x82: {  	_ =	shalt  }
0x83: {  	_ =	shalt  }
0x84: {  	_ =	shalt  }
0x85: {  	_ =	shalt  }
0x86: {  	_ =	shalt  }
0x87: {  	_ =	shalt  }
.Lfunc_end0:
.L_simem_size_0:
called_computation_lowered:
.L_overlay_start_0:
0x88: {  	s2 =	sld [smem:$0x3FD9]  }
0x89: {  	s3 =	sld [smem:$0x3FFE];
	_ =	sdelay $0x1  }
0x8a: {  	s1 =	srdreg.scid  }
0x8b: {  	s0 =	sand.u32 $0x1, s1  }
0x8c: {  	s18 =	sshll.u32 s0, $0xA;
	s2 =	sadd.s32 s3, s2  }
0x8d: {  	s2 =	sadd.s32 s2, s18  }
0x8e: {  	[smem:$0x3FC6] =	sst s2  }
0x8f: {  	_ = 	snop  }
0x90: {  	s2 =	sld [smem:$0x3FC9]  }
0x91: {  	s19 =	sld [smem:$0x3FC8]  }
0x92: {  	s4 =	sld [smem:$0x3FD0];
	(tm) =	ssettm $0x1  }
0x93: {  	s5 =	sld [smem:$0x3FFB];
	_ =	sdelay $0x3  }
0x94: {  	_ =	strace s5  }
0x95: {  	s5 =	sld [smem:$0x3FFC];
	_ =	sdelay $0x3  }
0x96: {  	_ =	strace s5  }
0x97: {  	s5 =	sld [smem:$0x3FFD];
	_ =	sdelay $0x3  }
0x98: {  	_ =	strace s5  }
0x99: {  	_ =	strace $0x8FFFFFFF  }
0x9a: {  	s20 =	sld [smem:$0x3FDB];
	_ =	sdelay $0x1  }
0x9b: {  	s6 =	simm.s32 $_scs_section_size  }
0x9c: {  	s7 =	simm.s32 $_size__tile_overlayer_lowered;
	s8 =	simm.s32 $_tile_overlayer_lowered  }
0x9d: {  	s23 =	simm.s32 $0x1BFF;
	s22 =	sshll.u32 s8, $0x1;
	s5 =	sadd.s32 s6, s20  }
0x9e: {  	s9 =	simm.s32 $0x0;
	s21 =	sshll.u32 s7, $0x1;
	s7 =	sadd.s32 s22, s5  }
0x9f: {  	[timem:s9], [sflag:s23] =	dma.local [hbm:s7], s21  }
0xa0: {  	_ =	swait.ge [sflag:s23], s21  }
0xa1: {  	s6 =	ssub.s32 $0x0, s21;
	[sflag:s23] =	ssyncset.done $0x0  }
0xa2: {  	[sflag:s23] =	ssyncadd.s32 s6;
	_ =	sdelay $0x1  }
0xa3: {  	s24 =	simm.s32 $0x1B8B  }
0xa4: {  	_ =	swait.ge [sflag:s24], $0x1  }
0xa5: {  	[sflag:s24] =	ssyncset.done $0x0  }
0xa6: {  	s25 =	simm.s32 $0x1B8E;
	[sflag:s24] =	ssyncadd.s32 $0xFFFFFFFF  }
0xa7: {  	s26 =	simm.s32 $execute0_lowered;
	[smem:$0x3FD2] =	sst s25  }
0xa8: {  	s6 =	sshll.u32 s26, $0x1;
	_ =	strace $0x80000046;
	[dreg:$0x1] =	wrdreg $0xFFFFFFFF  }
0xa9: {  	s28 =	simm.s32 $_size_execute0_lowered;
	s5 =	sadd.s32 s5, s6;
	[dreg:$0x0] =	wrdreg $0x0  }
0xaa: {  	s6 =	sshll.u32 s28, $0x1;
	[dreg:$0x2] =	wrdreg s5  }
0xab: {  	[dreg:$0x3] =	wrdreg s6  }
0xac: {  	[dreg:$0x4] =	wrdreg $0xC0  }
0xad: {  	_ =	task [dreg:s9], $0x5FFFF  }
0xae: {  	[dreg:$0x1] =	wrdreg $0xFFFFFFFF  }
0xaf: {  	[dreg:$0x0] =	wrdreg $0x60  }
0xb0: {  	[dreg:$0x2] =	wrdreg s2  }
0xb1: {  	[dreg:$0x3] =	wrdreg s19  }
0xb2: {  	[dreg:$0x4] =	wrdreg s4  }
0xb3: {  	[dreg:$0x5] =	wrdreg $0x146000  }
0xb4: {  	[dreg:$0x6] =	wrdreg $0x9  }
0xb5: {  	_ =	task.clear_ibuf [dreg:s9], $0x7FFFF;
	_ =	strace $0x90000046  }
0xb6: {  	s29 =	simm.s32 $0x9;
	_ =	strace $0x80000048  }
0xb7: {  	_ =	swait.ge [sflag:s29], $0x1  }
0xb8: {  	[sflag:s29] =	ssyncadd.s32 $0xFFFFFFFF  }
0xb9: {  	_ =	strace $0x90000048  }
0xba: {  	_ =	sfence  }
0xbb: {  	s30 =	sld [smem:$0x0];
	_ =	sdelay $0x2  }
0xbc: {  	s31 =	sshll.u32 s1, $0xD;
	s1 =	sshrl.u32 s1, $0x2  }
0xbd: {  	s3 =	sand.u32 $0x4000, s31;
	s1 =	sadd.s32 s1, s30  }
0xbe: {  	s0 =	sor.u32 s3, s0;
	s1 =	sshll.u32 s1, $0x11  }
0xbf: {  	s0 =	sor.u32 s1, s0  }
0xc0: {  	s0 =	sadd.s32 $0x8F2B, s0  }
0xc1: {  	[sflag:s0] =	ssyncadd.remote.s32 $0x1  }
0xc2: {  	_ =	sfence.sel $0xFFFF  }
0xc3: {  	[dreg:$0x0] =	wrdreg $0xFFFFFFFF;
	(pc) =	sbr.abs _section_cstart, $3  }
0xc4: {  	[dreg:$0x1] =	wrdreg $0xFFFFFFFF  }
0xc5: {  	_ =	task.clear_ibuf [dreg:s9], $0x2FFFF;
	_ =	strace $0x9FFFFFFF  }
0xc6: {  	(tm) =	ssettm $0x7FFFFFFF  }
0xc7: {  	_ =	shalt  }
tec
execute0_lowered:
.L_overlay_start_1:
0x0: {  	(tag) =	ssettag $0x1  }
0x1: {  	s0 =	rddreg [dreg:$0x0]  }
0x2: {  	s4 =	rddreg [dreg:$0x1]  }
0x3: {  	s1 =	rddreg [dreg:$0x2]  }
0x4: {  	s3 =	srdreg.scid;
	s2 =	rddreg [dreg:$0x3]  }
0x5: {  	s19 =	stileid.u32;
	s20 =	simm.s32 $0x200;
	s21 =	simm.s32 $0x80  }
0x6: {  	s30 =	simm.s32 $0x400;
	s31 =	simm.s32 $0x3;
	s5 =	sand.u32 $0x1, s3  }
0x7: {  	s3 =	simm.s32 $0x0;
	s22 =	sshll.u32 s19, $0x1;
	s8 =	sshll.u32 s19, $0xC  }
0x8: {  	s9 =	sshll.u32 s19, $0xF;
	s24 =	sshll.u32 s19, $0x7;
	s25 =	sadd.s32 $0x78000, s2  }
0x9: {  	p0 =	seq.s32 s19, $0xF;
	[smem:$0x7FF] =	sst s3;
	s8 =	sadd.s32 s4, s8  }
0xa: {  	s23 =	sadd.s32 s9, s2;
	_ =	strace $0x80000047;
	[dreg:$0x5] =	wrdreg s8  }
0xb: {  	s6 =	ssub.s32 $0x2, s5;
	s4 =	sadd.s32 $0xF000, s4;
	[dreg:$0x6] =	wrdreg s23  }
0xc: {  	s19 =	simm.s32 $0x7;
	s7 =	sshrl.u32 s6, $0x1;
	[dreg:$0x7] =	wrdreg s4  }
0xd: {  	[dreg:$0x8] =	wrdreg s25;
	s23 =	simm.s32 $0x4;
	s25 =	simm.s32 $0x12600  }
0xe: {  	s6 =	ssub.s32 s6, s7;
	s7 =	sor.u32 s5, s22;
	s5 =	sshll.u32 s5, $0x6  }
0xf: {  	s22 =	simm.s32 $0x10600;
	s26 =	sor.u32 s5, s24;
	s9 =	smul.u32 $0x320000, s7  }
0x10: {  	s14 =	smul.u32 $0x64000, s7;
	s7 =	sshll.u32 s7, $0x6;
	s17 =	smax.u32 s6, $0x1  }
0x11: {  	s6 =	simm.s32 $0x0;
	s10 =	sadd.s32 s0, s26;
	s0 =	sadd.s32 $0x1000, s0  }
0x12: {  	s11 =	sadd.s32 $0x800, s10;
	s12 =	sadd.s32 s26, s0;
	s13 =	sadd.s32 $0x190000, s9  }
0x13: {  	s28 =	sadd.s32 s1, s14;
	s4 =	sadd.s32 s24, s0;
	s18 =	sadd.s32 s7, s0  }
0x14: {  	s0 =	simm.s32 $0x1;
	s24 =	simm.s32 $0x2;
	s26 =	simm.s32 $0x6  }
0x15: {  	[dreg:$0x9] =	wrdreg s28;
	s29 =	sshrl.u32 s13, $0x3;
	s16 =	sadd.s32 s5, s4  }
0x16: {  	s4 =	simm.s32 $0x6400;
	s5 =	simm.s32 $0x5;
	s15 =	sadd.s32 s1, s29  }
.LBB2_1:
0x17: {  	s7 =	simm.s32 @p0 $0x0;
	s8 =	simm.s32 @p0 $0x600;
	s14 =	rddreg [dreg:$0x7]  }
0x18: {  	[tilespmem:s8], [sflag:$0x7] =	stream.linear.gather @p0 [hbm4b:s14+s7], $0x5000, $0x38;
	[tilespmem:$0x1C300] =	vst v63  }
0x19: {  	s7 =	simm.s32 @p0 $0x7  }
0x1a: {  	_ =	swait.ge @p0 [sflag:s7], $0x5000  }
0x1b: {  	[sflag:s7] =	ssyncset.done @p0 $0x0  }
0x1c: {  	s14 =	rddreg [dreg:$0x8];
	[sflag:s7] =	ssyncadd.s32 @p0 $0xFFFFB000  }
0x1d: {  	[spmem:s14] =	stream.linear.scatter @p0 [tilespmem:s8], [sflag:$0x7], $0x5000, $0x38;
	[tilespmem:$0x1C300] =	vst v63  }
0x1e: {  	_ =	swait.ge @p0 [sflag:s7], $0x5000  }
0x1f: {  	s8 =	simm.s32 @!p0 $0x600;
	[sflag:s7] =	ssyncset.done @p0 $0x0  }
0x20: {  	s14 =	rddreg [dreg:$0x5];
	[sflag:s7] =	ssyncadd.s32 @p0 $0xFFFFB000;
	s7 =	simm.s32 @!p0 $0x0  }
0x21: {  	[tilespmem:s8], [sflag:$0x7] =	stream.linear.gather @!p0 [hbm4b:s14+s7], $0x8000, $0x38;
	[tilespmem:$0x1C300] =	vst v63  }
0x22: {  	s7 =	simm.s32 @!p0 $0x7  }
0x23: {  	_ =	swait.ge @!p0 [sflag:s7], $0x8000  }
0x24: {  	[sflag:s7] =	ssyncset.done @!p0 $0x0  }
0x25: {  	s14 =	rddreg [dreg:$0x6];
	[sflag:s7] =	ssyncadd.s32 @!p0 $0xFFFF8000  }
0x26: {  	[spmem:s14] =	stream.linear.scatter @!p0 [tilespmem:s8], [sflag:$0x7], $0x8000, $0x38;
	[tilespmem:$0x1C300] =	vst v63  }
0x27: {  	_ =	swait.ge @!p0 [sflag:s7], $0x8000  }
0x28: {  	[sflag:s7] =	ssyncset.done @!p0 $0x0  }
0x29: {  	[sflag:s7] =	ssyncadd.s32 @!p0 $0xFFFF8000  }
0x2a: {  	[bflag:$0x0] =	sbarrier.arrive $0xFFFF  }
0x2b: {  	[tilespmem:s3], [sflag:$0x7] =	stream.linear.gather [hbm4b:s10+s3], $0x200, $0x38;
	[tilespmem:$0x1C300] =	vst v63  }
0x2c: {  	_ =	swait.ge [sflag:s19], $0x200  }
0x2d: {  	[sflag:s19] =	ssyncset.done $0x0  }
0x2e: {  	[sflag:s19] =	ssyncadd.s32 $0xFFFFFE00  }
0x2f: {  	[tilespmem:s20], [sflag:$0x7] =	stream.linear.gather [hbm4b:s10+s3], $0x200, $0x38;
	[tilespmem:$0x1C300] =	vst v63  }
0x30: {  	_ =	swait.ge [sflag:s19], $0x200  }
0x31: {  	[sflag:s19] =	ssyncset.done $0x0  }
0x32: {  	[sflag:s19] =	ssyncadd.s32 $0xFFFFFE00  }
0x33: {  	v0 =	vld [tilespmem:$0x0]  }
0x34: {  	v1 =	vld [tilespmem:$0x10]  }
0x35: {  	v2 =	vld [tilespmem:$0x20]  }
0x36: {  	v3 =	vld [tilespmem:$0x30]  }
0x37: {  	v4 =	vld [tilespmem:$0x80]  }
0x38: {  	v5 =	vld [tilespmem:$0x90]  }
0x39: {  	[tilespmem:$0x400] =	vst v0;
	v0 =	vld [tilespmem:$0xA0]  }
0x3a: {  	[tilespmem:$0x410] =	vst v1;
	v1 =	vld [tilespmem:$0xB0]  }
0x3b: {  	[tilespmem:$0x420] =	vst v2;
	v2 =	vld [tilespmem:$0x100]  }
0x3c: {  	[tilespmem:$0x430] =	vst v3;
	v3 =	vadd.s32 $0x3E8, v4;
	v4 =	vld [tilespmem:$0x110]  }
0x3d: {  	[tilespmem:$0x440] =	vst v3;
	v3 =	vadd.s32 $0x3E8, v5;
	v5 =	vld [tilespmem:$0x120]  }
0x3e: {  	[tilespmem:$0x450] =	vst v3;
	v3 =	vld [tilespmem:$0x130];
	v0 =	vadd.s32 $0x3E8, v0  }
0x3f: {  	[tilespmem:$0x460] =	vst v0;
	v0 =	vadd.s32 $0x3E8, v1;
	v1 =	vld [tilespmem:$0x180]  }
0x40: {  	[tilespmem:$0x470] =	vst v0;
	v0 =	vadd.s32 $0x7D0, v2;
	v2 =	vld [tilespmem:$0x190]  }
0x41: {  	[tilespmem:$0x480] =	vst v0;
	v0 =	vadd.s32 $0x7D0, v4;
	v4 =	vld [tilespmem:$0x1A0]  }
0x42: {  	[tilespmem:$0x490] =	vst v0;
	v0 =	vadd.s32 $0x7D0, v5;
	v5 =	vld [tilespmem:$0x1B0]  }
0x43: {  	[tilespmem:$0x4A0] =	vst v0;
	v0 =	vadd.s32 $0x7D0, v3  }
0x44: {  	[tilespmem:$0x4B0] =	vst v0;
	v0 =	vadd.s32 $0xBB8, v1  }
0x45: {  	[tilespmem:$0x4C0] =	vst v0;
	v0 =	vadd.s32 $0xBB8, v2  }
0x46: {  	[tilespmem:$0x4D0] =	vst v0;
	v0 =	vadd.s32 $0xBB8, v4  }
0x47: {  	[tilespmem:$0x4E0] =	vst v0;
	v0 =	vadd.s32 $0xBB8, v5  }
0x48: {  	s14 =	simm.s32 $0x600;
	[tilespmem:$0x4F0] =	vst v0  }
0x49: {  	[tilespmem:s14], [sflag:$0x3] =	stream.indirect.gather [spmem:s2], $0x80, s30, s21, $0xb8;
	[tilespmem:$0x1C300] =	vst v63  }
0x4a: {  	s8 =	simm.s32 $0x480;
	s14 =	simm.s32 $0x4600  }
0x4b: {  	[tilespmem:s14], [sflag:$0x3] =	stream.indirect.gather [spmem:s2], $0x80, s8, s21, $0xb8;
	[tilespmem:$0x1C300] =	vst v63  }
0x4c: {  	v0 =	vld [tilespmem:$0x240]  }
0x4d: {  	v1 =	vld [tilespmem:$0x250]  }
0x4e: {  	v2 =	vld [tilespmem:$0x260]  }
0x4f: {  	v3 =	vld [tilespmem:$0x270]  }
0x50: {  	v4 =	vld [tilespmem:$0x2C0]  }
0x51: {  	v5 =	vld [tilespmem:$0x2D0]  }
0x52: {  	[tilespmem:$0x500] =	vst v0;
	v0 =	vld [tilespmem:$0x2E0]  }
0x53: {  	[tilespmem:$0x510] =	vst v1;
	v1 =	vld [tilespmem:$0x2F0]  }
0x54: {  	[tilespmem:$0x520] =	vst v2;
	v2 =	vld [tilespmem:$0x340]  }
0x55: {  	[tilespmem:$0x530] =	vst v3;
	v3 =	vadd.s32 $0x3E8, v4;
	v4 =	vld [tilespmem:$0x350]  }
0x56: {  	[tilespmem:$0x540] =	vst v3;
	v3 =	vadd.s32 $0x3E8, v5;
	v5 =	vld [tilespmem:$0x360]  }
0x57: {  	[tilespmem:$0x550] =	vst v3;
	v3 =	vld [tilespmem:$0x370];
	v0 =	vadd.s32 $0x3E8, v0  }
0x58: {  	[tilespmem:$0x560] =	vst v0;
	v0 =	vadd.s32 $0x3E8, v1;
	v1 =	vld [tilespmem:$0x3C0]  }
0x59: {  	[tilespmem:$0x570] =	vst v0;
	v0 =	vadd.s32 $0x7D0, v2;
	v2 =	vld [tilespmem:$0x3D0]  }
0x5a: {  	[tilespmem:$0x580] =	vst v0;
	v0 =	vadd.s32 $0x7D0, v4;
	v4 =	vld [tilespmem:$0x3E0]  }
0x5b: {  	[tilespmem:$0x590] =	vst v0;
	v0 =	vadd.s32 $0x7D0, v5;
	v5 =	vld [tilespmem:$0x3F0]  }
0x5c: {  	[tilespmem:$0x5A0] =	vst v0;
	v0 =	vadd.s32 $0x7D0, v3  }
0x5d: {  	[tilespmem:$0x5B0] =	vst v0;
	v0 =	vadd.s32 $0xBB8, v1  }
0x5e: {  	[tilespmem:$0x5C0] =	vst v0;
	v0 =	vadd.s32 $0xBB8, v2  }
0x5f: {  	[tilespmem:$0x5D0] =	vst v0;
	v0 =	vadd.s32 $0xBB8, v4  }
0x60: {  	[tilespmem:$0x5E0] =	vst v0;
	v0 =	vadd.s32 $0xBB8, v5  }
0x61: {  	s8 =	simm.s32 $0x500;
	s14 =	simm.s32 $0x8600;
	[tilespmem:$0x5F0] =	vst v0  }
0x62: {  	[tilespmem:s14], [sflag:$0x4] =	stream.indirect.gather [spmem:s2], $0x80, s8, s21, $0xb8;
	[tilespmem:$0x1C300] =	vst v63  }
0x63: {  	s8 =	simm.s32 $0x580;
	s14 =	simm.s32 $0xC600  }
0x64: {  	[tilespmem:s14], [sflag:$0x4] =	stream.indirect.gather [spmem:s2], $0x80, s8, s21, $0xb8;
	[tilespmem:$0x1C300] =	vst v63  }
0x65: {  	_ = 	snop  }
0x66: {  	[tilespmem:s3], [sflag:$0x1] =	stream.linear.gather [hbm4b:s11+s3], $0x200, $0x38;
	[tilespmem:$0x1C300] =	vst v63  }
0x67: {  	_ = 	snop  }
0x68: {  	[tilespmem:s20], [sflag:$0x2] =	stream.linear.gather [hbm4b:s11+s3], $0x200, $0x38;
	[tilespmem:$0x1C300] =	vst v63  }
0x69: {  	_ =	swait.ge [sflag:s31], $0x4000  }
0x6a: {  	[sflag:s31] =	ssyncset.done $0x0  }
0x6b: {  	[sflag:s31] =	ssyncadd.s32 $0xFFFFC000  }
0x6c: {  	_ =	swait.ge [sflag:s31], $0x4000  }
0x6d: {  	[sflag:s31] =	ssyncset.done $0x0  }
0x6e: {  	[sflag:s31] =	ssyncadd.s32 $0xFFFFC000  }
0x6f: {  	_ =	swait.ge [sflag:s0], $0x200  }
0x70: {  	[sflag:s0] =	ssyncset.done $0x0  }
0x71: {  	[sflag:s0] =	ssyncadd.s32 $0xFFFFFE00  }
0x72: {  	v0 =	vld [tilespmem:$0x0]  }
0x73: {  	v1 =	vld [tilespmem:$0x10]  }
0x74: {  	v2 =	vld [tilespmem:$0x20]  }
0x75: {  	v3 =	vld [tilespmem:$0x30]  }
0x76: {  	v4 =	vld [tilespmem:$0x80]  }
0x77: {  	v5 =	vld [tilespmem:$0x90]  }
0x78: {  	[tilespmem:$0x400] =	vst v0;
	v0 =	vld [tilespmem:$0xA0]  }
0x79: {  	[tilespmem:$0x410] =	vst v1;
	v1 =	vld [tilespmem:$0xB0]  }
0x7a: {  	[tilespmem:$0x420] =	vst v2;
	v2 =	vld [tilespmem:$0x100]  }
0x7b: {  	[tilespmem:$0x430] =	vst v3;
	v3 =	vadd.s32 $0x3E8, v4;
	v4 =	vld [tilespmem:$0x110]  }
0x7c: {  	[tilespmem:$0x440] =	vst v3;
	v3 =	vadd.s32 $0x3E8, v5;
	v5 =	vld [tilespmem:$0x120]  }
0x7d: {  	[tilespmem:$0x450] =	vst v3;
	v3 =	vld [tilespmem:$0x130];
	v0 =	vadd.s32 $0x3E8, v0  }
0x7e: {  	[tilespmem:$0x460] =	vst v0;
	v0 =	vadd.s32 $0x3E8, v1;
	v1 =	vld [tilespmem:$0x180]  }
0x7f: {  	[tilespmem:$0x470] =	vst v0;
	v0 =	vadd.s32 $0x7D0, v2;
	v2 =	vld [tilespmem:$0x190]  }
0x80: {  	[tilespmem:$0x480] =	vst v0;
	v0 =	vadd.s32 $0x7D0, v4;
	v4 =	vld [tilespmem:$0x1A0]  }
0x81: {  	[tilespmem:$0x490] =	vst v0;
	v0 =	vadd.s32 $0x7D0, v5;
	v5 =	vld [tilespmem:$0x1B0]  }
0x82: {  	[tilespmem:$0x4A0] =	vst v0;
	v0 =	vadd.s32 $0x7D0, v3  }
0x83: {  	[tilespmem:$0x4B0] =	vst v0;
	v0 =	vadd.s32 $0xBB8, v1  }
0x84: {  	[tilespmem:$0x4C0] =	vst v0;
	v0 =	vadd.s32 $0xBB8, v2  }
0x85: {  	[tilespmem:$0x4D0] =	vst v0;
	v0 =	vadd.s32 $0xBB8, v4  }
0x86: {  	[tilespmem:$0x4E0] =	vst v0;
	v0 =	vadd.s32 $0xBB8, v5  }
0x87: {  	s7 =	simm.s32 $0x0;
	[tilespmem:$0x4F0] =	vst v0  }
0x88: {  	[tilespmem:s3], [sflag:$0x1] =	stream.linear.gather [hbm4b:s12+s3], $0x200, $0x38;
	[tilespmem:$0x1C300] =	vst v63  }
0x89: {  	v0 =	vld [tilespmem:s7+$0x6F0]  }
0x8a: {  	v1 =	vld [tilespmem:s7+$0x26F0]  }
0x8b: {  	v2 =	vld [tilespmem:s7+$0x46F0]  }
0x8c: {  	v3 =	vld [tilespmem:s7+$0x66F0]  }
0x8d: {  	v4 =	vld [tilespmem:s7+$0x600]  }
0x8e: {  	v5 =	vld [tilespmem:s7+$0x2600]  }
0x8f: {  	v6 =	vld [tilespmem:s7+$0x4600]  }
0x90: {  	v7 =	vld [tilespmem:s7+$0x6600]  }
0x91: {  	v8 =	vld [tilespmem:s7+$0x610]  }
0x92: {  	v9 =	vld [tilespmem:s7+$0x620]  }
0x93: {  	v10 =	vld [tilespmem:s7+$0x2620];
	v0 =	vadd.f32 v1, v0;
	v1 =	vadd.f32 v3, v2  }
0x94: {  	v2 =	vld [tilespmem:s7+$0x2610]  }
0x95: {  	v3 =	vld [tilespmem:s7+$0x4610];
	v0 =	vadd.f32 v1, v0  }
0x96: {  	v1 =	vld [tilespmem:s7+$0x6610]  }
0x97: {  	v57 =	vld [tilespmem:s7+$0x650];
	v4 =	vadd.f32 v5, v4;
	v5 =	vadd.f32 v7, v6;
	v0 =	vmul.f32 $2.500000000e-01, v0  }
0x98: {  	v58 =	vld [tilespmem:s7+$0x2650]  }
0x99: {  	v6 =	vld [tilespmem:s7+$0x4620];
	[tilespmem:s7+$0x106F0] =	vst v0;
	v0 =	vadd.f32 v5, v4  }
0x9a: {  	v4 =	vld [tilespmem:s7+$0x6620]  }
0x9b: {  	v7 =	vld [tilespmem:s7+$0x2630];
	v2 =	vadd.f32 v2, v8;
	v1 =	vadd.f32 v1, v3;
	v0 =	vmul.f32 $2.500000000e-01, v0  }
0x9c: {  	v5 =	vld [tilespmem:s7+$0x630]  }
0x9d: {  	v3 =	vld [tilespmem:s7+$0x4630];
	[tilespmem:s7+$0x10600] =	vst v0;
	v0 =	vadd.f32 v1, v2  }
0x9e: {  	v1 =	vld [tilespmem:s7+$0x6630]  }
0x9f: {  	v9 =	vadd.f32 v10, v9;
	v8 =	vld [tilespmem:s7+$0x2640];
	v4 =	vadd.f32 v4, v6;
	v0 =	vmul.f32 $2.500000000e-01, v0  }
0xa0: {  	v2 =	vld [tilespmem:s7+$0x640]  }
0xa1: {  	v6 =	vld [tilespmem:s7+$0x4640];
	[tilespmem:s7+$0x10610] =	vst v0;
	v0 =	vadd.f32 v4, v9  }
0xa2: {  	v4 =	vld [tilespmem:s7+$0x6640]  }
0xa3: {  	v59 =	vld [tilespmem:s7+$0x4670];
	v5 =	vadd.f32 v7, v5;
	v1 =	vadd.f32 v1, v3;
	v0 =	vmul.f32 $2.500000000e-01, v0  }
0xa4: {  	v3 =	vld [tilespmem:s7+$0x4650]  }
0xa5: {  	[tilespmem:s7+$0x10620] =	vst v0;
	v0 =	vadd.f32 v1, v5;
	v1 =	vld [tilespmem:s7+$0x6650]  }
0xa6: {  	v7 =	vld [tilespmem:s7+$0x2660]  }
0xa7: {  	v2 =	vadd.f32 v8, v2;
	v5 =	vld [tilespmem:s7+$0x660];
	v4 =	vadd.f32 v4, v6;
	v0 =	vmul.f32 $2.500000000e-01, v0  }
0xa8: {  	v6 =	vld [tilespmem:s7+$0x4660]  }
0xa9: {  	[tilespmem:s7+$0x10630] =	vst v0;
	v0 =	vadd.f32 v4, v2;
	v2 =	vld [tilespmem:s7+$0x6660]  }
0xaa: {  	v60 =	vld [tilespmem:s7+$0x6A0];
	v8 =	vadd.f32 v58, v57;
	v1 =	vadd.f32 v1, v3  }
0xab: {  	v4 =	vld [tilespmem:s7+$0x670]  }
0xac: {  	v3 =	vld [tilespmem:s7+$0x2670];
	v0 =	vmul.f32 $2.500000000e-01, v0;
	v1 =	vadd.f32 v1, v8  }
0xad: {  	v8 =	vld [tilespmem:s7+$0x680]  }
0xae: {  	v5 =	vadd.f32 v7, v5;
	[tilespmem:s7+$0x10640] =	vst v0;
	v0 =	vld [tilespmem:s7+$0x6670];
	v1 =	vmul.f32 $2.500000000e-01, v1;
	v2 =	vadd.f32 v2, v6  }
0xaf: {  	v6 =	vld [tilespmem:s7+$0x2680]  }
0xb0: {  	[tilespmem:s7+$0x10650] =	vst v1;
	v1 =	vadd.f32 v2, v5;
	v2 =	vld [tilespmem:s7+$0x4680]  }
0xb1: {  	v5 =	vld [tilespmem:s7+$0x6680]  }
0xb2: {  	v61 =	vld [tilespmem:s7+$0x26A0]  }
0xb3: {  	v7 =	vld [tilespmem:s7+$0x690];
	v1 =	vmul.f32 $2.500000000e-01, v1  }
0xb4: {  	v3 =	vadd.f32 v3, v4;
	v4 =	vld [tilespmem:s7+$0x2690];
	v0 =	vadd.f32 v0, v59  }
0xb5: {  	v6 =	vadd.f32 v6, v8;
	[tilespmem:s7+$0x10660] =	vst v1;
	v1 =	vld [tilespmem:s7+$0x4690]  }
0xb6: {  	v0 =	vadd.f32 v0, v3;
	v3 =	vld [tilespmem:s7+$0x6690];
	v2 =	vadd.f32 v5, v2  }
0xb7: {  	v8 =	vld [tilespmem:s7+$0x26B0]  }
0xb8: {  	v5 =	vld [tilespmem:s7+$0x66A0];
	v0 =	vmul.f32 $2.500000000e-01, v0;
	v2 =	vadd.f32 v2, v6  }
0xb9: {  	v6 =	vld [tilespmem:s7+$0x6B0]  }
0xba: {  	[tilespmem:s7+$0x10670] =	vst v0;
	v0 =	vld [tilespmem:s7+$0x46A0];
	v2 =	vmul.f32 $2.500000000e-01, v2  }
0xbb: {  	v1 =	vadd.f32 v3, v1;
	v3 =	vld [tilespmem:s7+$0x46B0]  }
0xbc: {  	[tilespmem:s7+$0x10680] =	vst v2;
	v2 =	vld [tilespmem:s7+$0x66B0]  }
0xbd: {  	v62 =	vld [tilespmem:s7+$0x66C0];
	v4 =	vadd.f32 v4, v7  }
0xbe: {  	v7 =	vld [tilespmem:s7+$0x26C0]  }
0xbf: {  	v1 =	vadd.f32 v1, v4;
	v4 =	vld [tilespmem:s7+$0x6C0]  }
0xc0: {  	v9 =	vadd.f32 v61, v60;
	v0 =	vadd.f32 v5, v0;
	v5 =	vld [tilespmem:s7+$0x46C0]  }
0xc1: {  	v63 =	vld [tilespmem:s7+$0x6D0];
	v6 =	vadd.f32 v8, v6;
	v2 =	vadd.f32 v2, v3  }
0xc2: {  	v11 =	vld [tilespmem:s7+$0x26D0];
	v1 =	vmul.f32 $2.500000000e-01, v1;
	v0 =	vadd.f32 v0, v9  }
0xc3: {  	v3 =	vld [tilespmem:s7+$0x66D0];
	v2 =	vadd.f32 v2, v6  }
0xc4: {  	[tilespmem:s7+$0x10690] =	vst v1;
	v1 =	vmul.f32 $2.500000000e-01, v0;
	v0 =	vld [tilespmem:s7+$0x46D0]  }
0xc5: {  	v6 =	vadd.f32 v7, v4;
	v5 =	vadd.f32 v62, v5;
	v4 =	vld [tilespmem:s7+$0x26E0];
	v7 =	vmul.f32 $2.500000000e-01, v2  }
0xc6: {  	[tilespmem:s7+$0x106A0] =	vst v1;
	v1 =	vld [tilespmem:s7+$0x6E0]  }
0xc7: {  	s28 =	simm.s32 $0x0;
	s29 =	simm.s32 $0x400;
	v2 =	vld [tilespmem:s7+$0x46E0];
	v6 =	vadd.f32 v5, v6;
	v5 =	vadd.f32 v11, v63;
	[tilespmem:s7+$0x106B0] =	vst v7  }
.LBB2_2:
0xc8: {  	s8 =	sshra.s32 s29, $0x2;
	v7 =	vld [tilespmem:s7+$0x66E0]  }
0xc9: {  	v8 =	vld [tilespmem:s8+$0x6F0];
	v6 =	vmul.f32 $2.500000000e-01, v6;
	v0 =	vadd.f32 v3, v0  }
0xca: {  	v3 =	vld [tilespmem:s8+$0x26F0]  }
0xcb: {  	s28 =	sadd.s32 $0x2, s28;
	v9 =	vld [tilespmem:s8+$0x46F0];
	v0 =	vadd.f32 v0, v5;
	v1 =	vadd.f32 v4, v1;
	[tilespmem:s7+$0x106C0] =	vst v6  }
0xcc: {  	p1 =	slt.u32 s28, $0x3E;
	v4 =	vld [tilespmem:s8+$0x66F0]  }
0xcd: {  	v5 =	vld [tilespmem:s8+$0x600];
	v0 =	vmul.f32 $2.500000000e-01, v0;
	v2 =	vadd.f32 v7, v2  }
0xce: {  	v6 =	vld [tilespmem:s8+$0x2600]  }
0xcf: {  	v7 =	vld [tilespmem:s8+$0x4600];
	v1 =	vadd.f32 v2, v1;
	[tilespmem:s7+$0x106D0] =	vst v0  }
0xd0: {  	v0 =	vld [tilespmem:s8+$0x6600]  }
0xd1: {  	v3 =	vadd.f32 v3, v8;
	v2 =	vld [tilespmem:s8+$0x610];
	v4 =	vadd.f32 v4, v9;
	v1 =	vmul.f32 $2.500000000e-01, v1  }
0xd2: {  	v8 =	vld [tilespmem:s8+$0x2610]  }
0xd3: {  	v5 =	vadd.f32 v6, v5;
	v6 =	vld [tilespmem:s8+$0x4610];
	v3 =	vadd.f32 v4, v3;
	[tilespmem:s7+$0x106E0] =	vst v1;
	s7 =	smov.u32 s8  }
0xd4: {  	v1 =	vld [tilespmem:s7+$0x6610]  }
0xd5: {  	v0 =	vadd.f32 v0, v7;
	v4 =	vld [tilespmem:s7+$0x620];
	v3 =	vmul.f32 $2.500000000e-01, v3  }
0xd6: {  	v7 =	vld [tilespmem:s7+$0x2620]  }
0xd7: {  	v0 =	vadd.f32 v0, v5;
	v2 =	vadd.f32 v8, v2;
	v5 =	vld [tilespmem:s7+$0x4620];
	[tilespmem:s7+$0x106F0] =	vst v3  }
0xd8: {  	v3 =	vld [tilespmem:s7+$0x6620]  }
0xd9: {  	v0 =	vmul.f32 $2.500000000e-01, v0;
	v1 =	vadd.f32 v1, v6;
	v6 =	vld [tilespmem:s7+$0x630]  }
0xda: {  	v8 =	vld [tilespmem:s7+$0x2630]  }
0xdb: {  	v1 =	vadd.f32 v1, v2;
	v2 =	vadd.f32 v7, v4;
	v4 =	vld [tilespmem:s7+$0x4630];
	[tilespmem:s7+$0x10600] =	vst v0  }
0xdc: {  	v0 =	vld [tilespmem:s7+$0x6630]  }
0xdd: {  	v1 =	vmul.f32 $2.500000000e-01, v1;
	v3 =	vadd.f32 v3, v5;
	v5 =	vld [tilespmem:s7+$0x640]  }
0xde: {  	v7 =	vld [tilespmem:s7+$0x2640]  }
0xdf: {  	v2 =	vadd.f32 v3, v2;
	v3 =	vadd.f32 v8, v6;
	v6 =	vld [tilespmem:s7+$0x4640];
	[tilespmem:s7+$0x10610] =	vst v1  }
0xe0: {  	v1 =	vld [tilespmem:s7+$0x6640]  }
0xe1: {  	v2 =	vmul.f32 $2.500000000e-01, v2;
	v0 =	vadd.f32 v0, v4;
	v4 =	vld [tilespmem:s7+$0x650]  }
0xe2: {  	v8 =	vld [tilespmem:s7+$0x2650]  }
0xe3: {  	v0 =	vadd.f32 v0, v3;
	v3 =	vadd.f32 v7, v5;
	v5 =	vld [tilespmem:s7+$0x4650];
	[tilespmem:s7+$0x10620] =	vst v2  }
0xe4: {  	v2 =	vld [tilespmem:s7+$0x6650]  }
0xe5: {  	v0 =	vmul.f32 $2.500000000e-01, v0;
	v1 =	vadd.f32 v1, v6;
	v6 =	vld [tilespmem:s7+$0x660]  }
0xe6: {  	v7 =	vld [tilespmem:s7+$0x2660]  }
0xe7: {  	v1 =	vadd.f32 v1, v3;
	v3 =	vadd.f32 v8, v4;
	v4 =	vld [tilespmem:s7+$0x4660];
	[tilespmem:s7+$0x10630] =	vst v0  }
0xe8: {  	v0 =	vld [tilespmem:s7+$0x6660]  }
0xe9: {  	v1 =	vmul.f32 $2.500000000e-01, v1;
	v2 =	vadd.f32 v2, v5;
	v5 =	vld [tilespmem:s7+$0x670]  }
0xea: {  	v8 =	vld [tilespmem:s7+$0x2670]  }
0xeb: {  	v2 =	vadd.f32 v2, v3;
	v3 =	vadd.f32 v7, v6;
	v6 =	vld [tilespmem:s7+$0x4670];
	[tilespmem:s7+$0x10640] =	vst v1  }
0xec: {  	v1 =	vld [tilespmem:s7+$0x6670]  }
0xed: {  	v2 =	vmul.f32 $2.500000000e-01, v2;
	v0 =	vadd.f32 v0, v4;
	v4 =	vld [tilespmem:s7+$0x680]  }
0xee: {  	v7 =	vld [tilespmem:s7+$0x2680]  }
0xef: {  	v0 =	vadd.f32 v0, v3;
	v3 =	vadd.f32 v8, v5;
	[tilespmem:s7+$0x10650] =	vst v2;
	v2 =	vld [tilespmem:s7+$0x4680]  }
0xf0: {  	v5 =	vld [tilespmem:s7+$0x6680]  }
0xf1: {  	v0 =	vmul.f32 $2.500000000e-01, v0;
	v1 =	vadd.f32 v1, v6;
	v6 =	vld [tilespmem:s7+$0x690]  }
0xf2: {  	v8 =	vld [tilespmem:s7+$0x2690]  }
0xf3: {  	v1 =	vadd.f32 v1, v3;
	[tilespmem:s7+$0x10660] =	vst v0;
	v0 =	vadd.f32 v7, v4;
	v3 =	vld [tilespmem:s7+$0x4690]  }
0xf4: {  	v4 =	vld [tilespmem:s7+$0x6690]  }
0xf5: {  	v1 =	vmul.f32 $2.500000000e-01, v1;
	v2 =	vadd.f32 v5, v2;
	v5 =	vld [tilespmem:s7+$0x6A0]  }
0xf6: {  	v7 =	vld [tilespmem:s7+$0x26A0]  }
0xf7: {  	[tilespmem:s7+$0x10670] =	vst v1;
	v0 =	vadd.f32 v2, v0;
	v1 =	vadd.f32 v8, v6;
	v2 =	vld [tilespmem:s7+$0x46A0]  }
0xf8: {  	v6 =	vld [tilespmem:s7+$0x66A0]  }
0xf9: {  	v0 =	vmul.f32 $2.500000000e-01, v0;
	v3 =	vadd.f32 v4, v3;
	v4 =	vld [tilespmem:s7+$0x6B0]  }
0xfa: {  	v8 =	vld [tilespmem:s7+$0x26B0]  }
0xfb: {  	v1 =	vadd.f32 v3, v1;
	v3 =	vadd.f32 v7, v5;
	v5 =	vld [tilespmem:s7+$0x46B0];
	[tilespmem:s7+$0x10680] =	vst v0  }
0xfc: {  	v0 =	vld [tilespmem:s7+$0x66B0]  }
0xfd: {  	v1 =	vmul.f32 $2.500000000e-01, v1;
	v2 =	vadd.f32 v6, v2;
	v6 =	vld [tilespmem:s7+$0x6C0]  }
0xfe: {  	v7 =	vld [tilespmem:s7+$0x26C0]  }
0xff: {  	v2 =	vadd.f32 v2, v3;
	v3 =	vadd.f32 v8, v4;
	v4 =	vld [tilespmem:s7+$0x46C0];
	[tilespmem:s7+$0x10690] =	vst v1  }
0x100: {  	v1 =	vld [tilespmem:s7+$0x66C0]  }
0x101: {  	v2 =	vmul.f32 $2.500000000e-01, v2;
	v0 =	vadd.f32 v0, v5;
	v5 =	vld [tilespmem:s7+$0x6D0]  }
0x102: {  	v8 =	vld [tilespmem:s7+$0x26D0]  }
.Ltmp0:
0x103: {  	v9 =	vadd.f32 v0, v3;
	v6 =	vadd.f32 v7, v6;
	v0 =	vld [tilespmem:s7+$0x46D0];
	[tilespmem:s7+$0x106A0] =	vst v2;
	(pc) =	sbr.rel @p1 .LBB2_2-.Ltmp0, $4  }
0x104: {  	v3 =	vld [tilespmem:s7+$0x66D0]  }
0x105: {  	v7 =	vmul.f32 $2.500000000e-01, v9;
	v2 =	vadd.f32 v1, v4;
	v1 =	vld [tilespmem:s7+$0x6E0]  }
0x106: {  	v4 =	vld [tilespmem:s7+$0x26E0]  }
0x107: {  	s29 =	sadd.s32 $0x400, s29;
	v6 =	vadd.f32 v2, v6;
	v5 =	vadd.f32 v8, v5;
	v2 =	vld [tilespmem:s7+$0x46E0];
	[tilespmem:s7+$0x106B0] =	vst v7  }
0x108: {  	v7 =	vld [tilespmem:s7+$0x66E0];
	_ =	sdelay $0x3  }
0x109: {  	v0 =	vadd.f32 v3, v0  }
0x10a: {  	v1 =	vadd.f32 v4, v1;
	v2 =	vadd.f32 v7, v2  }
0x10b: {  	v0 =	vadd.f32 v0, v5  }
0x10c: {  	v3 =	vmul.f32 $2.500000000e-01, v6;
	v1 =	vadd.f32 v2, v1  }
0x10d: {  	v0 =	vmul.f32 $2.500000000e-01, v0  }
0x10e: {  	[tilespmem:s7+$0x106C0] =	vst v3;
	v1 =	vmul.f32 $2.500000000e-01, v1  }
0x10f: {  	[tilespmem:s7+$0x106D0] =	vst v0  }
0x110: {  	s14 =	simm.s32 $0x600;
	[tilespmem:s7+$0x106E0] =	vst v1  }
0x111: {  	[tilespmem:s14], [sflag:$0x3] =	stream.indirect.gather [spmem:s2], $0x80, s30, s21, $0xb8;
	[tilespmem:$0x1C300] =	vst v63  }
0x112: {  	s8 =	simm.s32 $0x4600;
	s30 =	simm.s32 $0x480  }
0x113: {  	[tilespmem:s8], [sflag:$0x3] =	stream.indirect.gather [spmem:s2], $0x80, s30, s21, $0xb8;
	[tilespmem:$0x1C300] =	vst v63  }
0x114: {  	s14 =	rddreg [dreg:$0x9]  }
0x115: {  	[hbm4b:s14+s21] =	stream.strided.scatter [tilespmem:s22], [sflag:$0x5], $0x2000, s4, s21, $0x38;
	[tilespmem:$0x1C300] =	vst v63  }
0x116: {  	_ =	swait.ge [sflag:s23], $0x4000  }
0x117: {  	[sflag:s23] =	ssyncset.done $0x0  }
0x118: {  	[sflag:s23] =	ssyncadd.s32 $0xFFFFC000  }
0x119: {  	_ =	swait.ge [sflag:s23], $0x4000  }
0x11a: {  	[sflag:s23] =	ssyncset.done $0x0  }
0x11b: {  	[sflag:s23] =	ssyncadd.s32 $0xFFFFC000  }
0x11c: {  	_ =	swait.ge [sflag:s24], $0x200  }
0x11d: {  	[sflag:s24] =	ssyncset.done $0x0  }
0x11e: {  	[sflag:s24] =	ssyncadd.s32 $0xFFFFFE00  }
0x11f: {  	v0 =	vld [tilespmem:$0x240]  }
0x120: {  	v1 =	vld [tilespmem:$0x250]  }
0x121: {  	v2 =	vld [tilespmem:$0x260]  }
0x122: {  	v3 =	vld [tilespmem:$0x270]  }
0x123: {  	v4 =	vld [tilespmem:$0x2C0]  }
0x124: {  	v5 =	vld [tilespmem:$0x2D0]  }
0x125: {  	[tilespmem:$0x500] =	vst v0;
	v0 =	vld [tilespmem:$0x2E0]  }
0x126: {  	[tilespmem:$0x510] =	vst v1;
	v1 =	vld [tilespmem:$0x2F0]  }
0x127: {  	[tilespmem:$0x520] =	vst v2;
	v2 =	vld [tilespmem:$0x340]  }
0x128: {  	[tilespmem:$0x530] =	vst v3;
	v3 =	vadd.s32 $0x3E8, v4;
	v4 =	vld [tilespmem:$0x350]  }
0x129: {  	[tilespmem:$0x540] =	vst v3;
	v3 =	vadd.s32 $0x3E8, v5;
	v5 =	vld [tilespmem:$0x360]  }
0x12a: {  	[tilespmem:$0x550] =	vst v3;
	v3 =	vld [tilespmem:$0x370];
	v0 =	vadd.s32 $0x3E8, v0  }
0x12b: {  	[tilespmem:$0x560] =	vst v0;
	v0 =	vadd.s32 $0x3E8, v1;
	v1 =	vld [tilespmem:$0x3C0]  }
0x12c: {  	[tilespmem:$0x570] =	vst v0;
	v0 =	vadd.s32 $0x7D0, v2;
	v2 =	vld [tilespmem:$0x3D0]  }
0x12d: {  	[tilespmem:$0x580] =	vst v0;
	v0 =	vadd.s32 $0x7D0, v4;
	v4 =	vld [tilespmem:$0x3E0]  }
0x12e: {  	[tilespmem:$0x590] =	vst v0;
	v0 =	vadd.s32 $0x7D0, v5;
	v5 =	vld [tilespmem:$0x3F0]  }
0x12f: {  	[tilespmem:$0x5A0] =	vst v0;
	v0 =	vadd.s32 $0x7D0, v3  }
0x130: {  	[tilespmem:$0x5B0] =	vst v0;
	v0 =	vadd.s32 $0xBB8, v1  }
0x131: {  	[tilespmem:$0x5C0] =	vst v0;
	v0 =	vadd.s32 $0xBB8, v2  }
0x132: {  	[tilespmem:$0x5D0] =	vst v0;
	v0 =	vadd.s32 $0xBB8, v4  }
0x133: {  	[tilespmem:$0x5E0] =	vst v0;
	v0 =	vadd.s32 $0xBB8, v5  }
0x134: {  	s7 =	simm.s32 $0x0;
	s30 =	simm.s32 $0x0;
	[tilespmem:$0x5F0] =	vst v0  }
0x135: {  	[tilespmem:s20], [sflag:$0x2] =	stream.linear.gather [hbm4b:s12+s30], $0x200, $0x38;
	[tilespmem:$0x1C300] =	vst v63  }
0x136: {  	v0 =	vld [tilespmem:s7+$0x86F0]  }
0x137: {  	v1 =	vld [tilespmem:s7+$0xA6F0]  }
0x138: {  	v2 =	vld [tilespmem:s7+$0xC6F0]  }
0x139: {  	v3 =	vld [tilespmem:s7+$0xE6F0]  }
0x13a: {  	v4 =	vld [tilespmem:s7+$0x8600]  }
0x13b: {  	v5 =	vld [tilespmem:s7+$0xA600]  }
0x13c: {  	v6 =	vld [tilespmem:s7+$0xC600]  }
0x13d: {  	v7 =	vld [tilespmem:s7+$0xE600]  }
0x13e: {  	v8 =	vld [tilespmem:s7+$0x8610]  }
0x13f: {  	v9 =	vld [tilespmem:s7+$0x8620]  }
0x140: {  	v10 =	vld [tilespmem:s7+$0xA620];
	v0 =	vadd.f32 v1, v0;
	v1 =	vadd.f32 v3, v2  }
0x141: {  	v2 =	vld [tilespmem:s7+$0xA610]  }
0x142: {  	v3 =	vld [tilespmem:s7+$0xC610];
	v0 =	vadd.f32 v1, v0  }
0x143: {  	v1 =	vld [tilespmem:s7+$0xE610]  }
0x144: {  	v57 =	vld [tilespmem:s7+$0x8650];
	v4 =	vadd.f32 v5, v4;
	v5 =	vadd.f32 v7, v6;
	v0 =	vmul.f32 $2.500000000e-01, v0  }
0x145: {  	v58 =	vld [tilespmem:s7+$0xA650]  }
0x146: {  	v6 =	vld [tilespmem:s7+$0xC620];
	[tilespmem:s7+$0x126F0] =	vst v0;
	v0 =	vadd.f32 v5, v4  }
0x147: {  	v4 =	vld [tilespmem:s7+$0xE620]  }
0x148: {  	v7 =	vld [tilespmem:s7+$0xA630];
	v2 =	vadd.f32 v2, v8;
	v1 =	vadd.f32 v1, v3;
	v0 =	vmul.f32 $2.500000000e-01, v0  }
0x149: {  	v5 =	vld [tilespmem:s7+$0x8630]  }
0x14a: {  	v3 =	vld [tilespmem:s7+$0xC630];
	[tilespmem:s7+$0x12600] =	vst v0;
	v0 =	vadd.f32 v1, v2  }
0x14b: {  	v1 =	vld [tilespmem:s7+$0xE630]  }
0x14c: {  	v9 =	vadd.f32 v10, v9;
	v8 =	vld [tilespmem:s7+$0xA640];
	v4 =	vadd.f32 v4, v6;
	v0 =	vmul.f32 $2.500000000e-01, v0  }
0x14d: {  	v2 =	vld [tilespmem:s7+$0x8640]  }
0x14e: {  	v6 =	vld [tilespmem:s7+$0xC640];
	[tilespmem:s7+$0x12610] =	vst v0;
	v0 =	vadd.f32 v4, v9  }
0x14f: {  	v4 =	vld [tilespmem:s7+$0xE640]  }
0x150: {  	v59 =	vld [tilespmem:s7+$0xC670];
	v5 =	vadd.f32 v7, v5;
	v1 =	vadd.f32 v1, v3;
	v0 =	vmul.f32 $2.500000000e-01, v0  }
0x151: {  	v3 =	vld [tilespmem:s7+$0xC650]  }
0x152: {  	[tilespmem:s7+$0x12620] =	vst v0;
	v0 =	vadd.f32 v1, v5;
	v1 =	vld [tilespmem:s7+$0xE650]  }
0x153: {  	v7 =	vld [tilespmem:s7+$0xA660]  }
0x154: {  	v2 =	vadd.f32 v8, v2;
	v5 =	vld [tilespmem:s7+$0x8660];
	v4 =	vadd.f32 v4, v6;
	v0 =	vmul.f32 $2.500000000e-01, v0  }
0x155: {  	v6 =	vld [tilespmem:s7+$0xC660]  }
0x156: {  	[tilespmem:s7+$0x12630] =	vst v0;
	v0 =	vadd.f32 v4, v2;
	v2 =	vld [tilespmem:s7+$0xE660]  }
0x157: {  	v60 =	vld [tilespmem:s7+$0x86A0];
	v8 =	vadd.f32 v58, v57;
	v1 =	vadd.f32 v1, v3  }
0x158: {  	v4 =	vld [tilespmem:s7+$0x8670]  }
0x159: {  	v3 =	vld [tilespmem:s7+$0xA670];
	v0 =	vmul.f32 $2.500000000e-01, v0;
	v1 =	vadd.f32 v1, v8  }
0x15a: {  	v8 =	vld [tilespmem:s7+$0x8680]  }
0x15b: {  	v5 =	vadd.f32 v7, v5;
	[tilespmem:s7+$0x12640] =	vst v0;
	v0 =	vld [tilespmem:s7+$0xE670];
	v1 =	vmul.f32 $2.500000000e-01, v1;
	v2 =	vadd.f32 v2, v6  }
0x15c: {  	v6 =	vld [tilespmem:s7+$0xA680]  }
0x15d: {  	[tilespmem:s7+$0x12650] =	vst v1;
	v1 =	vadd.f32 v2, v5;
	v2 =	vld [tilespmem:s7+$0xC680]  }
0x15e: {  	v5 =	vld [tilespmem:s7+$0xE680]  }
0x15f: {  	v61 =	vld [tilespmem:s7+$0xA6A0]  }
0x160: {  	v7 =	vld [tilespmem:s7+$0x8690];
	v1 =	vmul.f32 $2.500000000e-01, v1  }
0x161: {  	v3 =	vadd.f32 v3, v4;
	v4 =	vld [tilespmem:s7+$0xA690];
	v0 =	vadd.f32 v0, v59  }
0x162: {  	v6 =	vadd.f32 v6, v8;
	[tilespmem:s7+$0x12660] =	vst v1;
	v1 =	vld [tilespmem:s7+$0xC690]  }
0x163: {  	v0 =	vadd.f32 v0, v3;
	v3 =	vld [tilespmem:s7+$0xE690];
	v2 =	vadd.f32 v5, v2  }
0x164: {  	v8 =	vld [tilespmem:s7+$0xA6B0]  }
0x165: {  	v5 =	vld [tilespmem:s7+$0xE6A0];
	v0 =	vmul.f32 $2.500000000e-01, v0;
	v2 =	vadd.f32 v2, v6  }
0x166: {  	v6 =	vld [tilespmem:s7+$0x86B0]  }
0x167: {  	[tilespmem:s7+$0x12670] =	vst v0;
	v0 =	vld [tilespmem:s7+$0xC6A0];
	v2 =	vmul.f32 $2.500000000e-01, v2  }
0x168: {  	v1 =	vadd.f32 v3, v1;
	v3 =	vld [tilespmem:s7+$0xC6B0]  }
0x169: {  	[tilespmem:s7+$0x12680] =	vst v2;
	v2 =	vld [tilespmem:s7+$0xE6B0]  }
0x16a: {  	v62 =	vld [tilespmem:s7+$0xE6C0];
	v4 =	vadd.f32 v4, v7  }
0x16b: {  	v7 =	vld [tilespmem:s7+$0xA6C0]  }
0x16c: {  	v1 =	vadd.f32 v1, v4;
	v4 =	vld [tilespmem:s7+$0x86C0]  }
0x16d: {  	v9 =	vadd.f32 v61, v60;
	v0 =	vadd.f32 v5, v0;
	v5 =	vld [tilespmem:s7+$0xC6C0]  }
0x16e: {  	v63 =	vld [tilespmem:s7+$0x86D0];
	v6 =	vadd.f32 v8, v6;
	v2 =	vadd.f32 v2, v3  }
0x16f: {  	v11 =	vld [tilespmem:s7+$0xA6D0];
	v1 =	vmul.f32 $2.500000000e-01, v1;
	v0 =	vadd.f32 v0, v9  }
0x170: {  	v3 =	vld [tilespmem:s7+$0xE6D0];
	v2 =	vadd.f32 v2, v6  }
0x171: {  	[tilespmem:s7+$0x12690] =	vst v1;
	v1 =	vmul.f32 $2.500000000e-01, v0;
	v0 =	vld [tilespmem:s7+$0xC6D0]  }
0x172: {  	v6 =	vadd.f32 v7, v4;
	v5 =	vadd.f32 v62, v5;
	v4 =	vld [tilespmem:s7+$0xA6E0];
	v7 =	vmul.f32 $2.500000000e-01, v2  }
0x173: {  	[tilespmem:s7+$0x126A0] =	vst v1;
	v1 =	vld [tilespmem:s7+$0x86E0]  }
0x174: {  	s28 =	simm.s32 $0x0;
	s29 =	simm.s32 $0x400;
	v2 =	vld [tilespmem:s7+$0xC6E0];
	v6 =	vadd.f32 v5, v6;
	v5 =	vadd.f32 v11, v63;
	[tilespmem:s7+$0x126B0] =	vst v7  }
.LBB2_4:
0x175: {  	s8 =	sshra.s32 s29, $0x2;
	v7 =	vld [tilespmem:s7+$0xE6E0]  }
0x176: {  	v8 =	vld [tilespmem:s8+$0x86F0];
	v6 =	vmul.f32 $2.500000000e-01, v6;
	v0 =	vadd.f32 v3, v0  }
0x177: {  	v3 =	vld [tilespmem:s8+$0xA6F0]  }
0x178: {  	s28 =	sadd.s32 $0x2, s28;
	v9 =	vld [tilespmem:s8+$0xC6F0];
	v0 =	vadd.f32 v0, v5;
	v1 =	vadd.f32 v4, v1;
	[tilespmem:s7+$0x126C0] =	vst v6  }
0x179: {  	p1 =	slt.u32 s28, $0x3E;
	v4 =	vld [tilespmem:s8+$0xE6F0]  }
0x17a: {  	v5 =	vld [tilespmem:s8+$0x8600];
	v0 =	vmul.f32 $2.500000000e-01, v0;
	v2 =	vadd.f32 v7, v2  }
0x17b: {  	v6 =	vld [tilespmem:s8+$0xA600]  }
0x17c: {  	v7 =	vld [tilespmem:s8+$0xC600];
	v1 =	vadd.f32 v2, v1;
	[tilespmem:s7+$0x126D0] =	vst v0  }
0x17d: {  	v0 =	vld [tilespmem:s8+$0xE600]  }
0x17e: {  	v3 =	vadd.f32 v3, v8;
	v2 =	vld [tilespmem:s8+$0x8610];
	v4 =	vadd.f32 v4, v9;
	v1 =	vmul.f32 $2.500000000e-01, v1  }
0x17f: {  	v8 =	vld [tilespmem:s8+$0xA610]  }
0x180: {  	v5 =	vadd.f32 v6, v5;
	v6 =	vld [tilespmem:s8+$0xC610];
	v3 =	vadd.f32 v4, v3;
	[tilespmem:s7+$0x126E0] =	vst v1;
	s7 =	smov.u32 s8  }
0x181: {  	v1 =	vld [tilespmem:s7+$0xE610]  }
0x182: {  	v0 =	vadd.f32 v0, v7;
	v4 =	vld [tilespmem:s7+$0x8620];
	v3 =	vmul.f32 $2.500000000e-01, v3  }
0x183: {  	v7 =	vld [tilespmem:s7+$0xA620]  }
0x184: {  	v0 =	vadd.f32 v0, v5;
	v2 =	vadd.f32 v8, v2;
	v5 =	vld [tilespmem:s7+$0xC620];
	[tilespmem:s7+$0x126F0] =	vst v3  }
0x185: {  	v3 =	vld [tilespmem:s7+$0xE620]  }
0x186: {  	v0 =	vmul.f32 $2.500000000e-01, v0;
	v1 =	vadd.f32 v1, v6;
	v6 =	vld [tilespmem:s7+$0x8630]  }
0x187: {  	v8 =	vld [tilespmem:s7+$0xA630]  }
0x188: {  	v1 =	vadd.f32 v1, v2;
	v2 =	vadd.f32 v7, v4;
	v4 =	vld [tilespmem:s7+$0xC630];
	[tilespmem:s7+$0x12600] =	vst v0  }
0x189: {  	v0 =	vld [tilespmem:s7+$0xE630]  }
0x18a: {  	v1 =	vmul.f32 $2.500000000e-01, v1;
	v3 =	vadd.f32 v3, v5;
	v5 =	vld [tilespmem:s7+$0x8640]  }
0x18b: {  	v7 =	vld [tilespmem:s7+$0xA640]  }
0x18c: {  	v2 =	vadd.f32 v3, v2;
	v3 =	vadd.f32 v8, v6;
	v6 =	vld [tilespmem:s7+$0xC640];
	[tilespmem:s7+$0x12610] =	vst v1  }
0x18d: {  	v1 =	vld [tilespmem:s7+$0xE640]  }
0x18e: {  	v2 =	vmul.f32 $2.500000000e-01, v2;
	v0 =	vadd.f32 v0, v4;
	v4 =	vld [tilespmem:s7+$0x8650]  }
0x18f: {  	v8 =	vld [tilespmem:s7+$0xA650]  }
0x190: {  	v0 =	vadd.f32 v0, v3;
	v3 =	vadd.f32 v7, v5;
	v5 =	vld [tilespmem:s7+$0xC650];
	[tilespmem:s7+$0x12620] =	vst v2  }
0x191: {  	v2 =	vld [tilespmem:s7+$0xE650]  }
0x192: {  	v0 =	vmul.f32 $2.500000000e-01, v0;
	v1 =	vadd.f32 v1, v6;
	v6 =	vld [tilespmem:s7+$0x8660]  }
0x193: {  	v7 =	vld [tilespmem:s7+$0xA660]  }
0x194: {  	v1 =	vadd.f32 v1, v3;
	v3 =	vadd.f32 v8, v4;
	v4 =	vld [tilespmem:s7+$0xC660];
	[tilespmem:s7+$0x12630] =	vst v0  }
0x195: {  	v0 =	vld [tilespmem:s7+$0xE660]  }
0x196: {  	v1 =	vmul.f32 $2.500000000e-01, v1;
	v2 =	vadd.f32 v2, v5;
	v5 =	vld [tilespmem:s7+$0x8670]  }
0x197: {  	v8 =	vld [tilespmem:s7+$0xA670]  }
0x198: {  	v2 =	vadd.f32 v2, v3;
	v3 =	vadd.f32 v7, v6;
	v6 =	vld [tilespmem:s7+$0xC670];
	[tilespmem:s7+$0x12640] =	vst v1  }
0x199: {  	v1 =	vld [tilespmem:s7+$0xE670]  }
0x19a: {  	v2 =	vmul.f32 $2.500000000e-01, v2;
	v0 =	vadd.f32 v0, v4;
	v4 =	vld [tilespmem:s7+$0x8680]  }
0x19b: {  	v7 =	vld [tilespmem:s7+$0xA680]  }
0x19c: {  	v0 =	vadd.f32 v0, v3;
	v3 =	vadd.f32 v8, v5;
	[tilespmem:s7+$0x12650] =	vst v2;
	v2 =	vld [tilespmem:s7+$0xC680]  }
0x19d: {  	v5 =	vld [tilespmem:s7+$0xE680]  }
0x19e: {  	v0 =	vmul.f32 $2.500000000e-01, v0;
	v1 =	vadd.f32 v1, v6;
	v6 =	vld [tilespmem:s7+$0x8690]  }
0x19f: {  	v8 =	vld [tilespmem:s7+$0xA690]  }
0x1a0: {  	v1 =	vadd.f32 v1, v3;
	[tilespmem:s7+$0x12660] =	vst v0;
	v0 =	vadd.f32 v7, v4;
	v3 =	vld [tilespmem:s7+$0xC690]  }
0x1a1: {  	v4 =	vld [tilespmem:s7+$0xE690]  }
0x1a2: {  	v1 =	vmul.f32 $2.500000000e-01, v1;
	v2 =	vadd.f32 v5, v2;
	v5 =	vld [tilespmem:s7+$0x86A0]  }
0x1a3: {  	v7 =	vld [tilespmem:s7+$0xA6A0]  }
0x1a4: {  	[tilespmem:s7+$0x12670] =	vst v1;
	v0 =	vadd.f32 v2, v0;
	v1 =	vadd.f32 v8, v6;
	v2 =	vld [tilespmem:s7+$0xC6A0]  }
0x1a5: {  	v6 =	vld [tilespmem:s7+$0xE6A0]  }
0x1a6: {  	v0 =	vmul.f32 $2.500000000e-01, v0;
	v3 =	vadd.f32 v4, v3;
	v4 =	vld [tilespmem:s7+$0x86B0]  }
0x1a7: {  	v8 =	vld [tilespmem:s7+$0xA6B0]  }
0x1a8: {  	v1 =	vadd.f32 v3, v1;
	v3 =	vadd.f32 v7, v5;
	v5 =	vld [tilespmem:s7+$0xC6B0];
	[tilespmem:s7+$0x12680] =	vst v0  }
0x1a9: {  	v0 =	vld [tilespmem:s7+$0xE6B0]  }
0x1aa: {  	v1 =	vmul.f32 $2.500000000e-01, v1;
	v2 =	vadd.f32 v6, v2;
	v6 =	vld [tilespmem:s7+$0x86C0]  }
0x1ab: {  	v7 =	vld [tilespmem:s7+$0xA6C0]  }
0x1ac: {  	v2 =	vadd.f32 v2, v3;
	v3 =	vadd.f32 v8, v4;
	v4 =	vld [tilespmem:s7+$0xC6C0];
	[tilespmem:s7+$0x12690] =	vst v1  }
0x1ad: {  	v1 =	vld [tilespmem:s7+$0xE6C0]  }
0x1ae: {  	v2 =	vmul.f32 $2.500000000e-01, v2;
	v0 =	vadd.f32 v0, v5;
	v5 =	vld [tilespmem:s7+$0x86D0]  }
0x1af: {  	v8 =	vld [tilespmem:s7+$0xA6D0]  }
.Ltmp1:
0x1b0: {  	v9 =	vadd.f32 v0, v3;
	v6 =	vadd.f32 v7, v6;
	v0 =	vld [tilespmem:s7+$0xC6D0];
	[tilespmem:s7+$0x126A0] =	vst v2;
	(pc) =	sbr.rel @p1 .LBB2_4-.Ltmp1, $4  }
0x1b1: {  	v3 =	vld [tilespmem:s7+$0xE6D0]  }
0x1b2: {  	v7 =	vmul.f32 $2.500000000e-01, v9;
	v2 =	vadd.f32 v1, v4;
	v1 =	vld [tilespmem:s7+$0x86E0]  }
0x1b3: {  	v4 =	vld [tilespmem:s7+$0xA6E0]  }
0x1b4: {  	s29 =	sadd.s32 $0x400, s29;
	v6 =	vadd.f32 v2, v6;
	v5 =	vadd.f32 v8, v5;
	v2 =	vld [tilespmem:s7+$0xC6E0];
	[tilespmem:s7+$0x126B0] =	vst v7  }
0x1b5: {  	v7 =	vld [tilespmem:s7+$0xE6E0];
	_ =	sdelay $0x3  }
0x1b6: {  	v0 =	vadd.f32 v3, v0  }
0x1b7: {  	v1 =	vadd.f32 v4, v1;
	v2 =	vadd.f32 v7, v2  }
0x1b8: {  	v0 =	vadd.f32 v0, v5  }
0x1b9: {  	v63 =	vmul.f32 $2.500000000e-01, v6;
	v1 =	vadd.f32 v2, v1  }
0x1ba: {  	v0 =	vmul.f32 $2.500000000e-01, v0  }
0x1bb: {  	[tilespmem:s7+$0x126C0] =	vst v63;
	v1 =	vmul.f32 $2.500000000e-01, v1  }
0x1bc: {  	[tilespmem:s7+$0x126D0] =	vst v0  }
0x1bd: {  	s14 =	simm.s32 $0x500;
	s8 =	simm.s32 $0x8600;
	[tilespmem:s7+$0x126E0] =	vst v1  }
0x1be: {  	[tilespmem:s8], [sflag:$0x4] =	stream.indirect.gather [spmem:s2], $0x80, s14, s21, $0xb8;
	[tilespmem:$0x1C300] =	vst v63  }
0x1bf: {  	s29 =	simm.s32 $0x580;
	s30 =	simm.s32 $0xC600  }
0x1c0: {  	[tilespmem:s30], [sflag:$0x4] =	stream.indirect.gather [spmem:s2], $0x80, s29, s21, $0xb8;
	[tilespmem:$0x1C300] =	vst v63  }
0x1c1: {  	s28 =	simm.s32 $0x1  }
0x1c2: {  	[hbm4b:s15+s21] =	stream.strided.scatter [tilespmem:s25], [sflag:$0x6], $0x2000, s4, s21, $0x38;
	[tilespmem:$0x1C300] =	vst v63  }
.LBB2_6:
0x1c3: {  	_ =	swait.ge [sflag:s31], $0x4000  }
0x1c4: {  	[sflag:s31] =	ssyncset.done $0x0  }
0x1c5: {  	[sflag:s31] =	ssyncadd.s32 $0xFFFFC000  }
0x1c6: {  	_ =	swait.ge [sflag:s31], $0x4000  }
0x1c7: {  	p1 =	seq.s32 s28, $0xC7;
	[sflag:s31] =	ssyncset.done $0x0  }
0x1c8: {  	s7 =	simm.s32 @!p1 $0x1;
	[sflag:s31] =	ssyncadd.s32 $0xFFFFC000  }
0x1c9: {  	_ =	swait.ge @!p1 [sflag:s7], $0x200  }
0x1ca: {  	[sflag:s7] =	ssyncset.done @!p1 $0x0  }
0x1cb: {  	[sflag:s7] =	ssyncadd.s32 @!p1 $0xFFFFFE00  }
0x1cc: {  	v0 =	vld @!p1 [tilespmem:$0x0]  }
0x1cd: {  	v1 =	vld @!p1 [tilespmem:$0x10]  }
0x1ce: {  	v2 =	vld @!p1 [tilespmem:$0x20]  }
0x1cf: {  	v3 =	vld @!p1 [tilespmem:$0x30]  }
0x1d0: {  	v4 =	vld @!p1 [tilespmem:$0x80]  }
0x1d1: {  	v5 =	vld @!p1 [tilespmem:$0x90]  }
0x1d2: {  	[tilespmem:$0x400] =	vst @!p1 v0;
	v0 =	vld @!p1 [tilespmem:$0xA0]  }
0x1d3: {  	[tilespmem:$0x410] =	vst @!p1 v1;
	v1 =	vld @!p1 [tilespmem:$0xB0]  }
0x1d4: {  	[tilespmem:$0x420] =	vst @!p1 v2;
	v2 =	vld @!p1 [tilespmem:$0x100]  }
0x1d5: {  	[tilespmem:$0x430] =	vst @!p1 v3;
	v3 =	vadd.s32 @!p1 $0x3E8, v4;
	v4 =	vld @!p1 [tilespmem:$0x110]  }
0x1d6: {  	[tilespmem:$0x440] =	vst @!p1 v3;
	v3 =	vadd.s32 @!p1 $0x3E8, v5;
	v5 =	vld @!p1 [tilespmem:$0x120]  }
0x1d7: {  	[tilespmem:$0x450] =	vst @!p1 v3;
	v3 =	vld @!p1 [tilespmem:$0x130];
	v0 =	vadd.s32 @!p1 $0x3E8, v0  }
0x1d8: {  	[tilespmem:$0x460] =	vst @!p1 v0;
	v0 =	vadd.s32 @!p1 $0x3E8, v1;
	v1 =	vld @!p1 [tilespmem:$0x180]  }
0x1d9: {  	[tilespmem:$0x470] =	vst @!p1 v0;
	v0 =	vadd.s32 @!p1 $0x7D0, v2;
	v2 =	vld @!p1 [tilespmem:$0x190]  }
0x1da: {  	[tilespmem:$0x480] =	vst @!p1 v0;
	v0 =	vadd.s32 @!p1 $0x7D0, v4;
	v4 =	vld @!p1 [tilespmem:$0x1A0]  }
0x1db: {  	[tilespmem:$0x490] =	vst @!p1 v0;
	v0 =	vadd.s32 @!p1 $0x7D0, v5;
	v5 =	vld @!p1 [tilespmem:$0x1B0]  }
0x1dc: {  	[tilespmem:$0x4A0] =	vst @!p1 v0;
	v0 =	vadd.s32 @!p1 $0x7D0, v3  }
0x1dd: {  	[tilespmem:$0x4B0] =	vst @!p1 v0;
	v0 =	vadd.s32 @!p1 $0xBB8, v1  }
0x1de: {  	p2 =	sgt.u32 @!p1 s28, $0xC5;
	[tilespmem:$0x4C0] =	vst @!p1 v0;
	v0 =	vadd.s32 @!p1 $0xBB8, v2  }
0x1df: {  	p3 =	por p2, p1;
	[tilespmem:$0x4D0] =	vst @!p1 v0;
	v0 =	vadd.s32 @!p1 $0xBB8, v4  }
0x1e0: {  	s7 =	sshll.u32 @!p3 s28, $0xB;
	[tilespmem:$0x4E0] =	vst @!p1 v0;
	v0 =	vadd.s32 @!p1 $0xBB8, v5  }
0x1e1: {  	s8 =	simm.s32 @!p3 $0x0;
	s7 =	sadd.s32 @!p3 s7, s16;
	[tilespmem:$0x4F0] =	vst @!p1 v0  }
0x1e2: {  	[tilespmem:s8], [sflag:$0x1] =	stream.linear.gather @!p3 [hbm4b:s7+s8], $0x200, $0x38;
	[tilespmem:$0x1C300] =	vst v63  }
0x1e3: {  	_ =	swait.ge [sflag:s5], $0x2000  }
0x1e4: {  	[sflag:s5] =	ssyncset.done $0x0  }
0x1e5: {  	s29 =	simm.s32 $0x0;
	[sflag:s5] =	ssyncadd.s32 $0xFFFFE000  }
0x1e6: {  	v0 =	vld [tilespmem:s29+$0x6F0]  }
0x1e7: {  	v1 =	vld [tilespmem:s29+$0x26F0]  }
0x1e8: {  	v2 =	vld [tilespmem:s29+$0x46F0]  }
0x1e9: {  	v3 =	vld [tilespmem:s29+$0x66F0]  }
0x1ea: {  	v4 =	vld [tilespmem:s29+$0x600]  }
0x1eb: {  	v5 =	vld [tilespmem:s29+$0x2600]  }
0x1ec: {  	v6 =	vld [tilespmem:s29+$0x4600]  }
0x1ed: {  	v7 =	vld [tilespmem:s29+$0x6600]  }
0x1ee: {  	v8 =	vld [tilespmem:s29+$0x610]  }
0x1ef: {  	v9 =	vld [tilespmem:s29+$0x620]  }
0x1f0: {  	v10 =	vld [tilespmem:s29+$0x2620];
	v0 =	vadd.f32 v1, v0;
	v1 =	vadd.f32 v3, v2  }
0x1f1: {  	v2 =	vld [tilespmem:s29+$0x2610]  }
0x1f2: {  	v3 =	vld [tilespmem:s29+$0x4610];
	v0 =	vadd.f32 v1, v0  }
0x1f3: {  	v1 =	vld [tilespmem:s29+$0x6610]  }
0x1f4: {  	v57 =	vld [tilespmem:s29+$0x650];
	v4 =	vadd.f32 v5, v4;
	v5 =	vadd.f32 v7, v6;
	v0 =	vmul.f32 $2.500000000e-01, v0  }
0x1f5: {  	v58 =	vld [tilespmem:s29+$0x2650]  }
0x1f6: {  	v6 =	vld [tilespmem:s29+$0x4620];
	[tilespmem:s29+$0x106F0] =	vst v0;
	v0 =	vadd.f32 v5, v4  }
0x1f7: {  	v4 =	vld [tilespmem:s29+$0x6620]  }
0x1f8: {  	v7 =	vld [tilespmem:s29+$0x2630];
	v2 =	vadd.f32 v2, v8;
	v1 =	vadd.f32 v1, v3;
	v0 =	vmul.f32 $2.500000000e-01, v0  }
0x1f9: {  	v5 =	vld [tilespmem:s29+$0x630]  }
0x1fa: {  	v3 =	vld [tilespmem:s29+$0x4630];
	[tilespmem:s29+$0x10600] =	vst v0;
	v0 =	vadd.f32 v1, v2  }
0x1fb: {  	v1 =	vld [tilespmem:s29+$0x6630]  }
0x1fc: {  	v9 =	vadd.f32 v10, v9;
	v8 =	vld [tilespmem:s29+$0x2640];
	v4 =	vadd.f32 v4, v6;
	v0 =	vmul.f32 $2.500000000e-01, v0  }
0x1fd: {  	v2 =	vld [tilespmem:s29+$0x640]  }
0x1fe: {  	v6 =	vld [tilespmem:s29+$0x4640];
	[tilespmem:s29+$0x10610] =	vst v0;
	v0 =	vadd.f32 v4, v9  }
0x1ff: {  	v4 =	vld [tilespmem:s29+$0x6640]  }
0x200: {  	v59 =	vld [tilespmem:s29+$0x4670];
	v5 =	vadd.f32 v7, v5;
	v1 =	vadd.f32 v1, v3;
	v0 =	vmul.f32 $2.500000000e-01, v0  }
0x201: {  	v3 =	vld [tilespmem:s29+$0x4650]  }
0x202: {  	[tilespmem:s29+$0x10620] =	vst v0;
	v0 =	vadd.f32 v1, v5;
	v1 =	vld [tilespmem:s29+$0x6650]  }
0x203: {  	v7 =	vld [tilespmem:s29+$0x2660]  }
0x204: {  	v2 =	vadd.f32 v8, v2;
	v5 =	vld [tilespmem:s29+$0x660];
	v4 =	vadd.f32 v4, v6;
	v0 =	vmul.f32 $2.500000000e-01, v0  }
0x205: {  	v6 =	vld [tilespmem:s29+$0x4660]  }
0x206: {  	[tilespmem:s29+$0x10630] =	vst v0;
	v0 =	vadd.f32 v4, v2;
	v2 =	vld [tilespmem:s29+$0x6660]  }
0x207: {  	v60 =	vld [tilespmem:s29+$0x6A0];
	v8 =	vadd.f32 v58, v57;
	v1 =	vadd.f32 v1, v3  }
0x208: {  	v4 =	vld [tilespmem:s29+$0x670]  }
0x209: {  	v3 =	vld [tilespmem:s29+$0x2670];
	v0 =	vmul.f32 $2.500000000e-01, v0;
	v1 =	vadd.f32 v1, v8  }
0x20a: {  	v8 =	vld [tilespmem:s29+$0x680]  }
0x20b: {  	v5 =	vadd.f32 v7, v5;
	[tilespmem:s29+$0x10640] =	vst v0;
	v0 =	vld [tilespmem:s29+$0x6670];
	v1 =	vmul.f32 $2.500000000e-01, v1;
	v2 =	vadd.f32 v2, v6  }
0x20c: {  	v6 =	vld [tilespmem:s29+$0x2680]  }
0x20d: {  	[tilespmem:s29+$0x10650] =	vst v1;
	v1 =	vadd.f32 v2, v5;
	v2 =	vld [tilespmem:s29+$0x4680]  }
0x20e: {  	v5 =	vld [tilespmem:s29+$0x6680]  }
0x20f: {  	v61 =	vld [tilespmem:s29+$0x26A0]  }
0x210: {  	v7 =	vld [tilespmem:s29+$0x690];
	v1 =	vmul.f32 $2.500000000e-01, v1  }
0x211: {  	v3 =	vadd.f32 v3, v4;
	v4 =	vld [tilespmem:s29+$0x2690];
	v0 =	vadd.f32 v0, v59  }
0x212: {  	v6 =	vadd.f32 v6, v8;
	[tilespmem:s29+$0x10660] =	vst v1;
	v1 =	vld [tilespmem:s29+$0x4690]  }
0x213: {  	v0 =	vadd.f32 v0, v3;
	v3 =	vld [tilespmem:s29+$0x6690];
	v2 =	vadd.f32 v5, v2  }
0x214: {  	v8 =	vld [tilespmem:s29+$0x26B0]  }
0x215: {  	v5 =	vld [tilespmem:s29+$0x66A0];
	v0 =	vmul.f32 $2.500000000e-01, v0;
	v2 =	vadd.f32 v2, v6  }
0x216: {  	v6 =	vld [tilespmem:s29+$0x6B0]  }
0x217: {  	[tilespmem:s29+$0x10670] =	vst v0;
	v0 =	vld [tilespmem:s29+$0x46A0];
	v2 =	vmul.f32 $2.500000000e-01, v2  }
0x218: {  	v1 =	vadd.f32 v3, v1;
	v3 =	vld [tilespmem:s29+$0x46B0]  }
0x219: {  	[tilespmem:s29+$0x10680] =	vst v2;
	v2 =	vld [tilespmem:s29+$0x66B0]  }
0x21a: {  	v62 =	vld [tilespmem:s29+$0x66C0];
	v4 =	vadd.f32 v4, v7  }
0x21b: {  	v9 =	vadd.f32 v61, v60;
	v7 =	vld [tilespmem:s29+$0x26C0]  }
0x21c: {  	v1 =	vadd.f32 v1, v4;
	v4 =	vld [tilespmem:s29+$0x6C0];
	v0 =	vadd.f32 v5, v0  }
0x21d: {  	v6 =	vadd.f32 v8, v6;
	v5 =	vld [tilespmem:s29+$0x46C0]  }
0x21e: {  	v63 =	vld [tilespmem:s29+$0x6D0];
	v1 =	vmul.f32 $2.500000000e-01, v1;
	v0 =	vadd.f32 v0, v9;
	v2 =	vadd.f32 v2, v3  }
0x21f: {  	v11 =	vld [tilespmem:s29+$0x26D0]  }
0x220: {  	[tilespmem:s29+$0x10690] =	vst v1;
	v1 =	vmul.f32 $2.500000000e-01, v0;
	v0 =	vld [tilespmem:s29+$0x46D0];
	v3 =	vadd.f32 v2, v6  }
0x221: {  	v2 =	vld [tilespmem:s29+$0x66D0]  }
0x222: {  	p4 =	por @!p1 $0x0, $0x0;
	p2 =	por !p2, p1;
	p3 =	por @!p3 $0x1, $0x1;
	v6 =	vadd.f32 v7, v4;
	v5 =	vadd.f32 v62, v5;
	v4 =	vld [tilespmem:s29+$0x26E0];
	v7 =	vmul.f32 $2.500000000e-01, v3  }
0x223: {  	p3 =	por @!p2 p4, p4;
	p2 =	por $0x0, $0x0;
	[tilespmem:s29+$0x106A0] =	vst v1;
	v1 =	vld [tilespmem:s29+$0x6E0]  }
0x224: {  	s30 =	simm.s32 $0x400;
	s7 =	simm.s32 $0x0;
	p2 =	por @!p1 p3, p3;
	v3 =	vld [tilespmem:s29+$0x46E0];
	v6 =	vadd.f32 v5, v6;
	v5 =	vadd.f32 v11, v63;
	[tilespmem:s29+$0x106B0] =	vst v7  }
.LBB2_7:
0x225: {  	s8 =	sshra.s32 s30, $0x2;
	v7 =	vld [tilespmem:s29+$0x66E0]  }
0x226: {  	v8 =	vld [tilespmem:s8+$0x6F0];
	v6 =	vmul.f32 $2.500000000e-01, v6;
	v0 =	vadd.f32 v2, v0  }
0x227: {  	v2 =	vld [tilespmem:s8+$0x26F0]  }
0x228: {  	s7 =	sadd.s32 $0x2, s7;
	v9 =	vld [tilespmem:s8+$0x46F0];
	v0 =	vadd.f32 v0, v5;
	v1 =	vadd.f32 v4, v1;
	[tilespmem:s29+$0x106C0] =	vst v6  }
0x229: {  	p3 =	slt.u32 s7, $0x3E;
	v4 =	vld [tilespmem:s8+$0x66F0]  }
0x22a: {  	v5 =	vld [tilespmem:s8+$0x600];
	v0 =	vmul.f32 $2.500000000e-01, v0;
	v3 =	vadd.f32 v7, v3  }
0x22b: {  	v6 =	vld [tilespmem:s8+$0x2600]  }
0x22c: {  	v7 =	vld [tilespmem:s8+$0x4600];
	v1 =	vadd.f32 v3, v1;
	[tilespmem:s29+$0x106D0] =	vst v0  }
0x22d: {  	v0 =	vld [tilespmem:s8+$0x6600]  }
0x22e: {  	v2 =	vadd.f32 v2, v8;
	v3 =	vld [tilespmem:s8+$0x610];
	v4 =	vadd.f32 v4, v9;
	v1 =	vmul.f32 $2.500000000e-01, v1  }
0x22f: {  	v8 =	vld [tilespmem:s8+$0x2610]  }
0x230: {  	v5 =	vadd.f32 v6, v5;
	v6 =	vld [tilespmem:s8+$0x4610];
	v2 =	vadd.f32 v4, v2;
	[tilespmem:s29+$0x106E0] =	vst v1;
	s29 =	smov.u32 s8  }
0x231: {  	v1 =	vld [tilespmem:s29+$0x6610]  }
0x232: {  	v0 =	vadd.f32 v0, v7;
	v4 =	vld [tilespmem:s29+$0x620];
	v2 =	vmul.f32 $2.500000000e-01, v2  }
0x233: {  	v7 =	vld [tilespmem:s29+$0x2620]  }
0x234: {  	v0 =	vadd.f32 v0, v5;
	v3 =	vadd.f32 v8, v3;
	v5 =	vld [tilespmem:s29+$0x4620];
	[tilespmem:s29+$0x106F0] =	vst v2  }
0x235: {  	v2 =	vld [tilespmem:s29+$0x6620]  }
0x236: {  	v0 =	vmul.f32 $2.500000000e-01, v0;
	v1 =	vadd.f32 v1, v6;
	v6 =	vld [tilespmem:s29+$0x630]  }
0x237: {  	v8 =	vld [tilespmem:s29+$0x2630]  }
0x238: {  	v1 =	vadd.f32 v1, v3;
	v3 =	vadd.f32 v7, v4;
	v4 =	vld [tilespmem:s29+$0x4630];
	[tilespmem:s29+$0x10600] =	vst v0  }
0x239: {  	v0 =	vld [tilespmem:s29+$0x6630]  }
0x23a: {  	v1 =	vmul.f32 $2.500000000e-01, v1;
	v2 =	vadd.f32 v2, v5;
	v5 =	vld [tilespmem:s29+$0x640]  }
0x23b: {  	v7 =	vld [tilespmem:s29+$0x2640]  }
0x23c: {  	v2 =	vadd.f32 v2, v3;
	v3 =	vadd.f32 v8, v6;
	v6 =	vld [tilespmem:s29+$0x4640];
	[tilespmem:s29+$0x10610] =	vst v1  }
0x23d: {  	v1 =	vld [tilespmem:s29+$0x6640]  }
0x23e: {  	v2 =	vmul.f32 $2.500000000e-01, v2;
	v0 =	vadd.f32 v0, v4;
	v4 =	vld [tilespmem:s29+$0x650]  }
0x23f: {  	v8 =	vld [tilespmem:s29+$0x2650]  }
0x240: {  	v0 =	vadd.f32 v0, v3;
	v3 =	vadd.f32 v7, v5;
	v5 =	vld [tilespmem:s29+$0x4650];
	[tilespmem:s29+$0x10620] =	vst v2  }
0x241: {  	v2 =	vld [tilespmem:s29+$0x6650]  }
0x242: {  	v0 =	vmul.f32 $2.500000000e-01, v0;
	v1 =	vadd.f32 v1, v6;
	v6 =	vld [tilespmem:s29+$0x660]  }
0x243: {  	v7 =	vld [tilespmem:s29+$0x2660]  }
0x244: {  	v1 =	vadd.f32 v1, v3;
	v3 =	vadd.f32 v8, v4;
	v4 =	vld [tilespmem:s29+$0x4660];
	[tilespmem:s29+$0x10630] =	vst v0  }
0x245: {  	v0 =	vld [tilespmem:s29+$0x6660]  }
0x246: {  	v1 =	vmul.f32 $2.500000000e-01, v1;
	v2 =	vadd.f32 v2, v5;
	v5 =	vld [tilespmem:s29+$0x670]  }
0x247: {  	v8 =	vld [tilespmem:s29+$0x2670]  }
0x248: {  	v2 =	vadd.f32 v2, v3;
	v3 =	vadd.f32 v7, v6;
	v6 =	vld [tilespmem:s29+$0x4670];
	[tilespmem:s29+$0x10640] =	vst v1  }
0x249: {  	v1 =	vld [tilespmem:s29+$0x6670]  }
0x24a: {  	v2 =	vmul.f32 $2.500000000e-01, v2;
	v0 =	vadd.f32 v0, v4;
	v4 =	vld [tilespmem:s29+$0x680]  }
0x24b: {  	v7 =	vld [tilespmem:s29+$0x2680]  }
0x24c: {  	v0 =	vadd.f32 v0, v3;
	v3 =	vadd.f32 v8, v5;
	[tilespmem:s29+$0x10650] =	vst v2;
	v2 =	vld [tilespmem:s29+$0x4680]  }
0x24d: {  	v5 =	vld [tilespmem:s29+$0x6680]  }
0x24e: {  	v0 =	vmul.f32 $2.500000000e-01, v0;
	v1 =	vadd.f32 v1, v6;
	v6 =	vld [tilespmem:s29+$0x690]  }
0x24f: {  	v8 =	vld [tilespmem:s29+$0x2690]  }
0x250: {  	v1 =	vadd.f32 v1, v3;
	[tilespmem:s29+$0x10660] =	vst v0;
	v0 =	vadd.f32 v7, v4;
	v3 =	vld [tilespmem:s29+$0x4690]  }
0x251: {  	v4 =	vld [tilespmem:s29+$0x6690]  }
0x252: {  	v1 =	vmul.f32 $2.500000000e-01, v1;
	v2 =	vadd.f32 v5, v2;
	v5 =	vld [tilespmem:s29+$0x6A0]  }
0x253: {  	v7 =	vld [tilespmem:s29+$0x26A0]  }
0x254: {  	[tilespmem:s29+$0x10670] =	vst v1;
	v0 =	vadd.f32 v2, v0;
	v1 =	vadd.f32 v8, v6;
	v2 =	vld [tilespmem:s29+$0x46A0]  }
0x255: {  	v6 =	vld [tilespmem:s29+$0x66A0]  }
0x256: {  	v0 =	vmul.f32 $2.500000000e-01, v0;
	v3 =	vadd.f32 v4, v3;
	v4 =	vld [tilespmem:s29+$0x6B0]  }
0x257: {  	v8 =	vld [tilespmem:s29+$0x26B0]  }
0x258: {  	v1 =	vadd.f32 v3, v1;
	v3 =	vadd.f32 v7, v5;
	v5 =	vld [tilespmem:s29+$0x46B0];
	[tilespmem:s29+$0x10680] =	vst v0  }
0x259: {  	v0 =	vld [tilespmem:s29+$0x66B0]  }
0x25a: {  	v1 =	vmul.f32 $2.500000000e-01, v1;
	v2 =	vadd.f32 v6, v2;
	v6 =	vld [tilespmem:s29+$0x6C0]  }
0x25b: {  	v7 =	vld [tilespmem:s29+$0x26C0]  }
0x25c: {  	v2 =	vadd.f32 v2, v3;
	v3 =	vadd.f32 v8, v4;
	v4 =	vld [tilespmem:s29+$0x46C0];
	[tilespmem:s29+$0x10690] =	vst v1  }
0x25d: {  	v1 =	vld [tilespmem:s29+$0x66C0]  }
0x25e: {  	v2 =	vmul.f32 $2.500000000e-01, v2;
	v0 =	vadd.f32 v0, v5;
	v5 =	vld [tilespmem:s29+$0x6D0]  }
0x25f: {  	v8 =	vld [tilespmem:s29+$0x26D0]  }
.Ltmp2:
0x260: {  	v3 =	vadd.f32 v0, v3;
	v6 =	vadd.f32 v7, v6;
	v0 =	vld [tilespmem:s29+$0x46D0];
	[tilespmem:s29+$0x106A0] =	vst v2;
	(pc) =	sbr.rel @p3 .LBB2_7-.Ltmp2, $4  }
0x261: {  	v2 =	vld [tilespmem:s29+$0x66D0]  }
0x262: {  	v7 =	vmul.f32 $2.500000000e-01, v3;
	v3 =	vadd.f32 v1, v4;
	v1 =	vld [tilespmem:s29+$0x6E0]  }
0x263: {  	v4 =	vld [tilespmem:s29+$0x26E0]  }
0x264: {  	s30 =	sadd.s32 $0x400, s30;
	v6 =	vadd.f32 v3, v6;
	v5 =	vadd.f32 v8, v5;
	v3 =	vld [tilespmem:s29+$0x46E0];
	[tilespmem:s29+$0x106B0] =	vst v7  }
0x265: {  	v7 =	vld [tilespmem:s29+$0x66E0];
	_ =	sdelay $0x3  }
0x266: {  	v0 =	vadd.f32 v2, v0  }
0x267: {  	v1 =	vadd.f32 v4, v1;
	v2 =	vadd.f32 v7, v3  }
0x268: {  	v0 =	vadd.f32 v0, v5  }
0x269: {  	v3 =	vmul.f32 $2.500000000e-01, v6;
	v1 =	vadd.f32 v2, v1  }
0x26a: {  	v0 =	vmul.f32 $2.500000000e-01, v0  }
0x26b: {  	[tilespmem:s29+$0x106C0] =	vst v3;
	v1 =	vmul.f32 $2.500000000e-01, v1  }
0x26c: {  	s7 =	sshll.u32 s28, $0x7;
	[tilespmem:s29+$0x106D0] =	vst v0  }
0x26d: {  	s8 =	simm.s32 @!p1 $0x80;
	s30 =	simm.s32 @!p1 $0x600;
	[tilespmem:s29+$0x106E0] =	vst v1;
	s29 =	simm.s32 @!p1 $0x400  }
0x26e: {  	[tilespmem:s30], [sflag:$0x3] =	stream.indirect.gather @!p1 [spmem:s2], $0x80, s29, s8, $0xb8;
	[tilespmem:$0x1C300] =	vst v63  }
0x26f: {  	s14 =	simm.s32 @!p1 $0x4600;
	s29 =	sor.u32 s9, s7;
	s30 =	simm.s32 @!p1 $0x480  }
0x270: {  	[tilespmem:s14], [sflag:$0x3] =	stream.indirect.gather @!p1 [spmem:s2], $0x80, s30, s8, $0xb8;
	[tilespmem:$0x1C300] =	vst v63  }
0x271: {  	s14 =	sshrl.u32 s29, $0x3  }
0x272: {  	s8 =	sadd.s32 s1, s14  }
0x273: {  	[hbm4b:s8+s21] =	stream.strided.scatter [tilespmem:s22], [sflag:$0x5], $0x2000, s4, s21, $0x38;
	[tilespmem:$0x1C300] =	vst v63  }
0x274: {  	_ =	swait.ge [sflag:s23], $0x4000  }
0x275: {  	[sflag:s23] =	ssyncset.done $0x0  }
0x276: {  	[sflag:s23] =	ssyncadd.s32 $0xFFFFC000  }
0x277: {  	_ =	swait.ge [sflag:s23], $0x4000  }
0x278: {  	[sflag:s23] =	ssyncset.done $0x0  }
0x279: {  	s8 =	simm.s32 @!p1 $0x2;
	[sflag:s23] =	ssyncadd.s32 $0xFFFFC000  }
0x27a: {  	_ =	swait.ge @!p1 [sflag:s8], $0x200  }
0x27b: {  	[sflag:s8] =	ssyncset.done @!p1 $0x0  }
0x27c: {  	[sflag:s8] =	ssyncadd.s32 @!p1 $0xFFFFFE00  }
0x27d: {  	v0 =	vld @!p1 [tilespmem:$0x240]  }
0x27e: {  	v1 =	vld @!p1 [tilespmem:$0x250]  }
0x27f: {  	v2 =	vld @!p1 [tilespmem:$0x260]  }
0x280: {  	v3 =	vld @!p1 [tilespmem:$0x270]  }
0x281: {  	v4 =	vld @!p1 [tilespmem:$0x2C0]  }
0x282: {  	v5 =	vld @!p1 [tilespmem:$0x2D0]  }
0x283: {  	[tilespmem:$0x500] =	vst @!p1 v0;
	v0 =	vld @!p1 [tilespmem:$0x2E0]  }
0x284: {  	[tilespmem:$0x510] =	vst @!p1 v1;
	v1 =	vld @!p1 [tilespmem:$0x2F0]  }
0x285: {  	[tilespmem:$0x520] =	vst @!p1 v2;
	v2 =	vld @!p1 [tilespmem:$0x340]  }
0x286: {  	[tilespmem:$0x530] =	vst @!p1 v3;
	v3 =	vadd.s32 @!p1 $0x3E8, v4;
	v4 =	vld @!p1 [tilespmem:$0x350]  }
0x287: {  	[tilespmem:$0x540] =	vst @!p1 v3;
	v3 =	vadd.s32 @!p1 $0x3E8, v5;
	v5 =	vld @!p1 [tilespmem:$0x360]  }
0x288: {  	[tilespmem:$0x550] =	vst @!p1 v3;
	v3 =	vld @!p1 [tilespmem:$0x370];
	v0 =	vadd.s32 @!p1 $0x3E8, v0  }
0x289: {  	[tilespmem:$0x560] =	vst @!p1 v0;
	v0 =	vadd.s32 @!p1 $0x3E8, v1;
	v1 =	vld @!p1 [tilespmem:$0x3C0]  }
0x28a: {  	[tilespmem:$0x570] =	vst @!p1 v0;
	v0 =	vadd.s32 @!p1 $0x7D0, v2;
	v2 =	vld @!p1 [tilespmem:$0x3D0]  }
0x28b: {  	[tilespmem:$0x580] =	vst @!p1 v0;
	v0 =	vadd.s32 @!p1 $0x7D0, v4;
	v4 =	vld @!p1 [tilespmem:$0x3E0]  }
0x28c: {  	[tilespmem:$0x590] =	vst @!p1 v0;
	v0 =	vadd.s32 @!p1 $0x7D0, v5;
	v5 =	vld @!p1 [tilespmem:$0x3F0]  }
0x28d: {  	[tilespmem:$0x5A0] =	vst @!p1 v0;
	v0 =	vadd.s32 @!p1 $0x7D0, v3  }
0x28e: {  	[tilespmem:$0x5B0] =	vst @!p1 v0;
	v0 =	vadd.s32 @!p1 $0xBB8, v1  }
0x28f: {  	[tilespmem:$0x5C0] =	vst @!p1 v0;
	v0 =	vadd.s32 @!p1 $0xBB8, v2  }
0x290: {  	[tilespmem:$0x5D0] =	vst @!p1 v0;
	v0 =	vadd.s32 @!p1 $0xBB8, v4  }
0x291: {  	s8 =	sshll.u32 @p2 s28, $0xB;
	[tilespmem:$0x5E0] =	vst @!p1 v0;
	v0 =	vadd.s32 @!p1 $0xBB8, v5  }
0x292: {  	s29 =	simm.s32 @p2 $0x200;
	s14 =	simm.s32 @p2 $0x0;
	s8 =	sadd.s32 @p2 s18, s8;
	[tilespmem:$0x5F0] =	vst @!p1 v0  }
0x293: {  	[tilespmem:s29], [sflag:$0x2] =	stream.linear.gather @p2 [hbm4b:s8+s14], $0x200, $0x38;
	[tilespmem:$0x1C300] =	vst v63  }
0x294: {  	_ =	swait.ge [sflag:s26], $0x2000  }
0x295: {  	[sflag:s26] =	ssyncset.done $0x0  }
0x296: {  	s29 =	simm.s32 $0x0;
	[sflag:s26] =	ssyncadd.s32 $0xFFFFE000  }
0x297: {  	v0 =	vld [tilespmem:s29+$0x86F0]  }
0x298: {  	v1 =	vld [tilespmem:s29+$0xA6F0]  }
0x299: {  	v2 =	vld [tilespmem:s29+$0xC6F0]  }
0x29a: {  	v3 =	vld [tilespmem:s29+$0xE6F0]  }
0x29b: {  	v4 =	vld [tilespmem:s29+$0x8600]  }
0x29c: {  	v5 =	vld [tilespmem:s29+$0xA600]  }
0x29d: {  	v6 =	vld [tilespmem:s29+$0xC600]  }
0x29e: {  	v7 =	vld [tilespmem:s29+$0xE600]  }
0x29f: {  	v8 =	vld [tilespmem:s29+$0x8610]  }
0x2a0: {  	v9 =	vld [tilespmem:s29+$0x8620]  }
0x2a1: {  	v10 =	vld [tilespmem:s29+$0xA620];
	v0 =	vadd.f32 v1, v0;
	v1 =	vadd.f32 v3, v2  }
0x2a2: {  	v2 =	vld [tilespmem:s29+$0xA610]  }
0x2a3: {  	v3 =	vld [tilespmem:s29+$0xC610];
	v0 =	vadd.f32 v1, v0  }
0x2a4: {  	v1 =	vld [tilespmem:s29+$0xE610]  }
0x2a5: {  	v57 =	vld [tilespmem:s29+$0x8650];
	v4 =	vadd.f32 v5, v4;
	v5 =	vadd.f32 v7, v6;
	v0 =	vmul.f32 $2.500000000e-01, v0  }
0x2a6: {  	v58 =	vld [tilespmem:s29+$0xA650]  }
0x2a7: {  	v6 =	vld [tilespmem:s29+$0xC620];
	[tilespmem:s29+$0x126F0] =	vst v0;
	v0 =	vadd.f32 v5, v4  }
0x2a8: {  	v4 =	vld [tilespmem:s29+$0xE620]  }
0x2a9: {  	v7 =	vld [tilespmem:s29+$0xA630];
	v2 =	vadd.f32 v2, v8;
	v1 =	vadd.f32 v1, v3;
	v0 =	vmul.f32 $2.500000000e-01, v0  }
0x2aa: {  	v5 =	vld [tilespmem:s29+$0x8630]  }
0x2ab: {  	v3 =	vld [tilespmem:s29+$0xC630];
	[tilespmem:s29+$0x12600] =	vst v0;
	v0 =	vadd.f32 v1, v2  }
0x2ac: {  	v1 =	vld [tilespmem:s29+$0xE630]  }
0x2ad: {  	v9 =	vadd.f32 v10, v9;
	v8 =	vld [tilespmem:s29+$0xA640];
	v4 =	vadd.f32 v4, v6;
	v0 =	vmul.f32 $2.500000000e-01, v0  }
0x2ae: {  	v2 =	vld [tilespmem:s29+$0x8640]  }
0x2af: {  	v6 =	vld [tilespmem:s29+$0xC640];
	[tilespmem:s29+$0x12610] =	vst v0;
	v0 =	vadd.f32 v4, v9  }
0x2b0: {  	v4 =	vld [tilespmem:s29+$0xE640]  }
0x2b1: {  	v59 =	vld [tilespmem:s29+$0xC670];
	v5 =	vadd.f32 v7, v5;
	v1 =	vadd.f32 v1, v3;
	v0 =	vmul.f32 $2.500000000e-01, v0  }
0x2b2: {  	v3 =	vld [tilespmem:s29+$0xC650]  }
0x2b3: {  	[tilespmem:s29+$0x12620] =	vst v0;
	v0 =	vadd.f32 v1, v5;
	v1 =	vld [tilespmem:s29+$0xE650]  }
0x2b4: {  	v7 =	vld [tilespmem:s29+$0xA660]  }
0x2b5: {  	v2 =	vadd.f32 v8, v2;
	v5 =	vld [tilespmem:s29+$0x8660];
	v4 =	vadd.f32 v4, v6;
	v0 =	vmul.f32 $2.500000000e-01, v0  }
0x2b6: {  	v6 =	vld [tilespmem:s29+$0xC660]  }
0x2b7: {  	[tilespmem:s29+$0x12630] =	vst v0;
	v0 =	vadd.f32 v4, v2;
	v2 =	vld [tilespmem:s29+$0xE660]  }
0x2b8: {  	v60 =	vld [tilespmem:s29+$0x86A0];
	v8 =	vadd.f32 v58, v57;
	v1 =	vadd.f32 v1, v3  }
0x2b9: {  	v4 =	vld [tilespmem:s29+$0x8670]  }
0x2ba: {  	v3 =	vld [tilespmem:s29+$0xA670];
	v0 =	vmul.f32 $2.500000000e-01, v0;
	v1 =	vadd.f32 v1, v8  }
0x2bb: {  	v8 =	vld [tilespmem:s29+$0x8680]  }
0x2bc: {  	v5 =	vadd.f32 v7, v5;
	[tilespmem:s29+$0x12640] =	vst v0;
	v0 =	vld [tilespmem:s29+$0xE670];
	v1 =	vmul.f32 $2.500000000e-01, v1;
	v2 =	vadd.f32 v2, v6  }
0x2bd: {  	v6 =	vld [tilespmem:s29+$0xA680]  }
0x2be: {  	[tilespmem:s29+$0x12650] =	vst v1;
	v1 =	vadd.f32 v2, v5;
	v2 =	vld [tilespmem:s29+$0xC680]  }
0x2bf: {  	v5 =	vld [tilespmem:s29+$0xE680]  }
0x2c0: {  	v61 =	vld [tilespmem:s29+$0xA6A0]  }
0x2c1: {  	v7 =	vld [tilespmem:s29+$0x8690];
	v1 =	vmul.f32 $2.500000000e-01, v1  }
0x2c2: {  	v3 =	vadd.f32 v3, v4;
	v4 =	vld [tilespmem:s29+$0xA690];
	v0 =	vadd.f32 v0, v59  }
0x2c3: {  	v6 =	vadd.f32 v6, v8;
	[tilespmem:s29+$0x12660] =	vst v1;
	v1 =	vld [tilespmem:s29+$0xC690]  }
0x2c4: {  	v0 =	vadd.f32 v0, v3;
	v3 =	vld [tilespmem:s29+$0xE690];
	v2 =	vadd.f32 v5, v2  }
0x2c5: {  	v8 =	vld [tilespmem:s29+$0xA6B0]  }
0x2c6: {  	v5 =	vld [tilespmem:s29+$0xE6A0];
	v0 =	vmul.f32 $2.500000000e-01, v0;
	v2 =	vadd.f32 v2, v6  }
0x2c7: {  	v6 =	vld [tilespmem:s29+$0x86B0]  }
0x2c8: {  	[tilespmem:s29+$0x12670] =	vst v0;
	v0 =	vld [tilespmem:s29+$0xC6A0];
	v2 =	vmul.f32 $2.500000000e-01, v2  }
0x2c9: {  	v1 =	vadd.f32 v3, v1;
	v3 =	vld [tilespmem:s29+$0xC6B0]  }
0x2ca: {  	[tilespmem:s29+$0x12680] =	vst v2;
	v2 =	vld [tilespmem:s29+$0xE6B0]  }
0x2cb: {  	v62 =	vld [tilespmem:s29+$0xE6C0];
	v4 =	vadd.f32 v4, v7  }
0x2cc: {  	v7 =	vld [tilespmem:s29+$0xA6C0]  }
0x2cd: {  	v1 =	vadd.f32 v1, v4;
	v4 =	vld [tilespmem:s29+$0x86C0]  }
0x2ce: {  	v9 =	vadd.f32 v61, v60;
	v0 =	vadd.f32 v5, v0;
	v5 =	vld [tilespmem:s29+$0xC6C0]  }
0x2cf: {  	v63 =	vld [tilespmem:s29+$0x86D0];
	v6 =	vadd.f32 v8, v6;
	v2 =	vadd.f32 v2, v3  }
0x2d0: {  	v11 =	vld [tilespmem:s29+$0xA6D0];
	v1 =	vmul.f32 $2.500000000e-01, v1;
	v0 =	vadd.f32 v0, v9  }
0x2d1: {  	v3 =	vld [tilespmem:s29+$0xE6D0];
	v2 =	vadd.f32 v2, v6  }
0x2d2: {  	[tilespmem:s29+$0x12690] =	vst v1;
	v1 =	vmul.f32 $2.500000000e-01, v0;
	v0 =	vld [tilespmem:s29+$0xC6D0]  }
0x2d3: {  	v6 =	vadd.f32 v7, v4;
	v5 =	vadd.f32 v62, v5;
	v4 =	vld [tilespmem:s29+$0xA6E0];
	v7 =	vmul.f32 $2.500000000e-01, v2  }
0x2d4: {  	[tilespmem:s29+$0x126A0] =	vst v1;
	v1 =	vld [tilespmem:s29+$0x86E0]  }
0x2d5: {  	s30 =	simm.s32 $0x0;
	s8 =	simm.s32 $0x400;
	v2 =	vld [tilespmem:s29+$0xC6E0];
	v6 =	vadd.f32 v5, v6;
	v5 =	vadd.f32 v11, v63;
	[tilespmem:s29+$0x126B0] =	vst v7  }
.LBB2_9:
0x2d6: {  	s14 =	sshra.s32 s8, $0x2;
	v7 =	vld [tilespmem:s29+$0xE6E0]  }
0x2d7: {  	v8 =	vld [tilespmem:s14+$0x86F0];
	v6 =	vmul.f32 $2.500000000e-01, v6;
	v0 =	vadd.f32 v3, v0  }
0x2d8: {  	v3 =	vld [tilespmem:s14+$0xA6F0]  }
0x2d9: {  	s30 =	sadd.s32 $0x2, s30;
	v9 =	vld [tilespmem:s14+$0xC6F0];
	v0 =	vadd.f32 v0, v5;
	v1 =	vadd.f32 v4, v1;
	[tilespmem:s29+$0x126C0] =	vst v6  }
0x2da: {  	p2 =	slt.u32 s30, $0x3E;
	v4 =	vld [tilespmem:s14+$0xE6F0]  }
0x2db: {  	v5 =	vld [tilespmem:s14+$0x8600];
	v0 =	vmul.f32 $2.500000000e-01, v0;
	v2 =	vadd.f32 v7, v2  }
0x2dc: {  	v6 =	vld [tilespmem:s14+$0xA600]  }
0x2dd: {  	v7 =	vld [tilespmem:s14+$0xC600];
	v1 =	vadd.f32 v2, v1;
	[tilespmem:s29+$0x126D0] =	vst v0  }
0x2de: {  	v0 =	vld [tilespmem:s14+$0xE600]  }
0x2df: {  	v3 =	vadd.f32 v3, v8;
	v2 =	vld [tilespmem:s14+$0x8610];
	v4 =	vadd.f32 v4, v9;
	v1 =	vmul.f32 $2.500000000e-01, v1  }
0x2e0: {  	v8 =	vld [tilespmem:s14+$0xA610]  }
0x2e1: {  	v5 =	vadd.f32 v6, v5;
	v6 =	vld [tilespmem:s14+$0xC610];
	v3 =	vadd.f32 v4, v3;
	[tilespmem:s29+$0x126E0] =	vst v1;
	s29 =	smov.u32 s14  }
0x2e2: {  	v1 =	vld [tilespmem:s29+$0xE610]  }
0x2e3: {  	v0 =	vadd.f32 v0, v7;
	v4 =	vld [tilespmem:s29+$0x8620];
	v3 =	vmul.f32 $2.500000000e-01, v3  }
0x2e4: {  	v7 =	vld [tilespmem:s29+$0xA620]  }
0x2e5: {  	v0 =	vadd.f32 v0, v5;
	v2 =	vadd.f32 v8, v2;
	v5 =	vld [tilespmem:s29+$0xC620];
	[tilespmem:s29+$0x126F0] =	vst v3  }
0x2e6: {  	v3 =	vld [tilespmem:s29+$0xE620]  }
0x2e7: {  	v0 =	vmul.f32 $2.500000000e-01, v0;
	v1 =	vadd.f32 v1, v6;
	v6 =	vld [tilespmem:s29+$0x8630]  }
0x2e8: {  	v8 =	vld [tilespmem:s29+$0xA630]  }
0x2e9: {  	v1 =	vadd.f32 v1, v2;
	v2 =	vadd.f32 v7, v4;
	v4 =	vld [tilespmem:s29+$0xC630];
	[tilespmem:s29+$0x12600] =	vst v0  }
0x2ea: {  	v0 =	vld [tilespmem:s29+$0xE630]  }
0x2eb: {  	v1 =	vmul.f32 $2.500000000e-01, v1;
	v3 =	vadd.f32 v3, v5;
	v5 =	vld [tilespmem:s29+$0x8640]  }
0x2ec: {  	v7 =	vld [tilespmem:s29+$0xA640]  }
0x2ed: {  	v2 =	vadd.f32 v3, v2;
	v3 =	vadd.f32 v8, v6;
	v6 =	vld [tilespmem:s29+$0xC640];
	[tilespmem:s29+$0x12610] =	vst v1  }
0x2ee: {  	v1 =	vld [tilespmem:s29+$0xE640]  }
0x2ef: {  	v2 =	vmul.f32 $2.500000000e-01, v2;
	v0 =	vadd.f32 v0, v4;
	v4 =	vld [tilespmem:s29+$0x8650]  }
0x2f0: {  	v8 =	vld [tilespmem:s29+$0xA650]  }
0x2f1: {  	v0 =	vadd.f32 v0, v3;
	v3 =	vadd.f32 v7, v5;
	v5 =	vld [tilespmem:s29+$0xC650];
	[tilespmem:s29+$0x12620] =	vst v2  }
0x2f2: {  	v2 =	vld [tilespmem:s29+$0xE650]  }
0x2f3: {  	v0 =	vmul.f32 $2.500000000e-01, v0;
	v1 =	vadd.f32 v1, v6;
	v6 =	vld [tilespmem:s29+$0x8660]  }
0x2f4: {  	v7 =	vld [tilespmem:s29+$0xA660]  }
0x2f5: {  	v1 =	vadd.f32 v1, v3;
	v3 =	vadd.f32 v8, v4;
	v4 =	vld [tilespmem:s29+$0xC660];
	[tilespmem:s29+$0x12630] =	vst v0  }
0x2f6: {  	v0 =	vld [tilespmem:s29+$0xE660]  }
0x2f7: {  	v1 =	vmul.f32 $2.500000000e-01, v1;
	v2 =	vadd.f32 v2, v5;
	v5 =	vld [tilespmem:s29+$0x8670]  }
0x2f8: {  	v8 =	vld [tilespmem:s29+$0xA670]  }
0x2f9: {  	v2 =	vadd.f32 v2, v3;
	v3 =	vadd.f32 v7, v6;
	v6 =	vld [tilespmem:s29+$0xC670];
	[tilespmem:s29+$0x12640] =	vst v1  }
0x2fa: {  	v1 =	vld [tilespmem:s29+$0xE670]  }
0x2fb: {  	v2 =	vmul.f32 $2.500000000e-01, v2;
	v0 =	vadd.f32 v0, v4;
	v4 =	vld [tilespmem:s29+$0x8680]  }
0x2fc: {  	v7 =	vld [tilespmem:s29+$0xA680]  }
0x2fd: {  	v0 =	vadd.f32 v0, v3;
	v3 =	vadd.f32 v8, v5;
	[tilespmem:s29+$0x12650] =	vst v2;
	v2 =	vld [tilespmem:s29+$0xC680]  }
0x2fe: {  	v5 =	vld [tilespmem:s29+$0xE680]  }
0x2ff: {  	v0 =	vmul.f32 $2.500000000e-01, v0;
	v1 =	vadd.f32 v1, v6;
	v6 =	vld [tilespmem:s29+$0x8690]  }
0x300: {  	v8 =	vld [tilespmem:s29+$0xA690]  }
0x301: {  	v1 =	vadd.f32 v1, v3;
	[tilespmem:s29+$0x12660] =	vst v0;
	v0 =	vadd.f32 v7, v4;
	v3 =	vld [tilespmem:s29+$0xC690]  }
0x302: {  	v4 =	vld [tilespmem:s29+$0xE690]  }
0x303: {  	v1 =	vmul.f32 $2.500000000e-01, v1;
	v2 =	vadd.f32 v5, v2;
	v5 =	vld [tilespmem:s29+$0x86A0]  }
0x304: {  	v7 =	vld [tilespmem:s29+$0xA6A0]  }
0x305: {  	[tilespmem:s29+$0x12670] =	vst v1;
	v0 =	vadd.f32 v2, v0;
	v1 =	vadd.f32 v8, v6;
	v2 =	vld [tilespmem:s29+$0xC6A0]  }
0x306: {  	v6 =	vld [tilespmem:s29+$0xE6A0]  }
0x307: {  	v0 =	vmul.f32 $2.500000000e-01, v0;
	v3 =	vadd.f32 v4, v3;
	v4 =	vld [tilespmem:s29+$0x86B0]  }
0x308: {  	v8 =	vld [tilespmem:s29+$0xA6B0]  }
0x309: {  	v1 =	vadd.f32 v3, v1;
	v3 =	vadd.f32 v7, v5;
	v5 =	vld [tilespmem:s29+$0xC6B0];
	[tilespmem:s29+$0x12680] =	vst v0  }
0x30a: {  	v0 =	vld [tilespmem:s29+$0xE6B0]  }
0x30b: {  	v1 =	vmul.f32 $2.500000000e-01, v1;
	v2 =	vadd.f32 v6, v2;
	v6 =	vld [tilespmem:s29+$0x86C0]  }
0x30c: {  	v7 =	vld [tilespmem:s29+$0xA6C0]  }
0x30d: {  	v2 =	vadd.f32 v2, v3;
	v3 =	vadd.f32 v8, v4;
	v4 =	vld [tilespmem:s29+$0xC6C0];
	[tilespmem:s29+$0x12690] =	vst v1  }
0x30e: {  	v1 =	vld [tilespmem:s29+$0xE6C0]  }
0x30f: {  	v2 =	vmul.f32 $2.500000000e-01, v2;
	v0 =	vadd.f32 v0, v5;
	v5 =	vld [tilespmem:s29+$0x86D0]  }
0x310: {  	v8 =	vld [tilespmem:s29+$0xA6D0]  }
.Ltmp3:
0x311: {  	v9 =	vadd.f32 v0, v3;
	v6 =	vadd.f32 v7, v6;
	v0 =	vld [tilespmem:s29+$0xC6D0];
	[tilespmem:s29+$0x126A0] =	vst v2;
	(pc) =	sbr.rel @p2 .LBB2_9-.Ltmp3, $4  }
0x312: {  	v3 =	vld [tilespmem:s29+$0xE6D0]  }
0x313: {  	v7 =	vmul.f32 $2.500000000e-01, v9;
	v2 =	vadd.f32 v1, v4;
	v1 =	vld [tilespmem:s29+$0x86E0]  }
0x314: {  	v4 =	vld [tilespmem:s29+$0xA6E0]  }
0x315: {  	s8 =	sadd.s32 $0x400, s8;
	v6 =	vadd.f32 v2, v6;
	v5 =	vadd.f32 v8, v5;
	v2 =	vld [tilespmem:s29+$0xC6E0];
	[tilespmem:s29+$0x126B0] =	vst v7  }
0x316: {  	v7 =	vld [tilespmem:s29+$0xE6E0];
	_ =	sdelay $0x3  }
0x317: {  	v0 =	vadd.f32 v3, v0  }
0x318: {  	v1 =	vadd.f32 v4, v1;
	v2 =	vadd.f32 v7, v2  }
0x319: {  	v0 =	vadd.f32 v0, v5  }
0x31a: {  	v63 =	vmul.f32 $2.500000000e-01, v6;
	v1 =	vadd.f32 v2, v1  }
0x31b: {  	v0 =	vmul.f32 $2.500000000e-01, v0  }
0x31c: {  	[tilespmem:s29+$0x126C0] =	vst v63;
	v1 =	vmul.f32 $2.500000000e-01, v1  }
0x31d: {  	[tilespmem:s29+$0x126D0] =	vst v0  }
0x31e: {  	s8 =	simm.s32 @!p1 $0x80;
	s14 =	simm.s32 @!p1 $0x500;
	[tilespmem:s29+$0x126E0] =	vst v1;
	s29 =	simm.s32 @!p1 $0x8600  }
0x31f: {  	[tilespmem:s29], [sflag:$0x4] =	stream.indirect.gather @!p1 [spmem:s2], $0x80, s14, s8, $0xb8;
	[tilespmem:$0x1C300] =	vst v63  }
0x320: {  	s28 =	sadd.s32 $0x1, s28;
	s14 =	simm.s32 @!p1 $0x580;
	s29 =	simm.s32 @!p1 $0xC600  }
0x321: {  	[tilespmem:s29], [sflag:$0x4] =	stream.indirect.gather @!p1 [spmem:s2], $0x80, s14, s8, $0xb8;
	[tilespmem:$0x1C300] =	vst v63  }
0x322: {  	p1 =	sne.s32 s28, $0xC8  }
.Ltmp4:
0x323: {  	_ = 	snop;
	(pc) =	sbr.rel @p1 .LBB2_6-.Ltmp4, $4  }
0x324: {  	s7 =	sor.u32 s13, s7  }
0x325: {  	s7 =	sshrl.u32 s7, $0x3  }
0x326: {  	s7 =	sadd.s32 s1, s7  }
0x327: {  	[hbm4b:s7+s21] =	stream.strided.scatter [tilespmem:s25], [sflag:$0x6], $0x2000, s4, s21, $0x38;
	[tilespmem:$0x1C300] =	vst v63  }
0x328: {  	s6 =	sadd.s32 $0x1, s6  }
0x329: {  	_ =	swait.ge [sflag:s5], $0x2000;
	p1 =	sne.s32 s6, s17  }
.Ltmp5:
0x32a: {  	[sflag:s5] =	ssyncset.done $0x0;
	(pc) =	sbr.rel @p1 .LBB2_1-.Ltmp5, $4  }
0x32b: {  	[sflag:s5] =	ssyncadd.s32 $0xFFFFE000  }
0x32c: {  	_ =	swait.ge [sflag:s26], $0x2000  }
0x32d: {  	[sflag:s26] =	ssyncset.done $0x0  }
0x32e: {  	s30 =	simm.s32 $0x400;
	[sflag:s26] =	ssyncadd.s32 $0xFFFFE000  }
0x32f: {  	_ =	sfence.sel $0x180000  }
0x330: {  	[bflag:$0x0] =	sbarrier.arrive $0xFFFF  }
0x331: {  	_ =	strace $0x90000047  }
0x332: {  	s0 =	stileid.u32;
	[bflag:$0x2] =	sbarrier.arrive $0xFFFF  }
0x333: {  	p0 =	sne.s32 s0, $0x0;
	s0 =	rddreg [dreg:$0x4]  }
0x334: {  	s0 =	sadd.s32 @!p0 $0x100000, s0  }
0x335: {  	[sflag:s0] =	ssyncadd.tile.s32 @!p0 $0x1;
	_ =	shalt  }
.Lfunc_end2:
_tile_overlayer_lowered:
.L_overlay_start_2:
0x336: {  	(tag) =	ssettag $0x2  }
0x337: {  	s0 =	rddreg [dreg:$0x0];
	s2 =	stileid.u32  }
0x338: {  	s1 =	rddreg [dreg:$0x1];
	p0 =	sne.s32 s2, $0x0  }
0x339: {  	s3 =	rddreg [dreg:$0x2];
	[bflag:$0x3] =	sbarrier.arrive $0xFFFF;
	s2 =	simm.s32 @!p0 $0x1C07  }
0x33a: {  	[timem:s3], [sflag:s2] =	dma.local @!p0 [hbm:s0], s1  }
0x33b: {  	s0 =	simm.s32 @!p0 $0x7  }
0x33c: {  	_ =	swait.ge @!p0 [sflag:s0], s1  }
0x33d: {  	s1 =	ssub.s32 @!p0 $0x0, s1;
	[sflag:s0] =	ssyncset.done @!p0 $0x0  }
0x33e: {  	[sflag:s0] =	ssyncadd.s32 @!p0 s1  }
0x33f: {  	[bflag:$0x3] =	sbarrier.arrive $0xFFFF  }
0x340: {  	_ =	shalt  }

</sc_bundles>
